<compile_context>
chip_gen: v7x
topology: tpu7x:2x2x1
jax: 0.10.2.dev20260603
libtpu: 0.0.44.dev20260713+nightly
codegen_flags: <defaults>
</compile_context>

<pallas_src>
import jax
import jax.numpy as jnp
from jax import lax
from jax.experimental import pallas as pl
from jax.experimental.pallas import tpu as pltpu
from jax.experimental.pallas import tpu_sc as plsc

_N = 10000
_E = 320000
_DS = 128
_DE = 16
_H = 64
_EPS = 1e-5

_EB = 6400
_NB = _E // _EB

_NC = 2
_NS = 16
_NW = _NC * _NS
_EPW = _E // _NW
_CH = 80
_NCHUNK = _EPW // _CH


_GCH = 64
_GEPW = 10240


def _sc_gather_body(t_hbm, ei0_hbm, ei1_hbm, gs_hbm,
                    t_sh, idx0, idx1, rt0, rt1, rs,
                    gsem0, gsem1, wsem):
    sid = lax.axis_index("s")
    wid = sid * _NC + lax.axis_index("c")

    @pl.when(sid < 15)
    def _():
        pltpu.sync_copy(t_hbm.at[pl.ds(sid * 640, 640)], t_sh.at[pl.ds(sid * 640, 640)])

    @pl.when(sid == 15)
    def _():
        pltpu.sync_copy(t_hbm.at[pl.ds(9600, 400)], t_sh.at[pl.ds(9600, 400)])

    plsc.subcore_barrier()

    ebase_w = wid * _GEPW
    nch = jnp.where(wid < 31, _GEPW // _GCH, (_E - 31 * _GEPW) // _GCH)
    gsems = (gsem0, gsem1)

    def fire(j, b):
        base = ebase_w + j * _GCH
        pltpu.sync_copy(ei0_hbm.at[pl.ds(base, _GCH)], idx0.at[b])
        pltpu.sync_copy(ei1_hbm.at[pl.ds(base, _GCH)], idx1.at[b])
        pltpu.async_copy(t_sh.at[idx0.at[b]], rt0.at[b], gsems[b])
        pltpu.async_copy(t_sh.at[idx1.at[b]], rt1.at[b], gsems[b])

    fire(0, 0)

    def pair(i, carry):
        for b in range(2):
            j = 2 * i + b
            nb = 1 - b

            @pl.when(j + 1 < nch)
            def _():
                fire(j + 1, nb)

            pltpu.make_async_copy(t_sh.at[idx0.at[b]], rt0.at[b], gsems[b]).wait()
            pltpu.make_async_copy(t_sh.at[idx1.at[b]], rt1.at[b], gsems[b]).wait()

            @pl.when(j >= 1)
            def _():
                pltpu.make_async_copy(
                    rs, gs_hbm.at[pl.ds(ebase_w + (j - 1) * _GCH, _GCH)],
                    wsem).wait()

            def row_add(r, c2):
                for cc in range(4):
                    rs[r, pl.ds(16 * cc, 16)] = (
                        rt0[b, r, pl.ds(16 * cc, 16)]
                        + rt1[b, r, pl.ds(_H + 16 * cc, 16)])
                return c2

            lax.fori_loop(0, _GCH, row_add, 0)
            pltpu.async_copy(rs,
                             gs_hbm.at[pl.ds(ebase_w + j * _GCH, _GCH)],
                             wsem)
        return carry

    lax.fori_loop(0, nch // 2, pair, 0)
    pltpu.make_async_copy(rs, gs_hbm.at[pl.ds(ebase_w + (nch - 1) * _GCH, _GCH)],
                          wsem).wait()


def _stage_sc_gather(t_tab, ei0, ei1):
    f = pl.kernel(
        _sc_gather_body,
        out_type=jax.ShapeDtypeStruct((_E, _H), jnp.float32),
        mesh=plsc.VectorSubcoreMesh(core_axis_name="c", subcore_axis_name="s"),
        scratch_types=[
            pltpu.VMEM_SHARED((_N, 2 * _H), jnp.float32),
            pltpu.VMEM((2, _GCH), jnp.int32),
            pltpu.VMEM((2, _GCH), jnp.int32),
            pltpu.VMEM((2, _GCH, 2 * _H), jnp.float32),
            pltpu.VMEM((2, _GCH, 2 * _H), jnp.float32),
            pltpu.VMEM((_GCH, _H), jnp.float32),
            pltpu.SemaphoreType.DMA,
            pltpu.SemaphoreType.DMA,
            pltpu.SemaphoreType.DMA,
        ],
    )
    return f(t_tab, ei0, ei1)


def _silu(x):
    return x / (1.0 + jnp.exp(-x))


def _ab_body(sx_ref, rx_ref, w1s_ref, w1r_ref, t_ref):
    t_ref[:, 0:_H] = jnp.dot(sx_ref[...], w1s_ref[...], preferred_element_type=jnp.float32)
    t_ref[:, _H:2 * _H] = jnp.dot(rx_ref[...], w1r_ref[...], preferred_element_type=jnp.float32)


def _stage_ab(sender_x, receiver_x, w1s, w1r):
    return pl.pallas_call(
        _ab_body,
        out_shape=jax.ShapeDtypeStruct((_N, 2 * _H), jnp.float32),
    )(sender_x, receiver_x, w1s, w1r)


def _edge_mlp_body(gs_ref, ea_ref, w1e_ref, b1_ref, w2_ref, b2_ref,
                   o_ref, stats_ref, sacc):
    pre = (gs_ref[...]
           + jnp.dot(ea_ref[...], w1e_ref[...], preferred_element_type=jnp.float32)
           + b1_ref[...])
    h = _silu(pre)
    o = jnp.dot(h, w2_ref[...], preferred_element_type=jnp.float32) + b2_ref[...]
    o_ref[...] = o
    i = pl.program_id(0)

    @pl.when(i == 0)
    def _():
        sacc[0] = 0.0
        sacc[1] = 0.0

    sacc[0] += jnp.sum(o)
    sacc[1] += jnp.sum(o * o)

    @pl.when(i == pl.num_programs(0) - 1)
    def _():
        stats_ref[0] = sacc[0]
        stats_ref[1] = sacc[1]


def _stage_edge_mlp(gs, edge_attr, w1e, eb1, eW2, eb2):
    return pl.pallas_call(
        _edge_mlp_body,
        grid=(_NB,),
        in_specs=[
            pl.BlockSpec((_EB, _H), lambda i: (i, 0)),
            pl.BlockSpec((_EB, _DE), lambda i: (i, 0)),
            pl.BlockSpec((_DE, _H), lambda i: (0, 0)),
            pl.BlockSpec((1, _H), lambda i: (0, 0)),
            pl.BlockSpec((_H, _DE), lambda i: (0, 0)),
            pl.BlockSpec((1, _DE), lambda i: (0, 0)),
        ],
        out_specs=[
            pl.BlockSpec((_EB, _DE), lambda i: (i, 0)),
            pl.BlockSpec(memory_space=pltpu.SMEM),
        ],
        out_shape=(
            jax.ShapeDtypeStruct((_E, _DE), jnp.float32),
            jax.ShapeDtypeStruct((2,), jnp.float32),
        ),
        scratch_shapes=[pltpu.SMEM((2,), jnp.float32)],
    )(gs, edge_attr, w1e, eb1, eW2, eb2)


_SCCH = 64
_SEPW = 10240


def _sc_scatter_body(o2_hbm, ei1_hbm, p_hbm,
                     acc, obuf, pay, idx_v, zbuf,
                     osem0, osem1, osem2, ssem0, ssem1, ssem2):
    sid = lax.axis_index("s")
    cid = lax.axis_index("c")
    wid = sid * _NC + cid
    osems = (osem0, osem1, osem2)
    ssems = (ssem0, ssem1, ssem2)

    def zrow(r, c2):
        for s in range(8):
            zbuf[r, pl.ds(16 * s, 16)] = jnp.zeros((16,), jnp.float32)
        return c2

    lax.fori_loop(0, 80, zrow, 0)

    def zcp(j, c2):
        pltpu.sync_copy(zbuf, acc.at[pl.ds(sid * 640 + j * 80, 80)])
        return c2

    @pl.when(sid < 15)
    def _():
        lax.fori_loop(0, 8, zcp, 0)

    @pl.when(sid == 15)
    def _():
        lax.fori_loop(0, 5, zcp, 0)

    ones0 = jnp.where(lax.iota(jnp.int32, 16) == 0,
                      jnp.float32(1.0), jnp.float32(0.0))

    def crow(r, c2):
        for s3 in range(3):
            pay[s3, r, pl.ds(16, 16)] = ones0
            for s in range(2, 8):
                pay[s3, r, pl.ds(16 * s, 16)] = jnp.zeros((16,), jnp.float32)
        return c2

    lax.fori_loop(0, _SCCH, crow, 0)

    plsc.subcore_barrier()

    ebase_w = wid * _SEPW
    rbase_w = wid * (_SEPW // 8)
    nch = jnp.where(wid < 31, _SEPW // _SCCH, (_E - 31 * _SEPW) // _SCCH)

    def fire(j, s):
        pltpu.sync_copy(ei1_hbm.at[pl.ds(ebase_w + j * _SCCH, _SCCH)], idx_v.at[s])
        pltpu.async_copy(
            o2_hbm.at[pl.ds(rbase_w + j * (_SCCH // 8), _SCCH // 8)],
            obuf.at[s], osems[s])

    def work(j, s):
        pltpu.make_async_copy(
            o2_hbm.at[pl.ds(rbase_w, _SCCH // 8)], obuf.at[s], osems[s]).wait()

        def prow(r, c3):
            for q in range(8):
                pay[s, 8 * r + q, pl.ds(0, 16)] = obuf[s, r, pl.ds(16 * q, 16)]
            return c3

        lax.fori_loop(0, _SCCH // 8, prow, 0)
        pltpu.async_copy(pay.at[s], acc.at[idx_v.at[s]], ssems[s], add=True)

    def drain_scatter(s):
        pltpu.make_async_copy(pay.at[s], acc.at[idx_v.at[s]], ssems[s]).wait()

    fire(0, 0)

    def triple(i, c2):
        for b in range(3):
            j = 3 * i + b
            nb = (b + 1) % 3

            @pl.when(j >= 2)
            def _():
                drain_scatter(nb)

            fire(j + 1, nb)
            work(j, b)
        return c2

    lax.fori_loop(0, (nch - 1) // 3, triple, 0)
    work(nch - 1, 0)
    drain_scatter(1)
    drain_scatter(2)
    drain_scatter(0)

    plsc.subcore_barrier()

    @pl.when(sid < 15)
    def _():
        pltpu.sync_copy(acc.at[pl.ds(sid * 640, 640)],
                        p_hbm.at[cid, pl.ds(sid * 640, 640)])

    @pl.when(sid == 15)
    def _():
        pltpu.sync_copy(acc.at[pl.ds(9600, 400)],
                        p_hbm.at[cid, pl.ds(9600, 400)])


def _stage_sc_scatter(o2, ei1):
    f = pl.kernel(
        _sc_scatter_body,
        out_type=jax.ShapeDtypeStruct((_NC, _N, 128), jnp.float32),
        mesh=plsc.VectorSubcoreMesh(core_axis_name="c", subcore_axis_name="s"),
        scratch_types=[
            pltpu.VMEM_SHARED((_N, 128), jnp.float32),
            pltpu.VMEM((3, _SCCH // 8, 128), jnp.float32),
            pltpu.VMEM((3, _SCCH, 128), jnp.float32),
            pltpu.VMEM((3, _SCCH), jnp.int32),
            pltpu.VMEM((80, 128), jnp.float32),
            pltpu.SemaphoreType.DMA,
            pltpu.SemaphoreType.DMA,
            pltpu.SemaphoreType.DMA,
            pltpu.SemaphoreType.DMA,
            pltpu.SemaphoreType.DMA,
            pltpu.SemaphoreType.DMA,
        ],
    )
    return f(o2, ei1)


def _edge_norm_body(stats_ref, o_ref, ea_ref, eg_ref, ebt_ref, out_ref):
    denom = 1.0 / (_E * _DE)
    mu = stats_ref[0] * denom
    var = stats_ref[1] * denom - mu * mu
    inv = lax.rsqrt(var + _EPS)
    a = eg_ref[...] * inv
    c = ebt_ref[...] - mu * a
    out_ref[...] = ea_ref[...] + o_ref[...] * a + c


def _stage_edge_norm(stats, o, edge_attr, eg, ebt):
    return pl.pallas_call(
        _edge_norm_body,
        grid=(_NB,),
        in_specs=[
            pl.BlockSpec(memory_space=pltpu.SMEM),
            pl.BlockSpec((_EB, _DE), lambda i: (i, 0)),
            pl.BlockSpec((_EB, _DE), lambda i: (i, 0)),
            pl.BlockSpec((1, _DE), lambda i: (0, 0)),
            pl.BlockSpec((1, _DE), lambda i: (0, 0)),
        ],
        out_specs=pl.BlockSpec((_EB, _DE), lambda i: (i, 0)),
        out_shape=jax.ShapeDtypeStruct((_E, _DE), jnp.float32),
    )(stats, o, edge_attr, eg, ebt)


def _node_body(stats_ref, p_ref, rx_ref, sx_ref,
               nW1r_ref, nW1e_ref, nb1_ref, nW2_ref, nb2_ref, ng_ref, nbt_ref,
               sW1_ref, sb1_ref, sW2_ref, sb2_ref, sg_ref, sbt_ref,
               eg_ref, ebt_ref,
               rout_ref, sout_ref):
    denom = 1.0 / (_E * _DE)
    mu = stats_ref[0] * denom
    var = stats_ref[1] * denom - mu * mu
    inv = lax.rsqrt(var + _EPS)
    a = eg_ref[...] * inv
    c = ebt_ref[...] - mu * a

    p = p_ref[...]
    seg = p[0:_N, 0:_DE] + p[_N:2 * _N, 0:_DE]
    cnt = p[0:_N, _DE:_DE + 1] + p[_N:2 * _N, _DE:_DE + 1]
    aggr = (seg * a + cnt * c) / jnp.maximum(cnt, 1.0)

    rx = rx_ref[...]
    pre = (jnp.dot(rx, nW1r_ref[...], preferred_element_type=jnp.float32)
           + jnp.dot(aggr, nW1e_ref[...], preferred_element_type=jnp.float32)
           + nb1_ref[...])
    h = _silu(pre)
    y = jnp.dot(h, nW2_ref[...], preferred_element_type=jnp.float32) + nb2_ref[...]
    mu_y = jnp.mean(y)
    var_y = jnp.mean((y - mu_y) ** 2)
    yn = (y - mu_y) * lax.rsqrt(var_y + _EPS) * ng_ref[...] + nbt_ref[...]
    rout_ref[...] = rx + yn

    sx = sx_ref[...]
    pre_s = jnp.dot(sx, sW1_ref[...], preferred_element_type=jnp.float32) + sb1_ref[...]
    hs = _silu(pre_s)
    ys = jnp.dot(hs, sW2_ref[...], preferred_element_type=jnp.float32) + sb2_ref[...]
    mu_s = jnp.mean(ys)
    var_s = jnp.mean((ys - mu_s) ** 2)
    ysn = (ys - mu_s) * lax.rsqrt(var_s + _EPS) * sg_ref[...] + sbt_ref[...]
    sout_ref[...] = sx + ysn


def _stage_node(stats, p, receiver_x, sender_x,
                nW1r, nW1e, nb1, nW2, nb2, ng, nbt,
                sW1, sb1, sW2, sb2, sg, sbt, eg, ebt):
    n_rest = 18
    return pl.pallas_call(
        _node_body,
        in_specs=[pl.BlockSpec(memory_space=pltpu.SMEM)]
                 + [pl.BlockSpec() for _ in range(n_rest)],
        out_shape=(
            jax.ShapeDtypeStruct((_N, _DS), jnp.float32),
            jax.ShapeDtypeStruct((_N, _DS), jnp.float32),
        ),
    )(stats, p, receiver_x, sender_x,
      nW1r, nW1e, nb1, nW2, nb2, ng, nbt,
      sW1, sb1, sW2, sb2, sg, sbt, eg, ebt)


def kernel(sender_x, receiver_x, edge_attr, edge_index,
           eW1, eb1, eW2, eb2, eg, ebt,
           nW1, nb1, nW2, nb2, ng, nbt,
           sW1, sb1, sW2, sb2, sg, sbt):
    ei0 = edge_index[0]
    ei1 = edge_index[1]

    w1s = eW1[0:_DS]
    w1r = eW1[_DS:2 * _DS]
    w1e = eW1[2 * _DS:]
    eb1_2 = eb1.reshape(1, _H)
    eb2_2 = eb2.reshape(1, _DE)
    eg_2 = eg.reshape(1, _DE)
    ebt_2 = ebt.reshape(1, _DE)
    nW1r = nW1[0:_DS]
    nW1e = nW1[_DS:]
    nb1_2 = nb1.reshape(1, _H)
    nb2_2 = nb2.reshape(1, _DS)
    ng_2 = ng.reshape(1, _DS)
    nbt_2 = nbt.reshape(1, _DS)
    sb1_2 = sb1.reshape(1, _H)
    sb2_2 = sb2.reshape(1, _DS)
    sg_2 = sg.reshape(1, _DS)
    sbt_2 = sbt.reshape(1, _DS)

    t_tab = _stage_ab(sender_x, receiver_x, w1s, w1r)

    gs = _stage_sc_gather(t_tab, ei0, ei1)

    o, stats = _stage_edge_mlp(gs, edge_attr, w1e, eb1_2, eW2, eb2_2)

    o2 = o.reshape(_E // 8, 128)
    p = _stage_sc_scatter(o2, ei1).reshape(2 * _N, 128)

    edge_out = _stage_edge_norm(stats, o, edge_attr, eg_2, ebt_2)

    receiver_out, sender_out = _stage_node(
        stats, p, receiver_x, sender_x,
        nW1r, nW1e, nb1_2, nW2, nb2_2, ng_2, nbt_2,
        sW1, sb1_2, sW2, sb2_2, sg_2, sbt_2, eg_2, ebt_2)

    return (sender_out, receiver_out, edge_out)

# --- scband reference (transcript-rebuilt; emitter-appended) ---
"""Pipeline reference for scband-heterocoder-9191230013906 (READ-ONLY COPY).

The authoritative reference and input builder live on the scoring server;
editing this copy changes nothing except your own understanding.
"""

import jax, jax.numpy as jnp
import numpy as np

N_S = 10000
N_R = 10000
E = 320000
D_S = 128
D_R = 128
D_E = 16
H = 64
EPS = 1e-5


def _graph_layernorm(x, gamma, beta):
    # PyG LayerNorm(mode='graph'): normalize over ALL elements of the graph,
    # then per-channel affine.
    mu = x.mean()
    var = ((x - mu) ** 2).mean()
    out = (x - mu) / jnp.sqrt(var + EPS)
    return out * gamma + beta


def _mlp(x, W1, b1, W2, b2, gamma, beta):
    h = jax.nn.silu(jnp.dot(x, W1) + b1)
    o = jnp.dot(h, W2) + b2
    return _graph_layernorm(o, gamma, beta)


def _segment_mean(vals, idx, num_segments):
    s = jax.ops.segment_sum(vals, idx, num_segments=num_segments)
    c = jax.ops.segment_sum(jnp.ones((vals.shape[0],), vals.dtype), idx, num_segments=num_segments)
    return s / jnp.clip(c, 1.0, None)[:, None]


def _linear_params(key, fan_in, fan_out):
    k1, k2 = jax.random.split(key)
    lim = 1.0 / np.sqrt(fan_in)
    W = jax.random.uniform(k1, (fan_in, fan_out), minval=-lim, maxval=lim, dtype=jnp.float32)
    b = jax.random.uniform(k2, (fan_out,), minval=-lim, maxval=lim, dtype=jnp.float32)
    return W, b


def setup_inputs(seed: int = 0):
    key = jax.random.key(seed)
    ks = jax.random.split(key, 16)
    inp = {}
    inp["sender_x"] = jax.random.normal(ks[0], (N_S, D_S), dtype=jnp.float32)
    inp["receiver_x"] = jax.random.normal(ks[1], (N_R, D_R), dtype=jnp.float32)
    inp["edge_attr"] = jax.random.normal(ks[2], (E, D_E), dtype=jnp.float32)
    inp["edge_index"] = jax.random.randint(ks[3], (2, E), 0, N_S, dtype=jnp.int32)
    inp["eW1"], inp["eb1"] = _linear_params(ks[4], D_S + D_R + D_E, H)
    inp["eW2"], inp["eb2"] = _linear_params(ks[5], H, D_E)
    inp["eg"] = jnp.ones((D_E,), jnp.float32)
    inp["ebt"] = jnp.zeros((D_E,), jnp.float32)
    inp["nW1"], inp["nb1"] = _linear_params(ks[6], D_R + D_E, H)
    inp["nW2"], inp["nb2"] = _linear_params(ks[7], H, D_R)
    inp["ng"] = jnp.ones((D_R,), jnp.float32)
    inp["nbt"] = jnp.zeros((D_R,), jnp.float32)
    inp["sW1"], inp["sb1"] = _linear_params(ks[8], D_S, H)
    inp["sW2"], inp["sb2"] = _linear_params(ks[9], H, D_S)
    inp["sg"] = jnp.ones((D_S,), jnp.float32)
    inp["sbt"] = jnp.zeros((D_S,), jnp.float32)
    return inp


def reference(sender_x, receiver_x, edge_attr, edge_index, eW1, eb1, eW2, eb2, eg, ebt, nW1, nb1, nW2, nb2, ng, nbt, sW1, sb1, sW2, sb2, sg, sbt):
    ei0 = edge_index[0]
    ei1 = edge_index[1]
    # EdgeEncoder: gather sender/receiver features per edge, concat with edge_attr, MLP
    edge_in = jnp.concatenate([sender_x[ei0], receiver_x[ei1], edge_attr], axis=-1)
    edge_attr_p = _mlp(edge_in, eW1, eb1, eW2, eb2, eg, ebt)
    # NodeEncoder: MessagePassing(aggr='mean') where message == edge_attr_p
    edge_aggr = _segment_mean(edge_attr_p, ei1, N_R)
    receiver_x_p = _mlp(jnp.concatenate([receiver_x, edge_aggr], axis=-1), nW1, nb1, nW2, nb2, ng, nbt)
    # encoder=True branch
    sender_out = sender_x + _mlp(sender_x, sW1, sb1, sW2, sb2, sg, sbt)
    edge_out = edge_attr + edge_attr_p
    receiver_out = receiver_x + receiver_x_p
    return (sender_out, receiver_out, edge_out)

if __name__ == "__main__":
    import jax
    _d = setup_inputs()
    print(jax.jit(kernel)(*tuple(_d.values())))

</pallas_src>

<mosaic_0001>
#map = affine_map<(d0, d1) -> (0, 0)>
#map1 = affine_map<(d0, d1) -> (0)>
#map2 = affine_map<(d0, d1) -> (0, 0, 0)>
module attributes {stable_mosaic.version = 14 : i64} {
  func.func @_sc_scatter_body(%arg0: i32, %arg1: i32, %arg2: memref<40000x128xf32, #tpu.memory_space<hbm>>, %arg3: memref<320000xi32, #tpu.memory_space<hbm>>, %arg4: memref<2x10000x128xf32, #tpu.memory_space<hbm>>, %arg5: memref<10000x128xf32, #tpu.memory_space<vmem_shared>>, %arg6: memref<3x8x128xf32, #tpu.memory_space<vmem>>, %arg7: memref<3x64x128xf32, #tpu.memory_space<vmem>>, %arg8: memref<3x64xi32, #tpu.memory_space<vmem>>, %arg9: memref<80x128xf32, #tpu.memory_space<vmem>>, %arg10: memref<!tpu.dma_semaphore, #tpu.memory_space<semaphore_mem>>, %arg11: memref<!tpu.dma_semaphore, #tpu.memory_space<semaphore_mem>>, %arg12: memref<!tpu.dma_semaphore, #tpu.memory_space<semaphore_mem>>, %arg13: memref<!tpu.dma_semaphore, #tpu.memory_space<semaphore_mem>>, %arg14: memref<!tpu.dma_semaphore, #tpu.memory_space<semaphore_mem>>, %arg15: memref<!tpu.dma_semaphore, #tpu.memory_space<semaphore_mem>>) attributes {dimension_semantics = [#tpu.dimension_semantics<core_parallel>, #tpu.dimension_semantics<subcore_parallel>], iteration_bounds = array<i64: 2, 16>, scalar_prefetch = 0 : i64, scratch_operands = 11 : i64, tpu.core_type = #tpu.core_type<sc_vector_subcore>, window_params = [{transform_indices = #map}, {transform_indices = #map1}, {transform_indices = #map2}]} {
    %mul3A = arith.constant 2 : i32
    %mul3A_0 = arith.muli %arg1, %mul3A : i32
    %add3A = arith.addi %mul3A_0, %arg0 : i32
    %scan3A = arith.constant 0 : i32
    %scan3A_1 = arith.constant 0 : i32
    %scan3A_2 = arith.constant 80 : i32
    %scan3A_3 = arith.addi %scan3A_1, %scan3A_2 : i32
    %scan3A_4 = arith.constant 1 : i32
    scf.for %scan3A_156 = %scan3A_1 to %scan3A_3 step %scan3A_4  : i32 {
      %broadcast_in_dim3A_157 = arith.constant 0.000000e+00 : f32
      %broadcast_in_dim3A_158 = vector.broadcast %broadcast_in_dim3A_157 : f32 to vector<16xf32>
      %swap3A = arith.index_cast %scan3A_156 : i32 to index
      %swap3A_159 = arith.constant 0 : index
      %swap3A_160 = tpu.vector_load %arg9[%swap3A, %swap3A_159] {strides = array<i32>} : memref<80x128xf32, #tpu.memory_space<vmem>>, vector<1x16xf32>,
      %swap3A_161 = vector.shape_cast %swap3A_160 : vector<1x16xf32> to vector<16xf32>
      %swap3A_162 = vector.shape_cast %broadcast_in_dim3A_158 : vector<16xf32> to vector<1x16xf32>
      tpu.vector_store %arg9[%swap3A, %swap3A_159], %swap3A_162 {strides = array<i32>} : memref<80x128xf32, #tpu.memory_space<vmem>>, vector<1x16xf32>,
      %broadcast_in_dim3A_163 = arith.constant 0.000000e+00 : f32
      %broadcast_in_dim3A_164 = vector.broadcast %broadcast_in_dim3A_163 : f32 to vector<16xf32>
      %swap3A_165 = arith.index_cast %scan3A_156 : i32 to index
      %swap3A_166 = arith.constant 16 : index
      %swap3A_167 = tpu.vector_load %arg9[%swap3A_165, %swap3A_166] {strides = array<i32>} : memref<80x128xf32, #tpu.memory_space<vmem>>, vector<1x16xf32>,
      %swap3A_168 = vector.shape_cast %swap3A_167 : vector<1x16xf32> to vector<16xf32>
      %swap3A_169 = vector.shape_cast %broadcast_in_dim3A_164 : vector<16xf32> to vector<1x16xf32>
      tpu.vector_store %arg9[%swap3A_165, %swap3A_166], %swap3A_169 {strides = array<i32>} : memref<80x128xf32, #tpu.memory_space<vmem>>, vector<1x16xf32>,
      %broadcast_in_dim3A_170 = arith.constant 0.000000e+00 : f32
      %broadcast_in_dim3A_171 = vector.broadcast %broadcast_in_dim3A_170 : f32 to vector<16xf32>
      %swap3A_172 = arith.index_cast %scan3A_156 : i32 to index
      %swap3A_173 = arith.constant 32 : index
      %swap3A_174 = tpu.vector_load %arg9[%swap3A_172, %swap3A_173] {strides = array<i32>} : memref<80x128xf32, #tpu.memory_space<vmem>>, vector<1x16xf32>,
      %swap3A_175 = vector.shape_cast %swap3A_174 : vector<1x16xf32> to vector<16xf32>
      %swap3A_176 = vector.shape_cast %broadcast_in_dim3A_171 : vector<16xf32> to vector<1x16xf32>
      tpu.vector_store %arg9[%swap3A_172, %swap3A_173], %swap3A_176 {strides = array<i32>} : memref<80x128xf32, #tpu.memory_space<vmem>>, vector<1x16xf32>,
      %broadcast_in_dim3A_177 = arith.constant 0.000000e+00 : f32
      %broadcast_in_dim3A_178 = vector.broadcast %broadcast_in_dim3A_177 : f32 to vector<16xf32>
      %swap3A_179 = arith.index_cast %scan3A_156 : i32 to index
      %swap3A_180 = arith.constant 48 : index
      %swap3A_181 = tpu.vector_load %arg9[%swap3A_179, %swap3A_180] {strides = array<i32>} : memref<80x128xf32, #tpu.memory_space<vmem>>, vector<1x16xf32>,
      %swap3A_182 = vector.shape_cast %swap3A_181 : vector<1x16xf32> to vector<16xf32>
      %swap3A_183 = vector.shape_cast %broadcast_in_dim3A_178 : vector<16xf32> to vector<1x16xf32>
      tpu.vector_store %arg9[%swap3A_179, %swap3A_180], %swap3A_183 {strides = array<i32>} : memref<80x128xf32, #tpu.memory_space<vmem>>, vector<1x16xf32>,
      %broadcast_in_dim3A_184 = arith.constant 0.000000e+00 : f32
      %broadcast_in_dim3A_185 = vector.broadcast %broadcast_in_dim3A_184 : f32 to vector<16xf32>
      %swap3A_186 = arith.index_cast %scan3A_156 : i32 to index
      %swap3A_187 = arith.constant 64 : index
      %swap3A_188 = tpu.vector_load %arg9[%swap3A_186, %swap3A_187] {strides = array<i32>} : memref<80x128xf32, #tpu.memory_space<vmem>>, vector<1x16xf32>,
      %swap3A_189 = vector.shape_cast %swap3A_188 : vector<1x16xf32> to vector<16xf32>
      %swap3A_190 = vector.shape_cast %broadcast_in_dim3A_185 : vector<16xf32> to vector<1x16xf32>
      tpu.vector_store %arg9[%swap3A_186, %swap3A_187], %swap3A_190 {strides = array<i32>} : memref<80x128xf32, #tpu.memory_space<vmem>>, vector<1x16xf32>,
      %broadcast_in_dim3A_191 = arith.constant 0.000000e+00 : f32
      %broadcast_in_dim3A_192 = vector.broadcast %broadcast_in_dim3A_191 : f32 to vector<16xf32>
      %swap3A_193 = arith.index_cast %scan3A_156 : i32 to index
      %swap3A_194 = arith.constant 80 : index
      %swap3A_195 = tpu.vector_load %arg9[%swap3A_193, %swap3A_194] {strides = array<i32>} : memref<80x128xf32, #tpu.memory_space<vmem>>, vector<1x16xf32>,
      %swap3A_196 = vector.shape_cast %swap3A_195 : vector<1x16xf32> to vector<16xf32>
      %swap3A_197 = vector.shape_cast %broadcast_in_dim3A_192 : vector<16xf32> to vector<1x16xf32>
      tpu.vector_store %arg9[%swap3A_193, %swap3A_194], %swap3A_197 {strides = array<i32>} : memref<80x128xf32, #tpu.memory_space<vmem>>, vector<1x16xf32>,
      %broadcast_in_dim3A_198 = arith.constant 0.000000e+00 : f32
      %broadcast_in_dim3A_199 = vector.broadcast %broadcast_in_dim3A_198 : f32 to vector<16xf32>
      %swap3A_200 = arith.index_cast %scan3A_156 : i32 to index
      %swap3A_201 = arith.constant 96 : index
      %swap3A_202 = tpu.vector_load %arg9[%swap3A_200, %swap3A_201] {strides = array<i32>} : memref<80x128xf32, #tpu.memory_space<vmem>>, vector<1x16xf32>,
      %swap3A_203 = vector.shape_cast %swap3A_202 : vector<1x16xf32> to vector<16xf32>
      %swap3A_204 = vector.shape_cast %broadcast_in_dim3A_199 : vector<16xf32> to vector<1x16xf32>
      tpu.vector_store %arg9[%swap3A_200, %swap3A_201], %swap3A_204 {strides = array<i32>} : memref<80x128xf32, #tpu.memory_space<vmem>>, vector<1x16xf32>,
      %broadcast_in_dim3A_205 = arith.constant 0.000000e+00 : f32
      %broadcast_in_dim3A_206 = vector.broadcast %broadcast_in_dim3A_205 : f32 to vector<16xf32>
      %swap3A_207 = arith.index_cast %scan3A_156 : i32 to index
      %swap3A_208 = arith.constant 112 : index
      %swap3A_209 = tpu.vector_load %arg9[%swap3A_207, %swap3A_208] {strides = array<i32>} : memref<80x128xf32, #tpu.memory_space<vmem>>, vector<1x16xf32>,
      %swap3A_210 = vector.shape_cast %swap3A_209 : vector<1x16xf32> to vector<16xf32>
      %swap3A_211 = vector.shape_cast %broadcast_in_dim3A_206 : vector<16xf32> to vector<1x16xf32>
      tpu.vector_store %arg9[%swap3A_207, %swap3A_208], %swap3A_211 {strides = array<i32>} : memref<80x128xf32, #tpu.memory_space<vmem>>, vector<1x16xf32>,
    }
    %scan3A_5 = arith.constant 80 : i32
    %lt3A = arith.constant 15 : i32
    %lt3A_6 = arith.cmpi slt, %arg1, %lt3A : i32
    %convert_element_type3A = arith.extui %lt3A_6 : i1 to i32
    %cond3A = arith.constant 0 : i32
    %cond3A_7 = arith.cmpi ne, %convert_element_type3A, %cond3A : i32
    scf.if %cond3A_7 {
      %scan3A_156 = arith.constant 0 : i32
      %scan3A_157 = arith.constant 0 : i32
      %scan3A_158 = arith.constant 8 : i32
      %scan3A_159 = arith.addi %scan3A_157, %scan3A_158 : i32
      %scan3A_160 = arith.constant 1 : i32
      scf.for %scan3A_162 = %scan3A_157 to %scan3A_159 step %scan3A_160  : i32 {
        %mul3A_163 = arith.constant 640 : i32
        %mul3A_164 = arith.muli %arg1, %mul3A_163 : i32
        %mul3A_165 = arith.constant 80 : i32
        %mul3A_166 = arith.muli %scan3A_162, %mul3A_165 : i32
        %add3A_167 = arith.addi %mul3A_164, %mul3A_166 : i32
        "tpu.region"() ({
          %run_scoped3A_168 = tpu.sem_alloc : memref<!tpu.dma_semaphore, #tpu.memory_space<semaphore_mem>>
          %dma_start3A_169 = arith.constant 0 : i32
          %dma_start3A_170 = tpu.memref_slice %arg5[%add3A_167, %dma_start3A_169] : memref<10000x128xf32, #tpu.memory_space<vmem_shared>> -> memref<80x128xf32, #tpu.memory_space<vmem_shared>>
          %dma_start3A_171 = arith.constant 0 : i32
          %dma_start3A_172 = tpu.memref_slice %arg5[%add3A_167, %dma_start3A_171] : memref<10000x128xf32, #tpu.memory_space<vmem_shared>> -> memref<80x128xf32, #tpu.memory_space<vmem_shared>>
          tpu.enqueue_dma source(%arg9 : memref<80x128xf32, #tpu.memory_space<vmem>>) target(%dma_start3A_172 : memref<80x128xf32, #tpu.memory_space<vmem_shared>>) target_semaphore(%run_scoped3A_168 : memref<!tpu.dma_semaphore, #tpu.memory_space<semaphore_mem>>)
          %dma_wait3A_173 = arith.constant 0 : i32
          %dma_wait3A_174 = tpu.memref_slice %arg5[%add3A_167, %dma_wait3A_173] : memref<10000x128xf32, #tpu.memory_space<vmem_shared>> -> memref<80x128xf32, #tpu.memory_space<vmem_shared>>
          %dma_wait3A_175 = arith.constant 0 : i32
          %dma_wait3A_176 = tpu.memref_slice %arg5[%add3A_167, %dma_wait3A_175] : memref<10000x128xf32, #tpu.memory_space<vmem_shared>> -> memref<80x128xf32, #tpu.memory_space<vmem_shared>>
          tpu.wait_dma2 semaphore(%run_scoped3A_168 : memref<!tpu.dma_semaphore, #tpu.memory_space<semaphore_mem>>) src(%arg9 : memref<80x128xf32, #tpu.memory_space<vmem>>) dst(%dma_wait3A_176 : memref<80x128xf32, #tpu.memory_space<vmem_shared>>)
          tpu.yield
        }) : () -> ()
      }
      %scan3A_161 = arith.constant 8 : i32
    } else {
    }
    %eq3A = arith.constant 15 : i32
    %eq3A_8 = arith.cmpi eq, %arg1, %eq3A : i32
    %convert_element_type3A_9 = arith.extui %eq3A_8 : i1 to i32
    %cond3A_10 = arith.constant 0 : i32
    %cond3A_11 = arith.cmpi ne, %convert_element_type3A_9, %cond3A_10 : i32
    scf.if %cond3A_11 {
      %scan3A_156 = arith.constant 0 : i32
      %scan3A_157 = arith.constant 0 : i32
      %scan3A_158 = arith.constant 5 : i32
      %scan3A_159 = arith.addi %scan3A_157, %scan3A_158 : i32
      %scan3A_160 = arith.constant 1 : i32
      scf.for %scan3A_162 = %scan3A_157 to %scan3A_159 step %scan3A_160  : i32 {
        %mul3A_163 = arith.constant 640 : i32
        %mul3A_164 = arith.muli %arg1, %mul3A_163 : i32
        %mul3A_165 = arith.constant 80 : i32
        %mul3A_166 = arith.muli %scan3A_162, %mul3A_165 : i32
        %add3A_167 = arith.addi %mul3A_164, %mul3A_166 : i32
        "tpu.region"() ({
          %run_scoped3A_168 = tpu.sem_alloc : memref<!tpu.dma_semaphore, #tpu.memory_space<semaphore_mem>>
          %dma_start3A_169 = arith.constant 0 : i32
          %dma_start3A_170 = tpu.memref_slice %arg5[%add3A_167, %dma_start3A_169] : memref<10000x128xf32, #tpu.memory_space<vmem_shared>> -> memref<80x128xf32, #tpu.memory_space<vmem_shared>>
          %dma_start3A_171 = arith.constant 0 : i32
          %dma_start3A_172 = tpu.memref_slice %arg5[%add3A_167, %dma_start3A_171] : memref<10000x128xf32, #tpu.memory_space<vmem_shared>> -> memref<80x128xf32, #tpu.memory_space<vmem_shared>>
          tpu.enqueue_dma source(%arg9 : memref<80x128xf32, #tpu.memory_space<vmem>>) target(%dma_start3A_172 : memref<80x128xf32, #tpu.memory_space<vmem_shared>>) target_semaphore(%run_scoped3A_168 : memref<!tpu.dma_semaphore, #tpu.memory_space<semaphore_mem>>)
          %dma_wait3A_173 = arith.constant 0 : i32
          %dma_wait3A_174 = tpu.memref_slice %arg5[%add3A_167, %dma_wait3A_173] : memref<10000x128xf32, #tpu.memory_space<vmem_shared>> -> memref<80x128xf32, #tpu.memory_space<vmem_shared>>
          %dma_wait3A_175 = arith.constant 0 : i32
          %dma_wait3A_176 = tpu.memref_slice %arg5[%add3A_167, %dma_wait3A_175] : memref<10000x128xf32, #tpu.memory_space<vmem_shared>> -> memref<80x128xf32, #tpu.memory_space<vmem_shared>>
          tpu.wait_dma2 semaphore(%run_scoped3A_168 : memref<!tpu.dma_semaphore, #tpu.memory_space<semaphore_mem>>) src(%arg9 : memref<80x128xf32, #tpu.memory_space<vmem>>) dst(%dma_wait3A_176 : memref<80x128xf32, #tpu.memory_space<vmem_shared>>)
          tpu.yield
        }) : () -> ()
      }
      %scan3A_161 = arith.constant 5 : i32
    } else {
    }
    %iota3A = tpu.iota {dimensions = array<i32: 0>} : vector<16xi32>
    %eq3A_12 = arith.constant 0 : i32
    %eq3A_13 = vector.broadcast %eq3A_12 : i32 to vector<16xi32>
    %eq3A_14 = arith.cmpi eq, %iota3A, %eq3A_13 : vector<16xi32>
    %jit3A = arith.constant 1.000000e+00 : f32
    %jit3A_15 = arith.constant 0.000000e+00 : f32
    %broadcast_in_dim3A = vector.broadcast %jit3A : f32 to vector<16xf32>
    %broadcast_in_dim3A_16 = vector.broadcast %jit3A_15 : f32 to vector<16xf32>
    %select_n3A = arith.select %eq3A_14, %broadcast_in_dim3A, %broadcast_in_dim3A_16 : vector<16xi1>, vector<16xf32>
    %scan3A_17 = arith.constant 0 : i32
    %scan3A_18 = arith.constant 0 : i32
    %scan3A_19 = arith.constant 64 : i32
    %scan3A_20 = arith.addi %scan3A_18, %scan3A_19 : i32
    %scan3A_21 = arith.constant 1 : i32
    scf.for %scan3A_156 = %scan3A_18 to %scan3A_20 step %scan3A_21  : i32 {
      %swap3A = arith.constant 0 : i32
      %swap3A_157 = arith.index_cast %swap3A : i32 to index
      %swap3A_158 = arith.index_cast %scan3A_156 : i32 to index
      %swap3A_159 = arith.constant 16 : index
      %swap3A_160 = tpu.vector_load %arg7[%swap3A_157, %swap3A_158, %swap3A_159] {strides = array<i32>} : memref<3x64x128xf32, #tpu.memory_space<vmem>>, vector<1x1x16xf32>,
      %swap3A_161 = vector.shape_cast %swap3A_160 : vector<1x1x16xf32> to vector<16xf32>
      %swap3A_162 = vector.shape_cast %select_n3A : vector<16xf32> to vector<1x1x16xf32>
      tpu.vector_store %arg7[%swap3A_157, %swap3A_158, %swap3A_159], %swap3A_162 {strides = array<i32>} : memref<3x64x128xf32, #tpu.memory_space<vmem>>, vector<1x1x16xf32>,
      %broadcast_in_dim3A_163 = arith.constant 0.000000e+00 : f32
      %broadcast_in_dim3A_164 = vector.broadcast %broadcast_in_dim3A_163 : f32 to vector<16xf32>
      %swap3A_165 = arith.constant 0 : i32
      %swap3A_166 = arith.index_cast %swap3A_165 : i32 to index
      %swap3A_167 = arith.index_cast %scan3A_156 : i32 to index
      %swap3A_168 = arith.constant 32 : index
      %swap3A_169 = tpu.vector_load %arg7[%swap3A_166, %swap3A_167, %swap3A_168] {strides = array<i32>} : memref<3x64x128xf32, #tpu.memory_space<vmem>>, vector<1x1x16xf32>,
      %swap3A_170 = vector.shape_cast %swap3A_169 : vector<1x1x16xf32> to vector<16xf32>
      %swap3A_171 = vector.shape_cast %broadcast_in_dim3A_164 : vector<16xf32> to vector<1x1x16xf32>
      tpu.vector_store %arg7[%swap3A_166, %swap3A_167, %swap3A_168], %swap3A_171 {strides = array<i32>} : memref<3x64x128xf32, #tpu.memory_space<vmem>>, vector<1x1x16xf32>,
      %broadcast_in_dim3A_172 = arith.constant 0.000000e+00 : f32
      %broadcast_in_dim3A_173 = vector.broadcast %broadcast_in_dim3A_172 : f32 to vector<16xf32>
      %swap3A_174 = arith.constant 0 : i32
      %swap3A_175 = arith.index_cast %swap3A_174 : i32 to index
      %swap3A_176 = arith.index_cast %scan3A_156 : i32 to index
      %swap3A_177 = arith.constant 48 : index
      %swap3A_178 = tpu.vector_load %arg7[%swap3A_175, %swap3A_176, %swap3A_177] {strides = array<i32>} : memref<3x64x128xf32, #tpu.memory_space<vmem>>, vector<1x1x16xf32>,
      %swap3A_179 = vector.shape_cast %swap3A_178 : vector<1x1x16xf32> to vector<16xf32>
      %swap3A_180 = vector.shape_cast %broadcast_in_dim3A_173 : vector<16xf32> to vector<1x1x16xf32>
      tpu.vector_store %arg7[%swap3A_175, %swap3A_176, %swap3A_177], %swap3A_180 {strides = array<i32>} : memref<3x64x128xf32, #tpu.memory_space<vmem>>, vector<1x1x16xf32>,
      %broadcast_in_dim3A_181 = arith.constant 0.000000e+00 : f32
      %broadcast_in_dim3A_182 = vector.broadcast %broadcast_in_dim3A_181 : f32 to vector<16xf32>
      %swap3A_183 = arith.constant 0 : i32
      %swap3A_184 = arith.index_cast %swap3A_183 : i32 to index
      %swap3A_185 = arith.index_cast %scan3A_156 : i32 to index
      %swap3A_186 = arith.constant 64 : index
      %swap3A_187 = tpu.vector_load %arg7[%swap3A_184, %swap3A_185, %swap3A_186] {strides = array<i32>} : memref<3x64x128xf32, #tpu.memory_space<vmem>>, vector<1x1x16xf32>,
      %swap3A_188 = vector.shape_cast %swap3A_187 : vector<1x1x16xf32> to vector<16xf32>
      %swap3A_189 = vector.shape_cast %broadcast_in_dim3A_182 : vector<16xf32> to vector<1x1x16xf32>
      tpu.vector_store %arg7[%swap3A_184, %swap3A_185, %swap3A_186], %swap3A_189 {strides = array<i32>} : memref<3x64x128xf32, #tpu.memory_space<vmem>>, vector<1x1x16xf32>,
      %broadcast_in_dim3A_190 = arith.constant 0.000000e+00 : f32
      %broadcast_in_dim3A_191 = vector.broadcast %broadcast_in_dim3A_190 : f32 to vector<16xf32>
      %swap3A_192 = arith.constant 0 : i32
      %swap3A_193 = arith.index_cast %swap3A_192 : i32 to index
      %swap3A_194 = arith.index_cast %scan3A_156 : i32 to index
      %swap3A_195 = arith.constant 80 : index
      %swap3A_196 = tpu.vector_load %arg7[%swap3A_193, %swap3A_194, %swap3A_195] {strides = array<i32>} : memref<3x64x128xf32, #tpu.memory_space<vmem>>, vector<1x1x16xf32>,
      %swap3A_197 = vector.shape_cast %swap3A_196 : vector<1x1x16xf32> to vector<16xf32>
      %swap3A_198 = vector.shape_cast %broadcast_in_dim3A_191 : vector<16xf32> to vector<1x1x16xf32>
      tpu.vector_store %arg7[%swap3A_193, %swap3A_194, %swap3A_195], %swap3A_198 {strides = array<i32>} : memref<3x64x128xf32, #tpu.memory_space<vmem>>, vector<1x1x16xf32>,
      %broadcast_in_dim3A_199 = arith.constant 0.000000e+00 : f32
      %broadcast_in_dim3A_200 = vector.broadcast %broadcast_in_dim3A_199 : f32 to vector<16xf32>
      %swap3A_201 = arith.constant 0 : i32
      %swap3A_202 = arith.index_cast %swap3A_201 : i32 to index
      %swap3A_203 = arith.index_cast %scan3A_156 : i32 to index
      %swap3A_204 = arith.constant 96 : index
      %swap3A_205 = tpu.vector_load %arg7[%swap3A_202, %swap3A_203, %swap3A_204] {strides = array<i32>} : memref<3x64x128xf32, #tpu.memory_space<vmem>>, vector<1x1x16xf32>,
      %swap3A_206 = vector.shape_cast %swap3A_205 : vector<1x1x16xf32> to vector<16xf32>
      %swap3A_207 = vector.shape_cast %broadcast_in_dim3A_200 : vector<16xf32> to vector<1x1x16xf32>
      tpu.vector_store %arg7[%swap3A_202, %swap3A_203, %swap3A_204], %swap3A_207 {strides = array<i32>} : memref<3x64x128xf32, #tpu.memory_space<vmem>>, vector<1x1x16xf32>,
      %broadcast_in_dim3A_208 = arith.constant 0.000000e+00 : f32
      %broadcast_in_dim3A_209 = vector.broadcast %broadcast_in_dim3A_208 : f32 to vector<16xf32>
      %swap3A_210 = arith.constant 0 : i32
      %swap3A_211 = arith.index_cast %swap3A_210 : i32 to index
      %swap3A_212 = arith.index_cast %scan3A_156 : i32 to index
      %swap3A_213 = arith.constant 112 : index
      %swap3A_214 = tpu.vector_load %arg7[%swap3A_211, %swap3A_212, %swap3A_213] {strides = array<i32>} : memref<3x64x128xf32, #tpu.memory_space<vmem>>, vector<1x1x16xf32>,
      %swap3A_215 = vector.shape_cast %swap3A_214 : vector<1x1x16xf32> to vector<16xf32>
      %swap3A_216 = vector.shape_cast %broadcast_in_dim3A_209 : vector<16xf32> to vector<1x1x16xf32>
      tpu.vector_store %arg7[%swap3A_211, %swap3A_212, %swap3A_213], %swap3A_216 {strides = array<i32>} : memref<3x64x128xf32, #tpu.memory_space<vmem>>, vector<1x1x16xf32>,
      %swap3A_217 = arith.constant 1 : i32
      %swap3A_218 = arith.index_cast %swap3A_217 : i32 to index
      %swap3A_219 = arith.index_cast %scan3A_156 : i32 to index
      %swap3A_220 = arith.constant 16 : index
      %swap3A_221 = tpu.vector_load %arg7[%swap3A_218, %swap3A_219, %swap3A_220] {strides = array<i32>} : memref<3x64x128xf32, #tpu.memory_space<vmem>>, vector<1x1x16xf32>,
      %swap3A_222 = vector.shape_cast %swap3A_221 : vector<1x1x16xf32> to vector<16xf32>
      %swap3A_223 = vector.shape_cast %select_n3A : vector<16xf32> to vector<1x1x16xf32>
      tpu.vector_store %arg7[%swap3A_218, %swap3A_219, %swap3A_220], %swap3A_223 {strides = array<i32>} : memref<3x64x128xf32, #tpu.memory_space<vmem>>, vector<1x1x16xf32>,
      %broadcast_in_dim3A_224 = arith.constant 0.000000e+00 : f32
      %broadcast_in_dim3A_225 = vector.broadcast %broadcast_in_dim3A_224 : f32 to vector<16xf32>
      %swap3A_226 = arith.constant 1 : i32
      %swap3A_227 = arith.index_cast %swap3A_226 : i32 to index
      %swap3A_228 = arith.index_cast %scan3A_156 : i32 to index
      %swap3A_229 = arith.constant 32 : index
      %swap3A_230 = tpu.vector_load %arg7[%swap3A_227, %swap3A_228, %swap3A_229] {strides = array<i32>} : memref<3x64x128xf32, #tpu.memory_space<vmem>>, vector<1x1x16xf32>,
      %swap3A_231 = vector.shape_cast %swap3A_230 : vector<1x1x16xf32> to vector<16xf32>
      %swap3A_232 = vector.shape_cast %broadcast_in_dim3A_225 : vector<16xf32> to vector<1x1x16xf32>
      tpu.vector_store %arg7[%swap3A_227, %swap3A_228, %swap3A_229], %swap3A_232 {strides = array<i32>} : memref<3x64x128xf32, #tpu.memory_space<vmem>>, vector<1x1x16xf32>,
      %broadcast_in_dim3A_233 = arith.constant 0.000000e+00 : f32
      %broadcast_in_dim3A_234 = vector.broadcast %broadcast_in_dim3A_233 : f32 to vector<16xf32>
      %swap3A_235 = arith.constant 1 : i32
      %swap3A_236 = arith.index_cast %swap3A_235 : i32 to index
      %swap3A_237 = arith.index_cast %scan3A_156 : i32 to index
      %swap3A_238 = arith.constant 48 : index
      %swap3A_239 = tpu.vector_load %arg7[%swap3A_236, %swap3A_237, %swap3A_238] {strides = array<i32>} : memref<3x64x128xf32, #tpu.memory_space<vmem>>, vector<1x1x16xf32>,
      %swap3A_240 = vector.shape_cast %swap3A_239 : vector<1x1x16xf32> to vector<16xf32>
      %swap3A_241 = vector.shape_cast %broadcast_in_dim3A_234 : vector<16xf32> to vector<1x1x16xf32>
      tpu.vector_store %arg7[%swap3A_236, %swap3A_237, %swap3A_238], %swap3A_241 {strides = array<i32>} : memref<3x64x128xf32, #tpu.memory_space<vmem>>, vector<1x1x16xf32>,
      %broadcast_in_dim3A_242 = arith.constant 0.000000e+00 : f32
      %broadcast_in_dim3A_243 = vector.broadcast %broadcast_in_dim3A_242 : f32 to vector<16xf32>
      %swap3A_244 = arith.constant 1 : i32
      %swap3A_245 = arith.index_cast %swap3A_244 : i32 to index
      %swap3A_246 = arith.index_cast %scan3A_156 : i32 to index
      %swap3A_247 = arith.constant 64 : index
      %swap3A_248 = tpu.vector_load %arg7[%swap3A_245, %swap3A_246, %swap3A_247] {strides = array<i32>} : memref<3x64x128xf32, #tpu.memory_space<vmem>>, vector<1x1x16xf32>,
      %swap3A_249 = vector.shape_cast %swap3A_248 : vector<1x1x16xf32> to vector<16xf32>
      %swap3A_250 = vector.shape_cast %broadcast_in_dim3A_243 : vector<16xf32> to vector<1x1x16xf32>
      tpu.vector_store %arg7[%swap3A_245, %swap3A_246, %swap3A_247], %swap3A_250 {strides = array<i32>} : memref<3x64x128xf32, #tpu.memory_space<vmem>>, vector<1x1x16xf32>,
      %broadcast_in_dim3A_251 = arith.constant 0.000000e+00 : f32
      %broadcast_in_dim3A_252 = vector.broadcast %broadcast_in_dim3A_251 : f32 to vector<16xf32>
      %swap3A_253 = arith.constant 1 : i32
      %swap3A_254 = arith.index_cast %swap3A_253 : i32 to index
      %swap3A_255 = arith.index_cast %scan3A_156 : i32 to index
      %swap3A_256 = arith.constant 80 : index
      %swap3A_257 = tpu.vector_load %arg7[%swap3A_254, %swap3A_255, %swap3A_256] {strides = array<i32>} : memref<3x64x128xf32, #tpu.memory_space<vmem>>, vector<1x1x16xf32>,
      %swap3A_258 = vector.shape_cast %swap3A_257 : vector<1x1x16xf32> to vector<16xf32>
      %swap3A_259 = vector.shape_cast %broadcast_in_dim3A_252 : vector<16xf32> to vector<1x1x16xf32>
      tpu.vector_store %arg7[%swap3A_254, %swap3A_255, %swap3A_256], %swap3A_259 {strides = array<i32>} : memref<3x64x128xf32, #tpu.memory_space<vmem>>, vector<1x1x16xf32>,
      %broadcast_in_dim3A_260 = arith.constant 0.000000e+00 : f32
      %broadcast_in_dim3A_261 = vector.broadcast %broadcast_in_dim3A_260 : f32 to vector<16xf32>
      %swap3A_262 = arith.constant 1 : i32
      %swap3A_263 = arith.index_cast %swap3A_262 : i32 to index
      %swap3A_264 = arith.index_cast %scan3A_156 : i32 to index
      %swap3A_265 = arith.constant 96 : index
      %swap3A_266 = tpu.vector_load %arg7[%swap3A_263, %swap3A_264, %swap3A_265] {strides = array<i32>} : memref<3x64x128xf32, #tpu.memory_space<vmem>>, vector<1x1x16xf32>,
      %swap3A_267 = vector.shape_cast %swap3A_266 : vector<1x1x16xf32> to vector<16xf32>
      %swap3A_268 = vector.shape_cast %broadcast_in_dim3A_261 : vector<16xf32> to vector<1x1x16xf32>
      tpu.vector_store %arg7[%swap3A_263, %swap3A_264, %swap3A_265], %swap3A_268 {strides = array<i32>} : memref<3x64x128xf32, #tpu.memory_space<vmem>>, vector<1x1x16xf32>,
      %broadcast_in_dim3A_269 = arith.constant 0.000000e+00 : f32
      %broadcast_in_dim3A_270 = vector.broadcast %broadcast_in_dim3A_269 : f32 to vector<16xf32>
      %swap3A_271 = arith.constant 1 : i32
      %swap3A_272 = arith.index_cast %swap3A_271 : i32 to index
      %swap3A_273 = arith.index_cast %scan3A_156 : i32 to index
      %swap3A_274 = arith.constant 112 : index
      %swap3A_275 = tpu.vector_load %arg7[%swap3A_272, %swap3A_273, %swap3A_274] {strides = array<i32>} : memref<3x64x128xf32, #tpu.memory_space<vmem>>, vector<1x1x16xf32>,
      %swap3A_276 = vector.shape_cast %swap3A_275 : vector<1x1x16xf32> to vector<16xf32>
      %swap3A_277 = vector.shape_cast %broadcast_in_dim3A_270 : vector<16xf32> to vector<1x1x16xf32>
      tpu.vector_store %arg7[%swap3A_272, %swap3A_273, %swap3A_274], %swap3A_277 {strides = array<i32>} : memref<3x64x128xf32, #tpu.memory_space<vmem>>, vector<1x1x16xf32>,
      %swap3A_278 = arith.constant 2 : i32
      %swap3A_279 = arith.index_cast %swap3A_278 : i32 to index
      %swap3A_280 = arith.index_cast %scan3A_156 : i32 to index
      %swap3A_281 = arith.constant 16 : index
      %swap3A_282 = tpu.vector_load %arg7[%swap3A_279, %swap3A_280, %swap3A_281] {strides = array<i32>} : memref<3x64x128xf32, #tpu.memory_space<vmem>>, vector<1x1x16xf32>,
      %swap3A_283 = vector.shape_cast %swap3A_282 : vector<1x1x16xf32> to vector<16xf32>
      %swap3A_284 = vector.shape_cast %select_n3A : vector<16xf32> to vector<1x1x16xf32>
      tpu.vector_store %arg7[%swap3A_279, %swap3A_280, %swap3A_281], %swap3A_284 {strides = array<i32>} : memref<3x64x128xf32, #tpu.memory_space<vmem>>, vector<1x1x16xf32>,
      %broadcast_in_dim3A_285 = arith.constant 0.000000e+00 : f32
      %broadcast_in_dim3A_286 = vector.broadcast %broadcast_in_dim3A_285 : f32 to vector<16xf32>
      %swap3A_287 = arith.constant 2 : i32
      %swap3A_288 = arith.index_cast %swap3A_287 : i32 to index
      %swap3A_289 = arith.index_cast %scan3A_156 : i32 to index
      %swap3A_290 = arith.constant 32 : index
      %swap3A_291 = tpu.vector_load %arg7[%swap3A_288, %swap3A_289, %swap3A_290] {strides = array<i32>} : memref<3x64x128xf32, #tpu.memory_space<vmem>>, vector<1x1x16xf32>,
      %swap3A_292 = vector.shape_cast %swap3A_291 : vector<1x1x16xf32> to vector<16xf32>
      %swap3A_293 = vector.shape_cast %broadcast_in_dim3A_286 : vector<16xf32> to vector<1x1x16xf32>
      tpu.vector_store %arg7[%swap3A_288, %swap3A_289, %swap3A_290], %swap3A_293 {strides = array<i32>} : memref<3x64x128xf32, #tpu.memory_space<vmem>>, vector<1x1x16xf32>,
      %broadcast_in_dim3A_294 = arith.constant 0.000000e+00 : f32
      %broadcast_in_dim3A_295 = vector.broadcast %broadcast_in_dim3A_294 : f32 to vector<16xf32>
      %swap3A_296 = arith.constant 2 : i32
      %swap3A_297 = arith.index_cast %swap3A_296 : i32 to index
      %swap3A_298 = arith.index_cast %scan3A_156 : i32 to index
      %swap3A_299 = arith.constant 48 : index
      %swap3A_300 = tpu.vector_load %arg7[%swap3A_297, %swap3A_298, %swap3A_299] {strides = array<i32>} : memref<3x64x128xf32, #tpu.memory_space<vmem>>, vector<1x1x16xf32>,
      %swap3A_301 = vector.shape_cast %swap3A_300 : vector<1x1x16xf32> to vector<16xf32>
      %swap3A_302 = vector.shape_cast %broadcast_in_dim3A_295 : vector<16xf32> to vector<1x1x16xf32>
      tpu.vector_store %arg7[%swap3A_297, %swap3A_298, %swap3A_299], %swap3A_302 {strides = array<i32>} : memref<3x64x128xf32, #tpu.memory_space<vmem>>, vector<1x1x16xf32>,
      %broadcast_in_dim3A_303 = arith.constant 0.000000e+00 : f32
      %broadcast_in_dim3A_304 = vector.broadcast %broadcast_in_dim3A_303 : f32 to vector<16xf32>
      %swap3A_305 = arith.constant 2 : i32
      %swap3A_306 = arith.index_cast %swap3A_305 : i32 to index
      %swap3A_307 = arith.index_cast %scan3A_156 : i32 to index
      %swap3A_308 = arith.constant 64 : index
      %swap3A_309 = tpu.vector_load %arg7[%swap3A_306, %swap3A_307, %swap3A_308] {strides = array<i32>} : memref<3x64x128xf32, #tpu.memory_space<vmem>>, vector<1x1x16xf32>,
      %swap3A_310 = vector.shape_cast %swap3A_309 : vector<1x1x16xf32> to vector<16xf32>
      %swap3A_311 = vector.shape_cast %broadcast_in_dim3A_304 : vector<16xf32> to vector<1x1x16xf32>
      tpu.vector_store %arg7[%swap3A_306, %swap3A_307, %swap3A_308], %swap3A_311 {strides = array<i32>} : memref<3x64x128xf32, #tpu.memory_space<vmem>>, vector<1x1x16xf32>,
      %broadcast_in_dim3A_312 = arith.constant 0.000000e+00 : f32
      %broadcast_in_dim3A_313 = vector.broadcast %broadcast_in_dim3A_312 : f32 to vector<16xf32>
      %swap3A_314 = arith.constant 2 : i32
      %swap3A_315 = arith.index_cast %swap3A_314 : i32 to index
      %swap3A_316 = arith.index_cast %scan3A_156 : i32 to index
      %swap3A_317 = arith.constant 80 : index
      %swap3A_318 = tpu.vector_load %arg7[%swap3A_315, %swap3A_316, %swap3A_317] {strides = array<i32>} : memref<3x64x128xf32, #tpu.memory_space<vmem>>, vector<1x1x16xf32>,
      %swap3A_319 = vector.shape_cast %swap3A_318 : vector<1x1x16xf32> to vector<16xf32>
      %swap3A_320 = vector.shape_cast %broadcast_in_dim3A_313 : vector<16xf32> to vector<1x1x16xf32>
      tpu.vector_store %arg7[%swap3A_315, %swap3A_316, %swap3A_317], %swap3A_320 {strides = array<i32>} : memref<3x64x128xf32, #tpu.memory_space<vmem>>, vector<1x1x16xf32>,
      %broadcast_in_dim3A_321 = arith.constant 0.000000e+00 : f32
      %broadcast_in_dim3A_322 = vector.broadcast %broadcast_in_dim3A_321 : f32 to vector<16xf32>
      %swap3A_323 = arith.constant 2 : i32
      %swap3A_324 = arith.index_cast %swap3A_323 : i32 to index
      %swap3A_325 = arith.index_cast %scan3A_156 : i32 to index
      %swap3A_326 = arith.constant 96 : index
      %swap3A_327 = tpu.vector_load %arg7[%swap3A_324, %swap3A_325, %swap3A_326] {strides = array<i32>} : memref<3x64x128xf32, #tpu.memory_space<vmem>>, vector<1x1x16xf32>,
      %swap3A_328 = vector.shape_cast %swap3A_327 : vector<1x1x16xf32> to vector<16xf32>
      %swap3A_329 = vector.shape_cast %broadcast_in_dim3A_322 : vector<16xf32> to vector<1x1x16xf32>
      tpu.vector_store %arg7[%swap3A_324, %swap3A_325, %swap3A_326], %swap3A_329 {strides = array<i32>} : memref<3x64x128xf32, #tpu.memory_space<vmem>>, vector<1x1x16xf32>,
      %broadcast_in_dim3A_330 = arith.constant 0.000000e+00 : f32
      %broadcast_in_dim3A_331 = vector.broadcast %broadcast_in_dim3A_330 : f32 to vector<16xf32>
      %swap3A_332 = arith.constant 2 : i32
      %swap3A_333 = arith.index_cast %swap3A_332 : i32 to index
      %swap3A_334 = arith.index_cast %scan3A_156 : i32 to index
      %swap3A_335 = arith.constant 112 : index
      %swap3A_336 = tpu.vector_load %arg7[%swap3A_333, %swap3A_334, %swap3A_335] {strides = array<i32>} : memref<3x64x128xf32, #tpu.memory_space<vmem>>, vector<1x1x16xf32>,
      %swap3A_337 = vector.shape_cast %swap3A_336 : vector<1x1x16xf32> to vector<16xf32>
      %swap3A_338 = vector.shape_cast %broadcast_in_dim3A_331 : vector<16xf32> to vector<1x1x16xf32>
      tpu.vector_store %arg7[%swap3A_333, %swap3A_334, %swap3A_335], %swap3A_338 {strides = array<i32>} : memref<3x64x128xf32, #tpu.memory_space<vmem>>, vector<1x1x16xf32>,
    }
    %scan3A_22 = arith.constant 64 : i32
    %barrier3A = arith.constant 0 : index
    tpu.barrier barrier_id(%barrier3A)
    %mul3A_23 = arith.constant 10240 : i32
    %mul3A_24 = arith.muli %add3A, %mul3A_23 : i32
    %mul3A_25 = arith.constant 1280 : i32
    %mul3A_26 = arith.muli %add3A, %mul3A_25 : i32
    %lt3A_27 = arith.constant 31 : i32
    %lt3A_28 = arith.cmpi slt, %add3A, %lt3A_27 : i32
    %jit3A_29 = arith.constant 160 : i32
    %jit3A_30 = arith.constant 40 : i32
    %select_n3A_31 = arith.select %lt3A_28, %jit3A_29, %jit3A_30 : i32
    %add3A_32 = arith.constant 0 : i32
    %add3A_33 = arith.addi %mul3A_24, %add3A_32 : i32
    %run_scoped3A = arith.constant 0 : i32
    "tpu.region"() ({
      %run_scoped3A_156 = tpu.sem_alloc : memref<!tpu.dma_semaphore, #tpu.memory_space<semaphore_mem>>
      %dma_start3A_157 = arith.constant 0 : i32
      %dma_start3A_158 = tpu.memref_slice %arg8[%run_scoped3A, %dma_start3A_157] : memref<3x64xi32, #tpu.memory_space<vmem>> -> memref<1x64xi32, #tpu.memory_space<vmem>>
      %dma_start3A_159 = tpu.memref_squeeze %dma_start3A_158 : memref<1x64xi32, #tpu.memory_space<vmem>> -> memref<64xi32, #tpu.memory_space<vmem>>
      %dma_start3A_160 = tpu.memref_slice %arg3[%add3A_33] : memref<320000xi32, #tpu.memory_space<hbm>> -> memref<64xi32, #tpu.memory_space<hbm>>
      %dma_start3A_161 = arith.constant 0 : i32
      %dma_start3A_162 = tpu.memref_slice %arg8[%run_scoped3A, %dma_start3A_161] : memref<3x64xi32, #tpu.memory_space<vmem>> -> memref<1x64xi32, #tpu.memory_space<vmem>>
      %dma_start3A_163 = tpu.memref_squeeze %dma_start3A_162 : memref<1x64xi32, #tpu.memory_space<vmem>> -> memref<64xi32, #tpu.memory_space<vmem>>
      %dma_start3A_164 = tpu.memref_slice %arg3[%add3A_33] : memref<320000xi32, #tpu.memory_space<hbm>> -> memref<64xi32, #tpu.memory_space<hbm>>
      tpu.enqueue_dma source(%dma_start3A_164 : memref<64xi32, #tpu.memory_space<hbm>>) target(%dma_start3A_163 : memref<64xi32, #tpu.memory_space<vmem>>) target_semaphore(%run_scoped3A_156 : memref<!tpu.dma_semaphore, #tpu.memory_space<semaphore_mem>>)
      %dma_wait3A_165 = arith.constant 0 : i32
      %dma_wait3A_166 = tpu.memref_slice %arg8[%run_scoped3A, %dma_wait3A_165] : memref<3x64xi32, #tpu.memory_space<vmem>> -> memref<1x64xi32, #tpu.memory_space<vmem>>
      %dma_wait3A_167 = tpu.memref_squeeze %dma_wait3A_166 : memref<1x64xi32, #tpu.memory_space<vmem>> -> memref<64xi32, #tpu.memory_space<vmem>>
      %dma_wait3A_168 = tpu.memref_slice %arg3[%add3A_33] : memref<320000xi32, #tpu.memory_space<hbm>> -> memref<64xi32, #tpu.memory_space<hbm>>
      %dma_wait3A_169 = arith.constant 0 : i32
      %dma_wait3A_170 = tpu.memref_slice %arg8[%run_scoped3A, %dma_wait3A_169] : memref<3x64xi32, #tpu.memory_space<vmem>> -> memref<1x64xi32, #tpu.memory_space<vmem>>
      %dma_wait3A_171 = tpu.memref_squeeze %dma_wait3A_170 : memref<1x64xi32, #tpu.memory_space<vmem>> -> memref<64xi32, #tpu.memory_space<vmem>>
      %dma_wait3A_172 = tpu.memref_slice %arg3[%add3A_33] : memref<320000xi32, #tpu.memory_space<hbm>> -> memref<64xi32, #tpu.memory_space<hbm>>
      tpu.wait_dma2 semaphore(%run_scoped3A_156 : memref<!tpu.dma_semaphore, #tpu.memory_space<semaphore_mem>>) src(%dma_wait3A_172 : memref<64xi32, #tpu.memory_space<hbm>>) dst(%dma_wait3A_171 : memref<64xi32, #tpu.memory_space<vmem>>)
      tpu.yield
    }) : () -> ()
    %add3A_34 = arith.constant 0 : i32
    %add3A_35 = arith.addi %mul3A_26, %add3A_34 : i32
    %dma_start3A = arith.constant 0 : i32
    %dma_start3A_36 = arith.constant 0 : i32
    %dma_start3A_37 = arith.constant 0 : i32
    %dma_start3A_38 = tpu.memref_slice %arg6[%dma_start3A, %dma_start3A_36, %dma_start3A_37] : memref<3x8x128xf32, #tpu.memory_space<vmem>> -> memref<1x8x128xf32, #tpu.memory_space<vmem>>
    %dma_start3A_39 = tpu.memref_squeeze %dma_start3A_38 : memref<1x8x128xf32, #tpu.memory_space<vmem>> -> memref<8x128xf32, #tpu.memory_space<vmem>>
    %dma_start3A_40 = arith.constant 0 : i32
    %dma_start3A_41 = tpu.memref_slice %arg2[%add3A_35, %dma_start3A_40] : memref<40000x128xf32, #tpu.memory_space<hbm>> -> memref<8x128xf32, #tpu.memory_space<hbm>>
    %dma_start3A_42 = arith.constant 0 : i32
    %dma_start3A_43 = arith.constant 0 : i32
    %dma_start3A_44 = tpu.memref_slice %arg6[%dma_start3A, %dma_start3A_42, %dma_start3A_43] : memref<3x8x128xf32, #tpu.memory_space<vmem>> -> memref<1x8x128xf32, #tpu.memory_space<vmem>>
    %dma_start3A_45 = tpu.memref_squeeze %dma_start3A_44 : memref<1x8x128xf32, #tpu.memory_space<vmem>> -> memref<8x128xf32, #tpu.memory_space<vmem>>
    %dma_start3A_46 = arith.constant 0 : i32
    %dma_start3A_47 = tpu.memref_slice %arg2[%add3A_35, %dma_start3A_46] : memref<40000x128xf32, #tpu.memory_space<hbm>> -> memref<8x128xf32, #tpu.memory_space<hbm>>
    tpu.enqueue_dma source(%dma_start3A_47 : memref<8x128xf32, #tpu.memory_space<hbm>>) target(%dma_start3A_45 : memref<8x128xf32, #tpu.memory_space<vmem>>) target_semaphore(%arg10 : memref<!tpu.dma_semaphore, #tpu.memory_space<semaphore_mem>>)
    %sub3A = arith.constant 1 : i32
    %sub3A_48 = arith.subi %select_n3A_31, %sub3A : i32
    %jit3A_49 = arith.constant 3 : i32
    %div3A = arith.divsi %sub3A_48, %jit3A_49 : i32
    %sign3A = arith.constant 0 : i32
    %sign3A_50 = arith.cmpi sgt, %sub3A_48, %sign3A : i32
    %sign3A_51 = arith.extui %sign3A_50 : i1 to i32
    %sign3A_52 = arith.constant 0 : i32
    %sign3A_53 = arith.cmpi slt, %sub3A_48, %sign3A_52 : i32
    %sign3A_54 = arith.extui %sign3A_53 : i1 to i32
    %sign3A_55 = arith.subi %sign3A_51, %sign3A_54 : i32
    %sign3A_56 = arith.constant 0 : i32
    %sign3A_57 = arith.cmpi sgt, %jit3A_49, %sign3A_56 : i32
    %sign3A_58 = arith.extui %sign3A_57 : i1 to i32
    %sign3A_59 = arith.constant 0 : i32
    %sign3A_60 = arith.cmpi slt, %jit3A_49, %sign3A_59 : i32
    %sign3A_61 = arith.extui %sign3A_60 : i1 to i32
    %sign3A_62 = arith.subi %sign3A_58, %sign3A_61 : i32
    %ne3A = arith.cmpi ne, %sign3A_55, %sign3A_62 : i32
    %rem3A = arith.remsi %sub3A_48, %jit3A_49 : i32
    %ne3A_63 = arith.constant 0 : i32
    %ne3A_64 = arith.cmpi ne, %rem3A, %ne3A_63 : i32
    %and3A = arith.andi %ne3A, %ne3A_64 : i1
    %sub3A_65 = arith.constant 1 : i32
    %sub3A_66 = arith.subi %div3A, %sub3A_65 : i32
    %select_n3A_67 = arith.select %and3A, %sub3A_66, %div3A : i32
    %while3A = arith.constant 0 : i32
    %while3A_68 = arith.constant 0 : i32
    %while3A_69 = arith.subi %select_n3A_67, %while3A_68 : i32
    %while3A_70 = arith.addi %while3A_68, %while3A_69 : i32
    %while3A_71 = arith.constant 1 : i32
    %while3A_72 = arith.divsi %while3A_69, %while3A_71 : i32
    %while3A_73 = arith.muli %while3A_72, %while3A_71 : i32
    %while3A_74 = arith.addi %while3A_68, %while3A_73 : i32
    %while3A_75 = arith.constant 1 : i32
    scf.for %while3A_156 = %while3A_68 to %while3A_74 step %while3A_75  : i32 {
      %mul3A_157 = arith.constant 3 : i32
      %mul3A_158 = arith.muli %mul3A_157, %while3A_156 : i32
      %add3A_159 = arith.constant 0 : i32
      %add3A_160 = arith.addi %mul3A_158, %add3A_159 : i32
      %ge3A = arith.constant 2 : i32
      %ge3A_161 = arith.cmpi sge, %add3A_160, %ge3A : i32
      %convert_element_type3A_162 = arith.extui %ge3A_161 : i1 to i32
      %cond3A_163 = arith.constant 0 : i32
      %cond3A_164 = arith.cmpi ne, %convert_element_type3A_162, %cond3A_163 : i32
      scf.if %cond3A_164 {
        %dma_wait3A_342 = arith.constant 1 : i32
        %dma_wait3A_343 = arith.constant 1 : i32
        %dma_wait3A_344 = arith.constant 0 : i32
        %dma_wait3A_345 = arith.constant 0 : i32
        %dma_wait3A_346 = tpu.memref_slice %arg7[%dma_wait3A_342, %dma_wait3A_344, %dma_wait3A_345] : memref<3x64x128xf32, #tpu.memory_space<vmem>> -> memref<1x64x128xf32, #tpu.memory_space<vmem>>
        %dma_wait3A_347 = tpu.memref_squeeze %dma_wait3A_346 : memref<1x64x128xf32, #tpu.memory_space<vmem>> -> memref<64x128xf32, #tpu.memory_space<vmem>>
        %dma_wait3A_348 = arith.constant 0 : i32
        %dma_wait3A_349 = tpu.memref_slice %arg8[%dma_wait3A_343, %dma_wait3A_348] : memref<3x64xi32, #tpu.memory_space<vmem>> -> memref<1x64xi32, #tpu.memory_space<vmem>>
        %dma_wait3A_350 = tpu.memref_squeeze %dma_wait3A_349 : memref<1x64xi32, #tpu.memory_space<vmem>> -> memref<64xi32, #tpu.memory_space<vmem>>
        %dma_wait3A_351 = arith.constant 0 : i32
        %dma_wait3A_352 = arith.constant 0 : i32
        %dma_wait3A_353 = tpu.memref_slice %arg5[%dma_wait3A_351, %dma_wait3A_352] : memref<10000x128xf32, #tpu.memory_space<vmem_shared>> -> memref<10000x128xf32, #tpu.memory_space<vmem_shared>>
        tpu.wait_indirect_dma semaphore(%arg14 : memref<!tpu.dma_semaphore, #tpu.memory_space<semaphore_mem>>) src(%dma_wait3A_347 : memref<64x128xf32, #tpu.memory_space<vmem>>) dst(%dma_wait3A_353 : memref<10000x128xf32, #tpu.memory_space<vmem_shared>>)
      } else {
      }
      %add3A_165 = arith.constant 1 : i32
      %add3A_166 = arith.addi %add3A_160, %add3A_165 : i32
      %mul3A_167 = arith.constant 64 : i32
      %mul3A_168 = arith.muli %add3A_166, %mul3A_167 : i32
      %add3A_169 = arith.addi %mul3A_24, %mul3A_168 : i32
      %run_scoped3A_170 = arith.constant 1 : i32
      "tpu.region"() ({
        %run_scoped3A_342 = tpu.sem_alloc : memref<!tpu.dma_semaphore, #tpu.memory_space<semaphore_mem>>
        %dma_start3A_343 = arith.constant 0 : i32
        %dma_start3A_344 = tpu.memref_slice %arg8[%run_scoped3A_170, %dma_start3A_343] : memref<3x64xi32, #tpu.memory_space<vmem>> -> memref<1x64xi32, #tpu.memory_space<vmem>>
        %dma_start3A_345 = tpu.memref_squeeze %dma_start3A_344 : memref<1x64xi32, #tpu.memory_space<vmem>> -> memref<64xi32, #tpu.memory_space<vmem>>
        %dma_start3A_346 = tpu.memref_slice %arg3[%add3A_169] : memref<320000xi32, #tpu.memory_space<hbm>> -> memref<64xi32, #tpu.memory_space<hbm>>
        %dma_start3A_347 = arith.constant 0 : i32
        %dma_start3A_348 = tpu.memref_slice %arg8[%run_scoped3A_170, %dma_start3A_347] : memref<3x64xi32, #tpu.memory_space<vmem>> -> memref<1x64xi32, #tpu.memory_space<vmem>>
        %dma_start3A_349 = tpu.memref_squeeze %dma_start3A_348 : memref<1x64xi32, #tpu.memory_space<vmem>> -> memref<64xi32, #tpu.memory_space<vmem>>
        %dma_start3A_350 = tpu.memref_slice %arg3[%add3A_169] : memref<320000xi32, #tpu.memory_space<hbm>> -> memref<64xi32, #tpu.memory_space<hbm>>
        tpu.enqueue_dma source(%dma_start3A_350 : memref<64xi32, #tpu.memory_space<hbm>>) target(%dma_start3A_349 : memref<64xi32, #tpu.memory_space<vmem>>) target_semaphore(%run_scoped3A_342 : memref<!tpu.dma_semaphore, #tpu.memory_space<semaphore_mem>>)
        %dma_wait3A_351 = arith.constant 0 : i32
        %dma_wait3A_352 = tpu.memref_slice %arg8[%run_scoped3A_170, %dma_wait3A_351] : memref<3x64xi32, #tpu.memory_space<vmem>> -> memref<1x64xi32, #tpu.memory_space<vmem>>
        %dma_wait3A_353 = tpu.memref_squeeze %dma_wait3A_352 : memref<1x64xi32, #tpu.memory_space<vmem>> -> memref<64xi32, #tpu.memory_space<vmem>>
        %dma_wait3A_354 = tpu.memref_slice %arg3[%add3A_169] : memref<320000xi32, #tpu.memory_space<hbm>> -> memref<64xi32, #tpu.memory_space<hbm>>
        %dma_wait3A_355 = arith.constant 0 : i32
        %dma_wait3A_356 = tpu.memref_slice %arg8[%run_scoped3A_170, %dma_wait3A_355] : memref<3x64xi32, #tpu.memory_space<vmem>> -> memref<1x64xi32, #tpu.memory_space<vmem>>
        %dma_wait3A_357 = tpu.memref_squeeze %dma_wait3A_356 : memref<1x64xi32, #tpu.memory_space<vmem>> -> memref<64xi32, #tpu.memory_space<vmem>>
        %dma_wait3A_358 = tpu.memref_slice %arg3[%add3A_169] : memref<320000xi32, #tpu.memory_space<hbm>> -> memref<64xi32, #tpu.memory_space<hbm>>
        tpu.wait_dma2 semaphore(%run_scoped3A_342 : memref<!tpu.dma_semaphore, #tpu.memory_space<semaphore_mem>>) src(%dma_wait3A_358 : memref<64xi32, #tpu.memory_space<hbm>>) dst(%dma_wait3A_357 : memref<64xi32, #tpu.memory_space<vmem>>)
        tpu.yield
      }) : () -> ()
      %mul3A_171 = arith.constant 8 : i32
      %mul3A_172 = arith.muli %add3A_166, %mul3A_171 : i32
      %add3A_173 = arith.addi %mul3A_26, %mul3A_172 : i32
      %dma_start3A_174 = arith.constant 1 : i32
      %dma_start3A_175 = arith.constant 0 : i32
      %dma_start3A_176 = arith.constant 0 : i32
      %dma_start3A_177 = tpu.memref_slice %arg6[%dma_start3A_174, %dma_start3A_175, %dma_start3A_176] : memref<3x8x128xf32, #tpu.memory_space<vmem>> -> memref<1x8x128xf32, #tpu.memory_space<vmem>>
      %dma_start3A_178 = tpu.memref_squeeze %dma_start3A_177 : memref<1x8x128xf32, #tpu.memory_space<vmem>> -> memref<8x128xf32, #tpu.memory_space<vmem>>
      %dma_start3A_179 = arith.constant 0 : i32
      %dma_start3A_180 = tpu.memref_slice %arg2[%add3A_173, %dma_start3A_179] : memref<40000x128xf32, #tpu.memory_space<hbm>> -> memref<8x128xf32, #tpu.memory_space<hbm>>
      %dma_start3A_181 = arith.constant 0 : i32
      %dma_start3A_182 = arith.constant 0 : i32
      %dma_start3A_183 = tpu.memref_slice %arg6[%dma_start3A_174, %dma_start3A_181, %dma_start3A_182] : memref<3x8x128xf32, #tpu.memory_space<vmem>> -> memref<1x8x128xf32, #tpu.memory_space<vmem>>
      %dma_start3A_184 = tpu.memref_squeeze %dma_start3A_183 : memref<1x8x128xf32, #tpu.memory_space<vmem>> -> memref<8x128xf32, #tpu.memory_space<vmem>>
      %dma_start3A_185 = arith.constant 0 : i32
      %dma_start3A_186 = tpu.memref_slice %arg2[%add3A_173, %dma_start3A_185] : memref<40000x128xf32, #tpu.memory_space<hbm>> -> memref<8x128xf32, #tpu.memory_space<hbm>>
      tpu.enqueue_dma source(%dma_start3A_186 : memref<8x128xf32, #tpu.memory_space<hbm>>) target(%dma_start3A_184 : memref<8x128xf32, #tpu.memory_space<vmem>>) target_semaphore(%arg11 : memref<!tpu.dma_semaphore, #tpu.memory_space<semaphore_mem>>)
      %dma_wait3A_187 = arith.constant 0 : i32
      %dma_wait3A_188 = arith.constant 0 : i32
      %dma_wait3A_189 = arith.constant 0 : i32
      %dma_wait3A_190 = tpu.memref_slice %arg6[%dma_wait3A_187, %dma_wait3A_188, %dma_wait3A_189] : memref<3x8x128xf32, #tpu.memory_space<vmem>> -> memref<1x8x128xf32, #tpu.memory_space<vmem>>
      %dma_wait3A_191 = tpu.memref_squeeze %dma_wait3A_190 : memref<1x8x128xf32, #tpu.memory_space<vmem>> -> memref<8x128xf32, #tpu.memory_space<vmem>>
      %dma_wait3A_192 = arith.constant 0 : i32
      %dma_wait3A_193 = tpu.memref_slice %arg2[%mul3A_26, %dma_wait3A_192] : memref<40000x128xf32, #tpu.memory_space<hbm>> -> memref<8x128xf32, #tpu.memory_space<hbm>>
      %dma_wait3A_194 = arith.constant 0 : i32
      %dma_wait3A_195 = arith.constant 0 : i32
      %dma_wait3A_196 = tpu.memref_slice %arg6[%dma_wait3A_187, %dma_wait3A_194, %dma_wait3A_195] : memref<3x8x128xf32, #tpu.memory_space<vmem>> -> memref<1x8x128xf32, #tpu.memory_space<vmem>>
      %dma_wait3A_197 = tpu.memref_squeeze %dma_wait3A_196 : memref<1x8x128xf32, #tpu.memory_space<vmem>> -> memref<8x128xf32, #tpu.memory_space<vmem>>
      %dma_wait3A_198 = arith.constant 0 : i32
      %dma_wait3A_199 = tpu.memref_slice %arg2[%mul3A_26, %dma_wait3A_198] : memref<40000x128xf32, #tpu.memory_space<hbm>> -> memref<8x128xf32, #tpu.memory_space<hbm>>
      tpu.wait_dma2 semaphore(%arg10 : memref<!tpu.dma_semaphore, #tpu.memory_space<semaphore_mem>>) src(%dma_wait3A_199 : memref<8x128xf32, #tpu.memory_space<hbm>>) dst(%dma_wait3A_197 : memref<8x128xf32, #tpu.memory_space<vmem>>)
      %scan3A_200 = arith.constant 0 : i32
      %scan3A_201 = arith.constant 0 : i32
      %scan3A_202 = arith.constant 8 : i32
      %scan3A_203 = arith.addi %scan3A_201, %scan3A_202 : i32
      %scan3A_204 = arith.constant 1 : i32
      scf.for %scan3A_342 = %scan3A_201 to %scan3A_203 step %scan3A_204  : i32 {
        %get3A = arith.constant 0 : i32
        %get3A_343 = arith.index_cast %get3A : i32 to index
        %get3A_344 = arith.index_cast %scan3A_342 : i32 to index
        %get3A_345 = arith.constant 0 : index
        %get3A_346 = tpu.vector_load %arg6[%get3A_343, %get3A_344, %get3A_345] {strides = array<i32>} : memref<3x8x128xf32, #tpu.memory_space<vmem>>, vector<1x1x16xf32>,
        %get3A_347 = vector.shape_cast %get3A_346 : vector<1x1x16xf32> to vector<16xf32>
        %mul3A_348 = arith.constant 8 : i32
        %mul3A_349 = arith.muli %mul3A_348, %scan3A_342 : i32
        %add3A_350 = arith.constant 0 : i32
        %add3A_351 = arith.addi %mul3A_349, %add3A_350 : i32
        %swap3A = arith.constant 0 : i32
        %swap3A_352 = arith.index_cast %swap3A : i32 to index
        %swap3A_353 = arith.index_cast %add3A_351 : i32 to index
        %swap3A_354 = arith.constant 0 : index
        %swap3A_355 = tpu.vector_load %arg7[%swap3A_352, %swap3A_353, %swap3A_354] {strides = array<i32>} : memref<3x64x128xf32, #tpu.memory_space<vmem>>, vector<1x1x16xf32>,
        %swap3A_356 = vector.shape_cast %swap3A_355 : vector<1x1x16xf32> to vector<16xf32>
        %swap3A_357 = vector.shape_cast %get3A_347 : vector<16xf32> to vector<1x1x16xf32>
        tpu.vector_store %arg7[%swap3A_352, %swap3A_353, %swap3A_354], %swap3A_357 {strides = array<i32>} : memref<3x64x128xf32, #tpu.memory_space<vmem>>, vector<1x1x16xf32>,
        %get3A_358 = arith.constant 0 : i32
        %get3A_359 = arith.index_cast %get3A_358 : i32 to index
        %get3A_360 = arith.index_cast %scan3A_342 : i32 to index
        %get3A_361 = arith.constant 16 : index
        %get3A_362 = tpu.vector_load %arg6[%get3A_359, %get3A_360, %get3A_361] {strides = array<i32>} : memref<3x8x128xf32, #tpu.memory_space<vmem>>, vector<1x1x16xf32>,
        %get3A_363 = vector.shape_cast %get3A_362 : vector<1x1x16xf32> to vector<16xf32>
        %mul3A_364 = arith.constant 8 : i32
        %mul3A_365 = arith.muli %mul3A_364, %scan3A_342 : i32
        %add3A_366 = arith.constant 1 : i32
        %add3A_367 = arith.addi %mul3A_365, %add3A_366 : i32
        %swap3A_368 = arith.constant 0 : i32
        %swap3A_369 = arith.index_cast %swap3A_368 : i32 to index
        %swap3A_370 = arith.index_cast %add3A_367 : i32 to index
        %swap3A_371 = arith.constant 0 : index
        %swap3A_372 = tpu.vector_load %arg7[%swap3A_369, %swap3A_370, %swap3A_371] {strides = array<i32>} : memref<3x64x128xf32, #tpu.memory_space<vmem>>, vector<1x1x16xf32>,
        %swap3A_373 = vector.shape_cast %swap3A_372 : vector<1x1x16xf32> to vector<16xf32>
        %swap3A_374 = vector.shape_cast %get3A_363 : vector<16xf32> to vector<1x1x16xf32>
        tpu.vector_store %arg7[%swap3A_369, %swap3A_370, %swap3A_371], %swap3A_374 {strides = array<i32>} : memref<3x64x128xf32, #tpu.memory_space<vmem>>, vector<1x1x16xf32>,
        %get3A_375 = arith.constant 0 : i32
        %get3A_376 = arith.index_cast %get3A_375 : i32 to index
        %get3A_377 = arith.index_cast %scan3A_342 : i32 to index
        %get3A_378 = arith.constant 32 : index
        %get3A_379 = tpu.vector_load %arg6[%get3A_376, %get3A_377, %get3A_378] {strides = array<i32>} : memref<3x8x128xf32, #tpu.memory_space<vmem>>, vector<1x1x16xf32>,
        %get3A_380 = vector.shape_cast %get3A_379 : vector<1x1x16xf32> to vector<16xf32>
        %mul3A_381 = arith.constant 8 : i32
        %mul3A_382 = arith.muli %mul3A_381, %scan3A_342 : i32
        %add3A_383 = arith.constant 2 : i32
        %add3A_384 = arith.addi %mul3A_382, %add3A_383 : i32
        %swap3A_385 = arith.constant 0 : i32
        %swap3A_386 = arith.index_cast %swap3A_385 : i32 to index
        %swap3A_387 = arith.index_cast %add3A_384 : i32 to index
        %swap3A_388 = arith.constant 0 : index
        %swap3A_389 = tpu.vector_load %arg7[%swap3A_386, %swap3A_387, %swap3A_388] {strides = array<i32>} : memref<3x64x128xf32, #tpu.memory_space<vmem>>, vector<1x1x16xf32>,
        %swap3A_390 = vector.shape_cast %swap3A_389 : vector<1x1x16xf32> to vector<16xf32>
        %swap3A_391 = vector.shape_cast %get3A_380 : vector<16xf32> to vector<1x1x16xf32>
        tpu.vector_store %arg7[%swap3A_386, %swap3A_387, %swap3A_388], %swap3A_391 {strides = array<i32>} : memref<3x64x128xf32, #tpu.memory_space<vmem>>, vector<1x1x16xf32>,
        %get3A_392 = arith.constant 0 : i32
        %get3A_393 = arith.index_cast %get3A_392 : i32 to index
        %get3A_394 = arith.index_cast %scan3A_342 : i32 to index
        %get3A_395 = arith.constant 48 : index
        %get3A_396 = tpu.vector_load %arg6[%get3A_393, %get3A_394, %get3A_395] {strides = array<i32>} : memref<3x8x128xf32, #tpu.memory_space<vmem>>, vector<1x1x16xf32>,
        %get3A_397 = vector.shape_cast %get3A_396 : vector<1x1x16xf32> to vector<16xf32>
        %mul3A_398 = arith.constant 8 : i32
        %mul3A_399 = arith.muli %mul3A_398, %scan3A_342 : i32
        %add3A_400 = arith.constant 3 : i32
        %add3A_401 = arith.addi %mul3A_399, %add3A_400 : i32
        %swap3A_402 = arith.constant 0 : i32
        %swap3A_403 = arith.index_cast %swap3A_402 : i32 to index
        %swap3A_404 = arith.index_cast %add3A_401 : i32 to index
        %swap3A_405 = arith.constant 0 : index
        %swap3A_406 = tpu.vector_load %arg7[%swap3A_403, %swap3A_404, %swap3A_405] {strides = array<i32>} : memref<3x64x128xf32, #tpu.memory_space<vmem>>, vector<1x1x16xf32>,
        %swap3A_407 = vector.shape_cast %swap3A_406 : vector<1x1x16xf32> to vector<16xf32>
        %swap3A_408 = vector.shape_cast %get3A_397 : vector<16xf32> to vector<1x1x16xf32>
        tpu.vector_store %arg7[%swap3A_403, %swap3A_404, %swap3A_405], %swap3A_408 {strides = array<i32>} : memref<3x64x128xf32, #tpu.memory_space<vmem>>, vector<1x1x16xf32>,
        %get3A_409 = arith.constant 0 : i32
        %get3A_410 = arith.index_cast %get3A_409 : i32 to index
        %get3A_411 = arith.index_cast %scan3A_342 : i32 to index
        %get3A_412 = arith.constant 64 : index
        %get3A_413 = tpu.vector_load %arg6[%get3A_410, %get3A_411, %get3A_412] {strides = array<i32>} : memref<3x8x128xf32, #tpu.memory_space<vmem>>, vector<1x1x16xf32>,
        %get3A_414 = vector.shape_cast %get3A_413 : vector<1x1x16xf32> to vector<16xf32>
        %mul3A_415 = arith.constant 8 : i32
        %mul3A_416 = arith.muli %mul3A_415, %scan3A_342 : i32
        %add3A_417 = arith.constant 4 : i32
        %add3A_418 = arith.addi %mul3A_416, %add3A_417 : i32
        %swap3A_419 = arith.constant 0 : i32
        %swap3A_420 = arith.index_cast %swap3A_419 : i32 to index
        %swap3A_421 = arith.index_cast %add3A_418 : i32 to index
        %swap3A_422 = arith.constant 0 : index
        %swap3A_423 = tpu.vector_load %arg7[%swap3A_420, %swap3A_421, %swap3A_422] {strides = array<i32>} : memref<3x64x128xf32, #tpu.memory_space<vmem>>, vector<1x1x16xf32>,
        %swap3A_424 = vector.shape_cast %swap3A_423 : vector<1x1x16xf32> to vector<16xf32>
        %swap3A_425 = vector.shape_cast %get3A_414 : vector<16xf32> to vector<1x1x16xf32>
        tpu.vector_store %arg7[%swap3A_420, %swap3A_421, %swap3A_422], %swap3A_425 {strides = array<i32>} : memref<3x64x128xf32, #tpu.memory_space<vmem>>, vector<1x1x16xf32>,
        %get3A_426 = arith.constant 0 : i32
        %get3A_427 = arith.index_cast %get3A_426 : i32 to index
        %get3A_428 = arith.index_cast %scan3A_342 : i32 to index
        %get3A_429 = arith.constant 80 : index
        %get3A_430 = tpu.vector_load %arg6[%get3A_427, %get3A_428, %get3A_429] {strides = array<i32>} : memref<3x8x128xf32, #tpu.memory_space<vmem>>, vector<1x1x16xf32>,
        %get3A_431 = vector.shape_cast %get3A_430 : vector<1x1x16xf32> to vector<16xf32>
        %mul3A_432 = arith.constant 8 : i32
        %mul3A_433 = arith.muli %mul3A_432, %scan3A_342 : i32
        %add3A_434 = arith.constant 5 : i32
        %add3A_435 = arith.addi %mul3A_433, %add3A_434 : i32
        %swap3A_436 = arith.constant 0 : i32
        %swap3A_437 = arith.index_cast %swap3A_436 : i32 to index
        %swap3A_438 = arith.index_cast %add3A_435 : i32 to index
        %swap3A_439 = arith.constant 0 : index
        %swap3A_440 = tpu.vector_load %arg7[%swap3A_437, %swap3A_438, %swap3A_439] {strides = array<i32>} : memref<3x64x128xf32, #tpu.memory_space<vmem>>, vector<1x1x16xf32>,
        %swap3A_441 = vector.shape_cast %swap3A_440 : vector<1x1x16xf32> to vector<16xf32>
        %swap3A_442 = vector.shape_cast %get3A_431 : vector<16xf32> to vector<1x1x16xf32>
        tpu.vector_store %arg7[%swap3A_437, %swap3A_438, %swap3A_439], %swap3A_442 {strides = array<i32>} : memref<3x64x128xf32, #tpu.memory_space<vmem>>, vector<1x1x16xf32>,
        %get3A_443 = arith.constant 0 : i32
        %get3A_444 = arith.index_cast %get3A_443 : i32 to index
        %get3A_445 = arith.index_cast %scan3A_342 : i32 to index
        %get3A_446 = arith.constant 96 : index
        %get3A_447 = tpu.vector_load %arg6[%get3A_444, %get3A_445, %get3A_446] {strides = array<i32>} : memref<3x8x128xf32, #tpu.memory_space<vmem>>, vector<1x1x16xf32>,
        %get3A_448 = vector.shape_cast %get3A_447 : vector<1x1x16xf32> to vector<16xf32>
        %mul3A_449 = arith.constant 8 : i32
        %mul3A_450 = arith.muli %mul3A_449, %scan3A_342 : i32
        %add3A_451 = arith.constant 6 : i32
        %add3A_452 = arith.addi %mul3A_450, %add3A_451 : i32
        %swap3A_453 = arith.constant 0 : i32
        %swap3A_454 = arith.index_cast %swap3A_453 : i32 to index
        %swap3A_455 = arith.index_cast %add3A_452 : i32 to index
        %swap3A_456 = arith.constant 0 : index
        %swap3A_457 = tpu.vector_load %arg7[%swap3A_454, %swap3A_455, %swap3A_456] {strides = array<i32>} : memref<3x64x128xf32, #tpu.memory_space<vmem>>, vector<1x1x16xf32>,
        %swap3A_458 = vector.shape_cast %swap3A_457 : vector<1x1x16xf32> to vector<16xf32>
        %swap3A_459 = vector.shape_cast %get3A_448 : vector<16xf32> to vector<1x1x16xf32>
        tpu.vector_store %arg7[%swap3A_454, %swap3A_455, %swap3A_456], %swap3A_459 {strides = array<i32>} : memref<3x64x128xf32, #tpu.memory_space<vmem>>, vector<1x1x16xf32>,
        %get3A_460 = arith.constant 0 : i32
        %get3A_461 = arith.index_cast %get3A_460 : i32 to index
        %get3A_462 = arith.index_cast %scan3A_342 : i32 to index
        %get3A_463 = arith.constant 112 : index
        %get3A_464 = tpu.vector_load %arg6[%get3A_461, %get3A_462, %get3A_463] {strides = array<i32>} : memref<3x8x128xf32, #tpu.memory_space<vmem>>, vector<1x1x16xf32>,
        %get3A_465 = vector.shape_cast %get3A_464 : vector<1x1x16xf32> to vector<16xf32>
        %mul3A_466 = arith.constant 8 : i32
        %mul3A_467 = arith.muli %mul3A_466, %scan3A_342 : i32
        %add3A_468 = arith.constant 7 : i32
        %add3A_469 = arith.addi %mul3A_467, %add3A_468 : i32
        %swap3A_470 = arith.constant 0 : i32
        %swap3A_471 = arith.index_cast %swap3A_470 : i32 to index
        %swap3A_472 = arith.index_cast %add3A_469 : i32 to index
        %swap3A_473 = arith.constant 0 : index
        %swap3A_474 = tpu.vector_load %arg7[%swap3A_471, %swap3A_472, %swap3A_473] {strides = array<i32>} : memref<3x64x128xf32, #tpu.memory_space<vmem>>, vector<1x1x16xf32>,
        %swap3A_475 = vector.shape_cast %swap3A_474 : vector<1x1x16xf32> to vector<16xf32>
        %swap3A_476 = vector.shape_cast %get3A_465 : vector<16xf32> to vector<1x1x16xf32>
        tpu.vector_store %arg7[%swap3A_471, %swap3A_472, %swap3A_473], %swap3A_476 {strides = array<i32>} : memref<3x64x128xf32, #tpu.memory_space<vmem>>, vector<1x1x16xf32>,
      }
      %scan3A_205 = arith.constant 8 : i32
      %dma_start3A_206 = arith.constant 0 : i32
      %dma_start3A_207 = arith.constant 0 : i32
      %dma_start3A_208 = arith.constant 0 : i32
      %dma_start3A_209 = arith.constant 0 : i32
      %dma_start3A_210 = tpu.memref_slice %arg7[%dma_start3A_206, %dma_start3A_208, %dma_start3A_209] : memref<3x64x128xf32, #tpu.memory_space<vmem>> -> memref<1x64x128xf32, #tpu.memory_space<vmem>>
      %dma_start3A_211 = tpu.memref_squeeze %dma_start3A_210 : memref<1x64x128xf32, #tpu.memory_space<vmem>> -> memref<64x128xf32, #tpu.memory_space<vmem>>
      %dma_start3A_212 = arith.constant 0 : i32
      %dma_start3A_213 = tpu.memref_slice %arg8[%dma_start3A_207, %dma_start3A_212] : memref<3x64xi32, #tpu.memory_space<vmem>> -> memref<1x64xi32, #tpu.memory_space<vmem>>
      %dma_start3A_214 = tpu.memref_squeeze %dma_start3A_213 : memref<1x64xi32, #tpu.memory_space<vmem>> -> memref<64xi32, #tpu.memory_space<vmem>>
      %dma_start3A_215 = arith.constant 0 : i32
      %dma_start3A_216 = arith.constant 0 : i32
      %dma_start3A_217 = tpu.memref_slice %arg5[%dma_start3A_215, %dma_start3A_216] : memref<10000x128xf32, #tpu.memory_space<vmem_shared>> -> memref<10000x128xf32, #tpu.memory_space<vmem_shared>>
      tpu.enqueue_indirect_dma source(%dma_start3A_211 : memref<64x128xf32, #tpu.memory_space<vmem>>) target(%dma_start3A_217 : memref<10000x128xf32, #tpu.memory_space<vmem_shared>>) offsets(%dma_start3A_214 : memref<64xi32, #tpu.memory_space<vmem>>) semaphore(%arg13 : memref<!tpu.dma_semaphore, #tpu.memory_space<semaphore_mem>>) {add = true}
      %mul3A_218 = arith.constant 3 : i32
      %mul3A_219 = arith.muli %mul3A_218, %while3A_156 : i32
      %add3A_220 = arith.constant 1 : i32
      %add3A_221 = arith.addi %mul3A_219, %add3A_220 : i32
      %ge3A_222 = arith.constant 2 : i32
      %ge3A_223 = arith.cmpi sge, %add3A_221, %ge3A_222 : i32
      %convert_element_type3A_224 = arith.extui %ge3A_223 : i1 to i32
      %cond3A_225 = arith.constant 0 : i32
      %cond3A_226 = arith.cmpi ne, %convert_element_type3A_224, %cond3A_225 : i32
      scf.if %cond3A_226 {
        %dma_wait3A_342 = arith.constant 2 : i32
        %dma_wait3A_343 = arith.constant 2 : i32
        %dma_wait3A_344 = arith.constant 0 : i32
        %dma_wait3A_345 = arith.constant 0 : i32
        %dma_wait3A_346 = tpu.memref_slice %arg7[%dma_wait3A_342, %dma_wait3A_344, %dma_wait3A_345] : memref<3x64x128xf32, #tpu.memory_space<vmem>> -> memref<1x64x128xf32, #tpu.memory_space<vmem>>
        %dma_wait3A_347 = tpu.memref_squeeze %dma_wait3A_346 : memref<1x64x128xf32, #tpu.memory_space<vmem>> -> memref<64x128xf32, #tpu.memory_space<vmem>>
        %dma_wait3A_348 = arith.constant 0 : i32
        %dma_wait3A_349 = tpu.memref_slice %arg8[%dma_wait3A_343, %dma_wait3A_348] : memref<3x64xi32, #tpu.memory_space<vmem>> -> memref<1x64xi32, #tpu.memory_space<vmem>>
        %dma_wait3A_350 = tpu.memref_squeeze %dma_wait3A_349 : memref<1x64xi32, #tpu.memory_space<vmem>> -> memref<64xi32, #tpu.memory_space<vmem>>
        %dma_wait3A_351 = arith.constant 0 : i32
        %dma_wait3A_352 = arith.constant 0 : i32
        %dma_wait3A_353 = tpu.memref_slice %arg5[%dma_wait3A_351, %dma_wait3A_352] : memref<10000x128xf32, #tpu.memory_space<vmem_shared>> -> memref<10000x128xf32, #tpu.memory_space<vmem_shared>>
        tpu.wait_indirect_dma semaphore(%arg15 : memref<!tpu.dma_semaphore, #tpu.memory_space<semaphore_mem>>) src(%dma_wait3A_347 : memref<64x128xf32, #tpu.memory_space<vmem>>) dst(%dma_wait3A_353 : memref<10000x128xf32, #tpu.memory_space<vmem_shared>>)
      } else {
      }
      %add3A_227 = arith.constant 1 : i32
      %add3A_228 = arith.addi %add3A_221, %add3A_227 : i32
      %mul3A_229 = arith.constant 64 : i32
      %mul3A_230 = arith.muli %add3A_228, %mul3A_229 : i32
      %add3A_231 = arith.addi %mul3A_24, %mul3A_230 : i32
      %run_scoped3A_232 = arith.constant 2 : i32
      "tpu.region"() ({
        %run_scoped3A_342 = tpu.sem_alloc : memref<!tpu.dma_semaphore, #tpu.memory_space<semaphore_mem>>
        %dma_start3A_343 = arith.constant 0 : i32
        %dma_start3A_344 = tpu.memref_slice %arg8[%run_scoped3A_232, %dma_start3A_343] : memref<3x64xi32, #tpu.memory_space<vmem>> -> memref<1x64xi32, #tpu.memory_space<vmem>>
        %dma_start3A_345 = tpu.memref_squeeze %dma_start3A_344 : memref<1x64xi32, #tpu.memory_space<vmem>> -> memref<64xi32, #tpu.memory_space<vmem>>
        %dma_start3A_346 = tpu.memref_slice %arg3[%add3A_231] : memref<320000xi32, #tpu.memory_space<hbm>> -> memref<64xi32, #tpu.memory_space<hbm>>
        %dma_start3A_347 = arith.constant 0 : i32
        %dma_start3A_348 = tpu.memref_slice %arg8[%run_scoped3A_232, %dma_start3A_347] : memref<3x64xi32, #tpu.memory_space<vmem>> -> memref<1x64xi32, #tpu.memory_space<vmem>>
        %dma_start3A_349 = tpu.memref_squeeze %dma_start3A_348 : memref<1x64xi32, #tpu.memory_space<vmem>> -> memref<64xi32, #tpu.memory_space<vmem>>
        %dma_start3A_350 = tpu.memref_slice %arg3[%add3A_231] : memref<320000xi32, #tpu.memory_space<hbm>> -> memref<64xi32, #tpu.memory_space<hbm>>
        tpu.enqueue_dma source(%dma_start3A_350 : memref<64xi32, #tpu.memory_space<hbm>>) target(%dma_start3A_349 : memref<64xi32, #tpu.memory_space<vmem>>) target_semaphore(%run_scoped3A_342 : memref<!tpu.dma_semaphore, #tpu.memory_space<semaphore_mem>>)
        %dma_wait3A_351 = arith.constant 0 : i32
        %dma_wait3A_352 = tpu.memref_slice %arg8[%run_scoped3A_232, %dma_wait3A_351] : memref<3x64xi32, #tpu.memory_space<vmem>> -> memref<1x64xi32, #tpu.memory_space<vmem>>
        %dma_wait3A_353 = tpu.memref_squeeze %dma_wait3A_352 : memref<1x64xi32, #tpu.memory_space<vmem>> -> memref<64xi32, #tpu.memory_space<vmem>>
        %dma_wait3A_354 = tpu.memref_slice %arg3[%add3A_231] : memref<320000xi32, #tpu.memory_space<hbm>> -> memref<64xi32, #tpu.memory_space<hbm>>
        %dma_wait3A_355 = arith.constant 0 : i32
        %dma_wait3A_356 = tpu.memref_slice %arg8[%run_scoped3A_232, %dma_wait3A_355] : memref<3x64xi32, #tpu.memory_space<vmem>> -> memref<1x64xi32, #tpu.memory_space<vmem>>
        %dma_wait3A_357 = tpu.memref_squeeze %dma_wait3A_356 : memref<1x64xi32, #tpu.memory_space<vmem>> -> memref<64xi32, #tpu.memory_space<vmem>>
        %dma_wait3A_358 = tpu.memref_slice %arg3[%add3A_231] : memref<320000xi32, #tpu.memory_space<hbm>> -> memref<64xi32, #tpu.memory_space<hbm>>
        tpu.wait_dma2 semaphore(%run_scoped3A_342 : memref<!tpu.dma_semaphore, #tpu.memory_space<semaphore_mem>>) src(%dma_wait3A_358 : memref<64xi32, #tpu.memory_space<hbm>>) dst(%dma_wait3A_357 : memref<64xi32, #tpu.memory_space<vmem>>)
        tpu.yield
      }) : () -> ()
      %mul3A_233 = arith.constant 8 : i32
      %mul3A_234 = arith.muli %add3A_228, %mul3A_233 : i32
      %add3A_235 = arith.addi %mul3A_26, %mul3A_234 : i32
      %dma_start3A_236 = arith.constant 2 : i32
      %dma_start3A_237 = arith.constant 0 : i32
      %dma_start3A_238 = arith.constant 0 : i32
      %dma_start3A_239 = tpu.memref_slice %arg6[%dma_start3A_236, %dma_start3A_237, %dma_start3A_238] : memref<3x8x128xf32, #tpu.memory_space<vmem>> -> memref<1x8x128xf32, #tpu.memory_space<vmem>>
      %dma_start3A_240 = tpu.memref_squeeze %dma_start3A_239 : memref<1x8x128xf32, #tpu.memory_space<vmem>> -> memref<8x128xf32, #tpu.memory_space<vmem>>
      %dma_start3A_241 = arith.constant 0 : i32
      %dma_start3A_242 = tpu.memref_slice %arg2[%add3A_235, %dma_start3A_241] : memref<40000x128xf32, #tpu.memory_space<hbm>> -> memref<8x128xf32, #tpu.memory_space<hbm>>
      %dma_start3A_243 = arith.constant 0 : i32
      %dma_start3A_244 = arith.constant 0 : i32
      %dma_start3A_245 = tpu.memref_slice %arg6[%dma_start3A_236, %dma_start3A_243, %dma_start3A_244] : memref<3x8x128xf32, #tpu.memory_space<vmem>> -> memref<1x8x128xf32, #tpu.memory_space<vmem>>
      %dma_start3A_246 = tpu.memref_squeeze %dma_start3A_245 : memref<1x8x128xf32, #tpu.memory_space<vmem>> -> memref<8x128xf32, #tpu.memory_space<vmem>>
      %dma_start3A_247 = arith.constant 0 : i32
      %dma_start3A_248 = tpu.memref_slice %arg2[%add3A_235, %dma_start3A_247] : memref<40000x128xf32, #tpu.memory_space<hbm>> -> memref<8x128xf32, #tpu.memory_space<hbm>>
      tpu.enqueue_dma source(%dma_start3A_248 : memref<8x128xf32, #tpu.memory_space<hbm>>) target(%dma_start3A_246 : memref<8x128xf32, #tpu.memory_space<vmem>>) target_semaphore(%arg12 : memref<!tpu.dma_semaphore, #tpu.memory_space<semaphore_mem>>)
      %dma_wait3A_249 = arith.constant 1 : i32
      %dma_wait3A_250 = arith.constant 0 : i32
      %dma_wait3A_251 = arith.constant 0 : i32
      %dma_wait3A_252 = tpu.memref_slice %arg6[%dma_wait3A_249, %dma_wait3A_250, %dma_wait3A_251] : memref<3x8x128xf32, #tpu.memory_space<vmem>> -> memref<1x8x128xf32, #tpu.memory_space<vmem>>
      %dma_wait3A_253 = tpu.memref_squeeze %dma_wait3A_252 : memref<1x8x128xf32, #tpu.memory_space<vmem>> -> memref<8x128xf32, #tpu.memory_space<vmem>>
      %dma_wait3A_254 = arith.constant 0 : i32
      %dma_wait3A_255 = tpu.memref_slice %arg2[%mul3A_26, %dma_wait3A_254] : memref<40000x128xf32, #tpu.memory_space<hbm>> -> memref<8x128xf32, #tpu.memory_space<hbm>>
      %dma_wait3A_256 = arith.constant 0 : i32
      %dma_wait3A_257 = arith.constant 0 : i32
      %dma_wait3A_258 = tpu.memref_slice %arg6[%dma_wait3A_249, %dma_wait3A_256, %dma_wait3A_257] : memref<3x8x128xf32, #tpu.memory_space<vmem>> -> memref<1x8x128xf32, #tpu.memory_space<vmem>>
      %dma_wait3A_259 = tpu.memref_squeeze %dma_wait3A_258 : memref<1x8x128xf32, #tpu.memory_space<vmem>> -> memref<8x128xf32, #tpu.memory_space<vmem>>
      %dma_wait3A_260 = arith.constant 0 : i32
      %dma_wait3A_261 = tpu.memref_slice %arg2[%mul3A_26, %dma_wait3A_260] : memref<40000x128xf32, #tpu.memory_space<hbm>> -> memref<8x128xf32, #tpu.memory_space<hbm>>
      tpu.wait_dma2 semaphore(%arg11 : memref<!tpu.dma_semaphore, #tpu.memory_space<semaphore_mem>>) src(%dma_wait3A_261 : memref<8x128xf32, #tpu.memory_space<hbm>>) dst(%dma_wait3A_259 : memref<8x128xf32, #tpu.memory_space<vmem>>)
      %scan3A_262 = arith.constant 0 : i32
      %scan3A_263 = arith.constant 0 : i32
      %scan3A_264 = arith.constant 8 : i32
      %scan3A_265 = arith.addi %scan3A_263, %scan3A_264 : i32
      %scan3A_266 = arith.constant 1 : i32
      scf.for %scan3A_342 = %scan3A_263 to %scan3A_265 step %scan3A_266  : i32 {
        %get3A = arith.constant 1 : i32
        %get3A_343 = arith.index_cast %get3A : i32 to index
        %get3A_344 = arith.index_cast %scan3A_342 : i32 to index
        %get3A_345 = arith.constant 0 : index
        %get3A_346 = tpu.vector_load %arg6[%get3A_343, %get3A_344, %get3A_345] {strides = array<i32>} : memref<3x8x128xf32, #tpu.memory_space<vmem>>, vector<1x1x16xf32>,
        %get3A_347 = vector.shape_cast %get3A_346 : vector<1x1x16xf32> to vector<16xf32>
        %mul3A_348 = arith.constant 8 : i32
        %mul3A_349 = arith.muli %mul3A_348, %scan3A_342 : i32
        %add3A_350 = arith.constant 0 : i32
        %add3A_351 = arith.addi %mul3A_349, %add3A_350 : i32
        %swap3A = arith.constant 1 : i32
        %swap3A_352 = arith.index_cast %swap3A : i32 to index
        %swap3A_353 = arith.index_cast %add3A_351 : i32 to index
        %swap3A_354 = arith.constant 0 : index
        %swap3A_355 = tpu.vector_load %arg7[%swap3A_352, %swap3A_353, %swap3A_354] {strides = array<i32>} : memref<3x64x128xf32, #tpu.memory_space<vmem>>, vector<1x1x16xf32>,
        %swap3A_356 = vector.shape_cast %swap3A_355 : vector<1x1x16xf32> to vector<16xf32>
        %swap3A_357 = vector.shape_cast %get3A_347 : vector<16xf32> to vector<1x1x16xf32>
        tpu.vector_store %arg7[%swap3A_352, %swap3A_353, %swap3A_354], %swap3A_357 {strides = array<i32>} : memref<3x64x128xf32, #tpu.memory_space<vmem>>, vector<1x1x16xf32>,
        %get3A_358 = arith.constant 1 : i32
        %get3A_359 = arith.index_cast %get3A_358 : i32 to index
        %get3A_360 = arith.index_cast %scan3A_342 : i32 to index
        %get3A_361 = arith.constant 16 : index
        %get3A_362 = tpu.vector_load %arg6[%get3A_359, %get3A_360, %get3A_361] {strides = array<i32>} : memref<3x8x128xf32, #tpu.memory_space<vmem>>, vector<1x1x16xf32>,
        %get3A_363 = vector.shape_cast %get3A_362 : vector<1x1x16xf32> to vector<16xf32>
        %mul3A_364 = arith.constant 8 : i32
        %mul3A_365 = arith.muli %mul3A_364, %scan3A_342 : i32
        %add3A_366 = arith.constant 1 : i32
        %add3A_367 = arith.addi %mul3A_365, %add3A_366 : i32
        %swap3A_368 = arith.constant 1 : i32
        %swap3A_369 = arith.index_cast %swap3A_368 : i32 to index
        %swap3A_370 = arith.index_cast %add3A_367 : i32 to index
        %swap3A_371 = arith.constant 0 : index
        %swap3A_372 = tpu.vector_load %arg7[%swap3A_369, %swap3A_370, %swap3A_371] {strides = array<i32>} : memref<3x64x128xf32, #tpu.memory_space<vmem>>, vector<1x1x16xf32>,
        %swap3A_373 = vector.shape_cast %swap3A_372 : vector<1x1x16xf32> to vector<16xf32>
        %swap3A_374 = vector.shape_cast %get3A_363 : vector<16xf32> to vector<1x1x16xf32>
        tpu.vector_store %arg7[%swap3A_369, %swap3A_370, %swap3A_371], %swap3A_374 {strides = array<i32>} : memref<3x64x128xf32, #tpu.memory_space<vmem>>, vector<1x1x16xf32>,
        %get3A_375 = arith.constant 1 : i32
        %get3A_376 = arith.index_cast %get3A_375 : i32 to index
        %get3A_377 = arith.index_cast %scan3A_342 : i32 to index
        %get3A_378 = arith.constant 32 : index
        %get3A_379 = tpu.vector_load %arg6[%get3A_376, %get3A_377, %get3A_378] {strides = array<i32>} : memref<3x8x128xf32, #tpu.memory_space<vmem>>, vector<1x1x16xf32>,
        %get3A_380 = vector.shape_cast %get3A_379 : vector<1x1x16xf32> to vector<16xf32>
        %mul3A_381 = arith.constant 8 : i32
        %mul3A_382 = arith.muli %mul3A_381, %scan3A_342 : i32
        %add3A_383 = arith.constant 2 : i32
        %add3A_384 = arith.addi %mul3A_382, %add3A_383 : i32
        %swap3A_385 = arith.constant 1 : i32
        %swap3A_386 = arith.index_cast %swap3A_385 : i32 to index
        %swap3A_387 = arith.index_cast %add3A_384 : i32 to index
        %swap3A_388 = arith.constant 0 : index
        %swap3A_389 = tpu.vector_load %arg7[%swap3A_386, %swap3A_387, %swap3A_388] {strides = array<i32>} : memref<3x64x128xf32, #tpu.memory_space<vmem>>, vector<1x1x16xf32>,
        %swap3A_390 = vector.shape_cast %swap3A_389 : vector<1x1x16xf32> to vector<16xf32>
        %swap3A_391 = vector.shape_cast %get3A_380 : vector<16xf32> to vector<1x1x16xf32>
        tpu.vector_store %arg7[%swap3A_386, %swap3A_387, %swap3A_388], %swap3A_391 {strides = array<i32>} : memref<3x64x128xf32, #tpu.memory_space<vmem>>, vector<1x1x16xf32>,
        %get3A_392 = arith.constant 1 : i32
        %get3A_393 = arith.index_cast %get3A_392 : i32 to index
        %get3A_394 = arith.index_cast %scan3A_342 : i32 to index
        %get3A_395 = arith.constant 48 : index
        %get3A_396 = tpu.vector_load %arg6[%get3A_393, %get3A_394, %get3A_395] {strides = array<i32>} : memref<3x8x128xf32, #tpu.memory_space<vmem>>, vector<1x1x16xf32>,
        %get3A_397 = vector.shape_cast %get3A_396 : vector<1x1x16xf32> to vector<16xf32>
        %mul3A_398 = arith.constant 8 : i32
        %mul3A_399 = arith.muli %mul3A_398, %scan3A_342 : i32
        %add3A_400 = arith.constant 3 : i32
        %add3A_401 = arith.addi %mul3A_399, %add3A_400 : i32
        %swap3A_402 = arith.constant 1 : i32
        %swap3A_403 = arith.index_cast %swap3A_402 : i32 to index
        %swap3A_404 = arith.index_cast %add3A_401 : i32 to index
        %swap3A_405 = arith.constant 0 : index
        %swap3A_406 = tpu.vector_load %arg7[%swap3A_403, %swap3A_404, %swap3A_405] {strides = array<i32>} : memref<3x64x128xf32, #tpu.memory_space<vmem>>, vector<1x1x16xf32>,
        %swap3A_407 = vector.shape_cast %swap3A_406 : vector<1x1x16xf32> to vector<16xf32>
        %swap3A_408 = vector.shape_cast %get3A_397 : vector<16xf32> to vector<1x1x16xf32>
        tpu.vector_store %arg7[%swap3A_403, %swap3A_404, %swap3A_405], %swap3A_408 {strides = array<i32>} : memref<3x64x128xf32, #tpu.memory_space<vmem>>, vector<1x1x16xf32>,
        %get3A_409 = arith.constant 1 : i32
        %get3A_410 = arith.index_cast %get3A_409 : i32 to index
        %get3A_411 = arith.index_cast %scan3A_342 : i32 to index
        %get3A_412 = arith.constant 64 : index
        %get3A_413 = tpu.vector_load %arg6[%get3A_410, %get3A_411, %get3A_412] {strides = array<i32>} : memref<3x8x128xf32, #tpu.memory_space<vmem>>, vector<1x1x16xf32>,
        %get3A_414 = vector.shape_cast %get3A_413 : vector<1x1x16xf32> to vector<16xf32>
        %mul3A_415 = arith.constant 8 : i32
        %mul3A_416 = arith.muli %mul3A_415, %scan3A_342 : i32
        %add3A_417 = arith.constant 4 : i32
        %add3A_418 = arith.addi %mul3A_416, %add3A_417 : i32
        %swap3A_419 = arith.constant 1 : i32
        %swap3A_420 = arith.index_cast %swap3A_419 : i32 to index
        %swap3A_421 = arith.index_cast %add3A_418 : i32 to index
        %swap3A_422 = arith.constant 0 : index
        %swap3A_423 = tpu.vector_load %arg7[%swap3A_420, %swap3A_421, %swap3A_422] {strides = array<i32>} : memref<3x64x128xf32, #tpu.memory_space<vmem>>, vector<1x1x16xf32>,
        %swap3A_424 = vector.shape_cast %swap3A_423 : vector<1x1x16xf32> to vector<16xf32>
        %swap3A_425 = vector.shape_cast %get3A_414 : vector<16xf32> to vector<1x1x16xf32>
        tpu.vector_store %arg7[%swap3A_420, %swap3A_421, %swap3A_422], %swap3A_425 {strides = array<i32>} : memref<3x64x128xf32, #tpu.memory_space<vmem>>, vector<1x1x16xf32>,
        %get3A_426 = arith.constant 1 : i32
        %get3A_427 = arith.index_cast %get3A_426 : i32 to index
        %get3A_428 = arith.index_cast %scan3A_342 : i32 to index
        %get3A_429 = arith.constant 80 : index
        %get3A_430 = tpu.vector_load %arg6[%get3A_427, %get3A_428, %get3A_429] {strides = array<i32>} : memref<3x8x128xf32, #tpu.memory_space<vmem>>, vector<1x1x16xf32>,
        %get3A_431 = vector.shape_cast %get3A_430 : vector<1x1x16xf32> to vector<16xf32>
        %mul3A_432 = arith.constant 8 : i32
        %mul3A_433 = arith.muli %mul3A_432, %scan3A_342 : i32
        %add3A_434 = arith.constant 5 : i32
        %add3A_435 = arith.addi %mul3A_433, %add3A_434 : i32
        %swap3A_436 = arith.constant 1 : i32
        %swap3A_437 = arith.index_cast %swap3A_436 : i32 to index
        %swap3A_438 = arith.index_cast %add3A_435 : i32 to index
        %swap3A_439 = arith.constant 0 : index
        %swap3A_440 = tpu.vector_load %arg7[%swap3A_437, %swap3A_438, %swap3A_439] {strides = array<i32>} : memref<3x64x128xf32, #tpu.memory_space<vmem>>, vector<1x1x16xf32>,
        %swap3A_441 = vector.shape_cast %swap3A_440 : vector<1x1x16xf32> to vector<16xf32>
        %swap3A_442 = vector.shape_cast %get3A_431 : vector<16xf32> to vector<1x1x16xf32>
        tpu.vector_store %arg7[%swap3A_437, %swap3A_438, %swap3A_439], %swap3A_442 {strides = array<i32>} : memref<3x64x128xf32, #tpu.memory_space<vmem>>, vector<1x1x16xf32>,
        %get3A_443 = arith.constant 1 : i32
        %get3A_444 = arith.index_cast %get3A_443 : i32 to index
        %get3A_445 = arith.index_cast %scan3A_342 : i32 to index
        %get3A_446 = arith.constant 96 : index
        %get3A_447 = tpu.vector_load %arg6[%get3A_444, %get3A_445, %get3A_446] {strides = array<i32>} : memref<3x8x128xf32, #tpu.memory_space<vmem>>, vector<1x1x16xf32>,
        %get3A_448 = vector.shape_cast %get3A_447 : vector<1x1x16xf32> to vector<16xf32>
        %mul3A_449 = arith.constant 8 : i32
        %mul3A_450 = arith.muli %mul3A_449, %scan3A_342 : i32
        %add3A_451 = arith.constant 6 : i32
        %add3A_452 = arith.addi %mul3A_450, %add3A_451 : i32
        %swap3A_453 = arith.constant 1 : i32
        %swap3A_454 = arith.index_cast %swap3A_453 : i32 to index
        %swap3A_455 = arith.index_cast %add3A_452 : i32 to index
        %swap3A_456 = arith.constant 0 : index
        %swap3A_457 = tpu.vector_load %arg7[%swap3A_454, %swap3A_455, %swap3A_456] {strides = array<i32>} : memref<3x64x128xf32, #tpu.memory_space<vmem>>, vector<1x1x16xf32>,
        %swap3A_458 = vector.shape_cast %swap3A_457 : vector<1x1x16xf32> to vector<16xf32>
        %swap3A_459 = vector.shape_cast %get3A_448 : vector<16xf32> to vector<1x1x16xf32>
        tpu.vector_store %arg7[%swap3A_454, %swap3A_455, %swap3A_456], %swap3A_459 {strides = array<i32>} : memref<3x64x128xf32, #tpu.memory_space<vmem>>, vector<1x1x16xf32>,
        %get3A_460 = arith.constant 1 : i32
        %get3A_461 = arith.index_cast %get3A_460 : i32 to index
        %get3A_462 = arith.index_cast %scan3A_342 : i32 to index
        %get3A_463 = arith.constant 112 : index
        %get3A_464 = tpu.vector_load %arg6[%get3A_461, %get3A_462, %get3A_463] {strides = array<i32>} : memref<3x8x128xf32, #tpu.memory_space<vmem>>, vector<1x1x16xf32>,
        %get3A_465 = vector.shape_cast %get3A_464 : vector<1x1x16xf32> to vector<16xf32>
        %mul3A_466 = arith.constant 8 : i32
        %mul3A_467 = arith.muli %mul3A_466, %scan3A_342 : i32
        %add3A_468 = arith.constant 7 : i32
        %add3A_469 = arith.addi %mul3A_467, %add3A_468 : i32
        %swap3A_470 = arith.constant 1 : i32
        %swap3A_471 = arith.index_cast %swap3A_470 : i32 to index
        %swap3A_472 = arith.index_cast %add3A_469 : i32 to index
        %swap3A_473 = arith.constant 0 : index
        %swap3A_474 = tpu.vector_load %arg7[%swap3A_471, %swap3A_472, %swap3A_473] {strides = array<i32>} : memref<3x64x128xf32, #tpu.memory_space<vmem>>, vector<1x1x16xf32>,
        %swap3A_475 = vector.shape_cast %swap3A_474 : vector<1x1x16xf32> to vector<16xf32>
        %swap3A_476 = vector.shape_cast %get3A_465 : vector<16xf32> to vector<1x1x16xf32>
        tpu.vector_store %arg7[%swap3A_471, %swap3A_472, %swap3A_473], %swap3A_476 {strides = array<i32>} : memref<3x64x128xf32, #tpu.memory_space<vmem>>, vector<1x1x16xf32>,
      }
      %scan3A_267 = arith.constant 8 : i32
      %dma_start3A_268 = arith.constant 1 : i32
      %dma_start3A_269 = arith.constant 1 : i32
      %dma_start3A_270 = arith.constant 0 : i32
      %dma_start3A_271 = arith.constant 0 : i32
      %dma_start3A_272 = tpu.memref_slice %arg7[%dma_start3A_268, %dma_start3A_270, %dma_start3A_271] : memref<3x64x128xf32, #tpu.memory_space<vmem>> -> memref<1x64x128xf32, #tpu.memory_space<vmem>>
      %dma_start3A_273 = tpu.memref_squeeze %dma_start3A_272 : memref<1x64x128xf32, #tpu.memory_space<vmem>> -> memref<64x128xf32, #tpu.memory_space<vmem>>
      %dma_start3A_274 = arith.constant 0 : i32
      %dma_start3A_275 = tpu.memref_slice %arg8[%dma_start3A_269, %dma_start3A_274] : memref<3x64xi32, #tpu.memory_space<vmem>> -> memref<1x64xi32, #tpu.memory_space<vmem>>
      %dma_start3A_276 = tpu.memref_squeeze %dma_start3A_275 : memref<1x64xi32, #tpu.memory_space<vmem>> -> memref<64xi32, #tpu.memory_space<vmem>>
      %dma_start3A_277 = arith.constant 0 : i32
      %dma_start3A_278 = arith.constant 0 : i32
      %dma_start3A_279 = tpu.memref_slice %arg5[%dma_start3A_277, %dma_start3A_278] : memref<10000x128xf32, #tpu.memory_space<vmem_shared>> -> memref<10000x128xf32, #tpu.memory_space<vmem_shared>>
      tpu.enqueue_indirect_dma source(%dma_start3A_273 : memref<64x128xf32, #tpu.memory_space<vmem>>) target(%dma_start3A_279 : memref<10000x128xf32, #tpu.memory_space<vmem_shared>>) offsets(%dma_start3A_276 : memref<64xi32, #tpu.memory_space<vmem>>) semaphore(%arg14 : memref<!tpu.dma_semaphore, #tpu.memory_space<semaphore_mem>>) {add = true}
      %mul3A_280 = arith.constant 3 : i32
      %mul3A_281 = arith.muli %mul3A_280, %while3A_156 : i32
      %add3A_282 = arith.constant 2 : i32
      %add3A_283 = arith.addi %mul3A_281, %add3A_282 : i32
      %ge3A_284 = arith.constant 2 : i32
      %ge3A_285 = arith.cmpi sge, %add3A_283, %ge3A_284 : i32
      %convert_element_type3A_286 = arith.extui %ge3A_285 : i1 to i32
      %cond3A_287 = arith.constant 0 : i32
      %cond3A_288 = arith.cmpi ne, %convert_element_type3A_286, %cond3A_287 : i32
      scf.if %cond3A_288 {
        %dma_wait3A_342 = arith.constant 0 : i32
        %dma_wait3A_343 = arith.constant 0 : i32
        %dma_wait3A_344 = arith.constant 0 : i32
        %dma_wait3A_345 = arith.constant 0 : i32
        %dma_wait3A_346 = tpu.memref_slice %arg7[%dma_wait3A_342, %dma_wait3A_344, %dma_wait3A_345] : memref<3x64x128xf32, #tpu.memory_space<vmem>> -> memref<1x64x128xf32, #tpu.memory_space<vmem>>
        %dma_wait3A_347 = tpu.memref_squeeze %dma_wait3A_346 : memref<1x64x128xf32, #tpu.memory_space<vmem>> -> memref<64x128xf32, #tpu.memory_space<vmem>>
        %dma_wait3A_348 = arith.constant 0 : i32
        %dma_wait3A_349 = tpu.memref_slice %arg8[%dma_wait3A_343, %dma_wait3A_348] : memref<3x64xi32, #tpu.memory_space<vmem>> -> memref<1x64xi32, #tpu.memory_space<vmem>>
        %dma_wait3A_350 = tpu.memref_squeeze %dma_wait3A_349 : memref<1x64xi32, #tpu.memory_space<vmem>> -> memref<64xi32, #tpu.memory_space<vmem>>
        %dma_wait3A_351 = arith.constant 0 : i32
        %dma_wait3A_352 = arith.constant 0 : i32
        %dma_wait3A_353 = tpu.memref_slice %arg5[%dma_wait3A_351, %dma_wait3A_352] : memref<10000x128xf32, #tpu.memory_space<vmem_shared>> -> memref<10000x128xf32, #tpu.memory_space<vmem_shared>>
        tpu.wait_indirect_dma semaphore(%arg13 : memref<!tpu.dma_semaphore, #tpu.memory_space<semaphore_mem>>) src(%dma_wait3A_347 : memref<64x128xf32, #tpu.memory_space<vmem>>) dst(%dma_wait3A_353 : memref<10000x128xf32, #tpu.memory_space<vmem_shared>>)
      } else {
      }
      %add3A_289 = arith.constant 1 : i32
      %add3A_290 = arith.addi %add3A_283, %add3A_289 : i32
      %mul3A_291 = arith.constant 64 : i32
      %mul3A_292 = arith.muli %add3A_290, %mul3A_291 : i32
      %add3A_293 = arith.addi %mul3A_24, %mul3A_292 : i32
      %run_scoped3A_294 = arith.constant 0 : i32
      "tpu.region"() ({
        %run_scoped3A_342 = tpu.sem_alloc : memref<!tpu.dma_semaphore, #tpu.memory_space<semaphore_mem>>
        %dma_start3A_343 = arith.constant 0 : i32
        %dma_start3A_344 = tpu.memref_slice %arg8[%run_scoped3A_294, %dma_start3A_343] : memref<3x64xi32, #tpu.memory_space<vmem>> -> memref<1x64xi32, #tpu.memory_space<vmem>>
        %dma_start3A_345 = tpu.memref_squeeze %dma_start3A_344 : memref<1x64xi32, #tpu.memory_space<vmem>> -> memref<64xi32, #tpu.memory_space<vmem>>
        %dma_start3A_346 = tpu.memref_slice %arg3[%add3A_293] : memref<320000xi32, #tpu.memory_space<hbm>> -> memref<64xi32, #tpu.memory_space<hbm>>
        %dma_start3A_347 = arith.constant 0 : i32
        %dma_start3A_348 = tpu.memref_slice %arg8[%run_scoped3A_294, %dma_start3A_347] : memref<3x64xi32, #tpu.memory_space<vmem>> -> memref<1x64xi32, #tpu.memory_space<vmem>>
        %dma_start3A_349 = tpu.memref_squeeze %dma_start3A_348 : memref<1x64xi32, #tpu.memory_space<vmem>> -> memref<64xi32, #tpu.memory_space<vmem>>
        %dma_start3A_350 = tpu.memref_slice %arg3[%add3A_293] : memref<320000xi32, #tpu.memory_space<hbm>> -> memref<64xi32, #tpu.memory_space<hbm>>
        tpu.enqueue_dma source(%dma_start3A_350 : memref<64xi32, #tpu.memory_space<hbm>>) target(%dma_start3A_349 : memref<64xi32, #tpu.memory_space<vmem>>) target_semaphore(%run_scoped3A_342 : memref<!tpu.dma_semaphore, #tpu.memory_space<semaphore_mem>>)
        %dma_wait3A_351 = arith.constant 0 : i32
        %dma_wait3A_352 = tpu.memref_slice %arg8[%run_scoped3A_294, %dma_wait3A_351] : memref<3x64xi32, #tpu.memory_space<vmem>> -> memref<1x64xi32, #tpu.memory_space<vmem>>
        %dma_wait3A_353 = tpu.memref_squeeze %dma_wait3A_352 : memref<1x64xi32, #tpu.memory_space<vmem>> -> memref<64xi32, #tpu.memory_space<vmem>>
        %dma_wait3A_354 = tpu.memref_slice %arg3[%add3A_293] : memref<320000xi32, #tpu.memory_space<hbm>> -> memref<64xi32, #tpu.memory_space<hbm>>
        %dma_wait3A_355 = arith.constant 0 : i32
        %dma_wait3A_356 = tpu.memref_slice %arg8[%run_scoped3A_294, %dma_wait3A_355] : memref<3x64xi32, #tpu.memory_space<vmem>> -> memref<1x64xi32, #tpu.memory_space<vmem>>
        %dma_wait3A_357 = tpu.memref_squeeze %dma_wait3A_356 : memref<1x64xi32, #tpu.memory_space<vmem>> -> memref<64xi32, #tpu.memory_space<vmem>>
        %dma_wait3A_358 = tpu.memref_slice %arg3[%add3A_293] : memref<320000xi32, #tpu.memory_space<hbm>> -> memref<64xi32, #tpu.memory_space<hbm>>
        tpu.wait_dma2 semaphore(%run_scoped3A_342 : memref<!tpu.dma_semaphore, #tpu.memory_space<semaphore_mem>>) src(%dma_wait3A_358 : memref<64xi32, #tpu.memory_space<hbm>>) dst(%dma_wait3A_357 : memref<64xi32, #tpu.memory_space<vmem>>)
        tpu.yield
      }) : () -> ()
      %mul3A_295 = arith.constant 8 : i32
      %mul3A_296 = arith.muli %add3A_290, %mul3A_295 : i32
      %add3A_297 = arith.addi %mul3A_26, %mul3A_296 : i32
      %dma_start3A_298 = arith.constant 0 : i32
      %dma_start3A_299 = arith.constant 0 : i32
      %dma_start3A_300 = arith.constant 0 : i32
      %dma_start3A_301 = tpu.memref_slice %arg6[%dma_start3A_298, %dma_start3A_299, %dma_start3A_300] : memref<3x8x128xf32, #tpu.memory_space<vmem>> -> memref<1x8x128xf32, #tpu.memory_space<vmem>>
      %dma_start3A_302 = tpu.memref_squeeze %dma_start3A_301 : memref<1x8x128xf32, #tpu.memory_space<vmem>> -> memref<8x128xf32, #tpu.memory_space<vmem>>
      %dma_start3A_303 = arith.constant 0 : i32
      %dma_start3A_304 = tpu.memref_slice %arg2[%add3A_297, %dma_start3A_303] : memref<40000x128xf32, #tpu.memory_space<hbm>> -> memref<8x128xf32, #tpu.memory_space<hbm>>
      %dma_start3A_305 = arith.constant 0 : i32
      %dma_start3A_306 = arith.constant 0 : i32
      %dma_start3A_307 = tpu.memref_slice %arg6[%dma_start3A_298, %dma_start3A_305, %dma_start3A_306] : memref<3x8x128xf32, #tpu.memory_space<vmem>> -> memref<1x8x128xf32, #tpu.memory_space<vmem>>
      %dma_start3A_308 = tpu.memref_squeeze %dma_start3A_307 : memref<1x8x128xf32, #tpu.memory_space<vmem>> -> memref<8x128xf32, #tpu.memory_space<vmem>>
      %dma_start3A_309 = arith.constant 0 : i32
      %dma_start3A_310 = tpu.memref_slice %arg2[%add3A_297, %dma_start3A_309] : memref<40000x128xf32, #tpu.memory_space<hbm>> -> memref<8x128xf32, #tpu.memory_space<hbm>>
      tpu.enqueue_dma source(%dma_start3A_310 : memref<8x128xf32, #tpu.memory_space<hbm>>) target(%dma_start3A_308 : memref<8x128xf32, #tpu.memory_space<vmem>>) target_semaphore(%arg10 : memref<!tpu.dma_semaphore, #tpu.memory_space<semaphore_mem>>)
      %dma_wait3A_311 = arith.constant 2 : i32
      %dma_wait3A_312 = arith.constant 0 : i32
      %dma_wait3A_313 = arith.constant 0 : i32
      %dma_wait3A_314 = tpu.memref_slice %arg6[%dma_wait3A_311, %dma_wait3A_312, %dma_wait3A_313] : memref<3x8x128xf32, #tpu.memory_space<vmem>> -> memref<1x8x128xf32, #tpu.memory_space<vmem>>
      %dma_wait3A_315 = tpu.memref_squeeze %dma_wait3A_314 : memref<1x8x128xf32, #tpu.memory_space<vmem>> -> memref<8x128xf32, #tpu.memory_space<vmem>>
      %dma_wait3A_316 = arith.constant 0 : i32
      %dma_wait3A_317 = tpu.memref_slice %arg2[%mul3A_26, %dma_wait3A_316] : memref<40000x128xf32, #tpu.memory_space<hbm>> -> memref<8x128xf32, #tpu.memory_space<hbm>>
      %dma_wait3A_318 = arith.constant 0 : i32
      %dma_wait3A_319 = arith.constant 0 : i32
      %dma_wait3A_320 = tpu.memref_slice %arg6[%dma_wait3A_311, %dma_wait3A_318, %dma_wait3A_319] : memref<3x8x128xf32, #tpu.memory_space<vmem>> -> memref<1x8x128xf32, #tpu.memory_space<vmem>>
      %dma_wait3A_321 = tpu.memref_squeeze %dma_wait3A_320 : memref<1x8x128xf32, #tpu.memory_space<vmem>> -> memref<8x128xf32, #tpu.memory_space<vmem>>
      %dma_wait3A_322 = arith.constant 0 : i32
      %dma_wait3A_323 = tpu.memref_slice %arg2[%mul3A_26, %dma_wait3A_322] : memref<40000x128xf32, #tpu.memory_space<hbm>> -> memref<8x128xf32, #tpu.memory_space<hbm>>
      tpu.wait_dma2 semaphore(%arg12 : memref<!tpu.dma_semaphore, #tpu.memory_space<semaphore_mem>>) src(%dma_wait3A_323 : memref<8x128xf32, #tpu.memory_space<hbm>>) dst(%dma_wait3A_321 : memref<8x128xf32, #tpu.memory_space<vmem>>)
      %scan3A_324 = arith.constant 0 : i32
      %scan3A_325 = arith.constant 0 : i32
      %scan3A_326 = arith.constant 8 : i32
      %scan3A_327 = arith.addi %scan3A_325, %scan3A_326 : i32
      %scan3A_328 = arith.constant 1 : i32
      scf.for %scan3A_342 = %scan3A_325 to %scan3A_327 step %scan3A_328  : i32 {
        %get3A = arith.constant 2 : i32
        %get3A_343 = arith.index_cast %get3A : i32 to index
        %get3A_344 = arith.index_cast %scan3A_342 : i32 to index
        %get3A_345 = arith.constant 0 : index
        %get3A_346 = tpu.vector_load %arg6[%get3A_343, %get3A_344, %get3A_345] {strides = array<i32>} : memref<3x8x128xf32, #tpu.memory_space<vmem>>, vector<1x1x16xf32>,
        %get3A_347 = vector.shape_cast %get3A_346 : vector<1x1x16xf32> to vector<16xf32>
        %mul3A_348 = arith.constant 8 : i32
        %mul3A_349 = arith.muli %mul3A_348, %scan3A_342 : i32
        %add3A_350 = arith.constant 0 : i32
        %add3A_351 = arith.addi %mul3A_349, %add3A_350 : i32
        %swap3A = arith.constant 2 : i32
        %swap3A_352 = arith.index_cast %swap3A : i32 to index
        %swap3A_353 = arith.index_cast %add3A_351 : i32 to index
        %swap3A_354 = arith.constant 0 : index
        %swap3A_355 = tpu.vector_load %arg7[%swap3A_352, %swap3A_353, %swap3A_354] {strides = array<i32>} : memref<3x64x128xf32, #tpu.memory_space<vmem>>, vector<1x1x16xf32>,
        %swap3A_356 = vector.shape_cast %swap3A_355 : vector<1x1x16xf32> to vector<16xf32>
        %swap3A_357 = vector.shape_cast %get3A_347 : vector<16xf32> to vector<1x1x16xf32>
        tpu.vector_store %arg7[%swap3A_352, %swap3A_353, %swap3A_354], %swap3A_357 {strides = array<i32>} : memref<3x64x128xf32, #tpu.memory_space<vmem>>, vector<1x1x16xf32>,
        %get3A_358 = arith.constant 2 : i32
        %get3A_359 = arith.index_cast %get3A_358 : i32 to index
        %get3A_360 = arith.index_cast %scan3A_342 : i32 to index
        %get3A_361 = arith.constant 16 : index
        %get3A_362 = tpu.vector_load %arg6[%get3A_359, %get3A_360, %get3A_361] {strides = array<i32>} : memref<3x8x128xf32, #tpu.memory_space<vmem>>, vector<1x1x16xf32>,
        %get3A_363 = vector.shape_cast %get3A_362 : vector<1x1x16xf32> to vector<16xf32>
        %mul3A_364 = arith.constant 8 : i32
        %mul3A_365 = arith.muli %mul3A_364, %scan3A_342 : i32
        %add3A_366 = arith.constant 1 : i32
        %add3A_367 = arith.addi %mul3A_365, %add3A_366 : i32
        %swap3A_368 = arith.constant 2 : i32
        %swap3A_369 = arith.index_cast %swap3A_368 : i32 to index
        %swap3A_370 = arith.index_cast %add3A_367 : i32 to index
        %swap3A_371 = arith.constant 0 : index
        %swap3A_372 = tpu.vector_load %arg7[%swap3A_369, %swap3A_370, %swap3A_371] {strides = array<i32>} : memref<3x64x128xf32, #tpu.memory_space<vmem>>, vector<1x1x16xf32>,
        %swap3A_373 = vector.shape_cast %swap3A_372 : vector<1x1x16xf32> to vector<16xf32>
        %swap3A_374 = vector.shape_cast %get3A_363 : vector<16xf32> to vector<1x1x16xf32>
        tpu.vector_store %arg7[%swap3A_369, %swap3A_370, %swap3A_371], %swap3A_374 {strides = array<i32>} : memref<3x64x128xf32, #tpu.memory_space<vmem>>, vector<1x1x16xf32>,
        %get3A_375 = arith.constant 2 : i32
        %get3A_376 = arith.index_cast %get3A_375 : i32 to index
        %get3A_377 = arith.index_cast %scan3A_342 : i32 to index
        %get3A_378 = arith.constant 32 : index
        %get3A_379 = tpu.vector_load %arg6[%get3A_376, %get3A_377, %get3A_378] {strides = array<i32>} : memref<3x8x128xf32, #tpu.memory_space<vmem>>, vector<1x1x16xf32>,
        %get3A_380 = vector.shape_cast %get3A_379 : vector<1x1x16xf32> to vector<16xf32>
        %mul3A_381 = arith.constant 8 : i32
        %mul3A_382 = arith.muli %mul3A_381, %scan3A_342 : i32
        %add3A_383 = arith.constant 2 : i32
        %add3A_384 = arith.addi %mul3A_382, %add3A_383 : i32
        %swap3A_385 = arith.constant 2 : i32
        %swap3A_386 = arith.index_cast %swap3A_385 : i32 to index
        %swap3A_387 = arith.index_cast %add3A_384 : i32 to index
        %swap3A_388 = arith.constant 0 : index
        %swap3A_389 = tpu.vector_load %arg7[%swap3A_386, %swap3A_387, %swap3A_388] {strides = array<i32>} : memref<3x64x128xf32, #tpu.memory_space<vmem>>, vector<1x1x16xf32>,
        %swap3A_390 = vector.shape_cast %swap3A_389 : vector<1x1x16xf32> to vector<16xf32>
        %swap3A_391 = vector.shape_cast %get3A_380 : vector<16xf32> to vector<1x1x16xf32>
        tpu.vector_store %arg7[%swap3A_386, %swap3A_387, %swap3A_388], %swap3A_391 {strides = array<i32>} : memref<3x64x128xf32, #tpu.memory_space<vmem>>, vector<1x1x16xf32>,
        %get3A_392 = arith.constant 2 : i32
        %get3A_393 = arith.index_cast %get3A_392 : i32 to index
        %get3A_394 = arith.index_cast %scan3A_342 : i32 to index
        %get3A_395 = arith.constant 48 : index
        %get3A_396 = tpu.vector_load %arg6[%get3A_393, %get3A_394, %get3A_395] {strides = array<i32>} : memref<3x8x128xf32, #tpu.memory_space<vmem>>, vector<1x1x16xf32>,
        %get3A_397 = vector.shape_cast %get3A_396 : vector<1x1x16xf32> to vector<16xf32>
        %mul3A_398 = arith.constant 8 : i32
        %mul3A_399 = arith.muli %mul3A_398, %scan3A_342 : i32
        %add3A_400 = arith.constant 3 : i32
        %add3A_401 = arith.addi %mul3A_399, %add3A_400 : i32
        %swap3A_402 = arith.constant 2 : i32
        %swap3A_403 = arith.index_cast %swap3A_402 : i32 to index
        %swap3A_404 = arith.index_cast %add3A_401 : i32 to index
        %swap3A_405 = arith.constant 0 : index
        %swap3A_406 = tpu.vector_load %arg7[%swap3A_403, %swap3A_404, %swap3A_405] {strides = array<i32>} : memref<3x64x128xf32, #tpu.memory_space<vmem>>, vector<1x1x16xf32>,
        %swap3A_407 = vector.shape_cast %swap3A_406 : vector<1x1x16xf32> to vector<16xf32>
        %swap3A_408 = vector.shape_cast %get3A_397 : vector<16xf32> to vector<1x1x16xf32>
        tpu.vector_store %arg7[%swap3A_403, %swap3A_404, %swap3A_405], %swap3A_408 {strides = array<i32>} : memref<3x64x128xf32, #tpu.memory_space<vmem>>, vector<1x1x16xf32>,
        %get3A_409 = arith.constant 2 : i32
        %get3A_410 = arith.index_cast %get3A_409 : i32 to index
        %get3A_411 = arith.index_cast %scan3A_342 : i32 to index
        %get3A_412 = arith.constant 64 : index
        %get3A_413 = tpu.vector_load %arg6[%get3A_410, %get3A_411, %get3A_412] {strides = array<i32>} : memref<3x8x128xf32, #tpu.memory_space<vmem>>, vector<1x1x16xf32>,
        %get3A_414 = vector.shape_cast %get3A_413 : vector<1x1x16xf32> to vector<16xf32>
        %mul3A_415 = arith.constant 8 : i32
        %mul3A_416 = arith.muli %mul3A_415, %scan3A_342 : i32
        %add3A_417 = arith.constant 4 : i32
        %add3A_418 = arith.addi %mul3A_416, %add3A_417 : i32
        %swap3A_419 = arith.constant 2 : i32
        %swap3A_420 = arith.index_cast %swap3A_419 : i32 to index
        %swap3A_421 = arith.index_cast %add3A_418 : i32 to index
        %swap3A_422 = arith.constant 0 : index
        %swap3A_423 = tpu.vector_load %arg7[%swap3A_420, %swap3A_421, %swap3A_422] {strides = array<i32>} : memref<3x64x128xf32, #tpu.memory_space<vmem>>, vector<1x1x16xf32>,
        %swap3A_424 = vector.shape_cast %swap3A_423 : vector<1x1x16xf32> to vector<16xf32>
        %swap3A_425 = vector.shape_cast %get3A_414 : vector<16xf32> to vector<1x1x16xf32>
        tpu.vector_store %arg7[%swap3A_420, %swap3A_421, %swap3A_422], %swap3A_425 {strides = array<i32>} : memref<3x64x128xf32, #tpu.memory_space<vmem>>, vector<1x1x16xf32>,
        %get3A_426 = arith.constant 2 : i32
        %get3A_427 = arith.index_cast %get3A_426 : i32 to index
        %get3A_428 = arith.index_cast %scan3A_342 : i32 to index
        %get3A_429 = arith.constant 80 : index
        %get3A_430 = tpu.vector_load %arg6[%get3A_427, %get3A_428, %get3A_429] {strides = array<i32>} : memref<3x8x128xf32, #tpu.memory_space<vmem>>, vector<1x1x16xf32>,
        %get3A_431 = vector.shape_cast %get3A_430 : vector<1x1x16xf32> to vector<16xf32>
        %mul3A_432 = arith.constant 8 : i32
        %mul3A_433 = arith.muli %mul3A_432, %scan3A_342 : i32
        %add3A_434 = arith.constant 5 : i32
        %add3A_435 = arith.addi %mul3A_433, %add3A_434 : i32
        %swap3A_436 = arith.constant 2 : i32
        %swap3A_437 = arith.index_cast %swap3A_436 : i32 to index
        %swap3A_438 = arith.index_cast %add3A_435 : i32 to index
        %swap3A_439 = arith.constant 0 : index
        %swap3A_440 = tpu.vector_load %arg7[%swap3A_437, %swap3A_438, %swap3A_439] {strides = array<i32>} : memref<3x64x128xf32, #tpu.memory_space<vmem>>, vector<1x1x16xf32>,
        %swap3A_441 = vector.shape_cast %swap3A_440 : vector<1x1x16xf32> to vector<16xf32>
        %swap3A_442 = vector.shape_cast %get3A_431 : vector<16xf32> to vector<1x1x16xf32>
        tpu.vector_store %arg7[%swap3A_437, %swap3A_438, %swap3A_439], %swap3A_442 {strides = array<i32>} : memref<3x64x128xf32, #tpu.memory_space<vmem>>, vector<1x1x16xf32>,
        %get3A_443 = arith.constant 2 : i32
        %get3A_444 = arith.index_cast %get3A_443 : i32 to index
        %get3A_445 = arith.index_cast %scan3A_342 : i32 to index
        %get3A_446 = arith.constant 96 : index
        %get3A_447 = tpu.vector_load %arg6[%get3A_444, %get3A_445, %get3A_446] {strides = array<i32>} : memref<3x8x128xf32, #tpu.memory_space<vmem>>, vector<1x1x16xf32>,
        %get3A_448 = vector.shape_cast %get3A_447 : vector<1x1x16xf32> to vector<16xf32>
        %mul3A_449 = arith.constant 8 : i32
        %mul3A_450 = arith.muli %mul3A_449, %scan3A_342 : i32
        %add3A_451 = arith.constant 6 : i32
        %add3A_452 = arith.addi %mul3A_450, %add3A_451 : i32
        %swap3A_453 = arith.constant 2 : i32
        %swap3A_454 = arith.index_cast %swap3A_453 : i32 to index
        %swap3A_455 = arith.index_cast %add3A_452 : i32 to index
        %swap3A_456 = arith.constant 0 : index
        %swap3A_457 = tpu.vector_load %arg7[%swap3A_454, %swap3A_455, %swap3A_456] {strides = array<i32>} : memref<3x64x128xf32, #tpu.memory_space<vmem>>, vector<1x1x16xf32>,
        %swap3A_458 = vector.shape_cast %swap3A_457 : vector<1x1x16xf32> to vector<16xf32>
        %swap3A_459 = vector.shape_cast %get3A_448 : vector<16xf32> to vector<1x1x16xf32>
        tpu.vector_store %arg7[%swap3A_454, %swap3A_455, %swap3A_456], %swap3A_459 {strides = array<i32>} : memref<3x64x128xf32, #tpu.memory_space<vmem>>, vector<1x1x16xf32>,
        %get3A_460 = arith.constant 2 : i32
        %get3A_461 = arith.index_cast %get3A_460 : i32 to index
        %get3A_462 = arith.index_cast %scan3A_342 : i32 to index
        %get3A_463 = arith.constant 112 : index
        %get3A_464 = tpu.vector_load %arg6[%get3A_461, %get3A_462, %get3A_463] {strides = array<i32>} : memref<3x8x128xf32, #tpu.memory_space<vmem>>, vector<1x1x16xf32>,
        %get3A_465 = vector.shape_cast %get3A_464 : vector<1x1x16xf32> to vector<16xf32>
        %mul3A_466 = arith.constant 8 : i32
        %mul3A_467 = arith.muli %mul3A_466, %scan3A_342 : i32
        %add3A_468 = arith.constant 7 : i32
        %add3A_469 = arith.addi %mul3A_467, %add3A_468 : i32
        %swap3A_470 = arith.constant 2 : i32
        %swap3A_471 = arith.index_cast %swap3A_470 : i32 to index
        %swap3A_472 = arith.index_cast %add3A_469 : i32 to index
        %swap3A_473 = arith.constant 0 : index
        %swap3A_474 = tpu.vector_load %arg7[%swap3A_471, %swap3A_472, %swap3A_473] {strides = array<i32>} : memref<3x64x128xf32, #tpu.memory_space<vmem>>, vector<1x1x16xf32>,
        %swap3A_475 = vector.shape_cast %swap3A_474 : vector<1x1x16xf32> to vector<16xf32>
        %swap3A_476 = vector.shape_cast %get3A_465 : vector<16xf32> to vector<1x1x16xf32>
        tpu.vector_store %arg7[%swap3A_471, %swap3A_472, %swap3A_473], %swap3A_476 {strides = array<i32>} : memref<3x64x128xf32, #tpu.memory_space<vmem>>, vector<1x1x16xf32>,
      }
      %scan3A_329 = arith.constant 8 : i32
      %dma_start3A_330 = arith.constant 2 : i32
      %dma_start3A_331 = arith.constant 2 : i32
      %dma_start3A_332 = arith.constant 0 : i32
      %dma_start3A_333 = arith.constant 0 : i32
      %dma_start3A_334 = tpu.memref_slice %arg7[%dma_start3A_330, %dma_start3A_332, %dma_start3A_333] : memref<3x64x128xf32, #tpu.memory_space<vmem>> -> memref<1x64x128xf32, #tpu.memory_space<vmem>>
      %dma_start3A_335 = tpu.memref_squeeze %dma_start3A_334 : memref<1x64x128xf32, #tpu.memory_space<vmem>> -> memref<64x128xf32, #tpu.memory_space<vmem>>
      %dma_start3A_336 = arith.constant 0 : i32
      %dma_start3A_337 = tpu.memref_slice %arg8[%dma_start3A_331, %dma_start3A_336] : memref<3x64xi32, #tpu.memory_space<vmem>> -> memref<1x64xi32, #tpu.memory_space<vmem>>
      %dma_start3A_338 = tpu.memref_squeeze %dma_start3A_337 : memref<1x64xi32, #tpu.memory_space<vmem>> -> memref<64xi32, #tpu.memory_space<vmem>>
      %dma_start3A_339 = arith.constant 0 : i32
      %dma_start3A_340 = arith.constant 0 : i32
      %dma_start3A_341 = tpu.memref_slice %arg5[%dma_start3A_339, %dma_start3A_340] : memref<10000x128xf32, #tpu.memory_space<vmem_shared>> -> memref<10000x128xf32, #tpu.memory_space<vmem_shared>>
      tpu.enqueue_indirect_dma source(%dma_start3A_335 : memref<64x128xf32, #tpu.memory_space<vmem>>) target(%dma_start3A_341 : memref<10000x128xf32, #tpu.memory_space<vmem_shared>>) offsets(%dma_start3A_338 : memref<64xi32, #tpu.memory_space<vmem>>) semaphore(%arg15 : memref<!tpu.dma_semaphore, #tpu.memory_space<semaphore_mem>>) {add = true}
    }
    %while3A_76 = arith.constant 1 : i32
    scf.for %while3A_156 = %while3A_74 to %while3A_70 step %while3A_76  : i32 {
      %mul3A_157 = arith.constant 3 : i32
      %mul3A_158 = arith.muli %mul3A_157, %while3A_156 : i32
      %add3A_159 = arith.constant 0 : i32
      %add3A_160 = arith.addi %mul3A_158, %add3A_159 : i32
      %ge3A = arith.constant 2 : i32
      %ge3A_161 = arith.cmpi sge, %add3A_160, %ge3A : i32
      %convert_element_type3A_162 = arith.extui %ge3A_161 : i1 to i32
      %cond3A_163 = arith.constant 0 : i32
      %cond3A_164 = arith.cmpi ne, %convert_element_type3A_162, %cond3A_163 : i32
      scf.if %cond3A_164 {
        %dma_wait3A_342 = arith.constant 1 : i32
        %dma_wait3A_343 = arith.constant 1 : i32
        %dma_wait3A_344 = arith.constant 0 : i32
        %dma_wait3A_345 = arith.constant 0 : i32
        %dma_wait3A_346 = tpu.memref_slice %arg7[%dma_wait3A_342, %dma_wait3A_344, %dma_wait3A_345] : memref<3x64x128xf32, #tpu.memory_space<vmem>> -> memref<1x64x128xf32, #tpu.memory_space<vmem>>
        %dma_wait3A_347 = tpu.memref_squeeze %dma_wait3A_346 : memref<1x64x128xf32, #tpu.memory_space<vmem>> -> memref<64x128xf32, #tpu.memory_space<vmem>>
        %dma_wait3A_348 = arith.constant 0 : i32
        %dma_wait3A_349 = tpu.memref_slice %arg8[%dma_wait3A_343, %dma_wait3A_348] : memref<3x64xi32, #tpu.memory_space<vmem>> -> memref<1x64xi32, #tpu.memory_space<vmem>>
        %dma_wait3A_350 = tpu.memref_squeeze %dma_wait3A_349 : memref<1x64xi32, #tpu.memory_space<vmem>> -> memref<64xi32, #tpu.memory_space<vmem>>
        %dma_wait3A_351 = arith.constant 0 : i32
        %dma_wait3A_352 = arith.constant 0 : i32
        %dma_wait3A_353 = tpu.memref_slice %arg5[%dma_wait3A_351, %dma_wait3A_352] : memref<10000x128xf32, #tpu.memory_space<vmem_shared>> -> memref<10000x128xf32, #tpu.memory_space<vmem_shared>>
        tpu.wait_indirect_dma semaphore(%arg14 : memref<!tpu.dma_semaphore, #tpu.memory_space<semaphore_mem>>) src(%dma_wait3A_347 : memref<64x128xf32, #tpu.memory_space<vmem>>) dst(%dma_wait3A_353 : memref<10000x128xf32, #tpu.memory_space<vmem_shared>>)
      } else {
      }
      %add3A_165 = arith.constant 1 : i32
      %add3A_166 = arith.addi %add3A_160, %add3A_165 : i32
      %mul3A_167 = arith.constant 64 : i32
      %mul3A_168 = arith.muli %add3A_166, %mul3A_167 : i32
      %add3A_169 = arith.addi %mul3A_24, %mul3A_168 : i32
      %run_scoped3A_170 = arith.constant 1 : i32
      "tpu.region"() ({
        %run_scoped3A_342 = tpu.sem_alloc : memref<!tpu.dma_semaphore, #tpu.memory_space<semaphore_mem>>
        %dma_start3A_343 = arith.constant 0 : i32
        %dma_start3A_344 = tpu.memref_slice %arg8[%run_scoped3A_170, %dma_start3A_343] : memref<3x64xi32, #tpu.memory_space<vmem>> -> memref<1x64xi32, #tpu.memory_space<vmem>>
        %dma_start3A_345 = tpu.memref_squeeze %dma_start3A_344 : memref<1x64xi32, #tpu.memory_space<vmem>> -> memref<64xi32, #tpu.memory_space<vmem>>
        %dma_start3A_346 = tpu.memref_slice %arg3[%add3A_169] : memref<320000xi32, #tpu.memory_space<hbm>> -> memref<64xi32, #tpu.memory_space<hbm>>
        %dma_start3A_347 = arith.constant 0 : i32
        %dma_start3A_348 = tpu.memref_slice %arg8[%run_scoped3A_170, %dma_start3A_347] : memref<3x64xi32, #tpu.memory_space<vmem>> -> memref<1x64xi32, #tpu.memory_space<vmem>>
        %dma_start3A_349 = tpu.memref_squeeze %dma_start3A_348 : memref<1x64xi32, #tpu.memory_space<vmem>> -> memref<64xi32, #tpu.memory_space<vmem>>
        %dma_start3A_350 = tpu.memref_slice %arg3[%add3A_169] : memref<320000xi32, #tpu.memory_space<hbm>> -> memref<64xi32, #tpu.memory_space<hbm>>
        tpu.enqueue_dma source(%dma_start3A_350 : memref<64xi32, #tpu.memory_space<hbm>>) target(%dma_start3A_349 : memref<64xi32, #tpu.memory_space<vmem>>) target_semaphore(%run_scoped3A_342 : memref<!tpu.dma_semaphore, #tpu.memory_space<semaphore_mem>>)
        %dma_wait3A_351 = arith.constant 0 : i32
        %dma_wait3A_352 = tpu.memref_slice %arg8[%run_scoped3A_170, %dma_wait3A_351] : memref<3x64xi32, #tpu.memory_space<vmem>> -> memref<1x64xi32, #tpu.memory_space<vmem>>
        %dma_wait3A_353 = tpu.memref_squeeze %dma_wait3A_352 : memref<1x64xi32, #tpu.memory_space<vmem>> -> memref<64xi32, #tpu.memory_space<vmem>>
        %dma_wait3A_354 = tpu.memref_slice %arg3[%add3A_169] : memref<320000xi32, #tpu.memory_space<hbm>> -> memref<64xi32, #tpu.memory_space<hbm>>
        %dma_wait3A_355 = arith.constant 0 : i32
        %dma_wait3A_356 = tpu.memref_slice %arg8[%run_scoped3A_170, %dma_wait3A_355] : memref<3x64xi32, #tpu.memory_space<vmem>> -> memref<1x64xi32, #tpu.memory_space<vmem>>
        %dma_wait3A_357 = tpu.memref_squeeze %dma_wait3A_356 : memref<1x64xi32, #tpu.memory_space<vmem>> -> memref<64xi32, #tpu.memory_space<vmem>>
        %dma_wait3A_358 = tpu.memref_slice %arg3[%add3A_169] : memref<320000xi32, #tpu.memory_space<hbm>> -> memref<64xi32, #tpu.memory_space<hbm>>
        tpu.wait_dma2 semaphore(%run_scoped3A_342 : memref<!tpu.dma_semaphore, #tpu.memory_space<semaphore_mem>>) src(%dma_wait3A_358 : memref<64xi32, #tpu.memory_space<hbm>>) dst(%dma_wait3A_357 : memref<64xi32, #tpu.memory_space<vmem>>)
        tpu.yield
      }) : () -> ()
      %mul3A_171 = arith.constant 8 : i32
      %mul3A_172 = arith.muli %add3A_166, %mul3A_171 : i32
      %add3A_173 = arith.addi %mul3A_26, %mul3A_172 : i32
      %dma_start3A_174 = arith.constant 1 : i32
      %dma_start3A_175 = arith.constant 0 : i32
      %dma_start3A_176 = arith.constant 0 : i32
      %dma_start3A_177 = tpu.memref_slice %arg6[%dma_start3A_174, %dma_start3A_175, %dma_start3A_176] : memref<3x8x128xf32, #tpu.memory_space<vmem>> -> memref<1x8x128xf32, #tpu.memory_space<vmem>>
      %dma_start3A_178 = tpu.memref_squeeze %dma_start3A_177 : memref<1x8x128xf32, #tpu.memory_space<vmem>> -> memref<8x128xf32, #tpu.memory_space<vmem>>
      %dma_start3A_179 = arith.constant 0 : i32
      %dma_start3A_180 = tpu.memref_slice %arg2[%add3A_173, %dma_start3A_179] : memref<40000x128xf32, #tpu.memory_space<hbm>> -> memref<8x128xf32, #tpu.memory_space<hbm>>
      %dma_start3A_181 = arith.constant 0 : i32
      %dma_start3A_182 = arith.constant 0 : i32
      %dma_start3A_183 = tpu.memref_slice %arg6[%dma_start3A_174, %dma_start3A_181, %dma_start3A_182] : memref<3x8x128xf32, #tpu.memory_space<vmem>> -> memref<1x8x128xf32, #tpu.memory_space<vmem>>
      %dma_start3A_184 = tpu.memref_squeeze %dma_start3A_183 : memref<1x8x128xf32, #tpu.memory_space<vmem>> -> memref<8x128xf32, #tpu.memory_space<vmem>>
      %dma_start3A_185 = arith.constant 0 : i32
      %dma_start3A_186 = tpu.memref_slice %arg2[%add3A_173, %dma_start3A_185] : memref<40000x128xf32, #tpu.memory_space<hbm>> -> memref<8x128xf32, #tpu.memory_space<hbm>>
      tpu.enqueue_dma source(%dma_start3A_186 : memref<8x128xf32, #tpu.memory_space<hbm>>) target(%dma_start3A_184 : memref<8x128xf32, #tpu.memory_space<vmem>>) target_semaphore(%arg11 : memref<!tpu.dma_semaphore, #tpu.memory_space<semaphore_mem>>)
      %dma_wait3A_187 = arith.constant 0 : i32
      %dma_wait3A_188 = arith.constant 0 : i32
      %dma_wait3A_189 = arith.constant 0 : i32
      %dma_wait3A_190 = tpu.memref_slice %arg6[%dma_wait3A_187, %dma_wait3A_188, %dma_wait3A_189] : memref<3x8x128xf32, #tpu.memory_space<vmem>> -> memref<1x8x128xf32, #tpu.memory_space<vmem>>
      %dma_wait3A_191 = tpu.memref_squeeze %dma_wait3A_190 : memref<1x8x128xf32, #tpu.memory_space<vmem>> -> memref<8x128xf32, #tpu.memory_space<vmem>>
      %dma_wait3A_192 = arith.constant 0 : i32
      %dma_wait3A_193 = tpu.memref_slice %arg2[%mul3A_26, %dma_wait3A_192] : memref<40000x128xf32, #tpu.memory_space<hbm>> -> memref<8x128xf32, #tpu.memory_space<hbm>>
      %dma_wait3A_194 = arith.constant 0 : i32
      %dma_wait3A_195 = arith.constant 0 : i32
      %dma_wait3A_196 = tpu.memref_slice %arg6[%dma_wait3A_187, %dma_wait3A_194, %dma_wait3A_195] : memref<3x8x128xf32, #tpu.memory_space<vmem>> -> memref<1x8x128xf32, #tpu.memory_space<vmem>>
      %dma_wait3A_197 = tpu.memref_squeeze %dma_wait3A_196 : memref<1x8x128xf32, #tpu.memory_space<vmem>> -> memref<8x128xf32, #tpu.memory_space<vmem>>
      %dma_wait3A_198 = arith.constant 0 : i32
      %dma_wait3A_199 = tpu.memref_slice %arg2[%mul3A_26, %dma_wait3A_198] : memref<40000x128xf32, #tpu.memory_space<hbm>> -> memref<8x128xf32, #tpu.memory_space<hbm>>
      tpu.wait_dma2 semaphore(%arg10 : memref<!tpu.dma_semaphore, #tpu.memory_space<semaphore_mem>>) src(%dma_wait3A_199 : memref<8x128xf32, #tpu.memory_space<hbm>>) dst(%dma_wait3A_197 : memref<8x128xf32, #tpu.memory_space<vmem>>)
      %scan3A_200 = arith.constant 0 : i32
      %scan3A_201 = arith.constant 0 : i32
      %scan3A_202 = arith.constant 8 : i32
      %scan3A_203 = arith.addi %scan3A_201, %scan3A_202 : i32
      %scan3A_204 = arith.constant 1 : i32
      scf.for %scan3A_342 = %scan3A_201 to %scan3A_203 step %scan3A_204  : i32 {
        %get3A = arith.constant 0 : i32
        %get3A_343 = arith.index_cast %get3A : i32 to index
        %get3A_344 = arith.index_cast %scan3A_342 : i32 to index
        %get3A_345 = arith.constant 0 : index
        %get3A_346 = tpu.vector_load %arg6[%get3A_343, %get3A_344, %get3A_345] {strides = array<i32>} : memref<3x8x128xf32, #tpu.memory_space<vmem>>, vector<1x1x16xf32>,
        %get3A_347 = vector.shape_cast %get3A_346 : vector<1x1x16xf32> to vector<16xf32>
        %mul3A_348 = arith.constant 8 : i32
        %mul3A_349 = arith.muli %mul3A_348, %scan3A_342 : i32
        %add3A_350 = arith.constant 0 : i32
        %add3A_351 = arith.addi %mul3A_349, %add3A_350 : i32
        %swap3A = arith.constant 0 : i32
        %swap3A_352 = arith.index_cast %swap3A : i32 to index
        %swap3A_353 = arith.index_cast %add3A_351 : i32 to index
        %swap3A_354 = arith.constant 0 : index
        %swap3A_355 = tpu.vector_load %arg7[%swap3A_352, %swap3A_353, %swap3A_354] {strides = array<i32>} : memref<3x64x128xf32, #tpu.memory_space<vmem>>, vector<1x1x16xf32>,
        %swap3A_356 = vector.shape_cast %swap3A_355 : vector<1x1x16xf32> to vector<16xf32>
        %swap3A_357 = vector.shape_cast %get3A_347 : vector<16xf32> to vector<1x1x16xf32>
        tpu.vector_store %arg7[%swap3A_352, %swap3A_353, %swap3A_354], %swap3A_357 {strides = array<i32>} : memref<3x64x128xf32, #tpu.memory_space<vmem>>, vector<1x1x16xf32>,
        %get3A_358 = arith.constant 0 : i32
        %get3A_359 = arith.index_cast %get3A_358 : i32 to index
        %get3A_360 = arith.index_cast %scan3A_342 : i32 to index
        %get3A_361 = arith.constant 16 : index
        %get3A_362 = tpu.vector_load %arg6[%get3A_359, %get3A_360, %get3A_361] {strides = array<i32>} : memref<3x8x128xf32, #tpu.memory_space<vmem>>, vector<1x1x16xf32>,
        %get3A_363 = vector.shape_cast %get3A_362 : vector<1x1x16xf32> to vector<16xf32>
        %mul3A_364 = arith.constant 8 : i32
        %mul3A_365 = arith.muli %mul3A_364, %scan3A_342 : i32
        %add3A_366 = arith.constant 1 : i32
        %add3A_367 = arith.addi %mul3A_365, %add3A_366 : i32
        %swap3A_368 = arith.constant 0 : i32
        %swap3A_369 = arith.index_cast %swap3A_368 : i32 to index
        %swap3A_370 = arith.index_cast %add3A_367 : i32 to index
        %swap3A_371 = arith.constant 0 : index
        %swap3A_372 = tpu.vector_load %arg7[%swap3A_369, %swap3A_370, %swap3A_371] {strides = array<i32>} : memref<3x64x128xf32, #tpu.memory_space<vmem>>, vector<1x1x16xf32>,
        %swap3A_373 = vector.shape_cast %swap3A_372 : vector<1x1x16xf32> to vector<16xf32>
        %swap3A_374 = vector.shape_cast %get3A_363 : vector<16xf32> to vector<1x1x16xf32>
        tpu.vector_store %arg7[%swap3A_369, %swap3A_370, %swap3A_371], %swap3A_374 {strides = array<i32>} : memref<3x64x128xf32, #tpu.memory_space<vmem>>, vector<1x1x16xf32>,
        %get3A_375 = arith.constant 0 : i32
        %get3A_376 = arith.index_cast %get3A_375 : i32 to index
        %get3A_377 = arith.index_cast %scan3A_342 : i32 to index
        %get3A_378 = arith.constant 32 : index
        %get3A_379 = tpu.vector_load %arg6[%get3A_376, %get3A_377, %get3A_378] {strides = array<i32>} : memref<3x8x128xf32, #tpu.memory_space<vmem>>, vector<1x1x16xf32>,
        %get3A_380 = vector.shape_cast %get3A_379 : vector<1x1x16xf32> to vector<16xf32>
        %mul3A_381 = arith.constant 8 : i32
        %mul3A_382 = arith.muli %mul3A_381, %scan3A_342 : i32
        %add3A_383 = arith.constant 2 : i32
        %add3A_384 = arith.addi %mul3A_382, %add3A_383 : i32
        %swap3A_385 = arith.constant 0 : i32
        %swap3A_386 = arith.index_cast %swap3A_385 : i32 to index
        %swap3A_387 = arith.index_cast %add3A_384 : i32 to index
        %swap3A_388 = arith.constant 0 : index
        %swap3A_389 = tpu.vector_load %arg7[%swap3A_386, %swap3A_387, %swap3A_388] {strides = array<i32>} : memref<3x64x128xf32, #tpu.memory_space<vmem>>, vector<1x1x16xf32>,
        %swap3A_390 = vector.shape_cast %swap3A_389 : vector<1x1x16xf32> to vector<16xf32>
        %swap3A_391 = vector.shape_cast %get3A_380 : vector<16xf32> to vector<1x1x16xf32>
        tpu.vector_store %arg7[%swap3A_386, %swap3A_387, %swap3A_388], %swap3A_391 {strides = array<i32>} : memref<3x64x128xf32, #tpu.memory_space<vmem>>, vector<1x1x16xf32>,
        %get3A_392 = arith.constant 0 : i32
        %get3A_393 = arith.index_cast %get3A_392 : i32 to index
        %get3A_394 = arith.index_cast %scan3A_342 : i32 to index
        %get3A_395 = arith.constant 48 : index
        %get3A_396 = tpu.vector_load %arg6[%get3A_393, %get3A_394, %get3A_395] {strides = array<i32>} : memref<3x8x128xf32, #tpu.memory_space<vmem>>, vector<1x1x16xf32>,
        %get3A_397 = vector.shape_cast %get3A_396 : vector<1x1x16xf32> to vector<16xf32>
        %mul3A_398 = arith.constant 8 : i32
        %mul3A_399 = arith.muli %mul3A_398, %scan3A_342 : i32
        %add3A_400 = arith.constant 3 : i32
        %add3A_401 = arith.addi %mul3A_399, %add3A_400 : i32
        %swap3A_402 = arith.constant 0 : i32
        %swap3A_403 = arith.index_cast %swap3A_402 : i32 to index
        %swap3A_404 = arith.index_cast %add3A_401 : i32 to index
        %swap3A_405 = arith.constant 0 : index
        %swap3A_406 = tpu.vector_load %arg7[%swap3A_403, %swap3A_404, %swap3A_405] {strides = array<i32>} : memref<3x64x128xf32, #tpu.memory_space<vmem>>, vector<1x1x16xf32>,
        %swap3A_407 = vector.shape_cast %swap3A_406 : vector<1x1x16xf32> to vector<16xf32>
        %swap3A_408 = vector.shape_cast %get3A_397 : vector<16xf32> to vector<1x1x16xf32>
        tpu.vector_store %arg7[%swap3A_403, %swap3A_404, %swap3A_405], %swap3A_408 {strides = array<i32>} : memref<3x64x128xf32, #tpu.memory_space<vmem>>, vector<1x1x16xf32>,
        %get3A_409 = arith.constant 0 : i32
        %get3A_410 = arith.index_cast %get3A_409 : i32 to index
        %get3A_411 = arith.index_cast %scan3A_342 : i32 to index
        %get3A_412 = arith.constant 64 : index
        %get3A_413 = tpu.vector_load %arg6[%get3A_410, %get3A_411, %get3A_412] {strides = array<i32>} : memref<3x8x128xf32, #tpu.memory_space<vmem>>, vector<1x1x16xf32>,
        %get3A_414 = vector.shape_cast %get3A_413 : vector<1x1x16xf32> to vector<16xf32>
        %mul3A_415 = arith.constant 8 : i32
        %mul3A_416 = arith.muli %mul3A_415, %scan3A_342 : i32
        %add3A_417 = arith.constant 4 : i32
        %add3A_418 = arith.addi %mul3A_416, %add3A_417 : i32
        %swap3A_419 = arith.constant 0 : i32
        %swap3A_420 = arith.index_cast %swap3A_419 : i32 to index
        %swap3A_421 = arith.index_cast %add3A_418 : i32 to index
        %swap3A_422 = arith.constant 0 : index
        %swap3A_423 = tpu.vector_load %arg7[%swap3A_420, %swap3A_421, %swap3A_422] {strides = array<i32>} : memref<3x64x128xf32, #tpu.memory_space<vmem>>, vector<1x1x16xf32>,
        %swap3A_424 = vector.shape_cast %swap3A_423 : vector<1x1x16xf32> to vector<16xf32>
        %swap3A_425 = vector.shape_cast %get3A_414 : vector<16xf32> to vector<1x1x16xf32>
        tpu.vector_store %arg7[%swap3A_420, %swap3A_421, %swap3A_422], %swap3A_425 {strides = array<i32>} : memref<3x64x128xf32, #tpu.memory_space<vmem>>, vector<1x1x16xf32>,
        %get3A_426 = arith.constant 0 : i32
        %get3A_427 = arith.index_cast %get3A_426 : i32 to index
        %get3A_428 = arith.index_cast %scan3A_342 : i32 to index
        %get3A_429 = arith.constant 80 : index
        %get3A_430 = tpu.vector_load %arg6[%get3A_427, %get3A_428, %get3A_429] {strides = array<i32>} : memref<3x8x128xf32, #tpu.memory_space<vmem>>, vector<1x1x16xf32>,
        %get3A_431 = vector.shape_cast %get3A_430 : vector<1x1x16xf32> to vector<16xf32>
        %mul3A_432 = arith.constant 8 : i32
        %mul3A_433 = arith.muli %mul3A_432, %scan3A_342 : i32
        %add3A_434 = arith.constant 5 : i32
        %add3A_435 = arith.addi %mul3A_433, %add3A_434 : i32
        %swap3A_436 = arith.constant 0 : i32
        %swap3A_437 = arith.index_cast %swap3A_436 : i32 to index
        %swap3A_438 = arith.index_cast %add3A_435 : i32 to index
        %swap3A_439 = arith.constant 0 : index
        %swap3A_440 = tpu.vector_load %arg7[%swap3A_437, %swap3A_438, %swap3A_439] {strides = array<i32>} : memref<3x64x128xf32, #tpu.memory_space<vmem>>, vector<1x1x16xf32>,
        %swap3A_441 = vector.shape_cast %swap3A_440 : vector<1x1x16xf32> to vector<16xf32>
        %swap3A_442 = vector.shape_cast %get3A_431 : vector<16xf32> to vector<1x1x16xf32>
        tpu.vector_store %arg7[%swap3A_437, %swap3A_438, %swap3A_439], %swap3A_442 {strides = array<i32>} : memref<3x64x128xf32, #tpu.memory_space<vmem>>, vector<1x1x16xf32>,
        %get3A_443 = arith.constant 0 : i32
        %get3A_444 = arith.index_cast %get3A_443 : i32 to index
        %get3A_445 = arith.index_cast %scan3A_342 : i32 to index
        %get3A_446 = arith.constant 96 : index
        %get3A_447 = tpu.vector_load %arg6[%get3A_444, %get3A_445, %get3A_446] {strides = array<i32>} : memref<3x8x128xf32, #tpu.memory_space<vmem>>, vector<1x1x16xf32>,
        %get3A_448 = vector.shape_cast %get3A_447 : vector<1x1x16xf32> to vector<16xf32>
        %mul3A_449 = arith.constant 8 : i32
        %mul3A_450 = arith.muli %mul3A_449, %scan3A_342 : i32
        %add3A_451 = arith.constant 6 : i32
        %add3A_452 = arith.addi %mul3A_450, %add3A_451 : i32
        %swap3A_453 = arith.constant 0 : i32
        %swap3A_454 = arith.index_cast %swap3A_453 : i32 to index
        %swap3A_455 = arith.index_cast %add3A_452 : i32 to index
        %swap3A_456 = arith.constant 0 : index
        %swap3A_457 = tpu.vector_load %arg7[%swap3A_454, %swap3A_455, %swap3A_456] {strides = array<i32>} : memref<3x64x128xf32, #tpu.memory_space<vmem>>, vector<1x1x16xf32>,
        %swap3A_458 = vector.shape_cast %swap3A_457 : vector<1x1x16xf32> to vector<16xf32>
        %swap3A_459 = vector.shape_cast %get3A_448 : vector<16xf32> to vector<1x1x16xf32>
        tpu.vector_store %arg7[%swap3A_454, %swap3A_455, %swap3A_456], %swap3A_459 {strides = array<i32>} : memref<3x64x128xf32, #tpu.memory_space<vmem>>, vector<1x1x16xf32>,
        %get3A_460 = arith.constant 0 : i32
        %get3A_461 = arith.index_cast %get3A_460 : i32 to index
        %get3A_462 = arith.index_cast %scan3A_342 : i32 to index
        %get3A_463 = arith.constant 112 : index
        %get3A_464 = tpu.vector_load %arg6[%get3A_461, %get3A_462, %get3A_463] {strides = array<i32>} : memref<3x8x128xf32, #tpu.memory_space<vmem>>, vector<1x1x16xf32>,
        %get3A_465 = vector.shape_cast %get3A_464 : vector<1x1x16xf32> to vector<16xf32>
        %mul3A_466 = arith.constant 8 : i32
        %mul3A_467 = arith.muli %mul3A_466, %scan3A_342 : i32
        %add3A_468 = arith.constant 7 : i32
        %add3A_469 = arith.addi %mul3A_467, %add3A_468 : i32
        %swap3A_470 = arith.constant 0 : i32
        %swap3A_471 = arith.index_cast %swap3A_470 : i32 to index
        %swap3A_472 = arith.index_cast %add3A_469 : i32 to index
        %swap3A_473 = arith.constant 0 : index
        %swap3A_474 = tpu.vector_load %arg7[%swap3A_471, %swap3A_472, %swap3A_473] {strides = array<i32>} : memref<3x64x128xf32, #tpu.memory_space<vmem>>, vector<1x1x16xf32>,
        %swap3A_475 = vector.shape_cast %swap3A_474 : vector<1x1x16xf32> to vector<16xf32>
        %swap3A_476 = vector.shape_cast %get3A_465 : vector<16xf32> to vector<1x1x16xf32>
        tpu.vector_store %arg7[%swap3A_471, %swap3A_472, %swap3A_473], %swap3A_476 {strides = array<i32>} : memref<3x64x128xf32, #tpu.memory_space<vmem>>, vector<1x1x16xf32>,
      }
      %scan3A_205 = arith.constant 8 : i32
      %dma_start3A_206 = arith.constant 0 : i32
      %dma_start3A_207 = arith.constant 0 : i32
      %dma_start3A_208 = arith.constant 0 : i32
      %dma_start3A_209 = arith.constant 0 : i32
      %dma_start3A_210 = tpu.memref_slice %arg7[%dma_start3A_206, %dma_start3A_208, %dma_start3A_209] : memref<3x64x128xf32, #tpu.memory_space<vmem>> -> memref<1x64x128xf32, #tpu.memory_space<vmem>>
      %dma_start3A_211 = tpu.memref_squeeze %dma_start3A_210 : memref<1x64x128xf32, #tpu.memory_space<vmem>> -> memref<64x128xf32, #tpu.memory_space<vmem>>
      %dma_start3A_212 = arith.constant 0 : i32
      %dma_start3A_213 = tpu.memref_slice %arg8[%dma_start3A_207, %dma_start3A_212] : memref<3x64xi32, #tpu.memory_space<vmem>> -> memref<1x64xi32, #tpu.memory_space<vmem>>
      %dma_start3A_214 = tpu.memref_squeeze %dma_start3A_213 : memref<1x64xi32, #tpu.memory_space<vmem>> -> memref<64xi32, #tpu.memory_space<vmem>>
      %dma_start3A_215 = arith.constant 0 : i32
      %dma_start3A_216 = arith.constant 0 : i32
      %dma_start3A_217 = tpu.memref_slice %arg5[%dma_start3A_215, %dma_start3A_216] : memref<10000x128xf32, #tpu.memory_space<vmem_shared>> -> memref<10000x128xf32, #tpu.memory_space<vmem_shared>>
      tpu.enqueue_indirect_dma source(%dma_start3A_211 : memref<64x128xf32, #tpu.memory_space<vmem>>) target(%dma_start3A_217 : memref<10000x128xf32, #tpu.memory_space<vmem_shared>>) offsets(%dma_start3A_214 : memref<64xi32, #tpu.memory_space<vmem>>) semaphore(%arg13 : memref<!tpu.dma_semaphore, #tpu.memory_space<semaphore_mem>>) {add = true}
      %mul3A_218 = arith.constant 3 : i32
      %mul3A_219 = arith.muli %mul3A_218, %while3A_156 : i32
      %add3A_220 = arith.constant 1 : i32
      %add3A_221 = arith.addi %mul3A_219, %add3A_220 : i32
      %ge3A_222 = arith.constant 2 : i32
      %ge3A_223 = arith.cmpi sge, %add3A_221, %ge3A_222 : i32
      %convert_element_type3A_224 = arith.extui %ge3A_223 : i1 to i32
      %cond3A_225 = arith.constant 0 : i32
      %cond3A_226 = arith.cmpi ne, %convert_element_type3A_224, %cond3A_225 : i32
      scf.if %cond3A_226 {
        %dma_wait3A_342 = arith.constant 2 : i32
        %dma_wait3A_343 = arith.constant 2 : i32
        %dma_wait3A_344 = arith.constant 0 : i32
        %dma_wait3A_345 = arith.constant 0 : i32
        %dma_wait3A_346 = tpu.memref_slice %arg7[%dma_wait3A_342, %dma_wait3A_344, %dma_wait3A_345] : memref<3x64x128xf32, #tpu.memory_space<vmem>> -> memref<1x64x128xf32, #tpu.memory_space<vmem>>
        %dma_wait3A_347 = tpu.memref_squeeze %dma_wait3A_346 : memref<1x64x128xf32, #tpu.memory_space<vmem>> -> memref<64x128xf32, #tpu.memory_space<vmem>>
        %dma_wait3A_348 = arith.constant 0 : i32
        %dma_wait3A_349 = tpu.memref_slice %arg8[%dma_wait3A_343, %dma_wait3A_348] : memref<3x64xi32, #tpu.memory_space<vmem>> -> memref<1x64xi32, #tpu.memory_space<vmem>>
        %dma_wait3A_350 = tpu.memref_squeeze %dma_wait3A_349 : memref<1x64xi32, #tpu.memory_space<vmem>> -> memref<64xi32, #tpu.memory_space<vmem>>
        %dma_wait3A_351 = arith.constant 0 : i32
        %dma_wait3A_352 = arith.constant 0 : i32
        %dma_wait3A_353 = tpu.memref_slice %arg5[%dma_wait3A_351, %dma_wait3A_352] : memref<10000x128xf32, #tpu.memory_space<vmem_shared>> -> memref<10000x128xf32, #tpu.memory_space<vmem_shared>>
        tpu.wait_indirect_dma semaphore(%arg15 : memref<!tpu.dma_semaphore, #tpu.memory_space<semaphore_mem>>) src(%dma_wait3A_347 : memref<64x128xf32, #tpu.memory_space<vmem>>) dst(%dma_wait3A_353 : memref<10000x128xf32, #tpu.memory_space<vmem_shared>>)
      } else {
      }
      %add3A_227 = arith.constant 1 : i32
      %add3A_228 = arith.addi %add3A_221, %add3A_227 : i32
      %mul3A_229 = arith.constant 64 : i32
      %mul3A_230 = arith.muli %add3A_228, %mul3A_229 : i32
      %add3A_231 = arith.addi %mul3A_24, %mul3A_230 : i32
      %run_scoped3A_232 = arith.constant 2 : i32
      "tpu.region"() ({
        %run_scoped3A_342 = tpu.sem_alloc : memref<!tpu.dma_semaphore, #tpu.memory_space<semaphore_mem>>
        %dma_start3A_343 = arith.constant 0 : i32
        %dma_start3A_344 = tpu.memref_slice %arg8[%run_scoped3A_232, %dma_start3A_343] : memref<3x64xi32, #tpu.memory_space<vmem>> -> memref<1x64xi32, #tpu.memory_space<vmem>>
        %dma_start3A_345 = tpu.memref_squeeze %dma_start3A_344 : memref<1x64xi32, #tpu.memory_space<vmem>> -> memref<64xi32, #tpu.memory_space<vmem>>
        %dma_start3A_346 = tpu.memref_slice %arg3[%add3A_231] : memref<320000xi32, #tpu.memory_space<hbm>> -> memref<64xi32, #tpu.memory_space<hbm>>
        %dma_start3A_347 = arith.constant 0 : i32
        %dma_start3A_348 = tpu.memref_slice %arg8[%run_scoped3A_232, %dma_start3A_347] : memref<3x64xi32, #tpu.memory_space<vmem>> -> memref<1x64xi32, #tpu.memory_space<vmem>>
        %dma_start3A_349 = tpu.memref_squeeze %dma_start3A_348 : memref<1x64xi32, #tpu.memory_space<vmem>> -> memref<64xi32, #tpu.memory_space<vmem>>
        %dma_start3A_350 = tpu.memref_slice %arg3[%add3A_231] : memref<320000xi32, #tpu.memory_space<hbm>> -> memref<64xi32, #tpu.memory_space<hbm>>
        tpu.enqueue_dma source(%dma_start3A_350 : memref<64xi32, #tpu.memory_space<hbm>>) target(%dma_start3A_349 : memref<64xi32, #tpu.memory_space<vmem>>) target_semaphore(%run_scoped3A_342 : memref<!tpu.dma_semaphore, #tpu.memory_space<semaphore_mem>>)
        %dma_wait3A_351 = arith.constant 0 : i32
        %dma_wait3A_352 = tpu.memref_slice %arg8[%run_scoped3A_232, %dma_wait3A_351] : memref<3x64xi32, #tpu.memory_space<vmem>> -> memref<1x64xi32, #tpu.memory_space<vmem>>
        %dma_wait3A_353 = tpu.memref_squeeze %dma_wait3A_352 : memref<1x64xi32, #tpu.memory_space<vmem>> -> memref<64xi32, #tpu.memory_space<vmem>>
        %dma_wait3A_354 = tpu.memref_slice %arg3[%add3A_231] : memref<320000xi32, #tpu.memory_space<hbm>> -> memref<64xi32, #tpu.memory_space<hbm>>
        %dma_wait3A_355 = arith.constant 0 : i32
        %dma_wait3A_356 = tpu.memref_slice %arg8[%run_scoped3A_232, %dma_wait3A_355] : memref<3x64xi32, #tpu.memory_space<vmem>> -> memref<1x64xi32, #tpu.memory_space<vmem>>
        %dma_wait3A_357 = tpu.memref_squeeze %dma_wait3A_356 : memref<1x64xi32, #tpu.memory_space<vmem>> -> memref<64xi32, #tpu.memory_space<vmem>>
        %dma_wait3A_358 = tpu.memref_slice %arg3[%add3A_231] : memref<320000xi32, #tpu.memory_space<hbm>> -> memref<64xi32, #tpu.memory_space<hbm>>
        tpu.wait_dma2 semaphore(%run_scoped3A_342 : memref<!tpu.dma_semaphore, #tpu.memory_space<semaphore_mem>>) src(%dma_wait3A_358 : memref<64xi32, #tpu.memory_space<hbm>>) dst(%dma_wait3A_357 : memref<64xi32, #tpu.memory_space<vmem>>)
        tpu.yield
      }) : () -> ()
      %mul3A_233 = arith.constant 8 : i32
      %mul3A_234 = arith.muli %add3A_228, %mul3A_233 : i32
      %add3A_235 = arith.addi %mul3A_26, %mul3A_234 : i32
      %dma_start3A_236 = arith.constant 2 : i32
      %dma_start3A_237 = arith.constant 0 : i32
      %dma_start3A_238 = arith.constant 0 : i32
      %dma_start3A_239 = tpu.memref_slice %arg6[%dma_start3A_236, %dma_start3A_237, %dma_start3A_238] : memref<3x8x128xf32, #tpu.memory_space<vmem>> -> memref<1x8x128xf32, #tpu.memory_space<vmem>>
      %dma_start3A_240 = tpu.memref_squeeze %dma_start3A_239 : memref<1x8x128xf32, #tpu.memory_space<vmem>> -> memref<8x128xf32, #tpu.memory_space<vmem>>
      %dma_start3A_241 = arith.constant 0 : i32
      %dma_start3A_242 = tpu.memref_slice %arg2[%add3A_235, %dma_start3A_241] : memref<40000x128xf32, #tpu.memory_space<hbm>> -> memref<8x128xf32, #tpu.memory_space<hbm>>
      %dma_start3A_243 = arith.constant 0 : i32
      %dma_start3A_244 = arith.constant 0 : i32
      %dma_start3A_245 = tpu.memref_slice %arg6[%dma_start3A_236, %dma_start3A_243, %dma_start3A_244] : memref<3x8x128xf32, #tpu.memory_space<vmem>> -> memref<1x8x128xf32, #tpu.memory_space<vmem>>
      %dma_start3A_246 = tpu.memref_squeeze %dma_start3A_245 : memref<1x8x128xf32, #tpu.memory_space<vmem>> -> memref<8x128xf32, #tpu.memory_space<vmem>>
      %dma_start3A_247 = arith.constant 0 : i32
      %dma_start3A_248 = tpu.memref_slice %arg2[%add3A_235, %dma_start3A_247] : memref<40000x128xf32, #tpu.memory_space<hbm>> -> memref<8x128xf32, #tpu.memory_space<hbm>>
      tpu.enqueue_dma source(%dma_start3A_248 : memref<8x128xf32, #tpu.memory_space<hbm>>) target(%dma_start3A_246 : memref<8x128xf32, #tpu.memory_space<vmem>>) target_semaphore(%arg12 : memref<!tpu.dma_semaphore, #tpu.memory_space<semaphore_mem>>)
      %dma_wait3A_249 = arith.constant 1 : i32
      %dma_wait3A_250 = arith.constant 0 : i32
      %dma_wait3A_251 = arith.constant 0 : i32
      %dma_wait3A_252 = tpu.memref_slice %arg6[%dma_wait3A_249, %dma_wait3A_250, %dma_wait3A_251] : memref<3x8x128xf32, #tpu.memory_space<vmem>> -> memref<1x8x128xf32, #tpu.memory_space<vmem>>
      %dma_wait3A_253 = tpu.memref_squeeze %dma_wait3A_252 : memref<1x8x128xf32, #tpu.memory_space<vmem>> -> memref<8x128xf32, #tpu.memory_space<vmem>>
      %dma_wait3A_254 = arith.constant 0 : i32
      %dma_wait3A_255 = tpu.memref_slice %arg2[%mul3A_26, %dma_wait3A_254] : memref<40000x128xf32, #tpu.memory_space<hbm>> -> memref<8x128xf32, #tpu.memory_space<hbm>>
      %dma_wait3A_256 = arith.constant 0 : i32
      %dma_wait3A_257 = arith.constant 0 : i32
      %dma_wait3A_258 = tpu.memref_slice %arg6[%dma_wait3A_249, %dma_wait3A_256, %dma_wait3A_257] : memref<3x8x128xf32, #tpu.memory_space<vmem>> -> memref<1x8x128xf32, #tpu.memory_space<vmem>>
      %dma_wait3A_259 = tpu.memref_squeeze %dma_wait3A_258 : memref<1x8x128xf32, #tpu.memory_space<vmem>> -> memref<8x128xf32, #tpu.memory_space<vmem>>
      %dma_wait3A_260 = arith.constant 0 : i32
      %dma_wait3A_261 = tpu.memref_slice %arg2[%mul3A_26, %dma_wait3A_260] : memref<40000x128xf32, #tpu.memory_space<hbm>> -> memref<8x128xf32, #tpu.memory_space<hbm>>
      tpu.wait_dma2 semaphore(%arg11 : memref<!tpu.dma_semaphore, #tpu.memory_space<semaphore_mem>>) src(%dma_wait3A_261 : memref<8x128xf32, #tpu.memory_space<hbm>>) dst(%dma_wait3A_259 : memref<8x128xf32, #tpu.memory_space<vmem>>)
      %scan3A_262 = arith.constant 0 : i32
      %scan3A_263 = arith.constant 0 : i32
      %scan3A_264 = arith.constant 8 : i32
      %scan3A_265 = arith.addi %scan3A_263, %scan3A_264 : i32
      %scan3A_266 = arith.constant 1 : i32
      scf.for %scan3A_342 = %scan3A_263 to %scan3A_265 step %scan3A_266  : i32 {
        %get3A = arith.constant 1 : i32
        %get3A_343 = arith.index_cast %get3A : i32 to index
        %get3A_344 = arith.index_cast %scan3A_342 : i32 to index
        %get3A_345 = arith.constant 0 : index
        %get3A_346 = tpu.vector_load %arg6[%get3A_343, %get3A_344, %get3A_345] {strides = array<i32>} : memref<3x8x128xf32, #tpu.memory_space<vmem>>, vector<1x1x16xf32>,
        %get3A_347 = vector.shape_cast %get3A_346 : vector<1x1x16xf32> to vector<16xf32>
        %mul3A_348 = arith.constant 8 : i32
        %mul3A_349 = arith.muli %mul3A_348, %scan3A_342 : i32
        %add3A_350 = arith.constant 0 : i32
        %add3A_351 = arith.addi %mul3A_349, %add3A_350 : i32
        %swap3A = arith.constant 1 : i32
        %swap3A_352 = arith.index_cast %swap3A : i32 to index
        %swap3A_353 = arith.index_cast %add3A_351 : i32 to index
        %swap3A_354 = arith.constant 0 : index
        %swap3A_355 = tpu.vector_load %arg7[%swap3A_352, %swap3A_353, %swap3A_354] {strides = array<i32>} : memref<3x64x128xf32, #tpu.memory_space<vmem>>, vector<1x1x16xf32>,
        %swap3A_356 = vector.shape_cast %swap3A_355 : vector<1x1x16xf32> to vector<16xf32>
        %swap3A_357 = vector.shape_cast %get3A_347 : vector<16xf32> to vector<1x1x16xf32>
        tpu.vector_store %arg7[%swap3A_352, %swap3A_353, %swap3A_354], %swap3A_357 {strides = array<i32>} : memref<3x64x128xf32, #tpu.memory_space<vmem>>, vector<1x1x16xf32>,
        %get3A_358 = arith.constant 1 : i32
        %get3A_359 = arith.index_cast %get3A_358 : i32 to index
        %get3A_360 = arith.index_cast %scan3A_342 : i32 to index
        %get3A_361 = arith.constant 16 : index
        %get3A_362 = tpu.vector_load %arg6[%get3A_359, %get3A_360, %get3A_361] {strides = array<i32>} : memref<3x8x128xf32, #tpu.memory_space<vmem>>, vector<1x1x16xf32>,
        %get3A_363 = vector.shape_cast %get3A_362 : vector<1x1x16xf32> to vector<16xf32>
        %mul3A_364 = arith.constant 8 : i32
        %mul3A_365 = arith.muli %mul3A_364, %scan3A_342 : i32
        %add3A_366 = arith.constant 1 : i32
        %add3A_367 = arith.addi %mul3A_365, %add3A_366 : i32
        %swap3A_368 = arith.constant 1 : i32
        %swap3A_369 = arith.index_cast %swap3A_368 : i32 to index
        %swap3A_370 = arith.index_cast %add3A_367 : i32 to index
        %swap3A_371 = arith.constant 0 : index
        %swap3A_372 = tpu.vector_load %arg7[%swap3A_369, %swap3A_370, %swap3A_371] {strides = array<i32>} : memref<3x64x128xf32, #tpu.memory_space<vmem>>, vector<1x1x16xf32>,
        %swap3A_373 = vector.shape_cast %swap3A_372 : vector<1x1x16xf32> to vector<16xf32>
        %swap3A_374 = vector.shape_cast %get3A_363 : vector<16xf32> to vector<1x1x16xf32>
        tpu.vector_store %arg7[%swap3A_369, %swap3A_370, %swap3A_371], %swap3A_374 {strides = array<i32>} : memref<3x64x128xf32, #tpu.memory_space<vmem>>, vector<1x1x16xf32>,
        %get3A_375 = arith.constant 1 : i32
        %get3A_376 = arith.index_cast %get3A_375 : i32 to index
        %get3A_377 = arith.index_cast %scan3A_342 : i32 to index
        %get3A_378 = arith.constant 32 : index
        %get3A_379 = tpu.vector_load %arg6[%get3A_376, %get3A_377, %get3A_378] {strides = array<i32>} : memref<3x8x128xf32, #tpu.memory_space<vmem>>, vector<1x1x16xf32>,
        %get3A_380 = vector.shape_cast %get3A_379 : vector<1x1x16xf32> to vector<16xf32>
        %mul3A_381 = arith.constant 8 : i32
        %mul3A_382 = arith.muli %mul3A_381, %scan3A_342 : i32
        %add3A_383 = arith.constant 2 : i32
        %add3A_384 = arith.addi %mul3A_382, %add3A_383 : i32
        %swap3A_385 = arith.constant 1 : i32
        %swap3A_386 = arith.index_cast %swap3A_385 : i32 to index
        %swap3A_387 = arith.index_cast %add3A_384 : i32 to index
        %swap3A_388 = arith.constant 0 : index
        %swap3A_389 = tpu.vector_load %arg7[%swap3A_386, %swap3A_387, %swap3A_388] {strides = array<i32>} : memref<3x64x128xf32, #tpu.memory_space<vmem>>, vector<1x1x16xf32>,
        %swap3A_390 = vector.shape_cast %swap3A_389 : vector<1x1x16xf32> to vector<16xf32>
        %swap3A_391 = vector.shape_cast %get3A_380 : vector<16xf32> to vector<1x1x16xf32>
        tpu.vector_store %arg7[%swap3A_386, %swap3A_387, %swap3A_388], %swap3A_391 {strides = array<i32>} : memref<3x64x128xf32, #tpu.memory_space<vmem>>, vector<1x1x16xf32>,
        %get3A_392 = arith.constant 1 : i32
        %get3A_393 = arith.index_cast %get3A_392 : i32 to index
        %get3A_394 = arith.index_cast %scan3A_342 : i32 to index
        %get3A_395 = arith.constant 48 : index
        %get3A_396 = tpu.vector_load %arg6[%get3A_393, %get3A_394, %get3A_395] {strides = array<i32>} : memref<3x8x128xf32, #tpu.memory_space<vmem>>, vector<1x1x16xf32>,
        %get3A_397 = vector.shape_cast %get3A_396 : vector<1x1x16xf32> to vector<16xf32>
        %mul3A_398 = arith.constant 8 : i32
        %mul3A_399 = arith.muli %mul3A_398, %scan3A_342 : i32
        %add3A_400 = arith.constant 3 : i32
        %add3A_401 = arith.addi %mul3A_399, %add3A_400 : i32
        %swap3A_402 = arith.constant 1 : i32
        %swap3A_403 = arith.index_cast %swap3A_402 : i32 to index
        %swap3A_404 = arith.index_cast %add3A_401 : i32 to index
        %swap3A_405 = arith.constant 0 : index
        %swap3A_406 = tpu.vector_load %arg7[%swap3A_403, %swap3A_404, %swap3A_405] {strides = array<i32>} : memref<3x64x128xf32, #tpu.memory_space<vmem>>, vector<1x1x16xf32>,
        %swap3A_407 = vector.shape_cast %swap3A_406 : vector<1x1x16xf32> to vector<16xf32>
        %swap3A_408 = vector.shape_cast %get3A_397 : vector<16xf32> to vector<1x1x16xf32>
        tpu.vector_store %arg7[%swap3A_403, %swap3A_404, %swap3A_405], %swap3A_408 {strides = array<i32>} : memref<3x64x128xf32, #tpu.memory_space<vmem>>, vector<1x1x16xf32>,
        %get3A_409 = arith.constant 1 : i32
        %get3A_410 = arith.index_cast %get3A_409 : i32 to index
        %get3A_411 = arith.index_cast %scan3A_342 : i32 to index
        %get3A_412 = arith.constant 64 : index
        %get3A_413 = tpu.vector_load %arg6[%get3A_410, %get3A_411, %get3A_412] {strides = array<i32>} : memref<3x8x128xf32, #tpu.memory_space<vmem>>, vector<1x1x16xf32>,
        %get3A_414 = vector.shape_cast %get3A_413 : vector<1x1x16xf32> to vector<16xf32>
        %mul3A_415 = arith.constant 8 : i32
        %mul3A_416 = arith.muli %mul3A_415, %scan3A_342 : i32
        %add3A_417 = arith.constant 4 : i32
        %add3A_418 = arith.addi %mul3A_416, %add3A_417 : i32
        %swap3A_419 = arith.constant 1 : i32
        %swap3A_420 = arith.index_cast %swap3A_419 : i32 to index
        %swap3A_421 = arith.index_cast %add3A_418 : i32 to index
        %swap3A_422 = arith.constant 0 : index
        %swap3A_423 = tpu.vector_load %arg7[%swap3A_420, %swap3A_421, %swap3A_422] {strides = array<i32>} : memref<3x64x128xf32, #tpu.memory_space<vmem>>, vector<1x1x16xf32>,
        %swap3A_424 = vector.shape_cast %swap3A_423 : vector<1x1x16xf32> to vector<16xf32>
        %swap3A_425 = vector.shape_cast %get3A_414 : vector<16xf32> to vector<1x1x16xf32>
        tpu.vector_store %arg7[%swap3A_420, %swap3A_421, %swap3A_422], %swap3A_425 {strides = array<i32>} : memref<3x64x128xf32, #tpu.memory_space<vmem>>, vector<1x1x16xf32>,
        %get3A_426 = arith.constant 1 : i32
        %get3A_427 = arith.index_cast %get3A_426 : i32 to index
        %get3A_428 = arith.index_cast %scan3A_342 : i32 to index
        %get3A_429 = arith.constant 80 : index
        %get3A_430 = tpu.vector_load %arg6[%get3A_427, %get3A_428, %get3A_429] {strides = array<i32>} : memref<3x8x128xf32, #tpu.memory_space<vmem>>, vector<1x1x16xf32>,
        %get3A_431 = vector.shape_cast %get3A_430 : vector<1x1x16xf32> to vector<16xf32>
        %mul3A_432 = arith.constant 8 : i32
        %mul3A_433 = arith.muli %mul3A_432, %scan3A_342 : i32
        %add3A_434 = arith.constant 5 : i32
        %add3A_435 = arith.addi %mul3A_433, %add3A_434 : i32
        %swap3A_436 = arith.constant 1 : i32
        %swap3A_437 = arith.index_cast %swap3A_436 : i32 to index
        %swap3A_438 = arith.index_cast %add3A_435 : i32 to index
        %swap3A_439 = arith.constant 0 : index
        %swap3A_440 = tpu.vector_load %arg7[%swap3A_437, %swap3A_438, %swap3A_439] {strides = array<i32>} : memref<3x64x128xf32, #tpu.memory_space<vmem>>, vector<1x1x16xf32>,
        %swap3A_441 = vector.shape_cast %swap3A_440 : vector<1x1x16xf32> to vector<16xf32>
        %swap3A_442 = vector.shape_cast %get3A_431 : vector<16xf32> to vector<1x1x16xf32>
        tpu.vector_store %arg7[%swap3A_437, %swap3A_438, %swap3A_439], %swap3A_442 {strides = array<i32>} : memref<3x64x128xf32, #tpu.memory_space<vmem>>, vector<1x1x16xf32>,
        %get3A_443 = arith.constant 1 : i32
        %get3A_444 = arith.index_cast %get3A_443 : i32 to index
        %get3A_445 = arith.index_cast %scan3A_342 : i32 to index
        %get3A_446 = arith.constant 96 : index
        %get3A_447 = tpu.vector_load %arg6[%get3A_444, %get3A_445, %get3A_446] {strides = array<i32>} : memref<3x8x128xf32, #tpu.memory_space<vmem>>, vector<1x1x16xf32>,
        %get3A_448 = vector.shape_cast %get3A_447 : vector<1x1x16xf32> to vector<16xf32>
        %mul3A_449 = arith.constant 8 : i32
        %mul3A_450 = arith.muli %mul3A_449, %scan3A_342 : i32
        %add3A_451 = arith.constant 6 : i32
        %add3A_452 = arith.addi %mul3A_450, %add3A_451 : i32
        %swap3A_453 = arith.constant 1 : i32
        %swap3A_454 = arith.index_cast %swap3A_453 : i32 to index
        %swap3A_455 = arith.index_cast %add3A_452 : i32 to index
        %swap3A_456 = arith.constant 0 : index
        %swap3A_457 = tpu.vector_load %arg7[%swap3A_454, %swap3A_455, %swap3A_456] {strides = array<i32>} : memref<3x64x128xf32, #tpu.memory_space<vmem>>, vector<1x1x16xf32>,
        %swap3A_458 = vector.shape_cast %swap3A_457 : vector<1x1x16xf32> to vector<16xf32>
        %swap3A_459 = vector.shape_cast %get3A_448 : vector<16xf32> to vector<1x1x16xf32>
        tpu.vector_store %arg7[%swap3A_454, %swap3A_455, %swap3A_456], %swap3A_459 {strides = array<i32>} : memref<3x64x128xf32, #tpu.memory_space<vmem>>, vector<1x1x16xf32>,
        %get3A_460 = arith.constant 1 : i32
        %get3A_461 = arith.index_cast %get3A_460 : i32 to index
        %get3A_462 = arith.index_cast %scan3A_342 : i32 to index
        %get3A_463 = arith.constant 112 : index
        %get3A_464 = tpu.vector_load %arg6[%get3A_461, %get3A_462, %get3A_463] {strides = array<i32>} : memref<3x8x128xf32, #tpu.memory_space<vmem>>, vector<1x1x16xf32>,
        %get3A_465 = vector.shape_cast %get3A_464 : vector<1x1x16xf32> to vector<16xf32>
        %mul3A_466 = arith.constant 8 : i32
        %mul3A_467 = arith.muli %mul3A_466, %scan3A_342 : i32
        %add3A_468 = arith.constant 7 : i32
        %add3A_469 = arith.addi %mul3A_467, %add3A_468 : i32
        %swap3A_470 = arith.constant 1 : i32
        %swap3A_471 = arith.index_cast %swap3A_470 : i32 to index
        %swap3A_472 = arith.index_cast %add3A_469 : i32 to index
        %swap3A_473 = arith.constant 0 : index
        %swap3A_474 = tpu.vector_load %arg7[%swap3A_471, %swap3A_472, %swap3A_473] {strides = array<i32>} : memref<3x64x128xf32, #tpu.memory_space<vmem>>, vector<1x1x16xf32>,
        %swap3A_475 = vector.shape_cast %swap3A_474 : vector<1x1x16xf32> to vector<16xf32>
        %swap3A_476 = vector.shape_cast %get3A_465 : vector<16xf32> to vector<1x1x16xf32>
        tpu.vector_store %arg7[%swap3A_471, %swap3A_472, %swap3A_473], %swap3A_476 {strides = array<i32>} : memref<3x64x128xf32, #tpu.memory_space<vmem>>, vector<1x1x16xf32>,
      }
      %scan3A_267 = arith.constant 8 : i32
      %dma_start3A_268 = arith.constant 1 : i32
      %dma_start3A_269 = arith.constant 1 : i32
      %dma_start3A_270 = arith.constant 0 : i32
      %dma_start3A_271 = arith.constant 0 : i32
      %dma_start3A_272 = tpu.memref_slice %arg7[%dma_start3A_268, %dma_start3A_270, %dma_start3A_271] : memref<3x64x128xf32, #tpu.memory_space<vmem>> -> memref<1x64x128xf32, #tpu.memory_space<vmem>>
      %dma_start3A_273 = tpu.memref_squeeze %dma_start3A_272 : memref<1x64x128xf32, #tpu.memory_space<vmem>> -> memref<64x128xf32, #tpu.memory_space<vmem>>
      %dma_start3A_274 = arith.constant 0 : i32
      %dma_start3A_275 = tpu.memref_slice %arg8[%dma_start3A_269, %dma_start3A_274] : memref<3x64xi32, #tpu.memory_space<vmem>> -> memref<1x64xi32, #tpu.memory_space<vmem>>
      %dma_start3A_276 = tpu.memref_squeeze %dma_start3A_275 : memref<1x64xi32, #tpu.memory_space<vmem>> -> memref<64xi32, #tpu.memory_space<vmem>>
      %dma_start3A_277 = arith.constant 0 : i32
      %dma_start3A_278 = arith.constant 0 : i32
      %dma_start3A_279 = tpu.memref_slice %arg5[%dma_start3A_277, %dma_start3A_278] : memref<10000x128xf32, #tpu.memory_space<vmem_shared>> -> memref<10000x128xf32, #tpu.memory_space<vmem_shared>>
      tpu.enqueue_indirect_dma source(%dma_start3A_273 : memref<64x128xf32, #tpu.memory_space<vmem>>) target(%dma_start3A_279 : memref<10000x128xf32, #tpu.memory_space<vmem_shared>>) offsets(%dma_start3A_276 : memref<64xi32, #tpu.memory_space<vmem>>) semaphore(%arg14 : memref<!tpu.dma_semaphore, #tpu.memory_space<semaphore_mem>>) {add = true}
      %mul3A_280 = arith.constant 3 : i32
      %mul3A_281 = arith.muli %mul3A_280, %while3A_156 : i32
      %add3A_282 = arith.constant 2 : i32
      %add3A_283 = arith.addi %mul3A_281, %add3A_282 : i32
      %ge3A_284 = arith.constant 2 : i32
      %ge3A_285 = arith.cmpi sge, %add3A_283, %ge3A_284 : i32
      %convert_element_type3A_286 = arith.extui %ge3A_285 : i1 to i32
      %cond3A_287 = arith.constant 0 : i32
      %cond3A_288 = arith.cmpi ne, %convert_element_type3A_286, %cond3A_287 : i32
      scf.if %cond3A_288 {
        %dma_wait3A_342 = arith.constant 0 : i32
        %dma_wait3A_343 = arith.constant 0 : i32
        %dma_wait3A_344 = arith.constant 0 : i32
        %dma_wait3A_345 = arith.constant 0 : i32
        %dma_wait3A_346 = tpu.memref_slice %arg7[%dma_wait3A_342, %dma_wait3A_344, %dma_wait3A_345] : memref<3x64x128xf32, #tpu.memory_space<vmem>> -> memref<1x64x128xf32, #tpu.memory_space<vmem>>
        %dma_wait3A_347 = tpu.memref_squeeze %dma_wait3A_346 : memref<1x64x128xf32, #tpu.memory_space<vmem>> -> memref<64x128xf32, #tpu.memory_space<vmem>>
        %dma_wait3A_348 = arith.constant 0 : i32
        %dma_wait3A_349 = tpu.memref_slice %arg8[%dma_wait3A_343, %dma_wait3A_348] : memref<3x64xi32, #tpu.memory_space<vmem>> -> memref<1x64xi32, #tpu.memory_space<vmem>>
        %dma_wait3A_350 = tpu.memref_squeeze %dma_wait3A_349 : memref<1x64xi32, #tpu.memory_space<vmem>> -> memref<64xi32, #tpu.memory_space<vmem>>
        %dma_wait3A_351 = arith.constant 0 : i32
        %dma_wait3A_352 = arith.constant 0 : i32
        %dma_wait3A_353 = tpu.memref_slice %arg5[%dma_wait3A_351, %dma_wait3A_352] : memref<10000x128xf32, #tpu.memory_space<vmem_shared>> -> memref<10000x128xf32, #tpu.memory_space<vmem_shared>>
        tpu.wait_indirect_dma semaphore(%arg13 : memref<!tpu.dma_semaphore, #tpu.memory_space<semaphore_mem>>) src(%dma_wait3A_347 : memref<64x128xf32, #tpu.memory_space<vmem>>) dst(%dma_wait3A_353 : memref<10000x128xf32, #tpu.memory_space<vmem_shared>>)
      } else {
      }
      %add3A_289 = arith.constant 1 : i32
      %add3A_290 = arith.addi %add3A_283, %add3A_289 : i32
      %mul3A_291 = arith.constant 64 : i32
      %mul3A_292 = arith.muli %add3A_290, %mul3A_291 : i32
      %add3A_293 = arith.addi %mul3A_24, %mul3A_292 : i32
      %run_scoped3A_294 = arith.constant 0 : i32
      "tpu.region"() ({
        %run_scoped3A_342 = tpu.sem_alloc : memref<!tpu.dma_semaphore, #tpu.memory_space<semaphore_mem>>
        %dma_start3A_343 = arith.constant 0 : i32
        %dma_start3A_344 = tpu.memref_slice %arg8[%run_scoped3A_294, %dma_start3A_343] : memref<3x64xi32, #tpu.memory_space<vmem>> -> memref<1x64xi32, #tpu.memory_space<vmem>>
        %dma_start3A_345 = tpu.memref_squeeze %dma_start3A_344 : memref<1x64xi32, #tpu.memory_space<vmem>> -> memref<64xi32, #tpu.memory_space<vmem>>
        %dma_start3A_346 = tpu.memref_slice %arg3[%add3A_293] : memref<320000xi32, #tpu.memory_space<hbm>> -> memref<64xi32, #tpu.memory_space<hbm>>
        %dma_start3A_347 = arith.constant 0 : i32
        %dma_start3A_348 = tpu.memref_slice %arg8[%run_scoped3A_294, %dma_start3A_347] : memref<3x64xi32, #tpu.memory_space<vmem>> -> memref<1x64xi32, #tpu.memory_space<vmem>>
        %dma_start3A_349 = tpu.memref_squeeze %dma_start3A_348 : memref<1x64xi32, #tpu.memory_space<vmem>> -> memref<64xi32, #tpu.memory_space<vmem>>
        %dma_start3A_350 = tpu.memref_slice %arg3[%add3A_293] : memref<320000xi32, #tpu.memory_space<hbm>> -> memref<64xi32, #tpu.memory_space<hbm>>
        tpu.enqueue_dma source(%dma_start3A_350 : memref<64xi32, #tpu.memory_space<hbm>>) target(%dma_start3A_349 : memref<64xi32, #tpu.memory_space<vmem>>) target_semaphore(%run_scoped3A_342 : memref<!tpu.dma_semaphore, #tpu.memory_space<semaphore_mem>>)
        %dma_wait3A_351 = arith.constant 0 : i32
        %dma_wait3A_352 = tpu.memref_slice %arg8[%run_scoped3A_294, %dma_wait3A_351] : memref<3x64xi32, #tpu.memory_space<vmem>> -> memref<1x64xi32, #tpu.memory_space<vmem>>
        %dma_wait3A_353 = tpu.memref_squeeze %dma_wait3A_352 : memref<1x64xi32, #tpu.memory_space<vmem>> -> memref<64xi32, #tpu.memory_space<vmem>>
        %dma_wait3A_354 = tpu.memref_slice %arg3[%add3A_293] : memref<320000xi32, #tpu.memory_space<hbm>> -> memref<64xi32, #tpu.memory_space<hbm>>
        %dma_wait3A_355 = arith.constant 0 : i32
        %dma_wait3A_356 = tpu.memref_slice %arg8[%run_scoped3A_294, %dma_wait3A_355] : memref<3x64xi32, #tpu.memory_space<vmem>> -> memref<1x64xi32, #tpu.memory_space<vmem>>
        %dma_wait3A_357 = tpu.memref_squeeze %dma_wait3A_356 : memref<1x64xi32, #tpu.memory_space<vmem>> -> memref<64xi32, #tpu.memory_space<vmem>>
        %dma_wait3A_358 = tpu.memref_slice %arg3[%add3A_293] : memref<320000xi32, #tpu.memory_space<hbm>> -> memref<64xi32, #tpu.memory_space<hbm>>
        tpu.wait_dma2 semaphore(%run_scoped3A_342 : memref<!tpu.dma_semaphore, #tpu.memory_space<semaphore_mem>>) src(%dma_wait3A_358 : memref<64xi32, #tpu.memory_space<hbm>>) dst(%dma_wait3A_357 : memref<64xi32, #tpu.memory_space<vmem>>)
        tpu.yield
      }) : () -> ()
      %mul3A_295 = arith.constant 8 : i32
      %mul3A_296 = arith.muli %add3A_290, %mul3A_295 : i32
      %add3A_297 = arith.addi %mul3A_26, %mul3A_296 : i32
      %dma_start3A_298 = arith.constant 0 : i32
      %dma_start3A_299 = arith.constant 0 : i32
      %dma_start3A_300 = arith.constant 0 : i32
      %dma_start3A_301 = tpu.memref_slice %arg6[%dma_start3A_298, %dma_start3A_299, %dma_start3A_300] : memref<3x8x128xf32, #tpu.memory_space<vmem>> -> memref<1x8x128xf32, #tpu.memory_space<vmem>>
      %dma_start3A_302 = tpu.memref_squeeze %dma_start3A_301 : memref<1x8x128xf32, #tpu.memory_space<vmem>> -> memref<8x128xf32, #tpu.memory_space<vmem>>
      %dma_start3A_303 = arith.constant 0 : i32
      %dma_start3A_304 = tpu.memref_slice %arg2[%add3A_297, %dma_start3A_303] : memref<40000x128xf32, #tpu.memory_space<hbm>> -> memref<8x128xf32, #tpu.memory_space<hbm>>
      %dma_start3A_305 = arith.constant 0 : i32
      %dma_start3A_306 = arith.constant 0 : i32
      %dma_start3A_307 = tpu.memref_slice %arg6[%dma_start3A_298, %dma_start3A_305, %dma_start3A_306] : memref<3x8x128xf32, #tpu.memory_space<vmem>> -> memref<1x8x128xf32, #tpu.memory_space<vmem>>
      %dma_start3A_308 = tpu.memref_squeeze %dma_start3A_307 : memref<1x8x128xf32, #tpu.memory_space<vmem>> -> memref<8x128xf32, #tpu.memory_space<vmem>>
      %dma_start3A_309 = arith.constant 0 : i32
      %dma_start3A_310 = tpu.memref_slice %arg2[%add3A_297, %dma_start3A_309] : memref<40000x128xf32, #tpu.memory_space<hbm>> -> memref<8x128xf32, #tpu.memory_space<hbm>>
      tpu.enqueue_dma source(%dma_start3A_310 : memref<8x128xf32, #tpu.memory_space<hbm>>) target(%dma_start3A_308 : memref<8x128xf32, #tpu.memory_space<vmem>>) target_semaphore(%arg10 : memref<!tpu.dma_semaphore, #tpu.memory_space<semaphore_mem>>)
      %dma_wait3A_311 = arith.constant 2 : i32
      %dma_wait3A_312 = arith.constant 0 : i32
      %dma_wait3A_313 = arith.constant 0 : i32
      %dma_wait3A_314 = tpu.memref_slice %arg6[%dma_wait3A_311, %dma_wait3A_312, %dma_wait3A_313] : memref<3x8x128xf32, #tpu.memory_space<vmem>> -> memref<1x8x128xf32, #tpu.memory_space<vmem>>
      %dma_wait3A_315 = tpu.memref_squeeze %dma_wait3A_314 : memref<1x8x128xf32, #tpu.memory_space<vmem>> -> memref<8x128xf32, #tpu.memory_space<vmem>>
      %dma_wait3A_316 = arith.constant 0 : i32
      %dma_wait3A_317 = tpu.memref_slice %arg2[%mul3A_26, %dma_wait3A_316] : memref<40000x128xf32, #tpu.memory_space<hbm>> -> memref<8x128xf32, #tpu.memory_space<hbm>>
      %dma_wait3A_318 = arith.constant 0 : i32
      %dma_wait3A_319 = arith.constant 0 : i32
      %dma_wait3A_320 = tpu.memref_slice %arg6[%dma_wait3A_311, %dma_wait3A_318, %dma_wait3A_319] : memref<3x8x128xf32, #tpu.memory_space<vmem>> -> memref<1x8x128xf32, #tpu.memory_space<vmem>>
      %dma_wait3A_321 = tpu.memref_squeeze %dma_wait3A_320 : memref<1x8x128xf32, #tpu.memory_space<vmem>> -> memref<8x128xf32, #tpu.memory_space<vmem>>
      %dma_wait3A_322 = arith.constant 0 : i32
      %dma_wait3A_323 = tpu.memref_slice %arg2[%mul3A_26, %dma_wait3A_322] : memref<40000x128xf32, #tpu.memory_space<hbm>> -> memref<8x128xf32, #tpu.memory_space<hbm>>
      tpu.wait_dma2 semaphore(%arg12 : memref<!tpu.dma_semaphore, #tpu.memory_space<semaphore_mem>>) src(%dma_wait3A_323 : memref<8x128xf32, #tpu.memory_space<hbm>>) dst(%dma_wait3A_321 : memref<8x128xf32, #tpu.memory_space<vmem>>)
      %scan3A_324 = arith.constant 0 : i32
      %scan3A_325 = arith.constant 0 : i32
      %scan3A_326 = arith.constant 8 : i32
      %scan3A_327 = arith.addi %scan3A_325, %scan3A_326 : i32
      %scan3A_328 = arith.constant 1 : i32
      scf.for %scan3A_342 = %scan3A_325 to %scan3A_327 step %scan3A_328  : i32 {
        %get3A = arith.constant 2 : i32
        %get3A_343 = arith.index_cast %get3A : i32 to index
        %get3A_344 = arith.index_cast %scan3A_342 : i32 to index
        %get3A_345 = arith.constant 0 : index
        %get3A_346 = tpu.vector_load %arg6[%get3A_343, %get3A_344, %get3A_345] {strides = array<i32>} : memref<3x8x128xf32, #tpu.memory_space<vmem>>, vector<1x1x16xf32>,
        %get3A_347 = vector.shape_cast %get3A_346 : vector<1x1x16xf32> to vector<16xf32>
        %mul3A_348 = arith.constant 8 : i32
        %mul3A_349 = arith.muli %mul3A_348, %scan3A_342 : i32
        %add3A_350 = arith.constant 0 : i32
        %add3A_351 = arith.addi %mul3A_349, %add3A_350 : i32
        %swap3A = arith.constant 2 : i32
        %swap3A_352 = arith.index_cast %swap3A : i32 to index
        %swap3A_353 = arith.index_cast %add3A_351 : i32 to index
        %swap3A_354 = arith.constant 0 : index
        %swap3A_355 = tpu.vector_load %arg7[%swap3A_352, %swap3A_353, %swap3A_354] {strides = array<i32>} : memref<3x64x128xf32, #tpu.memory_space<vmem>>, vector<1x1x16xf32>,
        %swap3A_356 = vector.shape_cast %swap3A_355 : vector<1x1x16xf32> to vector<16xf32>
        %swap3A_357 = vector.shape_cast %get3A_347 : vector<16xf32> to vector<1x1x16xf32>
        tpu.vector_store %arg7[%swap3A_352, %swap3A_353, %swap3A_354], %swap3A_357 {strides = array<i32>} : memref<3x64x128xf32, #tpu.memory_space<vmem>>, vector<1x1x16xf32>,
        %get3A_358 = arith.constant 2 : i32
        %get3A_359 = arith.index_cast %get3A_358 : i32 to index
        %get3A_360 = arith.index_cast %scan3A_342 : i32 to index
        %get3A_361 = arith.constant 16 : index
        %get3A_362 = tpu.vector_load %arg6[%get3A_359, %get3A_360, %get3A_361] {strides = array<i32>} : memref<3x8x128xf32, #tpu.memory_space<vmem>>, vector<1x1x16xf32>,
        %get3A_363 = vector.shape_cast %get3A_362 : vector<1x1x16xf32> to vector<16xf32>
        %mul3A_364 = arith.constant 8 : i32
        %mul3A_365 = arith.muli %mul3A_364, %scan3A_342 : i32
        %add3A_366 = arith.constant 1 : i32
        %add3A_367 = arith.addi %mul3A_365, %add3A_366 : i32
        %swap3A_368 = arith.constant 2 : i32
        %swap3A_369 = arith.index_cast %swap3A_368 : i32 to index
        %swap3A_370 = arith.index_cast %add3A_367 : i32 to index
        %swap3A_371 = arith.constant 0 : index
        %swap3A_372 = tpu.vector_load %arg7[%swap3A_369, %swap3A_370, %swap3A_371] {strides = array<i32>} : memref<3x64x128xf32, #tpu.memory_space<vmem>>, vector<1x1x16xf32>,
        %swap3A_373 = vector.shape_cast %swap3A_372 : vector<1x1x16xf32> to vector<16xf32>
        %swap3A_374 = vector.shape_cast %get3A_363 : vector<16xf32> to vector<1x1x16xf32>
        tpu.vector_store %arg7[%swap3A_369, %swap3A_370, %swap3A_371], %swap3A_374 {strides = array<i32>} : memref<3x64x128xf32, #tpu.memory_space<vmem>>, vector<1x1x16xf32>,
        %get3A_375 = arith.constant 2 : i32
        %get3A_376 = arith.index_cast %get3A_375 : i32 to index
        %get3A_377 = arith.index_cast %scan3A_342 : i32 to index
        %get3A_378 = arith.constant 32 : index
        %get3A_379 = tpu.vector_load %arg6[%get3A_376, %get3A_377, %get3A_378] {strides = array<i32>} : memref<3x8x128xf32, #tpu.memory_space<vmem>>, vector<1x1x16xf32>,
        %get3A_380 = vector.shape_cast %get3A_379 : vector<1x1x16xf32> to vector<16xf32>
        %mul3A_381 = arith.constant 8 : i32
        %mul3A_382 = arith.muli %mul3A_381, %scan3A_342 : i32
        %add3A_383 = arith.constant 2 : i32
        %add3A_384 = arith.addi %mul3A_382, %add3A_383 : i32
        %swap3A_385 = arith.constant 2 : i32
        %swap3A_386 = arith.index_cast %swap3A_385 : i32 to index
        %swap3A_387 = arith.index_cast %add3A_384 : i32 to index
        %swap3A_388 = arith.constant 0 : index
        %swap3A_389 = tpu.vector_load %arg7[%swap3A_386, %swap3A_387, %swap3A_388] {strides = array<i32>} : memref<3x64x128xf32, #tpu.memory_space<vmem>>, vector<1x1x16xf32>,
        %swap3A_390 = vector.shape_cast %swap3A_389 : vector<1x1x16xf32> to vector<16xf32>
        %swap3A_391 = vector.shape_cast %get3A_380 : vector<16xf32> to vector<1x1x16xf32>
        tpu.vector_store %arg7[%swap3A_386, %swap3A_387, %swap3A_388], %swap3A_391 {strides = array<i32>} : memref<3x64x128xf32, #tpu.memory_space<vmem>>, vector<1x1x16xf32>,
        %get3A_392 = arith.constant 2 : i32
        %get3A_393 = arith.index_cast %get3A_392 : i32 to index
        %get3A_394 = arith.index_cast %scan3A_342 : i32 to index
        %get3A_395 = arith.constant 48 : index
        %get3A_396 = tpu.vector_load %arg6[%get3A_393, %get3A_394, %get3A_395] {strides = array<i32>} : memref<3x8x128xf32, #tpu.memory_space<vmem>>, vector<1x1x16xf32>,
        %get3A_397 = vector.shape_cast %get3A_396 : vector<1x1x16xf32> to vector<16xf32>
        %mul3A_398 = arith.constant 8 : i32
        %mul3A_399 = arith.muli %mul3A_398, %scan3A_342 : i32
        %add3A_400 = arith.constant 3 : i32
        %add3A_401 = arith.addi %mul3A_399, %add3A_400 : i32
        %swap3A_402 = arith.constant 2 : i32
        %swap3A_403 = arith.index_cast %swap3A_402 : i32 to index
        %swap3A_404 = arith.index_cast %add3A_401 : i32 to index
        %swap3A_405 = arith.constant 0 : index
        %swap3A_406 = tpu.vector_load %arg7[%swap3A_403, %swap3A_404, %swap3A_405] {strides = array<i32>} : memref<3x64x128xf32, #tpu.memory_space<vmem>>, vector<1x1x16xf32>,
        %swap3A_407 = vector.shape_cast %swap3A_406 : vector<1x1x16xf32> to vector<16xf32>
        %swap3A_408 = vector.shape_cast %get3A_397 : vector<16xf32> to vector<1x1x16xf32>
        tpu.vector_store %arg7[%swap3A_403, %swap3A_404, %swap3A_405], %swap3A_408 {strides = array<i32>} : memref<3x64x128xf32, #tpu.memory_space<vmem>>, vector<1x1x16xf32>,
        %get3A_409 = arith.constant 2 : i32
        %get3A_410 = arith.index_cast %get3A_409 : i32 to index
        %get3A_411 = arith.index_cast %scan3A_342 : i32 to index
        %get3A_412 = arith.constant 64 : index
        %get3A_413 = tpu.vector_load %arg6[%get3A_410, %get3A_411, %get3A_412] {strides = array<i32>} : memref<3x8x128xf32, #tpu.memory_space<vmem>>, vector<1x1x16xf32>,
        %get3A_414 = vector.shape_cast %get3A_413 : vector<1x1x16xf32> to vector<16xf32>
        %mul3A_415 = arith.constant 8 : i32
        %mul3A_416 = arith.muli %mul3A_415, %scan3A_342 : i32
        %add3A_417 = arith.constant 4 : i32
        %add3A_418 = arith.addi %mul3A_416, %add3A_417 : i32
        %swap3A_419 = arith.constant 2 : i32
        %swap3A_420 = arith.index_cast %swap3A_419 : i32 to index
        %swap3A_421 = arith.index_cast %add3A_418 : i32 to index
        %swap3A_422 = arith.constant 0 : index
        %swap3A_423 = tpu.vector_load %arg7[%swap3A_420, %swap3A_421, %swap3A_422] {strides = array<i32>} : memref<3x64x128xf32, #tpu.memory_space<vmem>>, vector<1x1x16xf32>,
        %swap3A_424 = vector.shape_cast %swap3A_423 : vector<1x1x16xf32> to vector<16xf32>
        %swap3A_425 = vector.shape_cast %get3A_414 : vector<16xf32> to vector<1x1x16xf32>
        tpu.vector_store %arg7[%swap3A_420, %swap3A_421, %swap3A_422], %swap3A_425 {strides = array<i32>} : memref<3x64x128xf32, #tpu.memory_space<vmem>>, vector<1x1x16xf32>,
        %get3A_426 = arith.constant 2 : i32
        %get3A_427 = arith.index_cast %get3A_426 : i32 to index
        %get3A_428 = arith.index_cast %scan3A_342 : i32 to index
        %get3A_429 = arith.constant 80 : index
        %get3A_430 = tpu.vector_load %arg6[%get3A_427, %get3A_428, %get3A_429] {strides = array<i32>} : memref<3x8x128xf32, #tpu.memory_space<vmem>>, vector<1x1x16xf32>,
        %get3A_431 = vector.shape_cast %get3A_430 : vector<1x1x16xf32> to vector<16xf32>
        %mul3A_432 = arith.constant 8 : i32
        %mul3A_433 = arith.muli %mul3A_432, %scan3A_342 : i32
        %add3A_434 = arith.constant 5 : i32
        %add3A_435 = arith.addi %mul3A_433, %add3A_434 : i32
        %swap3A_436 = arith.constant 2 : i32
        %swap3A_437 = arith.index_cast %swap3A_436 : i32 to index
        %swap3A_438 = arith.index_cast %add3A_435 : i32 to index
        %swap3A_439 = arith.constant 0 : index
        %swap3A_440 = tpu.vector_load %arg7[%swap3A_437, %swap3A_438, %swap3A_439] {strides = array<i32>} : memref<3x64x128xf32, #tpu.memory_space<vmem>>, vector<1x1x16xf32>,
        %swap3A_441 = vector.shape_cast %swap3A_440 : vector<1x1x16xf32> to vector<16xf32>
        %swap3A_442 = vector.shape_cast %get3A_431 : vector<16xf32> to vector<1x1x16xf32>
        tpu.vector_store %arg7[%swap3A_437, %swap3A_438, %swap3A_439], %swap3A_442 {strides = array<i32>} : memref<3x64x128xf32, #tpu.memory_space<vmem>>, vector<1x1x16xf32>,
        %get3A_443 = arith.constant 2 : i32
        %get3A_444 = arith.index_cast %get3A_443 : i32 to index
        %get3A_445 = arith.index_cast %scan3A_342 : i32 to index
        %get3A_446 = arith.constant 96 : index
        %get3A_447 = tpu.vector_load %arg6[%get3A_444, %get3A_445, %get3A_446] {strides = array<i32>} : memref<3x8x128xf32, #tpu.memory_space<vmem>>, vector<1x1x16xf32>,
        %get3A_448 = vector.shape_cast %get3A_447 : vector<1x1x16xf32> to vector<16xf32>
        %mul3A_449 = arith.constant 8 : i32
        %mul3A_450 = arith.muli %mul3A_449, %scan3A_342 : i32
        %add3A_451 = arith.constant 6 : i32
        %add3A_452 = arith.addi %mul3A_450, %add3A_451 : i32
        %swap3A_453 = arith.constant 2 : i32
        %swap3A_454 = arith.index_cast %swap3A_453 : i32 to index
        %swap3A_455 = arith.index_cast %add3A_452 : i32 to index
        %swap3A_456 = arith.constant 0 : index
        %swap3A_457 = tpu.vector_load %arg7[%swap3A_454, %swap3A_455, %swap3A_456] {strides = array<i32>} : memref<3x64x128xf32, #tpu.memory_space<vmem>>, vector<1x1x16xf32>,
        %swap3A_458 = vector.shape_cast %swap3A_457 : vector<1x1x16xf32> to vector<16xf32>
        %swap3A_459 = vector.shape_cast %get3A_448 : vector<16xf32> to vector<1x1x16xf32>
        tpu.vector_store %arg7[%swap3A_454, %swap3A_455, %swap3A_456], %swap3A_459 {strides = array<i32>} : memref<3x64x128xf32, #tpu.memory_space<vmem>>, vector<1x1x16xf32>,
        %get3A_460 = arith.constant 2 : i32
        %get3A_461 = arith.index_cast %get3A_460 : i32 to index
        %get3A_462 = arith.index_cast %scan3A_342 : i32 to index
        %get3A_463 = arith.constant 112 : index
        %get3A_464 = tpu.vector_load %arg6[%get3A_461, %get3A_462, %get3A_463] {strides = array<i32>} : memref<3x8x128xf32, #tpu.memory_space<vmem>>, vector<1x1x16xf32>,
        %get3A_465 = vector.shape_cast %get3A_464 : vector<1x1x16xf32> to vector<16xf32>
        %mul3A_466 = arith.constant 8 : i32
        %mul3A_467 = arith.muli %mul3A_466, %scan3A_342 : i32
        %add3A_468 = arith.constant 7 : i32
        %add3A_469 = arith.addi %mul3A_467, %add3A_468 : i32
        %swap3A_470 = arith.constant 2 : i32
        %swap3A_471 = arith.index_cast %swap3A_470 : i32 to index
        %swap3A_472 = arith.index_cast %add3A_469 : i32 to index
        %swap3A_473 = arith.constant 0 : index
        %swap3A_474 = tpu.vector_load %arg7[%swap3A_471, %swap3A_472, %swap3A_473] {strides = array<i32>} : memref<3x64x128xf32, #tpu.memory_space<vmem>>, vector<1x1x16xf32>,
        %swap3A_475 = vector.shape_cast %swap3A_474 : vector<1x1x16xf32> to vector<16xf32>
        %swap3A_476 = vector.shape_cast %get3A_465 : vector<16xf32> to vector<1x1x16xf32>
        tpu.vector_store %arg7[%swap3A_471, %swap3A_472, %swap3A_473], %swap3A_476 {strides = array<i32>} : memref<3x64x128xf32, #tpu.memory_space<vmem>>, vector<1x1x16xf32>,
      }
      %scan3A_329 = arith.constant 8 : i32
      %dma_start3A_330 = arith.constant 2 : i32
      %dma_start3A_331 = arith.constant 2 : i32
      %dma_start3A_332 = arith.constant 0 : i32
      %dma_start3A_333 = arith.constant 0 : i32
      %dma_start3A_334 = tpu.memref_slice %arg7[%dma_start3A_330, %dma_start3A_332, %dma_start3A_333] : memref<3x64x128xf32, #tpu.memory_space<vmem>> -> memref<1x64x128xf32, #tpu.memory_space<vmem>>
      %dma_start3A_335 = tpu.memref_squeeze %dma_start3A_334 : memref<1x64x128xf32, #tpu.memory_space<vmem>> -> memref<64x128xf32, #tpu.memory_space<vmem>>
      %dma_start3A_336 = arith.constant 0 : i32
      %dma_start3A_337 = tpu.memref_slice %arg8[%dma_start3A_331, %dma_start3A_336] : memref<3x64xi32, #tpu.memory_space<vmem>> -> memref<1x64xi32, #tpu.memory_space<vmem>>
      %dma_start3A_338 = tpu.memref_squeeze %dma_start3A_337 : memref<1x64xi32, #tpu.memory_space<vmem>> -> memref<64xi32, #tpu.memory_space<vmem>>
      %dma_start3A_339 = arith.constant 0 : i32
      %dma_start3A_340 = arith.constant 0 : i32
      %dma_start3A_341 = tpu.memref_slice %arg5[%dma_start3A_339, %dma_start3A_340] : memref<10000x128xf32, #tpu.memory_space<vmem_shared>> -> memref<10000x128xf32, #tpu.memory_space<vmem_shared>>
      tpu.enqueue_indirect_dma source(%dma_start3A_335 : memref<64x128xf32, #tpu.memory_space<vmem>>) target(%dma_start3A_341 : memref<10000x128xf32, #tpu.memory_space<vmem_shared>>) offsets(%dma_start3A_338 : memref<64xi32, #tpu.memory_space<vmem>>) semaphore(%arg15 : memref<!tpu.dma_semaphore, #tpu.memory_space<semaphore_mem>>) {add = true}
    }
    %sub3A_77 = arith.constant 1 : i32
    %sub3A_78 = arith.subi %select_n3A_31, %sub3A_77 : i32
    %dma_wait3A = arith.constant 0 : i32
    %dma_wait3A_79 = arith.constant 0 : i32
    %dma_wait3A_80 = arith.constant 0 : i32
    %dma_wait3A_81 = tpu.memref_slice %arg6[%dma_wait3A, %dma_wait3A_79, %dma_wait3A_80] : memref<3x8x128xf32, #tpu.memory_space<vmem>> -> memref<1x8x128xf32, #tpu.memory_space<vmem>>
    %dma_wait3A_82 = tpu.memref_squeeze %dma_wait3A_81 : memref<1x8x128xf32, #tpu.memory_space<vmem>> -> memref<8x128xf32, #tpu.memory_space<vmem>>
    %dma_wait3A_83 = arith.constant 0 : i32
    %dma_wait3A_84 = tpu.memref_slice %arg2[%mul3A_26, %dma_wait3A_83] : memref<40000x128xf32, #tpu.memory_space<hbm>> -> memref<8x128xf32, #tpu.memory_space<hbm>>
    %dma_wait3A_85 = arith.constant 0 : i32
    %dma_wait3A_86 = arith.constant 0 : i32
    %dma_wait3A_87 = tpu.memref_slice %arg6[%dma_wait3A, %dma_wait3A_85, %dma_wait3A_86] : memref<3x8x128xf32, #tpu.memory_space<vmem>> -> memref<1x8x128xf32, #tpu.memory_space<vmem>>
    %dma_wait3A_88 = tpu.memref_squeeze %dma_wait3A_87 : memref<1x8x128xf32, #tpu.memory_space<vmem>> -> memref<8x128xf32, #tpu.memory_space<vmem>>
    %dma_wait3A_89 = arith.constant 0 : i32
    %dma_wait3A_90 = tpu.memref_slice %arg2[%mul3A_26, %dma_wait3A_89] : memref<40000x128xf32, #tpu.memory_space<hbm>> -> memref<8x128xf32, #tpu.memory_space<hbm>>
    tpu.wait_dma2 semaphore(%arg10 : memref<!tpu.dma_semaphore, #tpu.memory_space<semaphore_mem>>) src(%dma_wait3A_90 : memref<8x128xf32, #tpu.memory_space<hbm>>) dst(%dma_wait3A_88 : memref<8x128xf32, #tpu.memory_space<vmem>>)
    %scan3A_91 = arith.constant 0 : i32
    %scan3A_92 = arith.constant 0 : i32
    %scan3A_93 = arith.constant 8 : i32
    %scan3A_94 = arith.addi %scan3A_92, %scan3A_93 : i32
    %scan3A_95 = arith.constant 1 : i32
    scf.for %scan3A_156 = %scan3A_92 to %scan3A_94 step %scan3A_95  : i32 {
      %get3A = arith.constant 0 : i32
      %get3A_157 = arith.index_cast %get3A : i32 to index
      %get3A_158 = arith.index_cast %scan3A_156 : i32 to index
      %get3A_159 = arith.constant 0 : index
      %get3A_160 = tpu.vector_load %arg6[%get3A_157, %get3A_158, %get3A_159] {strides = array<i32>} : memref<3x8x128xf32, #tpu.memory_space<vmem>>, vector<1x1x16xf32>,
      %get3A_161 = vector.shape_cast %get3A_160 : vector<1x1x16xf32> to vector<16xf32>
      %mul3A_162 = arith.constant 8 : i32
      %mul3A_163 = arith.muli %mul3A_162, %scan3A_156 : i32
      %add3A_164 = arith.constant 0 : i32
      %add3A_165 = arith.addi %mul3A_163, %add3A_164 : i32
      %swap3A = arith.constant 0 : i32
      %swap3A_166 = arith.index_cast %swap3A : i32 to index
      %swap3A_167 = arith.index_cast %add3A_165 : i32 to index
      %swap3A_168 = arith.constant 0 : index
      %swap3A_169 = tpu.vector_load %arg7[%swap3A_166, %swap3A_167, %swap3A_168] {strides = array<i32>} : memref<3x64x128xf32, #tpu.memory_space<vmem>>, vector<1x1x16xf32>,
      %swap3A_170 = vector.shape_cast %swap3A_169 : vector<1x1x16xf32> to vector<16xf32>
      %swap3A_171 = vector.shape_cast %get3A_161 : vector<16xf32> to vector<1x1x16xf32>
      tpu.vector_store %arg7[%swap3A_166, %swap3A_167, %swap3A_168], %swap3A_171 {strides = array<i32>} : memref<3x64x128xf32, #tpu.memory_space<vmem>>, vector<1x1x16xf32>,
      %get3A_172 = arith.constant 0 : i32
      %get3A_173 = arith.index_cast %get3A_172 : i32 to index
      %get3A_174 = arith.index_cast %scan3A_156 : i32 to index
      %get3A_175 = arith.constant 16 : index
      %get3A_176 = tpu.vector_load %arg6[%get3A_173, %get3A_174, %get3A_175] {strides = array<i32>} : memref<3x8x128xf32, #tpu.memory_space<vmem>>, vector<1x1x16xf32>,
      %get3A_177 = vector.shape_cast %get3A_176 : vector<1x1x16xf32> to vector<16xf32>
      %mul3A_178 = arith.constant 8 : i32
      %mul3A_179 = arith.muli %mul3A_178, %scan3A_156 : i32
      %add3A_180 = arith.constant 1 : i32
      %add3A_181 = arith.addi %mul3A_179, %add3A_180 : i32
      %swap3A_182 = arith.constant 0 : i32
      %swap3A_183 = arith.index_cast %swap3A_182 : i32 to index
      %swap3A_184 = arith.index_cast %add3A_181 : i32 to index
      %swap3A_185 = arith.constant 0 : index
      %swap3A_186 = tpu.vector_load %arg7[%swap3A_183, %swap3A_184, %swap3A_185] {strides = array<i32>} : memref<3x64x128xf32, #tpu.memory_space<vmem>>, vector<1x1x16xf32>,
      %swap3A_187 = vector.shape_cast %swap3A_186 : vector<1x1x16xf32> to vector<16xf32>
      %swap3A_188 = vector.shape_cast %get3A_177 : vector<16xf32> to vector<1x1x16xf32>
      tpu.vector_store %arg7[%swap3A_183, %swap3A_184, %swap3A_185], %swap3A_188 {strides = array<i32>} : memref<3x64x128xf32, #tpu.memory_space<vmem>>, vector<1x1x16xf32>,
      %get3A_189 = arith.constant 0 : i32
      %get3A_190 = arith.index_cast %get3A_189 : i32 to index
      %get3A_191 = arith.index_cast %scan3A_156 : i32 to index
      %get3A_192 = arith.constant 32 : index
      %get3A_193 = tpu.vector_load %arg6[%get3A_190, %get3A_191, %get3A_192] {strides = array<i32>} : memref<3x8x128xf32, #tpu.memory_space<vmem>>, vector<1x1x16xf32>,
      %get3A_194 = vector.shape_cast %get3A_193 : vector<1x1x16xf32> to vector<16xf32>
      %mul3A_195 = arith.constant 8 : i32
      %mul3A_196 = arith.muli %mul3A_195, %scan3A_156 : i32
      %add3A_197 = arith.constant 2 : i32
      %add3A_198 = arith.addi %mul3A_196, %add3A_197 : i32
      %swap3A_199 = arith.constant 0 : i32
      %swap3A_200 = arith.index_cast %swap3A_199 : i32 to index
      %swap3A_201 = arith.index_cast %add3A_198 : i32 to index
      %swap3A_202 = arith.constant 0 : index
      %swap3A_203 = tpu.vector_load %arg7[%swap3A_200, %swap3A_201, %swap3A_202] {strides = array<i32>} : memref<3x64x128xf32, #tpu.memory_space<vmem>>, vector<1x1x16xf32>,
      %swap3A_204 = vector.shape_cast %swap3A_203 : vector<1x1x16xf32> to vector<16xf32>
      %swap3A_205 = vector.shape_cast %get3A_194 : vector<16xf32> to vector<1x1x16xf32>
      tpu.vector_store %arg7[%swap3A_200, %swap3A_201, %swap3A_202], %swap3A_205 {strides = array<i32>} : memref<3x64x128xf32, #tpu.memory_space<vmem>>, vector<1x1x16xf32>,
      %get3A_206 = arith.constant 0 : i32
      %get3A_207 = arith.index_cast %get3A_206 : i32 to index
      %get3A_208 = arith.index_cast %scan3A_156 : i32 to index
      %get3A_209 = arith.constant 48 : index
      %get3A_210 = tpu.vector_load %arg6[%get3A_207, %get3A_208, %get3A_209] {strides = array<i32>} : memref<3x8x128xf32, #tpu.memory_space<vmem>>, vector<1x1x16xf32>,
      %get3A_211 = vector.shape_cast %get3A_210 : vector<1x1x16xf32> to vector<16xf32>
      %mul3A_212 = arith.constant 8 : i32
      %mul3A_213 = arith.muli %mul3A_212, %scan3A_156 : i32
      %add3A_214 = arith.constant 3 : i32
      %add3A_215 = arith.addi %mul3A_213, %add3A_214 : i32
      %swap3A_216 = arith.constant 0 : i32
      %swap3A_217 = arith.index_cast %swap3A_216 : i32 to index
      %swap3A_218 = arith.index_cast %add3A_215 : i32 to index
      %swap3A_219 = arith.constant 0 : index
      %swap3A_220 = tpu.vector_load %arg7[%swap3A_217, %swap3A_218, %swap3A_219] {strides = array<i32>} : memref<3x64x128xf32, #tpu.memory_space<vmem>>, vector<1x1x16xf32>,
      %swap3A_221 = vector.shape_cast %swap3A_220 : vector<1x1x16xf32> to vector<16xf32>
      %swap3A_222 = vector.shape_cast %get3A_211 : vector<16xf32> to vector<1x1x16xf32>
      tpu.vector_store %arg7[%swap3A_217, %swap3A_218, %swap3A_219], %swap3A_222 {strides = array<i32>} : memref<3x64x128xf32, #tpu.memory_space<vmem>>, vector<1x1x16xf32>,
      %get3A_223 = arith.constant 0 : i32
      %get3A_224 = arith.index_cast %get3A_223 : i32 to index
      %get3A_225 = arith.index_cast %scan3A_156 : i32 to index
      %get3A_226 = arith.constant 64 : index
      %get3A_227 = tpu.vector_load %arg6[%get3A_224, %get3A_225, %get3A_226] {strides = array<i32>} : memref<3x8x128xf32, #tpu.memory_space<vmem>>, vector<1x1x16xf32>,
      %get3A_228 = vector.shape_cast %get3A_227 : vector<1x1x16xf32> to vector<16xf32>
      %mul3A_229 = arith.constant 8 : i32
      %mul3A_230 = arith.muli %mul3A_229, %scan3A_156 : i32
      %add3A_231 = arith.constant 4 : i32
      %add3A_232 = arith.addi %mul3A_230, %add3A_231 : i32
      %swap3A_233 = arith.constant 0 : i32
      %swap3A_234 = arith.index_cast %swap3A_233 : i32 to index
      %swap3A_235 = arith.index_cast %add3A_232 : i32 to index
      %swap3A_236 = arith.constant 0 : index
      %swap3A_237 = tpu.vector_load %arg7[%swap3A_234, %swap3A_235, %swap3A_236] {strides = array<i32>} : memref<3x64x128xf32, #tpu.memory_space<vmem>>, vector<1x1x16xf32>,
      %swap3A_238 = vector.shape_cast %swap3A_237 : vector<1x1x16xf32> to vector<16xf32>
      %swap3A_239 = vector.shape_cast %get3A_228 : vector<16xf32> to vector<1x1x16xf32>
      tpu.vector_store %arg7[%swap3A_234, %swap3A_235, %swap3A_236], %swap3A_239 {strides = array<i32>} : memref<3x64x128xf32, #tpu.memory_space<vmem>>, vector<1x1x16xf32>,
      %get3A_240 = arith.constant 0 : i32
      %get3A_241 = arith.index_cast %get3A_240 : i32 to index
      %get3A_242 = arith.index_cast %scan3A_156 : i32 to index
      %get3A_243 = arith.constant 80 : index
      %get3A_244 = tpu.vector_load %arg6[%get3A_241, %get3A_242, %get3A_243] {strides = array<i32>} : memref<3x8x128xf32, #tpu.memory_space<vmem>>, vector<1x1x16xf32>,
      %get3A_245 = vector.shape_cast %get3A_244 : vector<1x1x16xf32> to vector<16xf32>
      %mul3A_246 = arith.constant 8 : i32
      %mul3A_247 = arith.muli %mul3A_246, %scan3A_156 : i32
      %add3A_248 = arith.constant 5 : i32
      %add3A_249 = arith.addi %mul3A_247, %add3A_248 : i32
      %swap3A_250 = arith.constant 0 : i32
      %swap3A_251 = arith.index_cast %swap3A_250 : i32 to index
      %swap3A_252 = arith.index_cast %add3A_249 : i32 to index
      %swap3A_253 = arith.constant 0 : index
      %swap3A_254 = tpu.vector_load %arg7[%swap3A_251, %swap3A_252, %swap3A_253] {strides = array<i32>} : memref<3x64x128xf32, #tpu.memory_space<vmem>>, vector<1x1x16xf32>,
      %swap3A_255 = vector.shape_cast %swap3A_254 : vector<1x1x16xf32> to vector<16xf32>
      %swap3A_256 = vector.shape_cast %get3A_245 : vector<16xf32> to vector<1x1x16xf32>
      tpu.vector_store %arg7[%swap3A_251, %swap3A_252, %swap3A_253], %swap3A_256 {strides = array<i32>} : memref<3x64x128xf32, #tpu.memory_space<vmem>>, vector<1x1x16xf32>,
      %get3A_257 = arith.constant 0 : i32
      %get3A_258 = arith.index_cast %get3A_257 : i32 to index
      %get3A_259 = arith.index_cast %scan3A_156 : i32 to index
      %get3A_260 = arith.constant 96 : index
      %get3A_261 = tpu.vector_load %arg6[%get3A_258, %get3A_259, %get3A_260] {strides = array<i32>} : memref<3x8x128xf32, #tpu.memory_space<vmem>>, vector<1x1x16xf32>,
      %get3A_262 = vector.shape_cast %get3A_261 : vector<1x1x16xf32> to vector<16xf32>
      %mul3A_263 = arith.constant 8 : i32
      %mul3A_264 = arith.muli %mul3A_263, %scan3A_156 : i32
      %add3A_265 = arith.constant 6 : i32
      %add3A_266 = arith.addi %mul3A_264, %add3A_265 : i32
      %swap3A_267 = arith.constant 0 : i32
      %swap3A_268 = arith.index_cast %swap3A_267 : i32 to index
      %swap3A_269 = arith.index_cast %add3A_266 : i32 to index
      %swap3A_270 = arith.constant 0 : index
      %swap3A_271 = tpu.vector_load %arg7[%swap3A_268, %swap3A_269, %swap3A_270] {strides = array<i32>} : memref<3x64x128xf32, #tpu.memory_space<vmem>>, vector<1x1x16xf32>,
      %swap3A_272 = vector.shape_cast %swap3A_271 : vector<1x1x16xf32> to vector<16xf32>
      %swap3A_273 = vector.shape_cast %get3A_262 : vector<16xf32> to vector<1x1x16xf32>
      tpu.vector_store %arg7[%swap3A_268, %swap3A_269, %swap3A_270], %swap3A_273 {strides = array<i32>} : memref<3x64x128xf32, #tpu.memory_space<vmem>>, vector<1x1x16xf32>,
      %get3A_274 = arith.constant 0 : i32
      %get3A_275 = arith.index_cast %get3A_274 : i32 to index
      %get3A_276 = arith.index_cast %scan3A_156 : i32 to index
      %get3A_277 = arith.constant 112 : index
      %get3A_278 = tpu.vector_load %arg6[%get3A_275, %get3A_276, %get3A_277] {strides = array<i32>} : memref<3x8x128xf32, #tpu.memory_space<vmem>>, vector<1x1x16xf32>,
      %get3A_279 = vector.shape_cast %get3A_278 : vector<1x1x16xf32> to vector<16xf32>
      %mul3A_280 = arith.constant 8 : i32
      %mul3A_281 = arith.muli %mul3A_280, %scan3A_156 : i32
      %add3A_282 = arith.constant 7 : i32
      %add3A_283 = arith.addi %mul3A_281, %add3A_282 : i32
      %swap3A_284 = arith.constant 0 : i32
      %swap3A_285 = arith.index_cast %swap3A_284 : i32 to index
      %swap3A_286 = arith.index_cast %add3A_283 : i32 to index
      %swap3A_287 = arith.constant 0 : index
      %swap3A_288 = tpu.vector_load %arg7[%swap3A_285, %swap3A_286, %swap3A_287] {strides = array<i32>} : memref<3x64x128xf32, #tpu.memory_space<vmem>>, vector<1x1x16xf32>,
      %swap3A_289 = vector.shape_cast %swap3A_288 : vector<1x1x16xf32> to vector<16xf32>
      %swap3A_290 = vector.shape_cast %get3A_279 : vector<16xf32> to vector<1x1x16xf32>
      tpu.vector_store %arg7[%swap3A_285, %swap3A_286, %swap3A_287], %swap3A_290 {strides = array<i32>} : memref<3x64x128xf32, #tpu.memory_space<vmem>>, vector<1x1x16xf32>,
    }
    %scan3A_96 = arith.constant 8 : i32
    %dma_start3A_97 = arith.constant 0 : i32
    %dma_start3A_98 = arith.constant 0 : i32
    %dma_start3A_99 = arith.constant 0 : i32
    %dma_start3A_100 = arith.constant 0 : i32
    %dma_start3A_101 = tpu.memref_slice %arg7[%dma_start3A_97, %dma_start3A_99, %dma_start3A_100] : memref<3x64x128xf32, #tpu.memory_space<vmem>> -> memref<1x64x128xf32, #tpu.memory_space<vmem>>
    %dma_start3A_102 = tpu.memref_squeeze %dma_start3A_101 : memref<1x64x128xf32, #tpu.memory_space<vmem>> -> memref<64x128xf32, #tpu.memory_space<vmem>>
    %dma_start3A_103 = arith.constant 0 : i32
    %dma_start3A_104 = tpu.memref_slice %arg8[%dma_start3A_98, %dma_start3A_103] : memref<3x64xi32, #tpu.memory_space<vmem>> -> memref<1x64xi32, #tpu.memory_space<vmem>>
    %dma_start3A_105 = tpu.memref_squeeze %dma_start3A_104 : memref<1x64xi32, #tpu.memory_space<vmem>> -> memref<64xi32, #tpu.memory_space<vmem>>
    %dma_start3A_106 = arith.constant 0 : i32
    %dma_start3A_107 = arith.constant 0 : i32
    %dma_start3A_108 = tpu.memref_slice %arg5[%dma_start3A_106, %dma_start3A_107] : memref<10000x128xf32, #tpu.memory_space<vmem_shared>> -> memref<10000x128xf32, #tpu.memory_space<vmem_shared>>
    tpu.enqueue_indirect_dma source(%dma_start3A_102 : memref<64x128xf32, #tpu.memory_space<vmem>>) target(%dma_start3A_108 : memref<10000x128xf32, #tpu.memory_space<vmem_shared>>) offsets(%dma_start3A_105 : memref<64xi32, #tpu.memory_space<vmem>>) semaphore(%arg13 : memref<!tpu.dma_semaphore, #tpu.memory_space<semaphore_mem>>) {add = true}
    %dma_wait3A_109 = arith.constant 1 : i32
    %dma_wait3A_110 = arith.constant 1 : i32
    %dma_wait3A_111 = arith.constant 0 : i32
    %dma_wait3A_112 = arith.constant 0 : i32
    %dma_wait3A_113 = tpu.memref_slice %arg7[%dma_wait3A_109, %dma_wait3A_111, %dma_wait3A_112] : memref<3x64x128xf32, #tpu.memory_space<vmem>> -> memref<1x64x128xf32, #tpu.memory_space<vmem>>
    %dma_wait3A_114 = tpu.memref_squeeze %dma_wait3A_113 : memref<1x64x128xf32, #tpu.memory_space<vmem>> -> memref<64x128xf32, #tpu.memory_space<vmem>>
    %dma_wait3A_115 = arith.constant 0 : i32
    %dma_wait3A_116 = tpu.memref_slice %arg8[%dma_wait3A_110, %dma_wait3A_115] : memref<3x64xi32, #tpu.memory_space<vmem>> -> memref<1x64xi32, #tpu.memory_space<vmem>>
    %dma_wait3A_117 = tpu.memref_squeeze %dma_wait3A_116 : memref<1x64xi32, #tpu.memory_space<vmem>> -> memref<64xi32, #tpu.memory_space<vmem>>
    %dma_wait3A_118 = arith.constant 0 : i32
    %dma_wait3A_119 = arith.constant 0 : i32
    %dma_wait3A_120 = tpu.memref_slice %arg5[%dma_wait3A_118, %dma_wait3A_119] : memref<10000x128xf32, #tpu.memory_space<vmem_shared>> -> memref<10000x128xf32, #tpu.memory_space<vmem_shared>>
    tpu.wait_indirect_dma semaphore(%arg14 : memref<!tpu.dma_semaphore, #tpu.memory_space<semaphore_mem>>) src(%dma_wait3A_114 : memref<64x128xf32, #tpu.memory_space<vmem>>) dst(%dma_wait3A_120 : memref<10000x128xf32, #tpu.memory_space<vmem_shared>>)
    %dma_wait3A_121 = arith.constant 2 : i32
    %dma_wait3A_122 = arith.constant 2 : i32
    %dma_wait3A_123 = arith.constant 0 : i32
    %dma_wait3A_124 = arith.constant 0 : i32
    %dma_wait3A_125 = tpu.memref_slice %arg7[%dma_wait3A_121, %dma_wait3A_123, %dma_wait3A_124] : memref<3x64x128xf32, #tpu.memory_space<vmem>> -> memref<1x64x128xf32, #tpu.memory_space<vmem>>
    %dma_wait3A_126 = tpu.memref_squeeze %dma_wait3A_125 : memref<1x64x128xf32, #tpu.memory_space<vmem>> -> memref<64x128xf32, #tpu.memory_space<vmem>>
    %dma_wait3A_127 = arith.constant 0 : i32
    %dma_wait3A_128 = tpu.memref_slice %arg8[%dma_wait3A_122, %dma_wait3A_127] : memref<3x64xi32, #tpu.memory_space<vmem>> -> memref<1x64xi32, #tpu.memory_space<vmem>>
    %dma_wait3A_129 = tpu.memref_squeeze %dma_wait3A_128 : memref<1x64xi32, #tpu.memory_space<vmem>> -> memref<64xi32, #tpu.memory_space<vmem>>
    %dma_wait3A_130 = arith.constant 0 : i32
    %dma_wait3A_131 = arith.constant 0 : i32
    %dma_wait3A_132 = tpu.memref_slice %arg5[%dma_wait3A_130, %dma_wait3A_131] : memref<10000x128xf32, #tpu.memory_space<vmem_shared>> -> memref<10000x128xf32, #tpu.memory_space<vmem_shared>>
    tpu.wait_indirect_dma semaphore(%arg15 : memref<!tpu.dma_semaphore, #tpu.memory_space<semaphore_mem>>) src(%dma_wait3A_126 : memref<64x128xf32, #tpu.memory_space<vmem>>) dst(%dma_wait3A_132 : memref<10000x128xf32, #tpu.memory_space<vmem_shared>>)
    %dma_wait3A_133 = arith.constant 0 : i32
    %dma_wait3A_134 = arith.constant 0 : i32
    %dma_wait3A_135 = arith.constant 0 : i32
    %dma_wait3A_136 = arith.constant 0 : i32
    %dma_wait3A_137 = tpu.memref_slice %arg7[%dma_wait3A_133, %dma_wait3A_135, %dma_wait3A_136] : memref<3x64x128xf32, #tpu.memory_space<vmem>> -> memref<1x64x128xf32, #tpu.memory_space<vmem>>
    %dma_wait3A_138 = tpu.memref_squeeze %dma_wait3A_137 : memref<1x64x128xf32, #tpu.memory_space<vmem>> -> memref<64x128xf32, #tpu.memory_space<vmem>>
    %dma_wait3A_139 = arith.constant 0 : i32
    %dma_wait3A_140 = tpu.memref_slice %arg8[%dma_wait3A_134, %dma_wait3A_139] : memref<3x64xi32, #tpu.memory_space<vmem>> -> memref<1x64xi32, #tpu.memory_space<vmem>>
    %dma_wait3A_141 = tpu.memref_squeeze %dma_wait3A_140 : memref<1x64xi32, #tpu.memory_space<vmem>> -> memref<64xi32, #tpu.memory_space<vmem>>
    %dma_wait3A_142 = arith.constant 0 : i32
    %dma_wait3A_143 = arith.constant 0 : i32
    %dma_wait3A_144 = tpu.memref_slice %arg5[%dma_wait3A_142, %dma_wait3A_143] : memref<10000x128xf32, #tpu.memory_space<vmem_shared>> -> memref<10000x128xf32, #tpu.memory_space<vmem_shared>>
    tpu.wait_indirect_dma semaphore(%arg13 : memref<!tpu.dma_semaphore, #tpu.memory_space<semaphore_mem>>) src(%dma_wait3A_138 : memref<64x128xf32, #tpu.memory_space<vmem>>) dst(%dma_wait3A_144 : memref<10000x128xf32, #tpu.memory_space<vmem_shared>>)
    %barrier3A_145 = arith.constant 0 : index
    tpu.barrier barrier_id(%barrier3A_145)
    %lt3A_146 = arith.constant 15 : i32
    %lt3A_147 = arith.cmpi slt, %arg1, %lt3A_146 : i32
    %convert_element_type3A_148 = arith.extui %lt3A_147 : i1 to i32
    %cond3A_149 = arith.constant 0 : i32
    %cond3A_150 = arith.cmpi ne, %convert_element_type3A_148, %cond3A_149 : i32
    scf.if %cond3A_150 {
      %mul3A_156 = arith.constant 640 : i32
      %mul3A_157 = arith.muli %arg1, %mul3A_156 : i32
      %mul3A_158 = arith.constant 640 : i32
      %mul3A_159 = arith.muli %arg1, %mul3A_158 : i32
      "tpu.region"() ({
        %run_scoped3A_160 = tpu.sem_alloc : memref<!tpu.dma_semaphore, #tpu.memory_space<semaphore_mem>>
        %dma_start3A_161 = arith.constant 0 : i32
        %dma_start3A_162 = tpu.memref_slice %arg4[%arg0, %mul3A_159, %dma_start3A_161] : memref<2x10000x128xf32, #tpu.memory_space<hbm>> -> memref<1x640x128xf32, #tpu.memory_space<hbm>>
        %dma_start3A_163 = tpu.memref_squeeze %dma_start3A_162 : memref<1x640x128xf32, #tpu.memory_space<hbm>> -> memref<640x128xf32, #tpu.memory_space<hbm>>
        %dma_start3A_164 = arith.constant 0 : i32
        %dma_start3A_165 = tpu.memref_slice %arg5[%mul3A_157, %dma_start3A_164] : memref<10000x128xf32, #tpu.memory_space<vmem_shared>> -> memref<640x128xf32, #tpu.memory_space<vmem_shared>>
        tpu.enqueue_dma source(%dma_start3A_165 : memref<640x128xf32, #tpu.memory_space<vmem_shared>>) target(%dma_start3A_163 : memref<640x128xf32, #tpu.memory_space<hbm>>) target_semaphore(%run_scoped3A_160 : memref<!tpu.dma_semaphore, #tpu.memory_space<semaphore_mem>>)
        %dma_wait3A_166 = arith.constant 0 : i32
        %dma_wait3A_167 = tpu.memref_slice %arg4[%arg0, %mul3A_159, %dma_wait3A_166] : memref<2x10000x128xf32, #tpu.memory_space<hbm>> -> memref<1x640x128xf32, #tpu.memory_space<hbm>>
        %dma_wait3A_168 = tpu.memref_squeeze %dma_wait3A_167 : memref<1x640x128xf32, #tpu.memory_space<hbm>> -> memref<640x128xf32, #tpu.memory_space<hbm>>
        %dma_wait3A_169 = arith.constant 0 : i32
        %dma_wait3A_170 = tpu.memref_slice %arg5[%mul3A_157, %dma_wait3A_169] : memref<10000x128xf32, #tpu.memory_space<vmem_shared>> -> memref<640x128xf32, #tpu.memory_space<vmem_shared>>
        tpu.wait_dma2 semaphore(%run_scoped3A_160 : memref<!tpu.dma_semaphore, #tpu.memory_space<semaphore_mem>>) src(%dma_wait3A_170 : memref<640x128xf32, #tpu.memory_space<vmem_shared>>) dst(%dma_wait3A_168 : memref<640x128xf32, #tpu.memory_space<hbm>>)
        tpu.yield
      }) : () -> ()
    } else {
    }
    %eq3A_151 = arith.constant 15 : i32
    %eq3A_152 = arith.cmpi eq, %arg1, %eq3A_151 : i32
    %convert_element_type3A_153 = arith.extui %eq3A_152 : i1 to i32
    %cond3A_154 = arith.constant 0 : i32
    %cond3A_155 = arith.cmpi ne, %convert_element_type3A_153, %cond3A_154 : i32
    scf.if %cond3A_155 {
      "tpu.region"() ({
        %run_scoped3A_156 = tpu.sem_alloc : memref<!tpu.dma_semaphore, #tpu.memory_space<semaphore_mem>>
        %dma_start3A_157 = arith.constant 9600 : i32
        %dma_start3A_158 = arith.constant 0 : i32
        %dma_start3A_159 = tpu.memref_slice %arg4[%arg0, %dma_start3A_157, %dma_start3A_158] : memref<2x10000x128xf32, #tpu.memory_space<hbm>> -> memref<1x400x128xf32, #tpu.memory_space<hbm>>
        %dma_start3A_160 = tpu.memref_squeeze %dma_start3A_159 : memref<1x400x128xf32, #tpu.memory_space<hbm>> -> memref<400x128xf32, #tpu.memory_space<hbm>>
        %dma_start3A_161 = arith.constant 9600 : i32
        %dma_start3A_162 = arith.constant 0 : i32
        %dma_start3A_163 = tpu.memref_slice %arg5[%dma_start3A_161, %dma_start3A_162] : memref<10000x128xf32, #tpu.memory_space<vmem_shared>> -> memref<400x128xf32, #tpu.memory_space<vmem_shared>>
        tpu.enqueue_dma source(%dma_start3A_163 : memref<400x128xf32, #tpu.memory_space<vmem_shared>>) target(%dma_start3A_160 : memref<400x128xf32, #tpu.memory_space<hbm>>) target_semaphore(%run_scoped3A_156 : memref<!tpu.dma_semaphore, #tpu.memory_space<semaphore_mem>>)
        %dma_wait3A_164 = arith.constant 9600 : i32
        %dma_wait3A_165 = arith.constant 0 : i32
        %dma_wait3A_166 = tpu.memref_slice %arg4[%arg0, %dma_wait3A_164, %dma_wait3A_165] : memref<2x10000x128xf32, #tpu.memory_space<hbm>> -> memref<1x400x128xf32, #tpu.memory_space<hbm>>
        %dma_wait3A_167 = tpu.memref_squeeze %dma_wait3A_166 : memref<1x400x128xf32, #tpu.memory_space<hbm>> -> memref<400x128xf32, #tpu.memory_space<hbm>>
        %dma_wait3A_168 = arith.constant 9600 : i32
        %dma_wait3A_169 = arith.constant 0 : i32
        %dma_wait3A_170 = tpu.memref_slice %arg5[%dma_wait3A_168, %dma_wait3A_169] : memref<10000x128xf32, #tpu.memory_space<vmem_shared>> -> memref<400x128xf32, #tpu.memory_space<vmem_shared>>
        tpu.wait_dma2 semaphore(%run_scoped3A_156 : memref<!tpu.dma_semaphore, #tpu.memory_space<semaphore_mem>>) src(%dma_wait3A_170 : memref<400x128xf32, #tpu.memory_space<vmem_shared>>) dst(%dma_wait3A_167 : memref<400x128xf32, #tpu.memory_space<hbm>>)
        tpu.yield
      }) : () -> ()
    } else {
    }
    return
  }
}

#map = affine_map<(d0, d1) -> (0, 0)>
#map1 = affine_map<(d0, d1) -> (0)>
module attributes {stable_mosaic.version = 14 : i64} {
  func.func @_sc_gather_body(%arg0: i32, %arg1: i32, %arg2: memref<10000x128xf32, #tpu.memory_space<hbm>>, %arg3: memref<320000xi32, #tpu.memory_space<hbm>>, %arg4: memref<320000xi32, #tpu.memory_space<hbm>>, %arg5: memref<320000x64xf32, #tpu.memory_space<hbm>>, %arg6: memref<10000x128xf32, #tpu.memory_space<vmem_shared>>, %arg7: memref<2x64xi32, #tpu.memory_space<vmem>>, %arg8: memref<2x64xi32, #tpu.memory_space<vmem>>, %arg9: memref<2x64x128xf32, #tpu.memory_space<vmem>>, %arg10: memref<2x64x128xf32, #tpu.memory_space<vmem>>, %arg11: memref<64x64xf32, #tpu.memory_space<vmem>>, %arg12: memref<!tpu.dma_semaphore, #tpu.memory_space<semaphore_mem>>, %arg13: memref<!tpu.dma_semaphore, #tpu.memory_space<semaphore_mem>>, %arg14: memref<!tpu.dma_semaphore, #tpu.memory_space<semaphore_mem>>) attributes {dimension_semantics = [#tpu.dimension_semantics<core_parallel>, #tpu.dimension_semantics<subcore_parallel>], iteration_bounds = array<i64: 2, 16>, scalar_prefetch = 0 : i64, scratch_operands = 9 : i64, tpu.core_type = #tpu.core_type<sc_vector_subcore>, window_params = [{transform_indices = #map}, {transform_indices = #map1}, {transform_indices = #map1}, {transform_indices = #map}]} {
    %mul3A = arith.constant 2 : i32
    %mul3A_0 = arith.muli %arg1, %mul3A : i32
    %add3A = arith.addi %mul3A_0, %arg0 : i32
    %lt3A = arith.constant 15 : i32
    %lt3A_1 = arith.cmpi slt, %arg1, %lt3A : i32
    %convert_element_type3A = arith.extui %lt3A_1 : i1 to i32
    %cond3A = arith.constant 0 : i32
    %cond3A_2 = arith.cmpi ne, %convert_element_type3A, %cond3A : i32
    scf.if %cond3A_2 {
      %mul3A_73 = arith.constant 640 : i32
      %mul3A_74 = arith.muli %arg1, %mul3A_73 : i32
      %mul3A_75 = arith.constant 640 : i32
      %mul3A_76 = arith.muli %arg1, %mul3A_75 : i32
      "tpu.region"() ({
        %run_scoped3A_77 = tpu.sem_alloc : memref<!tpu.dma_semaphore, #tpu.memory_space<semaphore_mem>>
        %dma_start3A_78 = arith.constant 0 : i32
        %dma_start3A_79 = tpu.memref_slice %arg6[%mul3A_76, %dma_start3A_78] : memref<10000x128xf32, #tpu.memory_space<vmem_shared>> -> memref<640x128xf32, #tpu.memory_space<vmem_shared>>
        %dma_start3A_80 = arith.constant 0 : i32
        %dma_start3A_81 = tpu.memref_slice %arg2[%mul3A_74, %dma_start3A_80] : memref<10000x128xf32, #tpu.memory_space<hbm>> -> memref<640x128xf32, #tpu.memory_space<hbm>>
        tpu.enqueue_dma source(%dma_start3A_81 : memref<640x128xf32, #tpu.memory_space<hbm>>) target(%dma_start3A_79 : memref<640x128xf32, #tpu.memory_space<vmem_shared>>) target_semaphore(%run_scoped3A_77 : memref<!tpu.dma_semaphore, #tpu.memory_space<semaphore_mem>>)
        %dma_wait3A_82 = arith.constant 0 : i32
        %dma_wait3A_83 = tpu.memref_slice %arg6[%mul3A_76, %dma_wait3A_82] : memref<10000x128xf32, #tpu.memory_space<vmem_shared>> -> memref<640x128xf32, #tpu.memory_space<vmem_shared>>
        %dma_wait3A_84 = arith.constant 0 : i32
        %dma_wait3A_85 = tpu.memref_slice %arg2[%mul3A_74, %dma_wait3A_84] : memref<10000x128xf32, #tpu.memory_space<hbm>> -> memref<640x128xf32, #tpu.memory_space<hbm>>
        tpu.wait_dma2 semaphore(%run_scoped3A_77 : memref<!tpu.dma_semaphore, #tpu.memory_space<semaphore_mem>>) src(%dma_wait3A_85 : memref<640x128xf32, #tpu.memory_space<hbm>>) dst(%dma_wait3A_83 : memref<640x128xf32, #tpu.memory_space<vmem_shared>>)
        tpu.yield
      }) : () -> ()
    } else {
    }
    %eq3A = arith.constant 15 : i32
    %eq3A_3 = arith.cmpi eq, %arg1, %eq3A : i32
    %convert_element_type3A_4 = arith.extui %eq3A_3 : i1 to i32
    %cond3A_5 = arith.constant 0 : i32
    %cond3A_6 = arith.cmpi ne, %convert_element_type3A_4, %cond3A_5 : i32
    scf.if %cond3A_6 {
      "tpu.region"() ({
        %run_scoped3A_73 = tpu.sem_alloc : memref<!tpu.dma_semaphore, #tpu.memory_space<semaphore_mem>>
        %dma_start3A_74 = arith.constant 9600 : i32
        %dma_start3A_75 = arith.constant 0 : i32
        %dma_start3A_76 = tpu.memref_slice %arg6[%dma_start3A_74, %dma_start3A_75] : memref<10000x128xf32, #tpu.memory_space<vmem_shared>> -> memref<400x128xf32, #tpu.memory_space<vmem_shared>>
        %dma_start3A_77 = arith.constant 9600 : i32
        %dma_start3A_78 = arith.constant 0 : i32
        %dma_start3A_79 = tpu.memref_slice %arg2[%dma_start3A_77, %dma_start3A_78] : memref<10000x128xf32, #tpu.memory_space<hbm>> -> memref<400x128xf32, #tpu.memory_space<hbm>>
        tpu.enqueue_dma source(%dma_start3A_79 : memref<400x128xf32, #tpu.memory_space<hbm>>) target(%dma_start3A_76 : memref<400x128xf32, #tpu.memory_space<vmem_shared>>) target_semaphore(%run_scoped3A_73 : memref<!tpu.dma_semaphore, #tpu.memory_space<semaphore_mem>>)
        %dma_wait3A_80 = arith.constant 9600 : i32
        %dma_wait3A_81 = arith.constant 0 : i32
        %dma_wait3A_82 = tpu.memref_slice %arg6[%dma_wait3A_80, %dma_wait3A_81] : memref<10000x128xf32, #tpu.memory_space<vmem_shared>> -> memref<400x128xf32, #tpu.memory_space<vmem_shared>>
        %dma_wait3A_83 = arith.constant 9600 : i32
        %dma_wait3A_84 = arith.constant 0 : i32
        %dma_wait3A_85 = tpu.memref_slice %arg2[%dma_wait3A_83, %dma_wait3A_84] : memref<10000x128xf32, #tpu.memory_space<hbm>> -> memref<400x128xf32, #tpu.memory_space<hbm>>
        tpu.wait_dma2 semaphore(%run_scoped3A_73 : memref<!tpu.dma_semaphore, #tpu.memory_space<semaphore_mem>>) src(%dma_wait3A_85 : memref<400x128xf32, #tpu.memory_space<hbm>>) dst(%dma_wait3A_82 : memref<400x128xf32, #tpu.memory_space<vmem_shared>>)
        tpu.yield
      }) : () -> ()
    } else {
    }
    %barrier3A = arith.constant 0 : index
    tpu.barrier barrier_id(%barrier3A)
    %mul3A_7 = arith.constant 10240 : i32
    %mul3A_8 = arith.muli %add3A, %mul3A_7 : i32
    %lt3A_9 = arith.constant 31 : i32
    %lt3A_10 = arith.cmpi slt, %add3A, %lt3A_9 : i32
    %jit3A = arith.constant 160 : i32
    %jit3A_11 = arith.constant 40 : i32
    %select_n3A = arith.select %lt3A_10, %jit3A, %jit3A_11 : i32
    %add3A_12 = arith.constant 0 : i32
    %add3A_13 = arith.addi %mul3A_8, %add3A_12 : i32
    %run_scoped3A = arith.constant 0 : i32
    "tpu.region"() ({
      %run_scoped3A_73 = tpu.sem_alloc : memref<!tpu.dma_semaphore, #tpu.memory_space<semaphore_mem>>
      %dma_start3A_74 = arith.constant 0 : i32
      %dma_start3A_75 = tpu.memref_slice %arg7[%run_scoped3A, %dma_start3A_74] : memref<2x64xi32, #tpu.memory_space<vmem>> -> memref<1x64xi32, #tpu.memory_space<vmem>>
      %dma_start3A_76 = tpu.memref_squeeze %dma_start3A_75 : memref<1x64xi32, #tpu.memory_space<vmem>> -> memref<64xi32, #tpu.memory_space<vmem>>
      %dma_start3A_77 = tpu.memref_slice %arg3[%add3A_13] : memref<320000xi32, #tpu.memory_space<hbm>> -> memref<64xi32, #tpu.memory_space<hbm>>
      %dma_start3A_78 = arith.constant 0 : i32
      %dma_start3A_79 = tpu.memref_slice %arg7[%run_scoped3A, %dma_start3A_78] : memref<2x64xi32, #tpu.memory_space<vmem>> -> memref<1x64xi32, #tpu.memory_space<vmem>>
      %dma_start3A_80 = tpu.memref_squeeze %dma_start3A_79 : memref<1x64xi32, #tpu.memory_space<vmem>> -> memref<64xi32, #tpu.memory_space<vmem>>
      %dma_start3A_81 = tpu.memref_slice %arg3[%add3A_13] : memref<320000xi32, #tpu.memory_space<hbm>> -> memref<64xi32, #tpu.memory_space<hbm>>
      tpu.enqueue_dma source(%dma_start3A_81 : memref<64xi32, #tpu.memory_space<hbm>>) target(%dma_start3A_80 : memref<64xi32, #tpu.memory_space<vmem>>) target_semaphore(%run_scoped3A_73 : memref<!tpu.dma_semaphore, #tpu.memory_space<semaphore_mem>>)
      %dma_wait3A_82 = arith.constant 0 : i32
      %dma_wait3A_83 = tpu.memref_slice %arg7[%run_scoped3A, %dma_wait3A_82] : memref<2x64xi32, #tpu.memory_space<vmem>> -> memref<1x64xi32, #tpu.memory_space<vmem>>
      %dma_wait3A_84 = tpu.memref_squeeze %dma_wait3A_83 : memref<1x64xi32, #tpu.memory_space<vmem>> -> memref<64xi32, #tpu.memory_space<vmem>>
      %dma_wait3A_85 = tpu.memref_slice %arg3[%add3A_13] : memref<320000xi32, #tpu.memory_space<hbm>> -> memref<64xi32, #tpu.memory_space<hbm>>
      %dma_wait3A_86 = arith.constant 0 : i32
      %dma_wait3A_87 = tpu.memref_slice %arg7[%run_scoped3A, %dma_wait3A_86] : memref<2x64xi32, #tpu.memory_space<vmem>> -> memref<1x64xi32, #tpu.memory_space<vmem>>
      %dma_wait3A_88 = tpu.memref_squeeze %dma_wait3A_87 : memref<1x64xi32, #tpu.memory_space<vmem>> -> memref<64xi32, #tpu.memory_space<vmem>>
      %dma_wait3A_89 = tpu.memref_slice %arg3[%add3A_13] : memref<320000xi32, #tpu.memory_space<hbm>> -> memref<64xi32, #tpu.memory_space<hbm>>
      tpu.wait_dma2 semaphore(%run_scoped3A_73 : memref<!tpu.dma_semaphore, #tpu.memory_space<semaphore_mem>>) src(%dma_wait3A_89 : memref<64xi32, #tpu.memory_space<hbm>>) dst(%dma_wait3A_88 : memref<64xi32, #tpu.memory_space<vmem>>)
      tpu.yield
    }) : () -> ()
    %run_scoped3A_14 = arith.constant 0 : i32
    "tpu.region"() ({
      %run_scoped3A_73 = tpu.sem_alloc : memref<!tpu.dma_semaphore, #tpu.memory_space<semaphore_mem>>
      %dma_start3A_74 = arith.constant 0 : i32
      %dma_start3A_75 = tpu.memref_slice %arg8[%run_scoped3A_14, %dma_start3A_74] : memref<2x64xi32, #tpu.memory_space<vmem>> -> memref<1x64xi32, #tpu.memory_space<vmem>>
      %dma_start3A_76 = tpu.memref_squeeze %dma_start3A_75 : memref<1x64xi32, #tpu.memory_space<vmem>> -> memref<64xi32, #tpu.memory_space<vmem>>
      %dma_start3A_77 = tpu.memref_slice %arg4[%add3A_13] : memref<320000xi32, #tpu.memory_space<hbm>> -> memref<64xi32, #tpu.memory_space<hbm>>
      %dma_start3A_78 = arith.constant 0 : i32
      %dma_start3A_79 = tpu.memref_slice %arg8[%run_scoped3A_14, %dma_start3A_78] : memref<2x64xi32, #tpu.memory_space<vmem>> -> memref<1x64xi32, #tpu.memory_space<vmem>>
      %dma_start3A_80 = tpu.memref_squeeze %dma_start3A_79 : memref<1x64xi32, #tpu.memory_space<vmem>> -> memref<64xi32, #tpu.memory_space<vmem>>
      %dma_start3A_81 = tpu.memref_slice %arg4[%add3A_13] : memref<320000xi32, #tpu.memory_space<hbm>> -> memref<64xi32, #tpu.memory_space<hbm>>
      tpu.enqueue_dma source(%dma_start3A_81 : memref<64xi32, #tpu.memory_space<hbm>>) target(%dma_start3A_80 : memref<64xi32, #tpu.memory_space<vmem>>) target_semaphore(%run_scoped3A_73 : memref<!tpu.dma_semaphore, #tpu.memory_space<semaphore_mem>>)
      %dma_wait3A_82 = arith.constant 0 : i32
      %dma_wait3A_83 = tpu.memref_slice %arg8[%run_scoped3A_14, %dma_wait3A_82] : memref<2x64xi32, #tpu.memory_space<vmem>> -> memref<1x64xi32, #tpu.memory_space<vmem>>
      %dma_wait3A_84 = tpu.memref_squeeze %dma_wait3A_83 : memref<1x64xi32, #tpu.memory_space<vmem>> -> memref<64xi32, #tpu.memory_space<vmem>>
      %dma_wait3A_85 = tpu.memref_slice %arg4[%add3A_13] : memref<320000xi32, #tpu.memory_space<hbm>> -> memref<64xi32, #tpu.memory_space<hbm>>
      %dma_wait3A_86 = arith.constant 0 : i32
      %dma_wait3A_87 = tpu.memref_slice %arg8[%run_scoped3A_14, %dma_wait3A_86] : memref<2x64xi32, #tpu.memory_space<vmem>> -> memref<1x64xi32, #tpu.memory_space<vmem>>
      %dma_wait3A_88 = tpu.memref_squeeze %dma_wait3A_87 : memref<1x64xi32, #tpu.memory_space<vmem>> -> memref<64xi32, #tpu.memory_space<vmem>>
      %dma_wait3A_89 = tpu.memref_slice %arg4[%add3A_13] : memref<320000xi32, #tpu.memory_space<hbm>> -> memref<64xi32, #tpu.memory_space<hbm>>
      tpu.wait_dma2 semaphore(%run_scoped3A_73 : memref<!tpu.dma_semaphore, #tpu.memory_space<semaphore_mem>>) src(%dma_wait3A_89 : memref<64xi32, #tpu.memory_space<hbm>>) dst(%dma_wait3A_88 : memref<64xi32, #tpu.memory_space<vmem>>)
      tpu.yield
    }) : () -> ()
    %dma_start3A = arith.constant 0 : i32
    %dma_start3A_15 = arith.constant 0 : i32
    %dma_start3A_16 = arith.constant 0 : i32
    %dma_start3A_17 = arith.constant 0 : i32
    %dma_start3A_18 = tpu.memref_slice %arg9[%dma_start3A_15, %dma_start3A_16, %dma_start3A_17] : memref<2x64x128xf32, #tpu.memory_space<vmem>> -> memref<1x64x128xf32, #tpu.memory_space<vmem>>
    %dma_start3A_19 = tpu.memref_squeeze %dma_start3A_18 : memref<1x64x128xf32, #tpu.memory_space<vmem>> -> memref<64x128xf32, #tpu.memory_space<vmem>>
    %dma_start3A_20 = arith.constant 0 : i32
    %dma_start3A_21 = tpu.memref_slice %arg7[%dma_start3A, %dma_start3A_20] : memref<2x64xi32, #tpu.memory_space<vmem>> -> memref<1x64xi32, #tpu.memory_space<vmem>>
    %dma_start3A_22 = tpu.memref_squeeze %dma_start3A_21 : memref<1x64xi32, #tpu.memory_space<vmem>> -> memref<64xi32, #tpu.memory_space<vmem>>
    %dma_start3A_23 = arith.constant 0 : i32
    %dma_start3A_24 = arith.constant 0 : i32
    %dma_start3A_25 = tpu.memref_slice %arg6[%dma_start3A_23, %dma_start3A_24] : memref<10000x128xf32, #tpu.memory_space<vmem_shared>> -> memref<10000x128xf32, #tpu.memory_space<vmem_shared>>
    tpu.enqueue_indirect_dma source(%dma_start3A_25 : memref<10000x128xf32, #tpu.memory_space<vmem_shared>>) target(%dma_start3A_19 : memref<64x128xf32, #tpu.memory_space<vmem>>) offsets(%dma_start3A_22 : memref<64xi32, #tpu.memory_space<vmem>>) semaphore(%arg12 : memref<!tpu.dma_semaphore, #tpu.memory_space<semaphore_mem>>)
    %dma_start3A_26 = arith.constant 0 : i32
    %dma_start3A_27 = arith.constant 0 : i32
    %dma_start3A_28 = arith.constant 0 : i32
    %dma_start3A_29 = arith.constant 0 : i32
    %dma_start3A_30 = tpu.memref_slice %arg10[%dma_start3A_27, %dma_start3A_28, %dma_start3A_29] : memref<2x64x128xf32, #tpu.memory_space<vmem>> -> memref<1x64x128xf32, #tpu.memory_space<vmem>>
    %dma_start3A_31 = tpu.memref_squeeze %dma_start3A_30 : memref<1x64x128xf32, #tpu.memory_space<vmem>> -> memref<64x128xf32, #tpu.memory_space<vmem>>
    %dma_start3A_32 = arith.constant 0 : i32
    %dma_start3A_33 = tpu.memref_slice %arg8[%dma_start3A_26, %dma_start3A_32] : memref<2x64xi32, #tpu.memory_space<vmem>> -> memref<1x64xi32, #tpu.memory_space<vmem>>
    %dma_start3A_34 = tpu.memref_squeeze %dma_start3A_33 : memref<1x64xi32, #tpu.memory_space<vmem>> -> memref<64xi32, #tpu.memory_space<vmem>>
    %dma_start3A_35 = arith.constant 0 : i32
    %dma_start3A_36 = arith.constant 0 : i32
    %dma_start3A_37 = tpu.memref_slice %arg6[%dma_start3A_35, %dma_start3A_36] : memref<10000x128xf32, #tpu.memory_space<vmem_shared>> -> memref<10000x128xf32, #tpu.memory_space<vmem_shared>>
    tpu.enqueue_indirect_dma source(%dma_start3A_37 : memref<10000x128xf32, #tpu.memory_space<vmem_shared>>) target(%dma_start3A_31 : memref<64x128xf32, #tpu.memory_space<vmem>>) offsets(%dma_start3A_34 : memref<64xi32, #tpu.memory_space<vmem>>) semaphore(%arg12 : memref<!tpu.dma_semaphore, #tpu.memory_space<semaphore_mem>>)
    %jit3A_38 = arith.constant 2 : i32
    %div3A = arith.divsi %select_n3A, %jit3A_38 : i32
    %sign3A = arith.constant 0 : i32
    %sign3A_39 = arith.cmpi sgt, %select_n3A, %sign3A : i32
    %sign3A_40 = arith.extui %sign3A_39 : i1 to i32
    %sign3A_41 = arith.constant 0 : i32
    %sign3A_42 = arith.cmpi slt, %select_n3A, %sign3A_41 : i32
    %sign3A_43 = arith.extui %sign3A_42 : i1 to i32
    %sign3A_44 = arith.subi %sign3A_40, %sign3A_43 : i32
    %sign3A_45 = arith.constant 0 : i32
    %sign3A_46 = arith.cmpi sgt, %jit3A_38, %sign3A_45 : i32
    %sign3A_47 = arith.extui %sign3A_46 : i1 to i32
    %sign3A_48 = arith.constant 0 : i32
    %sign3A_49 = arith.cmpi slt, %jit3A_38, %sign3A_48 : i32
    %sign3A_50 = arith.extui %sign3A_49 : i1 to i32
    %sign3A_51 = arith.subi %sign3A_47, %sign3A_50 : i32
    %ne3A = arith.cmpi ne, %sign3A_44, %sign3A_51 : i32
    %rem3A = arith.remsi %select_n3A, %jit3A_38 : i32
    %ne3A_52 = arith.constant 0 : i32
    %ne3A_53 = arith.cmpi ne, %rem3A, %ne3A_52 : i32
    %and3A = arith.andi %ne3A, %ne3A_53 : i1
    %sub3A = arith.constant 1 : i32
    %sub3A_54 = arith.subi %div3A, %sub3A : i32
    %select_n3A_55 = arith.select %and3A, %sub3A_54, %div3A : i32
    %while3A = arith.constant 0 : i32
    %while3A_56 = arith.constant 0 : i32
    %while3A_57 = arith.subi %select_n3A_55, %while3A_56 : i32
    %while3A_58 = arith.addi %while3A_56, %while3A_57 : i32
    %while3A_59 = arith.constant 1 : i32
    %while3A_60 = arith.divsi %while3A_57, %while3A_59 : i32
    %while3A_61 = arith.muli %while3A_60, %while3A_59 : i32
    %while3A_62 = arith.addi %while3A_56, %while3A_61 : i32
    %while3A_63 = arith.constant 1 : i32
    scf.for %while3A_73 = %while3A_56 to %while3A_62 step %while3A_63  : i32 {
      %mul3A_74 = arith.constant 2 : i32
      %mul3A_75 = arith.muli %mul3A_74, %while3A_73 : i32
      %add3A_76 = arith.constant 0 : i32
      %add3A_77 = arith.addi %mul3A_75, %add3A_76 : i32
      %add3A_78 = arith.constant 1 : i32
      %add3A_79 = arith.addi %add3A_77, %add3A_78 : i32
      %lt3A_80 = arith.cmpi slt, %add3A_79, %select_n3A : i32
      %convert_element_type3A_81 = arith.extui %lt3A_80 : i1 to i32
      %cond3A_82 = arith.constant 0 : i32
      %cond3A_83 = arith.cmpi ne, %convert_element_type3A_81, %cond3A_82 : i32
      scf.if %cond3A_83 {
        %add3A_176 = arith.constant 1 : i32
        %add3A_177 = arith.addi %add3A_77, %add3A_176 : i32
        %mul3A_178 = arith.constant 64 : i32
        %mul3A_179 = arith.muli %add3A_177, %mul3A_178 : i32
        %add3A_180 = arith.addi %mul3A_8, %mul3A_179 : i32
        %run_scoped3A_181 = arith.constant 1 : i32
        "tpu.region"() ({
          %run_scoped3A_207 = tpu.sem_alloc : memref<!tpu.dma_semaphore, #tpu.memory_space<semaphore_mem>>
          %dma_start3A_208 = arith.constant 0 : i32
          %dma_start3A_209 = tpu.memref_slice %arg7[%run_scoped3A_181, %dma_start3A_208] : memref<2x64xi32, #tpu.memory_space<vmem>> -> memref<1x64xi32, #tpu.memory_space<vmem>>
          %dma_start3A_210 = tpu.memref_squeeze %dma_start3A_209 : memref<1x64xi32, #tpu.memory_space<vmem>> -> memref<64xi32, #tpu.memory_space<vmem>>
          %dma_start3A_211 = tpu.memref_slice %arg3[%add3A_180] : memref<320000xi32, #tpu.memory_space<hbm>> -> memref<64xi32, #tpu.memory_space<hbm>>
          %dma_start3A_212 = arith.constant 0 : i32
          %dma_start3A_213 = tpu.memref_slice %arg7[%run_scoped3A_181, %dma_start3A_212] : memref<2x64xi32, #tpu.memory_space<vmem>> -> memref<1x64xi32, #tpu.memory_space<vmem>>
          %dma_start3A_214 = tpu.memref_squeeze %dma_start3A_213 : memref<1x64xi32, #tpu.memory_space<vmem>> -> memref<64xi32, #tpu.memory_space<vmem>>
          %dma_start3A_215 = tpu.memref_slice %arg3[%add3A_180] : memref<320000xi32, #tpu.memory_space<hbm>> -> memref<64xi32, #tpu.memory_space<hbm>>
          tpu.enqueue_dma source(%dma_start3A_215 : memref<64xi32, #tpu.memory_space<hbm>>) target(%dma_start3A_214 : memref<64xi32, #tpu.memory_space<vmem>>) target_semaphore(%run_scoped3A_207 : memref<!tpu.dma_semaphore, #tpu.memory_space<semaphore_mem>>)
          %dma_wait3A_216 = arith.constant 0 : i32
          %dma_wait3A_217 = tpu.memref_slice %arg7[%run_scoped3A_181, %dma_wait3A_216] : memref<2x64xi32, #tpu.memory_space<vmem>> -> memref<1x64xi32, #tpu.memory_space<vmem>>
          %dma_wait3A_218 = tpu.memref_squeeze %dma_wait3A_217 : memref<1x64xi32, #tpu.memory_space<vmem>> -> memref<64xi32, #tpu.memory_space<vmem>>
          %dma_wait3A_219 = tpu.memref_slice %arg3[%add3A_180] : memref<320000xi32, #tpu.memory_space<hbm>> -> memref<64xi32, #tpu.memory_space<hbm>>
          %dma_wait3A_220 = arith.constant 0 : i32
          %dma_wait3A_221 = tpu.memref_slice %arg7[%run_scoped3A_181, %dma_wait3A_220] : memref<2x64xi32, #tpu.memory_space<vmem>> -> memref<1x64xi32, #tpu.memory_space<vmem>>
          %dma_wait3A_222 = tpu.memref_squeeze %dma_wait3A_221 : memref<1x64xi32, #tpu.memory_space<vmem>> -> memref<64xi32, #tpu.memory_space<vmem>>
          %dma_wait3A_223 = tpu.memref_slice %arg3[%add3A_180] : memref<320000xi32, #tpu.memory_space<hbm>> -> memref<64xi32, #tpu.memory_space<hbm>>
          tpu.wait_dma2 semaphore(%run_scoped3A_207 : memref<!tpu.dma_semaphore, #tpu.memory_space<semaphore_mem>>) src(%dma_wait3A_223 : memref<64xi32, #tpu.memory_space<hbm>>) dst(%dma_wait3A_222 : memref<64xi32, #tpu.memory_space<vmem>>)
          tpu.yield
        }) : () -> ()
        %run_scoped3A_182 = arith.constant 1 : i32
        "tpu.region"() ({
          %run_scoped3A_207 = tpu.sem_alloc : memref<!tpu.dma_semaphore, #tpu.memory_space<semaphore_mem>>
          %dma_start3A_208 = arith.constant 0 : i32
          %dma_start3A_209 = tpu.memref_slice %arg8[%run_scoped3A_182, %dma_start3A_208] : memref<2x64xi32, #tpu.memory_space<vmem>> -> memref<1x64xi32, #tpu.memory_space<vmem>>
          %dma_start3A_210 = tpu.memref_squeeze %dma_start3A_209 : memref<1x64xi32, #tpu.memory_space<vmem>> -> memref<64xi32, #tpu.memory_space<vmem>>
          %dma_start3A_211 = tpu.memref_slice %arg4[%add3A_180] : memref<320000xi32, #tpu.memory_space<hbm>> -> memref<64xi32, #tpu.memory_space<hbm>>
          %dma_start3A_212 = arith.constant 0 : i32
          %dma_start3A_213 = tpu.memref_slice %arg8[%run_scoped3A_182, %dma_start3A_212] : memref<2x64xi32, #tpu.memory_space<vmem>> -> memref<1x64xi32, #tpu.memory_space<vmem>>
          %dma_start3A_214 = tpu.memref_squeeze %dma_start3A_213 : memref<1x64xi32, #tpu.memory_space<vmem>> -> memref<64xi32, #tpu.memory_space<vmem>>
          %dma_start3A_215 = tpu.memref_slice %arg4[%add3A_180] : memref<320000xi32, #tpu.memory_space<hbm>> -> memref<64xi32, #tpu.memory_space<hbm>>
          tpu.enqueue_dma source(%dma_start3A_215 : memref<64xi32, #tpu.memory_space<hbm>>) target(%dma_start3A_214 : memref<64xi32, #tpu.memory_space<vmem>>) target_semaphore(%run_scoped3A_207 : memref<!tpu.dma_semaphore, #tpu.memory_space<semaphore_mem>>)
          %dma_wait3A_216 = arith.constant 0 : i32
          %dma_wait3A_217 = tpu.memref_slice %arg8[%run_scoped3A_182, %dma_wait3A_216] : memref<2x64xi32, #tpu.memory_space<vmem>> -> memref<1x64xi32, #tpu.memory_space<vmem>>
          %dma_wait3A_218 = tpu.memref_squeeze %dma_wait3A_217 : memref<1x64xi32, #tpu.memory_space<vmem>> -> memref<64xi32, #tpu.memory_space<vmem>>
          %dma_wait3A_219 = tpu.memref_slice %arg4[%add3A_180] : memref<320000xi32, #tpu.memory_space<hbm>> -> memref<64xi32, #tpu.memory_space<hbm>>
          %dma_wait3A_220 = arith.constant 0 : i32
          %dma_wait3A_221 = tpu.memref_slice %arg8[%run_scoped3A_182, %dma_wait3A_220] : memref<2x64xi32, #tpu.memory_space<vmem>> -> memref<1x64xi32, #tpu.memory_space<vmem>>
          %dma_wait3A_222 = tpu.memref_squeeze %dma_wait3A_221 : memref<1x64xi32, #tpu.memory_space<vmem>> -> memref<64xi32, #tpu.memory_space<vmem>>
          %dma_wait3A_223 = tpu.memref_slice %arg4[%add3A_180] : memref<320000xi32, #tpu.memory_space<hbm>> -> memref<64xi32, #tpu.memory_space<hbm>>
          tpu.wait_dma2 semaphore(%run_scoped3A_207 : memref<!tpu.dma_semaphore, #tpu.memory_space<semaphore_mem>>) src(%dma_wait3A_223 : memref<64xi32, #tpu.memory_space<hbm>>) dst(%dma_wait3A_222 : memref<64xi32, #tpu.memory_space<vmem>>)
          tpu.yield
        }) : () -> ()
        %dma_start3A_183 = arith.constant 1 : i32
        %dma_start3A_184 = arith.constant 1 : i32
        %dma_start3A_185 = arith.constant 0 : i32
        %dma_start3A_186 = arith.constant 0 : i32
        %dma_start3A_187 = tpu.memref_slice %arg9[%dma_start3A_184, %dma_start3A_185, %dma_start3A_186] : memref<2x64x128xf32, #tpu.memory_space<vmem>> -> memref<1x64x128xf32, #tpu.memory_space<vmem>>
        %dma_start3A_188 = tpu.memref_squeeze %dma_start3A_187 : memref<1x64x128xf32, #tpu.memory_space<vmem>> -> memref<64x128xf32, #tpu.memory_space<vmem>>
        %dma_start3A_189 = arith.constant 0 : i32
        %dma_start3A_190 = tpu.memref_slice %arg7[%dma_start3A_183, %dma_start3A_189] : memref<2x64xi32, #tpu.memory_space<vmem>> -> memref<1x64xi32, #tpu.memory_space<vmem>>
        %dma_start3A_191 = tpu.memref_squeeze %dma_start3A_190 : memref<1x64xi32, #tpu.memory_space<vmem>> -> memref<64xi32, #tpu.memory_space<vmem>>
        %dma_start3A_192 = arith.constant 0 : i32
        %dma_start3A_193 = arith.constant 0 : i32
        %dma_start3A_194 = tpu.memref_slice %arg6[%dma_start3A_192, %dma_start3A_193] : memref<10000x128xf32, #tpu.memory_space<vmem_shared>> -> memref<10000x128xf32, #tpu.memory_space<vmem_shared>>
        tpu.enqueue_indirect_dma source(%dma_start3A_194 : memref<10000x128xf32, #tpu.memory_space<vmem_shared>>) target(%dma_start3A_188 : memref<64x128xf32, #tpu.memory_space<vmem>>) offsets(%dma_start3A_191 : memref<64xi32, #tpu.memory_space<vmem>>) semaphore(%arg13 : memref<!tpu.dma_semaphore, #tpu.memory_space<semaphore_mem>>)
        %dma_start3A_195 = arith.constant 1 : i32
        %dma_start3A_196 = arith.constant 1 : i32
        %dma_start3A_197 = arith.constant 0 : i32
        %dma_start3A_198 = arith.constant 0 : i32
        %dma_start3A_199 = tpu.memref_slice %arg10[%dma_start3A_196, %dma_start3A_197, %dma_start3A_198] : memref<2x64x128xf32, #tpu.memory_space<vmem>> -> memref<1x64x128xf32, #tpu.memory_space<vmem>>
        %dma_start3A_200 = tpu.memref_squeeze %dma_start3A_199 : memref<1x64x128xf32, #tpu.memory_space<vmem>> -> memref<64x128xf32, #tpu.memory_space<vmem>>
        %dma_start3A_201 = arith.constant 0 : i32
        %dma_start3A_202 = tpu.memref_slice %arg8[%dma_start3A_195, %dma_start3A_201] : memref<2x64xi32, #tpu.memory_space<vmem>> -> memref<1x64xi32, #tpu.memory_space<vmem>>
        %dma_start3A_203 = tpu.memref_squeeze %dma_start3A_202 : memref<1x64xi32, #tpu.memory_space<vmem>> -> memref<64xi32, #tpu.memory_space<vmem>>
        %dma_start3A_204 = arith.constant 0 : i32
        %dma_start3A_205 = arith.constant 0 : i32
        %dma_start3A_206 = tpu.memref_slice %arg6[%dma_start3A_204, %dma_start3A_205] : memref<10000x128xf32, #tpu.memory_space<vmem_shared>> -> memref<10000x128xf32, #tpu.memory_space<vmem_shared>>
        tpu.enqueue_indirect_dma source(%dma_start3A_206 : memref<10000x128xf32, #tpu.memory_space<vmem_shared>>) target(%dma_start3A_200 : memref<64x128xf32, #tpu.memory_space<vmem>>) offsets(%dma_start3A_203 : memref<64xi32, #tpu.memory_space<vmem>>) semaphore(%arg13 : memref<!tpu.dma_semaphore, #tpu.memory_space<semaphore_mem>>)
      } else {
      }
      %dma_wait3A_84 = arith.constant 0 : i32
      %dma_wait3A_85 = arith.constant 0 : i32
      %dma_wait3A_86 = arith.constant 0 : i32
      %dma_wait3A_87 = arith.constant 0 : i32
      %dma_wait3A_88 = tpu.memref_slice %arg9[%dma_wait3A_85, %dma_wait3A_86, %dma_wait3A_87] : memref<2x64x128xf32, #tpu.memory_space<vmem>> -> memref<1x64x128xf32, #tpu.memory_space<vmem>>
      %dma_wait3A_89 = tpu.memref_squeeze %dma_wait3A_88 : memref<1x64x128xf32, #tpu.memory_space<vmem>> -> memref<64x128xf32, #tpu.memory_space<vmem>>
      %dma_wait3A_90 = arith.constant 0 : i32
      %dma_wait3A_91 = tpu.memref_slice %arg7[%dma_wait3A_84, %dma_wait3A_90] : memref<2x64xi32, #tpu.memory_space<vmem>> -> memref<1x64xi32, #tpu.memory_space<vmem>>
      %dma_wait3A_92 = tpu.memref_squeeze %dma_wait3A_91 : memref<1x64xi32, #tpu.memory_space<vmem>> -> memref<64xi32, #tpu.memory_space<vmem>>
      %dma_wait3A_93 = arith.constant 0 : i32
      %dma_wait3A_94 = arith.constant 0 : i32
      %dma_wait3A_95 = tpu.memref_slice %arg6[%dma_wait3A_93, %dma_wait3A_94] : memref<10000x128xf32, #tpu.memory_space<vmem_shared>> -> memref<10000x128xf32, #tpu.memory_space<vmem_shared>>
      tpu.wait_indirect_dma semaphore(%arg12 : memref<!tpu.dma_semaphore, #tpu.memory_space<semaphore_mem>>) src(%dma_wait3A_95 : memref<10000x128xf32, #tpu.memory_space<vmem_shared>>) dst(%dma_wait3A_89 : memref<64x128xf32, #tpu.memory_space<vmem>>)
      %dma_wait3A_96 = arith.constant 0 : i32
      %dma_wait3A_97 = arith.constant 0 : i32
      %dma_wait3A_98 = arith.constant 0 : i32
      %dma_wait3A_99 = arith.constant 0 : i32
      %dma_wait3A_100 = tpu.memref_slice %arg10[%dma_wait3A_97, %dma_wait3A_98, %dma_wait3A_99] : memref<2x64x128xf32, #tpu.memory_space<vmem>> -> memref<1x64x128xf32, #tpu.memory_space<vmem>>
      %dma_wait3A_101 = tpu.memref_squeeze %dma_wait3A_100 : memref<1x64x128xf32, #tpu.memory_space<vmem>> -> memref<64x128xf32, #tpu.memory_space<vmem>>
      %dma_wait3A_102 = arith.constant 0 : i32
      %dma_wait3A_103 = tpu.memref_slice %arg8[%dma_wait3A_96, %dma_wait3A_102] : memref<2x64xi32, #tpu.memory_space<vmem>> -> memref<1x64xi32, #tpu.memory_space<vmem>>
      %dma_wait3A_104 = tpu.memref_squeeze %dma_wait3A_103 : memref<1x64xi32, #tpu.memory_space<vmem>> -> memref<64xi32, #tpu.memory_space<vmem>>
      %dma_wait3A_105 = arith.constant 0 : i32
      %dma_wait3A_106 = arith.constant 0 : i32
      %dma_wait3A_107 = tpu.memref_slice %arg6[%dma_wait3A_105, %dma_wait3A_106] : memref<10000x128xf32, #tpu.memory_space<vmem_shared>> -> memref<10000x128xf32, #tpu.memory_space<vmem_shared>>
      tpu.wait_indirect_dma semaphore(%arg12 : memref<!tpu.dma_semaphore, #tpu.memory_space<semaphore_mem>>) src(%dma_wait3A_107 : memref<10000x128xf32, #tpu.memory_space<vmem_shared>>) dst(%dma_wait3A_101 : memref<64x128xf32, #tpu.memory_space<vmem>>)
      %ge3A = arith.constant 1 : i32
      %ge3A_108 = arith.cmpi sge, %add3A_77, %ge3A : i32
      %convert_element_type3A_109 = arith.extui %ge3A_108 : i1 to i32
      %cond3A_110 = arith.constant 0 : i32
      %cond3A_111 = arith.cmpi ne, %convert_element_type3A_109, %cond3A_110 : i32
      scf.if %cond3A_111 {
        %sub3A_176 = arith.constant 1 : i32
        %sub3A_177 = arith.subi %add3A_77, %sub3A_176 : i32
        %mul3A_178 = arith.constant 64 : i32
        %mul3A_179 = arith.muli %sub3A_177, %mul3A_178 : i32
        %add3A_180 = arith.addi %mul3A_8, %mul3A_179 : i32
        %dma_wait3A_181 = arith.constant 0 : i32
        %dma_wait3A_182 = tpu.memref_slice %arg5[%add3A_180, %dma_wait3A_181] : memref<320000x64xf32, #tpu.memory_space<hbm>> -> memref<64x64xf32, #tpu.memory_space<hbm>>
        %dma_wait3A_183 = arith.constant 0 : i32
        %dma_wait3A_184 = tpu.memref_slice %arg5[%add3A_180, %dma_wait3A_183] : memref<320000x64xf32, #tpu.memory_space<hbm>> -> memref<64x64xf32, #tpu.memory_space<hbm>>
        tpu.wait_dma2 semaphore(%arg14 : memref<!tpu.dma_semaphore, #tpu.memory_space<semaphore_mem>>) src(%arg11 : memref<64x64xf32, #tpu.memory_space<vmem>>) dst(%dma_wait3A_184 : memref<64x64xf32, #tpu.memory_space<hbm>>)
      } else {
      }
      %scan3A = arith.constant 0 : i32
      %scan3A_112 = arith.constant 0 : i32
      %scan3A_113 = arith.constant 64 : i32
      %scan3A_114 = arith.addi %scan3A_112, %scan3A_113 : i32
      %scan3A_115 = arith.constant 1 : i32
      scf.for %scan3A_176 = %scan3A_112 to %scan3A_114 step %scan3A_115  : i32 {
        %get3A = arith.constant 0 : i32
        %get3A_177 = arith.index_cast %get3A : i32 to index
        %get3A_178 = arith.index_cast %scan3A_176 : i32 to index
        %get3A_179 = arith.constant 0 : index
        %get3A_180 = tpu.vector_load %arg9[%get3A_177, %get3A_178, %get3A_179] {strides = array<i32>} : memref<2x64x128xf32, #tpu.memory_space<vmem>>, vector<1x1x16xf32>,
        %get3A_181 = vector.shape_cast %get3A_180 : vector<1x1x16xf32> to vector<16xf32>
        %get3A_182 = arith.constant 0 : i32
        %get3A_183 = arith.index_cast %get3A_182 : i32 to index
        %get3A_184 = arith.index_cast %scan3A_176 : i32 to index
        %get3A_185 = arith.constant 64 : index
        %get3A_186 = tpu.vector_load %arg10[%get3A_183, %get3A_184, %get3A_185] {strides = array<i32>} : memref<2x64x128xf32, #tpu.memory_space<vmem>>, vector<1x1x16xf32>,
        %get3A_187 = vector.shape_cast %get3A_186 : vector<1x1x16xf32> to vector<16xf32>
        %add3A_188 = arith.addf %get3A_181, %get3A_187 : vector<16xf32>
        %swap3A = arith.index_cast %scan3A_176 : i32 to index
        %swap3A_189 = arith.constant 0 : index
        %swap3A_190 = tpu.vector_load %arg11[%swap3A, %swap3A_189] {strides = array<i32>} : memref<64x64xf32, #tpu.memory_space<vmem>>, vector<1x16xf32>,
        %swap3A_191 = vector.shape_cast %swap3A_190 : vector<1x16xf32> to vector<16xf32>
        %swap3A_192 = vector.shape_cast %add3A_188 : vector<16xf32> to vector<1x16xf32>
        tpu.vector_store %arg11[%swap3A, %swap3A_189], %swap3A_192 {strides = array<i32>} : memref<64x64xf32, #tpu.memory_space<vmem>>, vector<1x16xf32>,
        %get3A_193 = arith.constant 0 : i32
        %get3A_194 = arith.index_cast %get3A_193 : i32 to index
        %get3A_195 = arith.index_cast %scan3A_176 : i32 to index
        %get3A_196 = arith.constant 16 : index
        %get3A_197 = tpu.vector_load %arg9[%get3A_194, %get3A_195, %get3A_196] {strides = array<i32>} : memref<2x64x128xf32, #tpu.memory_space<vmem>>, vector<1x1x16xf32>,
        %get3A_198 = vector.shape_cast %get3A_197 : vector<1x1x16xf32> to vector<16xf32>
        %get3A_199 = arith.constant 0 : i32
        %get3A_200 = arith.index_cast %get3A_199 : i32 to index
        %get3A_201 = arith.index_cast %scan3A_176 : i32 to index
        %get3A_202 = arith.constant 80 : index
        %get3A_203 = tpu.vector_load %arg10[%get3A_200, %get3A_201, %get3A_202] {strides = array<i32>} : memref<2x64x128xf32, #tpu.memory_space<vmem>>, vector<1x1x16xf32>,
        %get3A_204 = vector.shape_cast %get3A_203 : vector<1x1x16xf32> to vector<16xf32>
        %add3A_205 = arith.addf %get3A_198, %get3A_204 : vector<16xf32>
        %swap3A_206 = arith.index_cast %scan3A_176 : i32 to index
        %swap3A_207 = arith.constant 16 : index
        %swap3A_208 = tpu.vector_load %arg11[%swap3A_206, %swap3A_207] {strides = array<i32>} : memref<64x64xf32, #tpu.memory_space<vmem>>, vector<1x16xf32>,
        %swap3A_209 = vector.shape_cast %swap3A_208 : vector<1x16xf32> to vector<16xf32>
        %swap3A_210 = vector.shape_cast %add3A_205 : vector<16xf32> to vector<1x16xf32>
        tpu.vector_store %arg11[%swap3A_206, %swap3A_207], %swap3A_210 {strides = array<i32>} : memref<64x64xf32, #tpu.memory_space<vmem>>, vector<1x16xf32>,
        %get3A_211 = arith.constant 0 : i32
        %get3A_212 = arith.index_cast %get3A_211 : i32 to index
        %get3A_213 = arith.index_cast %scan3A_176 : i32 to index
        %get3A_214 = arith.constant 32 : index
        %get3A_215 = tpu.vector_load %arg9[%get3A_212, %get3A_213, %get3A_214] {strides = array<i32>} : memref<2x64x128xf32, #tpu.memory_space<vmem>>, vector<1x1x16xf32>,
        %get3A_216 = vector.shape_cast %get3A_215 : vector<1x1x16xf32> to vector<16xf32>
        %get3A_217 = arith.constant 0 : i32
        %get3A_218 = arith.index_cast %get3A_217 : i32 to index
        %get3A_219 = arith.index_cast %scan3A_176 : i32 to index
        %get3A_220 = arith.constant 96 : index
        %get3A_221 = tpu.vector_load %arg10[%get3A_218, %get3A_219, %get3A_220] {strides = array<i32>} : memref<2x64x128xf32, #tpu.memory_space<vmem>>, vector<1x1x16xf32>,
        %get3A_222 = vector.shape_cast %get3A_221 : vector<1x1x16xf32> to vector<16xf32>
        %add3A_223 = arith.addf %get3A_216, %get3A_222 : vector<16xf32>
        %swap3A_224 = arith.index_cast %scan3A_176 : i32 to index
        %swap3A_225 = arith.constant 32 : index
        %swap3A_226 = tpu.vector_load %arg11[%swap3A_224, %swap3A_225] {strides = array<i32>} : memref<64x64xf32, #tpu.memory_space<vmem>>, vector<1x16xf32>,
        %swap3A_227 = vector.shape_cast %swap3A_226 : vector<1x16xf32> to vector<16xf32>
        %swap3A_228 = vector.shape_cast %add3A_223 : vector<16xf32> to vector<1x16xf32>
        tpu.vector_store %arg11[%swap3A_224, %swap3A_225], %swap3A_228 {strides = array<i32>} : memref<64x64xf32, #tpu.memory_space<vmem>>, vector<1x16xf32>,
        %get3A_229 = arith.constant 0 : i32
        %get3A_230 = arith.index_cast %get3A_229 : i32 to index
        %get3A_231 = arith.index_cast %scan3A_176 : i32 to index
        %get3A_232 = arith.constant 48 : index
        %get3A_233 = tpu.vector_load %arg9[%get3A_230, %get3A_231, %get3A_232] {strides = array<i32>} : memref<2x64x128xf32, #tpu.memory_space<vmem>>, vector<1x1x16xf32>,
        %get3A_234 = vector.shape_cast %get3A_233 : vector<1x1x16xf32> to vector<16xf32>
        %get3A_235 = arith.constant 0 : i32
        %get3A_236 = arith.index_cast %get3A_235 : i32 to index
        %get3A_237 = arith.index_cast %scan3A_176 : i32 to index
        %get3A_238 = arith.constant 112 : index
        %get3A_239 = tpu.vector_load %arg10[%get3A_236, %get3A_237, %get3A_238] {strides = array<i32>} : memref<2x64x128xf32, #tpu.memory_space<vmem>>, vector<1x1x16xf32>,
        %get3A_240 = vector.shape_cast %get3A_239 : vector<1x1x16xf32> to vector<16xf32>
        %add3A_241 = arith.addf %get3A_234, %get3A_240 : vector<16xf32>
        %swap3A_242 = arith.index_cast %scan3A_176 : i32 to index
        %swap3A_243 = arith.constant 48 : index
        %swap3A_244 = tpu.vector_load %arg11[%swap3A_242, %swap3A_243] {strides = array<i32>} : memref<64x64xf32, #tpu.memory_space<vmem>>, vector<1x16xf32>,
        %swap3A_245 = vector.shape_cast %swap3A_244 : vector<1x16xf32> to vector<16xf32>
        %swap3A_246 = vector.shape_cast %add3A_241 : vector<16xf32> to vector<1x16xf32>
        tpu.vector_store %arg11[%swap3A_242, %swap3A_243], %swap3A_246 {strides = array<i32>} : memref<64x64xf32, #tpu.memory_space<vmem>>, vector<1x16xf32>,
      }
      %scan3A_116 = arith.constant 64 : i32
      %mul3A_117 = arith.constant 64 : i32
      %mul3A_118 = arith.muli %add3A_77, %mul3A_117 : i32
      %add3A_119 = arith.addi %mul3A_8, %mul3A_118 : i32
      %dma_start3A_120 = arith.constant 0 : i32
      %dma_start3A_121 = tpu.memref_slice %arg5[%add3A_119, %dma_start3A_120] : memref<320000x64xf32, #tpu.memory_space<hbm>> -> memref<64x64xf32, #tpu.memory_space<hbm>>
      %dma_start3A_122 = arith.constant 0 : i32
      %dma_start3A_123 = tpu.memref_slice %arg5[%add3A_119, %dma_start3A_122] : memref<320000x64xf32, #tpu.memory_space<hbm>> -> memref<64x64xf32, #tpu.memory_space<hbm>>
      tpu.enqueue_dma source(%arg11 : memref<64x64xf32, #tpu.memory_space<vmem>>) target(%dma_start3A_123 : memref<64x64xf32, #tpu.memory_space<hbm>>) target_semaphore(%arg14 : memref<!tpu.dma_semaphore, #tpu.memory_space<semaphore_mem>>)
      %mul3A_124 = arith.constant 2 : i32
      %mul3A_125 = arith.muli %mul3A_124, %while3A_73 : i32
      %add3A_126 = arith.constant 1 : i32
      %add3A_127 = arith.addi %mul3A_125, %add3A_126 : i32
      %add3A_128 = arith.constant 1 : i32
      %add3A_129 = arith.addi %add3A_127, %add3A_128 : i32
      %lt3A_130 = arith.cmpi slt, %add3A_129, %select_n3A : i32
      %convert_element_type3A_131 = arith.extui %lt3A_130 : i1 to i32
      %cond3A_132 = arith.constant 0 : i32
      %cond3A_133 = arith.cmpi ne, %convert_element_type3A_131, %cond3A_132 : i32
      scf.if %cond3A_133 {
        %add3A_176 = arith.constant 1 : i32
        %add3A_177 = arith.addi %add3A_127, %add3A_176 : i32
        %mul3A_178 = arith.constant 64 : i32
        %mul3A_179 = arith.muli %add3A_177, %mul3A_178 : i32
        %add3A_180 = arith.addi %mul3A_8, %mul3A_179 : i32
        %run_scoped3A_181 = arith.constant 0 : i32
        "tpu.region"() ({
          %run_scoped3A_207 = tpu.sem_alloc : memref<!tpu.dma_semaphore, #tpu.memory_space<semaphore_mem>>
          %dma_start3A_208 = arith.constant 0 : i32
          %dma_start3A_209 = tpu.memref_slice %arg7[%run_scoped3A_181, %dma_start3A_208] : memref<2x64xi32, #tpu.memory_space<vmem>> -> memref<1x64xi32, #tpu.memory_space<vmem>>
          %dma_start3A_210 = tpu.memref_squeeze %dma_start3A_209 : memref<1x64xi32, #tpu.memory_space<vmem>> -> memref<64xi32, #tpu.memory_space<vmem>>
          %dma_start3A_211 = tpu.memref_slice %arg3[%add3A_180] : memref<320000xi32, #tpu.memory_space<hbm>> -> memref<64xi32, #tpu.memory_space<hbm>>
          %dma_start3A_212 = arith.constant 0 : i32
          %dma_start3A_213 = tpu.memref_slice %arg7[%run_scoped3A_181, %dma_start3A_212] : memref<2x64xi32, #tpu.memory_space<vmem>> -> memref<1x64xi32, #tpu.memory_space<vmem>>
          %dma_start3A_214 = tpu.memref_squeeze %dma_start3A_213 : memref<1x64xi32, #tpu.memory_space<vmem>> -> memref<64xi32, #tpu.memory_space<vmem>>
          %dma_start3A_215 = tpu.memref_slice %arg3[%add3A_180] : memref<320000xi32, #tpu.memory_space<hbm>> -> memref<64xi32, #tpu.memory_space<hbm>>
          tpu.enqueue_dma source(%dma_start3A_215 : memref<64xi32, #tpu.memory_space<hbm>>) target(%dma_start3A_214 : memref<64xi32, #tpu.memory_space<vmem>>) target_semaphore(%run_scoped3A_207 : memref<!tpu.dma_semaphore, #tpu.memory_space<semaphore_mem>>)
          %dma_wait3A_216 = arith.constant 0 : i32
          %dma_wait3A_217 = tpu.memref_slice %arg7[%run_scoped3A_181, %dma_wait3A_216] : memref<2x64xi32, #tpu.memory_space<vmem>> -> memref<1x64xi32, #tpu.memory_space<vmem>>
          %dma_wait3A_218 = tpu.memref_squeeze %dma_wait3A_217 : memref<1x64xi32, #tpu.memory_space<vmem>> -> memref<64xi32, #tpu.memory_space<vmem>>
          %dma_wait3A_219 = tpu.memref_slice %arg3[%add3A_180] : memref<320000xi32, #tpu.memory_space<hbm>> -> memref<64xi32, #tpu.memory_space<hbm>>
          %dma_wait3A_220 = arith.constant 0 : i32
          %dma_wait3A_221 = tpu.memref_slice %arg7[%run_scoped3A_181, %dma_wait3A_220] : memref<2x64xi32, #tpu.memory_space<vmem>> -> memref<1x64xi32, #tpu.memory_space<vmem>>
          %dma_wait3A_222 = tpu.memref_squeeze %dma_wait3A_221 : memref<1x64xi32, #tpu.memory_space<vmem>> -> memref<64xi32, #tpu.memory_space<vmem>>
          %dma_wait3A_223 = tpu.memref_slice %arg3[%add3A_180] : memref<320000xi32, #tpu.memory_space<hbm>> -> memref<64xi32, #tpu.memory_space<hbm>>
          tpu.wait_dma2 semaphore(%run_scoped3A_207 : memref<!tpu.dma_semaphore, #tpu.memory_space<semaphore_mem>>) src(%dma_wait3A_223 : memref<64xi32, #tpu.memory_space<hbm>>) dst(%dma_wait3A_222 : memref<64xi32, #tpu.memory_space<vmem>>)
          tpu.yield
        }) : () -> ()
        %run_scoped3A_182 = arith.constant 0 : i32
        "tpu.region"() ({
          %run_scoped3A_207 = tpu.sem_alloc : memref<!tpu.dma_semaphore, #tpu.memory_space<semaphore_mem>>
          %dma_start3A_208 = arith.constant 0 : i32
          %dma_start3A_209 = tpu.memref_slice %arg8[%run_scoped3A_182, %dma_start3A_208] : memref<2x64xi32, #tpu.memory_space<vmem>> -> memref<1x64xi32, #tpu.memory_space<vmem>>
          %dma_start3A_210 = tpu.memref_squeeze %dma_start3A_209 : memref<1x64xi32, #tpu.memory_space<vmem>> -> memref<64xi32, #tpu.memory_space<vmem>>
          %dma_start3A_211 = tpu.memref_slice %arg4[%add3A_180] : memref<320000xi32, #tpu.memory_space<hbm>> -> memref<64xi32, #tpu.memory_space<hbm>>
          %dma_start3A_212 = arith.constant 0 : i32
          %dma_start3A_213 = tpu.memref_slice %arg8[%run_scoped3A_182, %dma_start3A_212] : memref<2x64xi32, #tpu.memory_space<vmem>> -> memref<1x64xi32, #tpu.memory_space<vmem>>
          %dma_start3A_214 = tpu.memref_squeeze %dma_start3A_213 : memref<1x64xi32, #tpu.memory_space<vmem>> -> memref<64xi32, #tpu.memory_space<vmem>>
          %dma_start3A_215 = tpu.memref_slice %arg4[%add3A_180] : memref<320000xi32, #tpu.memory_space<hbm>> -> memref<64xi32, #tpu.memory_space<hbm>>
          tpu.enqueue_dma source(%dma_start3A_215 : memref<64xi32, #tpu.memory_space<hbm>>) target(%dma_start3A_214 : memref<64xi32, #tpu.memory_space<vmem>>) target_semaphore(%run_scoped3A_207 : memref<!tpu.dma_semaphore, #tpu.memory_space<semaphore_mem>>)
          %dma_wait3A_216 = arith.constant 0 : i32
          %dma_wait3A_217 = tpu.memref_slice %arg8[%run_scoped3A_182, %dma_wait3A_216] : memref<2x64xi32, #tpu.memory_space<vmem>> -> memref<1x64xi32, #tpu.memory_space<vmem>>
          %dma_wait3A_218 = tpu.memref_squeeze %dma_wait3A_217 : memref<1x64xi32, #tpu.memory_space<vmem>> -> memref<64xi32, #tpu.memory_space<vmem>>
          %dma_wait3A_219 = tpu.memref_slice %arg4[%add3A_180] : memref<320000xi32, #tpu.memory_space<hbm>> -> memref<64xi32, #tpu.memory_space<hbm>>
          %dma_wait3A_220 = arith.constant 0 : i32
          %dma_wait3A_221 = tpu.memref_slice %arg8[%run_scoped3A_182, %dma_wait3A_220] : memref<2x64xi32, #tpu.memory_space<vmem>> -> memref<1x64xi32, #tpu.memory_space<vmem>>
          %dma_wait3A_222 = tpu.memref_squeeze %dma_wait3A_221 : memref<1x64xi32, #tpu.memory_space<vmem>> -> memref<64xi32, #tpu.memory_space<vmem>>
          %dma_wait3A_223 = tpu.memref_slice %arg4[%add3A_180] : memref<320000xi32, #tpu.memory_space<hbm>> -> memref<64xi32, #tpu.memory_space<hbm>>
          tpu.wait_dma2 semaphore(%run_scoped3A_207 : memref<!tpu.dma_semaphore, #tpu.memory_space<semaphore_mem>>) src(%dma_wait3A_223 : memref<64xi32, #tpu.memory_space<hbm>>) dst(%dma_wait3A_222 : memref<64xi32, #tpu.memory_space<vmem>>)
          tpu.yield
        }) : () -> ()
        %dma_start3A_183 = arith.constant 0 : i32
        %dma_start3A_184 = arith.constant 0 : i32
        %dma_start3A_185 = arith.constant 0 : i32
        %dma_start3A_186 = arith.constant 0 : i32
        %dma_start3A_187 = tpu.memref_slice %arg9[%dma_start3A_184, %dma_start3A_185, %dma_start3A_186] : memref<2x64x128xf32, #tpu.memory_space<vmem>> -> memref<1x64x128xf32, #tpu.memory_space<vmem>>
        %dma_start3A_188 = tpu.memref_squeeze %dma_start3A_187 : memref<1x64x128xf32, #tpu.memory_space<vmem>> -> memref<64x128xf32, #tpu.memory_space<vmem>>
        %dma_start3A_189 = arith.constant 0 : i32
        %dma_start3A_190 = tpu.memref_slice %arg7[%dma_start3A_183, %dma_start3A_189] : memref<2x64xi32, #tpu.memory_space<vmem>> -> memref<1x64xi32, #tpu.memory_space<vmem>>
        %dma_start3A_191 = tpu.memref_squeeze %dma_start3A_190 : memref<1x64xi32, #tpu.memory_space<vmem>> -> memref<64xi32, #tpu.memory_space<vmem>>
        %dma_start3A_192 = arith.constant 0 : i32
        %dma_start3A_193 = arith.constant 0 : i32
        %dma_start3A_194 = tpu.memref_slice %arg6[%dma_start3A_192, %dma_start3A_193] : memref<10000x128xf32, #tpu.memory_space<vmem_shared>> -> memref<10000x128xf32, #tpu.memory_space<vmem_shared>>
        tpu.enqueue_indirect_dma source(%dma_start3A_194 : memref<10000x128xf32, #tpu.memory_space<vmem_shared>>) target(%dma_start3A_188 : memref<64x128xf32, #tpu.memory_space<vmem>>) offsets(%dma_start3A_191 : memref<64xi32, #tpu.memory_space<vmem>>) semaphore(%arg12 : memref<!tpu.dma_semaphore, #tpu.memory_space<semaphore_mem>>)
        %dma_start3A_195 = arith.constant 0 : i32
        %dma_start3A_196 = arith.constant 0 : i32
        %dma_start3A_197 = arith.constant 0 : i32
        %dma_start3A_198 = arith.constant 0 : i32
        %dma_start3A_199 = tpu.memref_slice %arg10[%dma_start3A_196, %dma_start3A_197, %dma_start3A_198] : memref<2x64x128xf32, #tpu.memory_space<vmem>> -> memref<1x64x128xf32, #tpu.memory_space<vmem>>
        %dma_start3A_200 = tpu.memref_squeeze %dma_start3A_199 : memref<1x64x128xf32, #tpu.memory_space<vmem>> -> memref<64x128xf32, #tpu.memory_space<vmem>>
        %dma_start3A_201 = arith.constant 0 : i32
        %dma_start3A_202 = tpu.memref_slice %arg8[%dma_start3A_195, %dma_start3A_201] : memref<2x64xi32, #tpu.memory_space<vmem>> -> memref<1x64xi32, #tpu.memory_space<vmem>>
        %dma_start3A_203 = tpu.memref_squeeze %dma_start3A_202 : memref<1x64xi32, #tpu.memory_space<vmem>> -> memref<64xi32, #tpu.memory_space<vmem>>
        %dma_start3A_204 = arith.constant 0 : i32
        %dma_start3A_205 = arith.constant 0 : i32
        %dma_start3A_206 = tpu.memref_slice %arg6[%dma_start3A_204, %dma_start3A_205] : memref<10000x128xf32, #tpu.memory_space<vmem_shared>> -> memref<10000x128xf32, #tpu.memory_space<vmem_shared>>
        tpu.enqueue_indirect_dma source(%dma_start3A_206 : memref<10000x128xf32, #tpu.memory_space<vmem_shared>>) target(%dma_start3A_200 : memref<64x128xf32, #tpu.memory_space<vmem>>) offsets(%dma_start3A_203 : memref<64xi32, #tpu.memory_space<vmem>>) semaphore(%arg12 : memref<!tpu.dma_semaphore, #tpu.memory_space<semaphore_mem>>)
      } else {
      }
      %dma_wait3A_134 = arith.constant 1 : i32
      %dma_wait3A_135 = arith.constant 1 : i32
      %dma_wait3A_136 = arith.constant 0 : i32
      %dma_wait3A_137 = arith.constant 0 : i32
      %dma_wait3A_138 = tpu.memref_slice %arg9[%dma_wait3A_135, %dma_wait3A_136, %dma_wait3A_137] : memref<2x64x128xf32, #tpu.memory_space<vmem>> -> memref<1x64x128xf32, #tpu.memory_space<vmem>>
      %dma_wait3A_139 = tpu.memref_squeeze %dma_wait3A_138 : memref<1x64x128xf32, #tpu.memory_space<vmem>> -> memref<64x128xf32, #tpu.memory_space<vmem>>
      %dma_wait3A_140 = arith.constant 0 : i32
      %dma_wait3A_141 = tpu.memref_slice %arg7[%dma_wait3A_134, %dma_wait3A_140] : memref<2x64xi32, #tpu.memory_space<vmem>> -> memref<1x64xi32, #tpu.memory_space<vmem>>
      %dma_wait3A_142 = tpu.memref_squeeze %dma_wait3A_141 : memref<1x64xi32, #tpu.memory_space<vmem>> -> memref<64xi32, #tpu.memory_space<vmem>>
      %dma_wait3A_143 = arith.constant 0 : i32
      %dma_wait3A_144 = arith.constant 0 : i32
      %dma_wait3A_145 = tpu.memref_slice %arg6[%dma_wait3A_143, %dma_wait3A_144] : memref<10000x128xf32, #tpu.memory_space<vmem_shared>> -> memref<10000x128xf32, #tpu.memory_space<vmem_shared>>
      tpu.wait_indirect_dma semaphore(%arg13 : memref<!tpu.dma_semaphore, #tpu.memory_space<semaphore_mem>>) src(%dma_wait3A_145 : memref<10000x128xf32, #tpu.memory_space<vmem_shared>>) dst(%dma_wait3A_139 : memref<64x128xf32, #tpu.memory_space<vmem>>)
      %dma_wait3A_146 = arith.constant 1 : i32
      %dma_wait3A_147 = arith.constant 1 : i32
      %dma_wait3A_148 = arith.constant 0 : i32
      %dma_wait3A_149 = arith.constant 0 : i32
      %dma_wait3A_150 = tpu.memref_slice %arg10[%dma_wait3A_147, %dma_wait3A_148, %dma_wait3A_149] : memref<2x64x128xf32, #tpu.memory_space<vmem>> -> memref<1x64x128xf32, #tpu.memory_space<vmem>>
      %dma_wait3A_151 = tpu.memref_squeeze %dma_wait3A_150 : memref<1x64x128xf32, #tpu.memory_space<vmem>> -> memref<64x128xf32, #tpu.memory_space<vmem>>
      %dma_wait3A_152 = arith.constant 0 : i32
      %dma_wait3A_153 = tpu.memref_slice %arg8[%dma_wait3A_146, %dma_wait3A_152] : memref<2x64xi32, #tpu.memory_space<vmem>> -> memref<1x64xi32, #tpu.memory_space<vmem>>
      %dma_wait3A_154 = tpu.memref_squeeze %dma_wait3A_153 : memref<1x64xi32, #tpu.memory_space<vmem>> -> memref<64xi32, #tpu.memory_space<vmem>>
      %dma_wait3A_155 = arith.constant 0 : i32
      %dma_wait3A_156 = arith.constant 0 : i32
      %dma_wait3A_157 = tpu.memref_slice %arg6[%dma_wait3A_155, %dma_wait3A_156] : memref<10000x128xf32, #tpu.memory_space<vmem_shared>> -> memref<10000x128xf32, #tpu.memory_space<vmem_shared>>
      tpu.wait_indirect_dma semaphore(%arg13 : memref<!tpu.dma_semaphore, #tpu.memory_space<semaphore_mem>>) src(%dma_wait3A_157 : memref<10000x128xf32, #tpu.memory_space<vmem_shared>>) dst(%dma_wait3A_151 : memref<64x128xf32, #tpu.memory_space<vmem>>)
      %ge3A_158 = arith.constant 1 : i32
      %ge3A_159 = arith.cmpi sge, %add3A_127, %ge3A_158 : i32
      %convert_element_type3A_160 = arith.extui %ge3A_159 : i1 to i32
      %cond3A_161 = arith.constant 0 : i32
      %cond3A_162 = arith.cmpi ne, %convert_element_type3A_160, %cond3A_161 : i32
      scf.if %cond3A_162 {
        %sub3A_176 = arith.constant 1 : i32
        %sub3A_177 = arith.subi %add3A_127, %sub3A_176 : i32
        %mul3A_178 = arith.constant 64 : i32
        %mul3A_179 = arith.muli %sub3A_177, %mul3A_178 : i32
        %add3A_180 = arith.addi %mul3A_8, %mul3A_179 : i32
        %dma_wait3A_181 = arith.constant 0 : i32
        %dma_wait3A_182 = tpu.memref_slice %arg5[%add3A_180, %dma_wait3A_181] : memref<320000x64xf32, #tpu.memory_space<hbm>> -> memref<64x64xf32, #tpu.memory_space<hbm>>
        %dma_wait3A_183 = arith.constant 0 : i32
        %dma_wait3A_184 = tpu.memref_slice %arg5[%add3A_180, %dma_wait3A_183] : memref<320000x64xf32, #tpu.memory_space<hbm>> -> memref<64x64xf32, #tpu.memory_space<hbm>>
        tpu.wait_dma2 semaphore(%arg14 : memref<!tpu.dma_semaphore, #tpu.memory_space<semaphore_mem>>) src(%arg11 : memref<64x64xf32, #tpu.memory_space<vmem>>) dst(%dma_wait3A_184 : memref<64x64xf32, #tpu.memory_space<hbm>>)
      } else {
      }
      %scan3A_163 = arith.constant 0 : i32
      %scan3A_164 = arith.constant 0 : i32
      %scan3A_165 = arith.constant 64 : i32
      %scan3A_166 = arith.addi %scan3A_164, %scan3A_165 : i32
      %scan3A_167 = arith.constant 1 : i32
      scf.for %scan3A_176 = %scan3A_164 to %scan3A_166 step %scan3A_167  : i32 {
        %get3A = arith.constant 1 : i32
        %get3A_177 = arith.index_cast %get3A : i32 to index
        %get3A_178 = arith.index_cast %scan3A_176 : i32 to index
        %get3A_179 = arith.constant 0 : index
        %get3A_180 = tpu.vector_load %arg9[%get3A_177, %get3A_178, %get3A_179] {strides = array<i32>} : memref<2x64x128xf32, #tpu.memory_space<vmem>>, vector<1x1x16xf32>,
        %get3A_181 = vector.shape_cast %get3A_180 : vector<1x1x16xf32> to vector<16xf32>
        %get3A_182 = arith.constant 1 : i32
        %get3A_183 = arith.index_cast %get3A_182 : i32 to index
        %get3A_184 = arith.index_cast %scan3A_176 : i32 to index
        %get3A_185 = arith.constant 64 : index
        %get3A_186 = tpu.vector_load %arg10[%get3A_183, %get3A_184, %get3A_185] {strides = array<i32>} : memref<2x64x128xf32, #tpu.memory_space<vmem>>, vector<1x1x16xf32>,
        %get3A_187 = vector.shape_cast %get3A_186 : vector<1x1x16xf32> to vector<16xf32>
        %add3A_188 = arith.addf %get3A_181, %get3A_187 : vector<16xf32>
        %swap3A = arith.index_cast %scan3A_176 : i32 to index
        %swap3A_189 = arith.constant 0 : index
        %swap3A_190 = tpu.vector_load %arg11[%swap3A, %swap3A_189] {strides = array<i32>} : memref<64x64xf32, #tpu.memory_space<vmem>>, vector<1x16xf32>,
        %swap3A_191 = vector.shape_cast %swap3A_190 : vector<1x16xf32> to vector<16xf32>
        %swap3A_192 = vector.shape_cast %add3A_188 : vector<16xf32> to vector<1x16xf32>
        tpu.vector_store %arg11[%swap3A, %swap3A_189], %swap3A_192 {strides = array<i32>} : memref<64x64xf32, #tpu.memory_space<vmem>>, vector<1x16xf32>,
        %get3A_193 = arith.constant 1 : i32
        %get3A_194 = arith.index_cast %get3A_193 : i32 to index
        %get3A_195 = arith.index_cast %scan3A_176 : i32 to index
        %get3A_196 = arith.constant 16 : index
        %get3A_197 = tpu.vector_load %arg9[%get3A_194, %get3A_195, %get3A_196] {strides = array<i32>} : memref<2x64x128xf32, #tpu.memory_space<vmem>>, vector<1x1x16xf32>,
        %get3A_198 = vector.shape_cast %get3A_197 : vector<1x1x16xf32> to vector<16xf32>
        %get3A_199 = arith.constant 1 : i32
        %get3A_200 = arith.index_cast %get3A_199 : i32 to index
        %get3A_201 = arith.index_cast %scan3A_176 : i32 to index
        %get3A_202 = arith.constant 80 : index
        %get3A_203 = tpu.vector_load %arg10[%get3A_200, %get3A_201, %get3A_202] {strides = array<i32>} : memref<2x64x128xf32, #tpu.memory_space<vmem>>, vector<1x1x16xf32>,
        %get3A_204 = vector.shape_cast %get3A_203 : vector<1x1x16xf32> to vector<16xf32>
        %add3A_205 = arith.addf %get3A_198, %get3A_204 : vector<16xf32>
        %swap3A_206 = arith.index_cast %scan3A_176 : i32 to index
        %swap3A_207 = arith.constant 16 : index
        %swap3A_208 = tpu.vector_load %arg11[%swap3A_206, %swap3A_207] {strides = array<i32>} : memref<64x64xf32, #tpu.memory_space<vmem>>, vector<1x16xf32>,
        %swap3A_209 = vector.shape_cast %swap3A_208 : vector<1x16xf32> to vector<16xf32>
        %swap3A_210 = vector.shape_cast %add3A_205 : vector<16xf32> to vector<1x16xf32>
        tpu.vector_store %arg11[%swap3A_206, %swap3A_207], %swap3A_210 {strides = array<i32>} : memref<64x64xf32, #tpu.memory_space<vmem>>, vector<1x16xf32>,
        %get3A_211 = arith.constant 1 : i32
        %get3A_212 = arith.index_cast %get3A_211 : i32 to index
        %get3A_213 = arith.index_cast %scan3A_176 : i32 to index
        %get3A_214 = arith.constant 32 : index
        %get3A_215 = tpu.vector_load %arg9[%get3A_212, %get3A_213, %get3A_214] {strides = array<i32>} : memref<2x64x128xf32, #tpu.memory_space<vmem>>, vector<1x1x16xf32>,
        %get3A_216 = vector.shape_cast %get3A_215 : vector<1x1x16xf32> to vector<16xf32>
        %get3A_217 = arith.constant 1 : i32
        %get3A_218 = arith.index_cast %get3A_217 : i32 to index
        %get3A_219 = arith.index_cast %scan3A_176 : i32 to index
        %get3A_220 = arith.constant 96 : index
        %get3A_221 = tpu.vector_load %arg10[%get3A_218, %get3A_219, %get3A_220] {strides = array<i32>} : memref<2x64x128xf32, #tpu.memory_space<vmem>>, vector<1x1x16xf32>,
        %get3A_222 = vector.shape_cast %get3A_221 : vector<1x1x16xf32> to vector<16xf32>
        %add3A_223 = arith.addf %get3A_216, %get3A_222 : vector<16xf32>
        %swap3A_224 = arith.index_cast %scan3A_176 : i32 to index
        %swap3A_225 = arith.constant 32 : index
        %swap3A_226 = tpu.vector_load %arg11[%swap3A_224, %swap3A_225] {strides = array<i32>} : memref<64x64xf32, #tpu.memory_space<vmem>>, vector<1x16xf32>,
        %swap3A_227 = vector.shape_cast %swap3A_226 : vector<1x16xf32> to vector<16xf32>
        %swap3A_228 = vector.shape_cast %add3A_223 : vector<16xf32> to vector<1x16xf32>
        tpu.vector_store %arg11[%swap3A_224, %swap3A_225], %swap3A_228 {strides = array<i32>} : memref<64x64xf32, #tpu.memory_space<vmem>>, vector<1x16xf32>,
        %get3A_229 = arith.constant 1 : i32
        %get3A_230 = arith.index_cast %get3A_229 : i32 to index
        %get3A_231 = arith.index_cast %scan3A_176 : i32 to index
        %get3A_232 = arith.constant 48 : index
        %get3A_233 = tpu.vector_load %arg9[%get3A_230, %get3A_231, %get3A_232] {strides = array<i32>} : memref<2x64x128xf32, #tpu.memory_space<vmem>>, vector<1x1x16xf32>,
        %get3A_234 = vector.shape_cast %get3A_233 : vector<1x1x16xf32> to vector<16xf32>
        %get3A_235 = arith.constant 1 : i32
        %get3A_236 = arith.index_cast %get3A_235 : i32 to index
        %get3A_237 = arith.index_cast %scan3A_176 : i32 to index
        %get3A_238 = arith.constant 112 : index
        %get3A_239 = tpu.vector_load %arg10[%get3A_236, %get3A_237, %get3A_238] {strides = array<i32>} : memref<2x64x128xf32, #tpu.memory_space<vmem>>, vector<1x1x16xf32>,
        %get3A_240 = vector.shape_cast %get3A_239 : vector<1x1x16xf32> to vector<16xf32>
        %add3A_241 = arith.addf %get3A_234, %get3A_240 : vector<16xf32>
        %swap3A_242 = arith.index_cast %scan3A_176 : i32 to index
        %swap3A_243 = arith.constant 48 : index
        %swap3A_244 = tpu.vector_load %arg11[%swap3A_242, %swap3A_243] {strides = array<i32>} : memref<64x64xf32, #tpu.memory_space<vmem>>, vector<1x16xf32>,
        %swap3A_245 = vector.shape_cast %swap3A_244 : vector<1x16xf32> to vector<16xf32>
        %swap3A_246 = vector.shape_cast %add3A_241 : vector<16xf32> to vector<1x16xf32>
        tpu.vector_store %arg11[%swap3A_242, %swap3A_243], %swap3A_246 {strides = array<i32>} : memref<64x64xf32, #tpu.memory_space<vmem>>, vector<1x16xf32>,
      }
      %scan3A_168 = arith.constant 64 : i32
      %mul3A_169 = arith.constant 64 : i32
      %mul3A_170 = arith.muli %add3A_127, %mul3A_169 : i32
      %add3A_171 = arith.addi %mul3A_8, %mul3A_170 : i32
      %dma_start3A_172 = arith.constant 0 : i32
      %dma_start3A_173 = tpu.memref_slice %arg5[%add3A_171, %dma_start3A_172] : memref<320000x64xf32, #tpu.memory_space<hbm>> -> memref<64x64xf32, #tpu.memory_space<hbm>>
      %dma_start3A_174 = arith.constant 0 : i32
      %dma_start3A_175 = tpu.memref_slice %arg5[%add3A_171, %dma_start3A_174] : memref<320000x64xf32, #tpu.memory_space<hbm>> -> memref<64x64xf32, #tpu.memory_space<hbm>>
      tpu.enqueue_dma source(%arg11 : memref<64x64xf32, #tpu.memory_space<vmem>>) target(%dma_start3A_175 : memref<64x64xf32, #tpu.memory_space<hbm>>) target_semaphore(%arg14 : memref<!tpu.dma_semaphore, #tpu.memory_space<semaphore_mem>>)
    }
    %while3A_64 = arith.constant 1 : i32
    scf.for %while3A_73 = %while3A_62 to %while3A_58 step %while3A_64  : i32 {
      %mul3A_74 = arith.constant 2 : i32
      %mul3A_75 = arith.muli %mul3A_74, %while3A_73 : i32
      %add3A_76 = arith.constant 0 : i32
      %add3A_77 = arith.addi %mul3A_75, %add3A_76 : i32
      %add3A_78 = arith.constant 1 : i32
      %add3A_79 = arith.addi %add3A_77, %add3A_78 : i32
      %lt3A_80 = arith.cmpi slt, %add3A_79, %select_n3A : i32
      %convert_element_type3A_81 = arith.extui %lt3A_80 : i1 to i32
      %cond3A_82 = arith.constant 0 : i32
      %cond3A_83 = arith.cmpi ne, %convert_element_type3A_81, %cond3A_82 : i32
      scf.if %cond3A_83 {
        %add3A_176 = arith.constant 1 : i32
        %add3A_177 = arith.addi %add3A_77, %add3A_176 : i32
        %mul3A_178 = arith.constant 64 : i32
        %mul3A_179 = arith.muli %add3A_177, %mul3A_178 : i32
        %add3A_180 = arith.addi %mul3A_8, %mul3A_179 : i32
        %run_scoped3A_181 = arith.constant 1 : i32
        "tpu.region"() ({
          %run_scoped3A_207 = tpu.sem_alloc : memref<!tpu.dma_semaphore, #tpu.memory_space<semaphore_mem>>
          %dma_start3A_208 = arith.constant 0 : i32
          %dma_start3A_209 = tpu.memref_slice %arg7[%run_scoped3A_181, %dma_start3A_208] : memref<2x64xi32, #tpu.memory_space<vmem>> -> memref<1x64xi32, #tpu.memory_space<vmem>>
          %dma_start3A_210 = tpu.memref_squeeze %dma_start3A_209 : memref<1x64xi32, #tpu.memory_space<vmem>> -> memref<64xi32, #tpu.memory_space<vmem>>
          %dma_start3A_211 = tpu.memref_slice %arg3[%add3A_180] : memref<320000xi32, #tpu.memory_space<hbm>> -> memref<64xi32, #tpu.memory_space<hbm>>
          %dma_start3A_212 = arith.constant 0 : i32
          %dma_start3A_213 = tpu.memref_slice %arg7[%run_scoped3A_181, %dma_start3A_212] : memref<2x64xi32, #tpu.memory_space<vmem>> -> memref<1x64xi32, #tpu.memory_space<vmem>>
          %dma_start3A_214 = tpu.memref_squeeze %dma_start3A_213 : memref<1x64xi32, #tpu.memory_space<vmem>> -> memref<64xi32, #tpu.memory_space<vmem>>
          %dma_start3A_215 = tpu.memref_slice %arg3[%add3A_180] : memref<320000xi32, #tpu.memory_space<hbm>> -> memref<64xi32, #tpu.memory_space<hbm>>
          tpu.enqueue_dma source(%dma_start3A_215 : memref<64xi32, #tpu.memory_space<hbm>>) target(%dma_start3A_214 : memref<64xi32, #tpu.memory_space<vmem>>) target_semaphore(%run_scoped3A_207 : memref<!tpu.dma_semaphore, #tpu.memory_space<semaphore_mem>>)
          %dma_wait3A_216 = arith.constant 0 : i32
          %dma_wait3A_217 = tpu.memref_slice %arg7[%run_scoped3A_181, %dma_wait3A_216] : memref<2x64xi32, #tpu.memory_space<vmem>> -> memref<1x64xi32, #tpu.memory_space<vmem>>
          %dma_wait3A_218 = tpu.memref_squeeze %dma_wait3A_217 : memref<1x64xi32, #tpu.memory_space<vmem>> -> memref<64xi32, #tpu.memory_space<vmem>>
          %dma_wait3A_219 = tpu.memref_slice %arg3[%add3A_180] : memref<320000xi32, #tpu.memory_space<hbm>> -> memref<64xi32, #tpu.memory_space<hbm>>
          %dma_wait3A_220 = arith.constant 0 : i32
          %dma_wait3A_221 = tpu.memref_slice %arg7[%run_scoped3A_181, %dma_wait3A_220] : memref<2x64xi32, #tpu.memory_space<vmem>> -> memref<1x64xi32, #tpu.memory_space<vmem>>
          %dma_wait3A_222 = tpu.memref_squeeze %dma_wait3A_221 : memref<1x64xi32, #tpu.memory_space<vmem>> -> memref<64xi32, #tpu.memory_space<vmem>>
          %dma_wait3A_223 = tpu.memref_slice %arg3[%add3A_180] : memref<320000xi32, #tpu.memory_space<hbm>> -> memref<64xi32, #tpu.memory_space<hbm>>
          tpu.wait_dma2 semaphore(%run_scoped3A_207 : memref<!tpu.dma_semaphore, #tpu.memory_space<semaphore_mem>>) src(%dma_wait3A_223 : memref<64xi32, #tpu.memory_space<hbm>>) dst(%dma_wait3A_222 : memref<64xi32, #tpu.memory_space<vmem>>)
          tpu.yield
        }) : () -> ()
        %run_scoped3A_182 = arith.constant 1 : i32
        "tpu.region"() ({
          %run_scoped3A_207 = tpu.sem_alloc : memref<!tpu.dma_semaphore, #tpu.memory_space<semaphore_mem>>
          %dma_start3A_208 = arith.constant 0 : i32
          %dma_start3A_209 = tpu.memref_slice %arg8[%run_scoped3A_182, %dma_start3A_208] : memref<2x64xi32, #tpu.memory_space<vmem>> -> memref<1x64xi32, #tpu.memory_space<vmem>>
          %dma_start3A_210 = tpu.memref_squeeze %dma_start3A_209 : memref<1x64xi32, #tpu.memory_space<vmem>> -> memref<64xi32, #tpu.memory_space<vmem>>
          %dma_start3A_211 = tpu.memref_slice %arg4[%add3A_180] : memref<320000xi32, #tpu.memory_space<hbm>> -> memref<64xi32, #tpu.memory_space<hbm>>
          %dma_start3A_212 = arith.constant 0 : i32
          %dma_start3A_213 = tpu.memref_slice %arg8[%run_scoped3A_182, %dma_start3A_212] : memref<2x64xi32, #tpu.memory_space<vmem>> -> memref<1x64xi32, #tpu.memory_space<vmem>>
          %dma_start3A_214 = tpu.memref_squeeze %dma_start3A_213 : memref<1x64xi32, #tpu.memory_space<vmem>> -> memref<64xi32, #tpu.memory_space<vmem>>
          %dma_start3A_215 = tpu.memref_slice %arg4[%add3A_180] : memref<320000xi32, #tpu.memory_space<hbm>> -> memref<64xi32, #tpu.memory_space<hbm>>
          tpu.enqueue_dma source(%dma_start3A_215 : memref<64xi32, #tpu.memory_space<hbm>>) target(%dma_start3A_214 : memref<64xi32, #tpu.memory_space<vmem>>) target_semaphore(%run_scoped3A_207 : memref<!tpu.dma_semaphore, #tpu.memory_space<semaphore_mem>>)
          %dma_wait3A_216 = arith.constant 0 : i32
          %dma_wait3A_217 = tpu.memref_slice %arg8[%run_scoped3A_182, %dma_wait3A_216] : memref<2x64xi32, #tpu.memory_space<vmem>> -> memref<1x64xi32, #tpu.memory_space<vmem>>
          %dma_wait3A_218 = tpu.memref_squeeze %dma_wait3A_217 : memref<1x64xi32, #tpu.memory_space<vmem>> -> memref<64xi32, #tpu.memory_space<vmem>>
          %dma_wait3A_219 = tpu.memref_slice %arg4[%add3A_180] : memref<320000xi32, #tpu.memory_space<hbm>> -> memref<64xi32, #tpu.memory_space<hbm>>
          %dma_wait3A_220 = arith.constant 0 : i32
          %dma_wait3A_221 = tpu.memref_slice %arg8[%run_scoped3A_182, %dma_wait3A_220] : memref<2x64xi32, #tpu.memory_space<vmem>> -> memref<1x64xi32, #tpu.memory_space<vmem>>
          %dma_wait3A_222 = tpu.memref_squeeze %dma_wait3A_221 : memref<1x64xi32, #tpu.memory_space<vmem>> -> memref<64xi32, #tpu.memory_space<vmem>>
          %dma_wait3A_223 = tpu.memref_slice %arg4[%add3A_180] : memref<320000xi32, #tpu.memory_space<hbm>> -> memref<64xi32, #tpu.memory_space<hbm>>
          tpu.wait_dma2 semaphore(%run_scoped3A_207 : memref<!tpu.dma_semaphore, #tpu.memory_space<semaphore_mem>>) src(%dma_wait3A_223 : memref<64xi32, #tpu.memory_space<hbm>>) dst(%dma_wait3A_222 : memref<64xi32, #tpu.memory_space<vmem>>)
          tpu.yield
        }) : () -> ()
        %dma_start3A_183 = arith.constant 1 : i32
        %dma_start3A_184 = arith.constant 1 : i32
        %dma_start3A_185 = arith.constant 0 : i32
        %dma_start3A_186 = arith.constant 0 : i32
        %dma_start3A_187 = tpu.memref_slice %arg9[%dma_start3A_184, %dma_start3A_185, %dma_start3A_186] : memref<2x64x128xf32, #tpu.memory_space<vmem>> -> memref<1x64x128xf32, #tpu.memory_space<vmem>>
        %dma_start3A_188 = tpu.memref_squeeze %dma_start3A_187 : memref<1x64x128xf32, #tpu.memory_space<vmem>> -> memref<64x128xf32, #tpu.memory_space<vmem>>
        %dma_start3A_189 = arith.constant 0 : i32
        %dma_start3A_190 = tpu.memref_slice %arg7[%dma_start3A_183, %dma_start3A_189] : memref<2x64xi32, #tpu.memory_space<vmem>> -> memref<1x64xi32, #tpu.memory_space<vmem>>
        %dma_start3A_191 = tpu.memref_squeeze %dma_start3A_190 : memref<1x64xi32, #tpu.memory_space<vmem>> -> memref<64xi32, #tpu.memory_space<vmem>>
        %dma_start3A_192 = arith.constant 0 : i32
        %dma_start3A_193 = arith.constant 0 : i32
        %dma_start3A_194 = tpu.memref_slice %arg6[%dma_start3A_192, %dma_start3A_193] : memref<10000x128xf32, #tpu.memory_space<vmem_shared>> -> memref<10000x128xf32, #tpu.memory_space<vmem_shared>>
        tpu.enqueue_indirect_dma source(%dma_start3A_194 : memref<10000x128xf32, #tpu.memory_space<vmem_shared>>) target(%dma_start3A_188 : memref<64x128xf32, #tpu.memory_space<vmem>>) offsets(%dma_start3A_191 : memref<64xi32, #tpu.memory_space<vmem>>) semaphore(%arg13 : memref<!tpu.dma_semaphore, #tpu.memory_space<semaphore_mem>>)
        %dma_start3A_195 = arith.constant 1 : i32
        %dma_start3A_196 = arith.constant 1 : i32
        %dma_start3A_197 = arith.constant 0 : i32
        %dma_start3A_198 = arith.constant 0 : i32
        %dma_start3A_199 = tpu.memref_slice %arg10[%dma_start3A_196, %dma_start3A_197, %dma_start3A_198] : memref<2x64x128xf32, #tpu.memory_space<vmem>> -> memref<1x64x128xf32, #tpu.memory_space<vmem>>
        %dma_start3A_200 = tpu.memref_squeeze %dma_start3A_199 : memref<1x64x128xf32, #tpu.memory_space<vmem>> -> memref<64x128xf32, #tpu.memory_space<vmem>>
        %dma_start3A_201 = arith.constant 0 : i32
        %dma_start3A_202 = tpu.memref_slice %arg8[%dma_start3A_195, %dma_start3A_201] : memref<2x64xi32, #tpu.memory_space<vmem>> -> memref<1x64xi32, #tpu.memory_space<vmem>>
        %dma_start3A_203 = tpu.memref_squeeze %dma_start3A_202 : memref<1x64xi32, #tpu.memory_space<vmem>> -> memref<64xi32, #tpu.memory_space<vmem>>
        %dma_start3A_204 = arith.constant 0 : i32
        %dma_start3A_205 = arith.constant 0 : i32
        %dma_start3A_206 = tpu.memref_slice %arg6[%dma_start3A_204, %dma_start3A_205] : memref<10000x128xf32, #tpu.memory_space<vmem_shared>> -> memref<10000x128xf32, #tpu.memory_space<vmem_shared>>
        tpu.enqueue_indirect_dma source(%dma_start3A_206 : memref<10000x128xf32, #tpu.memory_space<vmem_shared>>) target(%dma_start3A_200 : memref<64x128xf32, #tpu.memory_space<vmem>>) offsets(%dma_start3A_203 : memref<64xi32, #tpu.memory_space<vmem>>) semaphore(%arg13 : memref<!tpu.dma_semaphore, #tpu.memory_space<semaphore_mem>>)
      } else {
      }
      %dma_wait3A_84 = arith.constant 0 : i32
      %dma_wait3A_85 = arith.constant 0 : i32
      %dma_wait3A_86 = arith.constant 0 : i32
      %dma_wait3A_87 = arith.constant 0 : i32
      %dma_wait3A_88 = tpu.memref_slice %arg9[%dma_wait3A_85, %dma_wait3A_86, %dma_wait3A_87] : memref<2x64x128xf32, #tpu.memory_space<vmem>> -> memref<1x64x128xf32, #tpu.memory_space<vmem>>
      %dma_wait3A_89 = tpu.memref_squeeze %dma_wait3A_88 : memref<1x64x128xf32, #tpu.memory_space<vmem>> -> memref<64x128xf32, #tpu.memory_space<vmem>>
      %dma_wait3A_90 = arith.constant 0 : i32
      %dma_wait3A_91 = tpu.memref_slice %arg7[%dma_wait3A_84, %dma_wait3A_90] : memref<2x64xi32, #tpu.memory_space<vmem>> -> memref<1x64xi32, #tpu.memory_space<vmem>>
      %dma_wait3A_92 = tpu.memref_squeeze %dma_wait3A_91 : memref<1x64xi32, #tpu.memory_space<vmem>> -> memref<64xi32, #tpu.memory_space<vmem>>
      %dma_wait3A_93 = arith.constant 0 : i32
      %dma_wait3A_94 = arith.constant 0 : i32
      %dma_wait3A_95 = tpu.memref_slice %arg6[%dma_wait3A_93, %dma_wait3A_94] : memref<10000x128xf32, #tpu.memory_space<vmem_shared>> -> memref<10000x128xf32, #tpu.memory_space<vmem_shared>>
      tpu.wait_indirect_dma semaphore(%arg12 : memref<!tpu.dma_semaphore, #tpu.memory_space<semaphore_mem>>) src(%dma_wait3A_95 : memref<10000x128xf32, #tpu.memory_space<vmem_shared>>) dst(%dma_wait3A_89 : memref<64x128xf32, #tpu.memory_space<vmem>>)
      %dma_wait3A_96 = arith.constant 0 : i32
      %dma_wait3A_97 = arith.constant 0 : i32
      %dma_wait3A_98 = arith.constant 0 : i32
      %dma_wait3A_99 = arith.constant 0 : i32
      %dma_wait3A_100 = tpu.memref_slice %arg10[%dma_wait3A_97, %dma_wait3A_98, %dma_wait3A_99] : memref<2x64x128xf32, #tpu.memory_space<vmem>> -> memref<1x64x128xf32, #tpu.memory_space<vmem>>
      %dma_wait3A_101 = tpu.memref_squeeze %dma_wait3A_100 : memref<1x64x128xf32, #tpu.memory_space<vmem>> -> memref<64x128xf32, #tpu.memory_space<vmem>>
      %dma_wait3A_102 = arith.constant 0 : i32
      %dma_wait3A_103 = tpu.memref_slice %arg8[%dma_wait3A_96, %dma_wait3A_102] : memref<2x64xi32, #tpu.memory_space<vmem>> -> memref<1x64xi32, #tpu.memory_space<vmem>>
      %dma_wait3A_104 = tpu.memref_squeeze %dma_wait3A_103 : memref<1x64xi32, #tpu.memory_space<vmem>> -> memref<64xi32, #tpu.memory_space<vmem>>
      %dma_wait3A_105 = arith.constant 0 : i32
      %dma_wait3A_106 = arith.constant 0 : i32
      %dma_wait3A_107 = tpu.memref_slice %arg6[%dma_wait3A_105, %dma_wait3A_106] : memref<10000x128xf32, #tpu.memory_space<vmem_shared>> -> memref<10000x128xf32, #tpu.memory_space<vmem_shared>>
      tpu.wait_indirect_dma semaphore(%arg12 : memref<!tpu.dma_semaphore, #tpu.memory_space<semaphore_mem>>) src(%dma_wait3A_107 : memref<10000x128xf32, #tpu.memory_space<vmem_shared>>) dst(%dma_wait3A_101 : memref<64x128xf32, #tpu.memory_space<vmem>>)
      %ge3A = arith.constant 1 : i32
      %ge3A_108 = arith.cmpi sge, %add3A_77, %ge3A : i32
      %convert_element_type3A_109 = arith.extui %ge3A_108 : i1 to i32
      %cond3A_110 = arith.constant 0 : i32
      %cond3A_111 = arith.cmpi ne, %convert_element_type3A_109, %cond3A_110 : i32
      scf.if %cond3A_111 {
        %sub3A_176 = arith.constant 1 : i32
        %sub3A_177 = arith.subi %add3A_77, %sub3A_176 : i32
        %mul3A_178 = arith.constant 64 : i32
        %mul3A_179 = arith.muli %sub3A_177, %mul3A_178 : i32
        %add3A_180 = arith.addi %mul3A_8, %mul3A_179 : i32
        %dma_wait3A_181 = arith.constant 0 : i32
        %dma_wait3A_182 = tpu.memref_slice %arg5[%add3A_180, %dma_wait3A_181] : memref<320000x64xf32, #tpu.memory_space<hbm>> -> memref<64x64xf32, #tpu.memory_space<hbm>>
        %dma_wait3A_183 = arith.constant 0 : i32
        %dma_wait3A_184 = tpu.memref_slice %arg5[%add3A_180, %dma_wait3A_183] : memref<320000x64xf32, #tpu.memory_space<hbm>> -> memref<64x64xf32, #tpu.memory_space<hbm>>
        tpu.wait_dma2 semaphore(%arg14 : memref<!tpu.dma_semaphore, #tpu.memory_space<semaphore_mem>>) src(%arg11 : memref<64x64xf32, #tpu.memory_space<vmem>>) dst(%dma_wait3A_184 : memref<64x64xf32, #tpu.memory_space<hbm>>)
      } else {
      }
      %scan3A = arith.constant 0 : i32
      %scan3A_112 = arith.constant 0 : i32
      %scan3A_113 = arith.constant 64 : i32
      %scan3A_114 = arith.addi %scan3A_112, %scan3A_113 : i32
      %scan3A_115 = arith.constant 1 : i32
      scf.for %scan3A_176 = %scan3A_112 to %scan3A_114 step %scan3A_115  : i32 {
        %get3A = arith.constant 0 : i32
        %get3A_177 = arith.index_cast %get3A : i32 to index
        %get3A_178 = arith.index_cast %scan3A_176 : i32 to index
        %get3A_179 = arith.constant 0 : index
        %get3A_180 = tpu.vector_load %arg9[%get3A_177, %get3A_178, %get3A_179] {strides = array<i32>} : memref<2x64x128xf32, #tpu.memory_space<vmem>>, vector<1x1x16xf32>,
        %get3A_181 = vector.shape_cast %get3A_180 : vector<1x1x16xf32> to vector<16xf32>
        %get3A_182 = arith.constant 0 : i32
        %get3A_183 = arith.index_cast %get3A_182 : i32 to index
        %get3A_184 = arith.index_cast %scan3A_176 : i32 to index
        %get3A_185 = arith.constant 64 : index
        %get3A_186 = tpu.vector_load %arg10[%get3A_183, %get3A_184, %get3A_185] {strides = array<i32>} : memref<2x64x128xf32, #tpu.memory_space<vmem>>, vector<1x1x16xf32>,
        %get3A_187 = vector.shape_cast %get3A_186 : vector<1x1x16xf32> to vector<16xf32>
        %add3A_188 = arith.addf %get3A_181, %get3A_187 : vector<16xf32>
        %swap3A = arith.index_cast %scan3A_176 : i32 to index
        %swap3A_189 = arith.constant 0 : index
        %swap3A_190 = tpu.vector_load %arg11[%swap3A, %swap3A_189] {strides = array<i32>} : memref<64x64xf32, #tpu.memory_space<vmem>>, vector<1x16xf32>,
        %swap3A_191 = vector.shape_cast %swap3A_190 : vector<1x16xf32> to vector<16xf32>
        %swap3A_192 = vector.shape_cast %add3A_188 : vector<16xf32> to vector<1x16xf32>
        tpu.vector_store %arg11[%swap3A, %swap3A_189], %swap3A_192 {strides = array<i32>} : memref<64x64xf32, #tpu.memory_space<vmem>>, vector<1x16xf32>,
        %get3A_193 = arith.constant 0 : i32
        %get3A_194 = arith.index_cast %get3A_193 : i32 to index
        %get3A_195 = arith.index_cast %scan3A_176 : i32 to index
        %get3A_196 = arith.constant 16 : index
        %get3A_197 = tpu.vector_load %arg9[%get3A_194, %get3A_195, %get3A_196] {strides = array<i32>} : memref<2x64x128xf32, #tpu.memory_space<vmem>>, vector<1x1x16xf32>,
        %get3A_198 = vector.shape_cast %get3A_197 : vector<1x1x16xf32> to vector<16xf32>
        %get3A_199 = arith.constant 0 : i32
        %get3A_200 = arith.index_cast %get3A_199 : i32 to index
        %get3A_201 = arith.index_cast %scan3A_176 : i32 to index
        %get3A_202 = arith.constant 80 : index
        %get3A_203 = tpu.vector_load %arg10[%get3A_200, %get3A_201, %get3A_202] {strides = array<i32>} : memref<2x64x128xf32, #tpu.memory_space<vmem>>, vector<1x1x16xf32>,
        %get3A_204 = vector.shape_cast %get3A_203 : vector<1x1x16xf32> to vector<16xf32>
        %add3A_205 = arith.addf %get3A_198, %get3A_204 : vector<16xf32>
        %swap3A_206 = arith.index_cast %scan3A_176 : i32 to index
        %swap3A_207 = arith.constant 16 : index
        %swap3A_208 = tpu.vector_load %arg11[%swap3A_206, %swap3A_207] {strides = array<i32>} : memref<64x64xf32, #tpu.memory_space<vmem>>, vector<1x16xf32>,
        %swap3A_209 = vector.shape_cast %swap3A_208 : vector<1x16xf32> to vector<16xf32>
        %swap3A_210 = vector.shape_cast %add3A_205 : vector<16xf32> to vector<1x16xf32>
        tpu.vector_store %arg11[%swap3A_206, %swap3A_207], %swap3A_210 {strides = array<i32>} : memref<64x64xf32, #tpu.memory_space<vmem>>, vector<1x16xf32>,
        %get3A_211 = arith.constant 0 : i32
        %get3A_212 = arith.index_cast %get3A_211 : i32 to index
        %get3A_213 = arith.index_cast %scan3A_176 : i32 to index
        %get3A_214 = arith.constant 32 : index
        %get3A_215 = tpu.vector_load %arg9[%get3A_212, %get3A_213, %get3A_214] {strides = array<i32>} : memref<2x64x128xf32, #tpu.memory_space<vmem>>, vector<1x1x16xf32>,
        %get3A_216 = vector.shape_cast %get3A_215 : vector<1x1x16xf32> to vector<16xf32>
        %get3A_217 = arith.constant 0 : i32
        %get3A_218 = arith.index_cast %get3A_217 : i32 to index
        %get3A_219 = arith.index_cast %scan3A_176 : i32 to index
        %get3A_220 = arith.constant 96 : index
        %get3A_221 = tpu.vector_load %arg10[%get3A_218, %get3A_219, %get3A_220] {strides = array<i32>} : memref<2x64x128xf32, #tpu.memory_space<vmem>>, vector<1x1x16xf32>,
        %get3A_222 = vector.shape_cast %get3A_221 : vector<1x1x16xf32> to vector<16xf32>
        %add3A_223 = arith.addf %get3A_216, %get3A_222 : vector<16xf32>
        %swap3A_224 = arith.index_cast %scan3A_176 : i32 to index
        %swap3A_225 = arith.constant 32 : index
        %swap3A_226 = tpu.vector_load %arg11[%swap3A_224, %swap3A_225] {strides = array<i32>} : memref<64x64xf32, #tpu.memory_space<vmem>>, vector<1x16xf32>,
        %swap3A_227 = vector.shape_cast %swap3A_226 : vector<1x16xf32> to vector<16xf32>
        %swap3A_228 = vector.shape_cast %add3A_223 : vector<16xf32> to vector<1x16xf32>
        tpu.vector_store %arg11[%swap3A_224, %swap3A_225], %swap3A_228 {strides = array<i32>} : memref<64x64xf32, #tpu.memory_space<vmem>>, vector<1x16xf32>,
        %get3A_229 = arith.constant 0 : i32
        %get3A_230 = arith.index_cast %get3A_229 : i32 to index
        %get3A_231 = arith.index_cast %scan3A_176 : i32 to index
        %get3A_232 = arith.constant 48 : index
        %get3A_233 = tpu.vector_load %arg9[%get3A_230, %get3A_231, %get3A_232] {strides = array<i32>} : memref<2x64x128xf32, #tpu.memory_space<vmem>>, vector<1x1x16xf32>,
        %get3A_234 = vector.shape_cast %get3A_233 : vector<1x1x16xf32> to vector<16xf32>
        %get3A_235 = arith.constant 0 : i32
        %get3A_236 = arith.index_cast %get3A_235 : i32 to index
        %get3A_237 = arith.index_cast %scan3A_176 : i32 to index
        %get3A_238 = arith.constant 112 : index
        %get3A_239 = tpu.vector_load %arg10[%get3A_236, %get3A_237, %get3A_238] {strides = array<i32>} : memref<2x64x128xf32, #tpu.memory_space<vmem>>, vector<1x1x16xf32>,
        %get3A_240 = vector.shape_cast %get3A_239 : vector<1x1x16xf32> to vector<16xf32>
        %add3A_241 = arith.addf %get3A_234, %get3A_240 : vector<16xf32>
        %swap3A_242 = arith.index_cast %scan3A_176 : i32 to index
        %swap3A_243 = arith.constant 48 : index
        %swap3A_244 = tpu.vector_load %arg11[%swap3A_242, %swap3A_243] {strides = array<i32>} : memref<64x64xf32, #tpu.memory_space<vmem>>, vector<1x16xf32>,
        %swap3A_245 = vector.shape_cast %swap3A_244 : vector<1x16xf32> to vector<16xf32>
        %swap3A_246 = vector.shape_cast %add3A_241 : vector<16xf32> to vector<1x16xf32>
        tpu.vector_store %arg11[%swap3A_242, %swap3A_243], %swap3A_246 {strides = array<i32>} : memref<64x64xf32, #tpu.memory_space<vmem>>, vector<1x16xf32>,
      }
      %scan3A_116 = arith.constant 64 : i32
      %mul3A_117 = arith.constant 64 : i32
      %mul3A_118 = arith.muli %add3A_77, %mul3A_117 : i32
      %add3A_119 = arith.addi %mul3A_8, %mul3A_118 : i32
      %dma_start3A_120 = arith.constant 0 : i32
      %dma_start3A_121 = tpu.memref_slice %arg5[%add3A_119, %dma_start3A_120] : memref<320000x64xf32, #tpu.memory_space<hbm>> -> memref<64x64xf32, #tpu.memory_space<hbm>>
      %dma_start3A_122 = arith.constant 0 : i32
      %dma_start3A_123 = tpu.memref_slice %arg5[%add3A_119, %dma_start3A_122] : memref<320000x64xf32, #tpu.memory_space<hbm>> -> memref<64x64xf32, #tpu.memory_space<hbm>>
      tpu.enqueue_dma source(%arg11 : memref<64x64xf32, #tpu.memory_space<vmem>>) target(%dma_start3A_123 : memref<64x64xf32, #tpu.memory_space<hbm>>) target_semaphore(%arg14 : memref<!tpu.dma_semaphore, #tpu.memory_space<semaphore_mem>>)
      %mul3A_124 = arith.constant 2 : i32
      %mul3A_125 = arith.muli %mul3A_124, %while3A_73 : i32
      %add3A_126 = arith.constant 1 : i32
      %add3A_127 = arith.addi %mul3A_125, %add3A_126 : i32
      %add3A_128 = arith.constant 1 : i32
      %add3A_129 = arith.addi %add3A_127, %add3A_128 : i32
      %lt3A_130 = arith.cmpi slt, %add3A_129, %select_n3A : i32
      %convert_element_type3A_131 = arith.extui %lt3A_130 : i1 to i32
      %cond3A_132 = arith.constant 0 : i32
      %cond3A_133 = arith.cmpi ne, %convert_element_type3A_131, %cond3A_132 : i32
      scf.if %cond3A_133 {
        %add3A_176 = arith.constant 1 : i32
        %add3A_177 = arith.addi %add3A_127, %add3A_176 : i32
        %mul3A_178 = arith.constant 64 : i32
        %mul3A_179 = arith.muli %add3A_177, %mul3A_178 : i32
        %add3A_180 = arith.addi %mul3A_8, %mul3A_179 : i32
        %run_scoped3A_181 = arith.constant 0 : i32
        "tpu.region"() ({
          %run_scoped3A_207 = tpu.sem_alloc : memref<!tpu.dma_semaphore, #tpu.memory_space<semaphore_mem>>
          %dma_start3A_208 = arith.constant 0 : i32
          %dma_start3A_209 = tpu.memref_slice %arg7[%run_scoped3A_181, %dma_start3A_208] : memref<2x64xi32, #tpu.memory_space<vmem>> -> memref<1x64xi32, #tpu.memory_space<vmem>>
          %dma_start3A_210 = tpu.memref_squeeze %dma_start3A_209 : memref<1x64xi32, #tpu.memory_space<vmem>> -> memref<64xi32, #tpu.memory_space<vmem>>
          %dma_start3A_211 = tpu.memref_slice %arg3[%add3A_180] : memref<320000xi32, #tpu.memory_space<hbm>> -> memref<64xi32, #tpu.memory_space<hbm>>
          %dma_start3A_212 = arith.constant 0 : i32
          %dma_start3A_213 = tpu.memref_slice %arg7[%run_scoped3A_181, %dma_start3A_212] : memref<2x64xi32, #tpu.memory_space<vmem>> -> memref<1x64xi32, #tpu.memory_space<vmem>>
          %dma_start3A_214 = tpu.memref_squeeze %dma_start3A_213 : memref<1x64xi32, #tpu.memory_space<vmem>> -> memref<64xi32, #tpu.memory_space<vmem>>
          %dma_start3A_215 = tpu.memref_slice %arg3[%add3A_180] : memref<320000xi32, #tpu.memory_space<hbm>> -> memref<64xi32, #tpu.memory_space<hbm>>
          tpu.enqueue_dma source(%dma_start3A_215 : memref<64xi32, #tpu.memory_space<hbm>>) target(%dma_start3A_214 : memref<64xi32, #tpu.memory_space<vmem>>) target_semaphore(%run_scoped3A_207 : memref<!tpu.dma_semaphore, #tpu.memory_space<semaphore_mem>>)
          %dma_wait3A_216 = arith.constant 0 : i32
          %dma_wait3A_217 = tpu.memref_slice %arg7[%run_scoped3A_181, %dma_wait3A_216] : memref<2x64xi32, #tpu.memory_space<vmem>> -> memref<1x64xi32, #tpu.memory_space<vmem>>
          %dma_wait3A_218 = tpu.memref_squeeze %dma_wait3A_217 : memref<1x64xi32, #tpu.memory_space<vmem>> -> memref<64xi32, #tpu.memory_space<vmem>>
          %dma_wait3A_219 = tpu.memref_slice %arg3[%add3A_180] : memref<320000xi32, #tpu.memory_space<hbm>> -> memref<64xi32, #tpu.memory_space<hbm>>
          %dma_wait3A_220 = arith.constant 0 : i32
          %dma_wait3A_221 = tpu.memref_slice %arg7[%run_scoped3A_181, %dma_wait3A_220] : memref<2x64xi32, #tpu.memory_space<vmem>> -> memref<1x64xi32, #tpu.memory_space<vmem>>
          %dma_wait3A_222 = tpu.memref_squeeze %dma_wait3A_221 : memref<1x64xi32, #tpu.memory_space<vmem>> -> memref<64xi32, #tpu.memory_space<vmem>>
          %dma_wait3A_223 = tpu.memref_slice %arg3[%add3A_180] : memref<320000xi32, #tpu.memory_space<hbm>> -> memref<64xi32, #tpu.memory_space<hbm>>
          tpu.wait_dma2 semaphore(%run_scoped3A_207 : memref<!tpu.dma_semaphore, #tpu.memory_space<semaphore_mem>>) src(%dma_wait3A_223 : memref<64xi32, #tpu.memory_space<hbm>>) dst(%dma_wait3A_222 : memref<64xi32, #tpu.memory_space<vmem>>)
          tpu.yield
        }) : () -> ()
        %run_scoped3A_182 = arith.constant 0 : i32
        "tpu.region"() ({
          %run_scoped3A_207 = tpu.sem_alloc : memref<!tpu.dma_semaphore, #tpu.memory_space<semaphore_mem>>
          %dma_start3A_208 = arith.constant 0 : i32
          %dma_start3A_209 = tpu.memref_slice %arg8[%run_scoped3A_182, %dma_start3A_208] : memref<2x64xi32, #tpu.memory_space<vmem>> -> memref<1x64xi32, #tpu.memory_space<vmem>>
          %dma_start3A_210 = tpu.memref_squeeze %dma_start3A_209 : memref<1x64xi32, #tpu.memory_space<vmem>> -> memref<64xi32, #tpu.memory_space<vmem>>
          %dma_start3A_211 = tpu.memref_slice %arg4[%add3A_180] : memref<320000xi32, #tpu.memory_space<hbm>> -> memref<64xi32, #tpu.memory_space<hbm>>
          %dma_start3A_212 = arith.constant 0 : i32
          %dma_start3A_213 = tpu.memref_slice %arg8[%run_scoped3A_182, %dma_start3A_212] : memref<2x64xi32, #tpu.memory_space<vmem>> -> memref<1x64xi32, #tpu.memory_space<vmem>>
          %dma_start3A_214 = tpu.memref_squeeze %dma_start3A_213 : memref<1x64xi32, #tpu.memory_space<vmem>> -> memref<64xi32, #tpu.memory_space<vmem>>
          %dma_start3A_215 = tpu.memref_slice %arg4[%add3A_180] : memref<320000xi32, #tpu.memory_space<hbm>> -> memref<64xi32, #tpu.memory_space<hbm>>
          tpu.enqueue_dma source(%dma_start3A_215 : memref<64xi32, #tpu.memory_space<hbm>>) target(%dma_start3A_214 : memref<64xi32, #tpu.memory_space<vmem>>) target_semaphore(%run_scoped3A_207 : memref<!tpu.dma_semaphore, #tpu.memory_space<semaphore_mem>>)
          %dma_wait3A_216 = arith.constant 0 : i32
          %dma_wait3A_217 = tpu.memref_slice %arg8[%run_scoped3A_182, %dma_wait3A_216] : memref<2x64xi32, #tpu.memory_space<vmem>> -> memref<1x64xi32, #tpu.memory_space<vmem>>
          %dma_wait3A_218 = tpu.memref_squeeze %dma_wait3A_217 : memref<1x64xi32, #tpu.memory_space<vmem>> -> memref<64xi32, #tpu.memory_space<vmem>>
          %dma_wait3A_219 = tpu.memref_slice %arg4[%add3A_180] : memref<320000xi32, #tpu.memory_space<hbm>> -> memref<64xi32, #tpu.memory_space<hbm>>
          %dma_wait3A_220 = arith.constant 0 : i32
          %dma_wait3A_221 = tpu.memref_slice %arg8[%run_scoped3A_182, %dma_wait3A_220] : memref<2x64xi32, #tpu.memory_space<vmem>> -> memref<1x64xi32, #tpu.memory_space<vmem>>
          %dma_wait3A_222 = tpu.memref_squeeze %dma_wait3A_221 : memref<1x64xi32, #tpu.memory_space<vmem>> -> memref<64xi32, #tpu.memory_space<vmem>>
          %dma_wait3A_223 = tpu.memref_slice %arg4[%add3A_180] : memref<320000xi32, #tpu.memory_space<hbm>> -> memref<64xi32, #tpu.memory_space<hbm>>
          tpu.wait_dma2 semaphore(%run_scoped3A_207 : memref<!tpu.dma_semaphore, #tpu.memory_space<semaphore_mem>>) src(%dma_wait3A_223 : memref<64xi32, #tpu.memory_space<hbm>>) dst(%dma_wait3A_222 : memref<64xi32, #tpu.memory_space<vmem>>)
          tpu.yield
        }) : () -> ()
        %dma_start3A_183 = arith.constant 0 : i32
        %dma_start3A_184 = arith.constant 0 : i32
        %dma_start3A_185 = arith.constant 0 : i32
        %dma_start3A_186 = arith.constant 0 : i32
        %dma_start3A_187 = tpu.memref_slice %arg9[%dma_start3A_184, %dma_start3A_185, %dma_start3A_186] : memref<2x64x128xf32, #tpu.memory_space<vmem>> -> memref<1x64x128xf32, #tpu.memory_space<vmem>>
        %dma_start3A_188 = tpu.memref_squeeze %dma_start3A_187 : memref<1x64x128xf32, #tpu.memory_space<vmem>> -> memref<64x128xf32, #tpu.memory_space<vmem>>
        %dma_start3A_189 = arith.constant 0 : i32
        %dma_start3A_190 = tpu.memref_slice %arg7[%dma_start3A_183, %dma_start3A_189] : memref<2x64xi32, #tpu.memory_space<vmem>> -> memref<1x64xi32, #tpu.memory_space<vmem>>
        %dma_start3A_191 = tpu.memref_squeeze %dma_start3A_190 : memref<1x64xi32, #tpu.memory_space<vmem>> -> memref<64xi32, #tpu.memory_space<vmem>>
        %dma_start3A_192 = arith.constant 0 : i32
        %dma_start3A_193 = arith.constant 0 : i32
        %dma_start3A_194 = tpu.memref_slice %arg6[%dma_start3A_192, %dma_start3A_193] : memref<10000x128xf32, #tpu.memory_space<vmem_shared>> -> memref<10000x128xf32, #tpu.memory_space<vmem_shared>>
        tpu.enqueue_indirect_dma source(%dma_start3A_194 : memref<10000x128xf32, #tpu.memory_space<vmem_shared>>) target(%dma_start3A_188 : memref<64x128xf32, #tpu.memory_space<vmem>>) offsets(%dma_start3A_191 : memref<64xi32, #tpu.memory_space<vmem>>) semaphore(%arg12 : memref<!tpu.dma_semaphore, #tpu.memory_space<semaphore_mem>>)
        %dma_start3A_195 = arith.constant 0 : i32
        %dma_start3A_196 = arith.constant 0 : i32
        %dma_start3A_197 = arith.constant 0 : i32
        %dma_start3A_198 = arith.constant 0 : i32
        %dma_start3A_199 = tpu.memref_slice %arg10[%dma_start3A_196, %dma_start3A_197, %dma_start3A_198] : memref<2x64x128xf32, #tpu.memory_space<vmem>> -> memref<1x64x128xf32, #tpu.memory_space<vmem>>
        %dma_start3A_200 = tpu.memref_squeeze %dma_start3A_199 : memref<1x64x128xf32, #tpu.memory_space<vmem>> -> memref<64x128xf32, #tpu.memory_space<vmem>>
        %dma_start3A_201 = arith.constant 0 : i32
        %dma_start3A_202 = tpu.memref_slice %arg8[%dma_start3A_195, %dma_start3A_201] : memref<2x64xi32, #tpu.memory_space<vmem>> -> memref<1x64xi32, #tpu.memory_space<vmem>>
        %dma_start3A_203 = tpu.memref_squeeze %dma_start3A_202 : memref<1x64xi32, #tpu.memory_space<vmem>> -> memref<64xi32, #tpu.memory_space<vmem>>
        %dma_start3A_204 = arith.constant 0 : i32
        %dma_start3A_205 = arith.constant 0 : i32
        %dma_start3A_206 = tpu.memref_slice %arg6[%dma_start3A_204, %dma_start3A_205] : memref<10000x128xf32, #tpu.memory_space<vmem_shared>> -> memref<10000x128xf32, #tpu.memory_space<vmem_shared>>
        tpu.enqueue_indirect_dma source(%dma_start3A_206 : memref<10000x128xf32, #tpu.memory_space<vmem_shared>>) target(%dma_start3A_200 : memref<64x128xf32, #tpu.memory_space<vmem>>) offsets(%dma_start3A_203 : memref<64xi32, #tpu.memory_space<vmem>>) semaphore(%arg12 : memref<!tpu.dma_semaphore, #tpu.memory_space<semaphore_mem>>)
      } else {
      }
      %dma_wait3A_134 = arith.constant 1 : i32
      %dma_wait3A_135 = arith.constant 1 : i32
      %dma_wait3A_136 = arith.constant 0 : i32
      %dma_wait3A_137 = arith.constant 0 : i32
      %dma_wait3A_138 = tpu.memref_slice %arg9[%dma_wait3A_135, %dma_wait3A_136, %dma_wait3A_137] : memref<2x64x128xf32, #tpu.memory_space<vmem>> -> memref<1x64x128xf32, #tpu.memory_space<vmem>>
      %dma_wait3A_139 = tpu.memref_squeeze %dma_wait3A_138 : memref<1x64x128xf32, #tpu.memory_space<vmem>> -> memref<64x128xf32, #tpu.memory_space<vmem>>
      %dma_wait3A_140 = arith.constant 0 : i32
      %dma_wait3A_141 = tpu.memref_slice %arg7[%dma_wait3A_134, %dma_wait3A_140] : memref<2x64xi32, #tpu.memory_space<vmem>> -> memref<1x64xi32, #tpu.memory_space<vmem>>
      %dma_wait3A_142 = tpu.memref_squeeze %dma_wait3A_141 : memref<1x64xi32, #tpu.memory_space<vmem>> -> memref<64xi32, #tpu.memory_space<vmem>>
      %dma_wait3A_143 = arith.constant 0 : i32
      %dma_wait3A_144 = arith.constant 0 : i32
      %dma_wait3A_145 = tpu.memref_slice %arg6[%dma_wait3A_143, %dma_wait3A_144] : memref<10000x128xf32, #tpu.memory_space<vmem_shared>> -> memref<10000x128xf32, #tpu.memory_space<vmem_shared>>
      tpu.wait_indirect_dma semaphore(%arg13 : memref<!tpu.dma_semaphore, #tpu.memory_space<semaphore_mem>>) src(%dma_wait3A_145 : memref<10000x128xf32, #tpu.memory_space<vmem_shared>>) dst(%dma_wait3A_139 : memref<64x128xf32, #tpu.memory_space<vmem>>)
      %dma_wait3A_146 = arith.constant 1 : i32
      %dma_wait3A_147 = arith.constant 1 : i32
      %dma_wait3A_148 = arith.constant 0 : i32
      %dma_wait3A_149 = arith.constant 0 : i32
      %dma_wait3A_150 = tpu.memref_slice %arg10[%dma_wait3A_147, %dma_wait3A_148, %dma_wait3A_149] : memref<2x64x128xf32, #tpu.memory_space<vmem>> -> memref<1x64x128xf32, #tpu.memory_space<vmem>>
      %dma_wait3A_151 = tpu.memref_squeeze %dma_wait3A_150 : memref<1x64x128xf32, #tpu.memory_space<vmem>> -> memref<64x128xf32, #tpu.memory_space<vmem>>
      %dma_wait3A_152 = arith.constant 0 : i32
      %dma_wait3A_153 = tpu.memref_slice %arg8[%dma_wait3A_146, %dma_wait3A_152] : memref<2x64xi32, #tpu.memory_space<vmem>> -> memref<1x64xi32, #tpu.memory_space<vmem>>
      %dma_wait3A_154 = tpu.memref_squeeze %dma_wait3A_153 : memref<1x64xi32, #tpu.memory_space<vmem>> -> memref<64xi32, #tpu.memory_space<vmem>>
      %dma_wait3A_155 = arith.constant 0 : i32
      %dma_wait3A_156 = arith.constant 0 : i32
      %dma_wait3A_157 = tpu.memref_slice %arg6[%dma_wait3A_155, %dma_wait3A_156] : memref<10000x128xf32, #tpu.memory_space<vmem_shared>> -> memref<10000x128xf32, #tpu.memory_space<vmem_shared>>
      tpu.wait_indirect_dma semaphore(%arg13 : memref<!tpu.dma_semaphore, #tpu.memory_space<semaphore_mem>>) src(%dma_wait3A_157 : memref<10000x128xf32, #tpu.memory_space<vmem_shared>>) dst(%dma_wait3A_151 : memref<64x128xf32, #tpu.memory_space<vmem>>)
      %ge3A_158 = arith.constant 1 : i32
      %ge3A_159 = arith.cmpi sge, %add3A_127, %ge3A_158 : i32
      %convert_element_type3A_160 = arith.extui %ge3A_159 : i1 to i32
      %cond3A_161 = arith.constant 0 : i32
      %cond3A_162 = arith.cmpi ne, %convert_element_type3A_160, %cond3A_161 : i32
      scf.if %cond3A_162 {
        %sub3A_176 = arith.constant 1 : i32
        %sub3A_177 = arith.subi %add3A_127, %sub3A_176 : i32
        %mul3A_178 = arith.constant 64 : i32
        %mul3A_179 = arith.muli %sub3A_177, %mul3A_178 : i32
        %add3A_180 = arith.addi %mul3A_8, %mul3A_179 : i32
        %dma_wait3A_181 = arith.constant 0 : i32
        %dma_wait3A_182 = tpu.memref_slice %arg5[%add3A_180, %dma_wait3A_181] : memref<320000x64xf32, #tpu.memory_space<hbm>> -> memref<64x64xf32, #tpu.memory_space<hbm>>
        %dma_wait3A_183 = arith.constant 0 : i32
        %dma_wait3A_184 = tpu.memref_slice %arg5[%add3A_180, %dma_wait3A_183] : memref<320000x64xf32, #tpu.memory_space<hbm>> -> memref<64x64xf32, #tpu.memory_space<hbm>>
        tpu.wait_dma2 semaphore(%arg14 : memref<!tpu.dma_semaphore, #tpu.memory_space<semaphore_mem>>) src(%arg11 : memref<64x64xf32, #tpu.memory_space<vmem>>) dst(%dma_wait3A_184 : memref<64x64xf32, #tpu.memory_space<hbm>>)
      } else {
      }
      %scan3A_163 = arith.constant 0 : i32
      %scan3A_164 = arith.constant 0 : i32
      %scan3A_165 = arith.constant 64 : i32
      %scan3A_166 = arith.addi %scan3A_164, %scan3A_165 : i32
      %scan3A_167 = arith.constant 1 : i32
      scf.for %scan3A_176 = %scan3A_164 to %scan3A_166 step %scan3A_167  : i32 {
        %get3A = arith.constant 1 : i32
        %get3A_177 = arith.index_cast %get3A : i32 to index
        %get3A_178 = arith.index_cast %scan3A_176 : i32 to index
        %get3A_179 = arith.constant 0 : index
        %get3A_180 = tpu.vector_load %arg9[%get3A_177, %get3A_178, %get3A_179] {strides = array<i32>} : memref<2x64x128xf32, #tpu.memory_space<vmem>>, vector<1x1x16xf32>,
        %get3A_181 = vector.shape_cast %get3A_180 : vector<1x1x16xf32> to vector<16xf32>
        %get3A_182 = arith.constant 1 : i32
        %get3A_183 = arith.index_cast %get3A_182 : i32 to index
        %get3A_184 = arith.index_cast %scan3A_176 : i32 to index
        %get3A_185 = arith.constant 64 : index
        %get3A_186 = tpu.vector_load %arg10[%get3A_183, %get3A_184, %get3A_185] {strides = array<i32>} : memref<2x64x128xf32, #tpu.memory_space<vmem>>, vector<1x1x16xf32>,
        %get3A_187 = vector.shape_cast %get3A_186 : vector<1x1x16xf32> to vector<16xf32>
        %add3A_188 = arith.addf %get3A_181, %get3A_187 : vector<16xf32>
        %swap3A = arith.index_cast %scan3A_176 : i32 to index
        %swap3A_189 = arith.constant 0 : index
        %swap3A_190 = tpu.vector_load %arg11[%swap3A, %swap3A_189] {strides = array<i32>} : memref<64x64xf32, #tpu.memory_space<vmem>>, vector<1x16xf32>,
        %swap3A_191 = vector.shape_cast %swap3A_190 : vector<1x16xf32> to vector<16xf32>
        %swap3A_192 = vector.shape_cast %add3A_188 : vector<16xf32> to vector<1x16xf32>
        tpu.vector_store %arg11[%swap3A, %swap3A_189], %swap3A_192 {strides = array<i32>} : memref<64x64xf32, #tpu.memory_space<vmem>>, vector<1x16xf32>,
        %get3A_193 = arith.constant 1 : i32
        %get3A_194 = arith.index_cast %get3A_193 : i32 to index
        %get3A_195 = arith.index_cast %scan3A_176 : i32 to index
        %get3A_196 = arith.constant 16 : index
        %get3A_197 = tpu.vector_load %arg9[%get3A_194, %get3A_195, %get3A_196] {strides = array<i32>} : memref<2x64x128xf32, #tpu.memory_space<vmem>>, vector<1x1x16xf32>,
        %get3A_198 = vector.shape_cast %get3A_197 : vector<1x1x16xf32> to vector<16xf32>
        %get3A_199 = arith.constant 1 : i32
        %get3A_200 = arith.index_cast %get3A_199 : i32 to index
        %get3A_201 = arith.index_cast %scan3A_176 : i32 to index
        %get3A_202 = arith.constant 80 : index
        %get3A_203 = tpu.vector_load %arg10[%get3A_200, %get3A_201, %get3A_202] {strides = array<i32>} : memref<2x64x128xf32, #tpu.memory_space<vmem>>, vector<1x1x16xf32>,
        %get3A_204 = vector.shape_cast %get3A_203 : vector<1x1x16xf32> to vector<16xf32>
        %add3A_205 = arith.addf %get3A_198, %get3A_204 : vector<16xf32>
        %swap3A_206 = arith.index_cast %scan3A_176 : i32 to index
        %swap3A_207 = arith.constant 16 : index
        %swap3A_208 = tpu.vector_load %arg11[%swap3A_206, %swap3A_207] {strides = array<i32>} : memref<64x64xf32, #tpu.memory_space<vmem>>, vector<1x16xf32>,
        %swap3A_209 = vector.shape_cast %swap3A_208 : vector<1x16xf32> to vector<16xf32>
        %swap3A_210 = vector.shape_cast %add3A_205 : vector<16xf32> to vector<1x16xf32>
        tpu.vector_store %arg11[%swap3A_206, %swap3A_207], %swap3A_210 {strides = array<i32>} : memref<64x64xf32, #tpu.memory_space<vmem>>, vector<1x16xf32>,
        %get3A_211 = arith.constant 1 : i32
        %get3A_212 = arith.index_cast %get3A_211 : i32 to index
        %get3A_213 = arith.index_cast %scan3A_176 : i32 to index
        %get3A_214 = arith.constant 32 : index
        %get3A_215 = tpu.vector_load %arg9[%get3A_212, %get3A_213, %get3A_214] {strides = array<i32>} : memref<2x64x128xf32, #tpu.memory_space<vmem>>, vector<1x1x16xf32>,
        %get3A_216 = vector.shape_cast %get3A_215 : vector<1x1x16xf32> to vector<16xf32>
        %get3A_217 = arith.constant 1 : i32
        %get3A_218 = arith.index_cast %get3A_217 : i32 to index
        %get3A_219 = arith.index_cast %scan3A_176 : i32 to index
        %get3A_220 = arith.constant 96 : index
        %get3A_221 = tpu.vector_load %arg10[%get3A_218, %get3A_219, %get3A_220] {strides = array<i32>} : memref<2x64x128xf32, #tpu.memory_space<vmem>>, vector<1x1x16xf32>,
        %get3A_222 = vector.shape_cast %get3A_221 : vector<1x1x16xf32> to vector<16xf32>
        %add3A_223 = arith.addf %get3A_216, %get3A_222 : vector<16xf32>
        %swap3A_224 = arith.index_cast %scan3A_176 : i32 to index
        %swap3A_225 = arith.constant 32 : index
        %swap3A_226 = tpu.vector_load %arg11[%swap3A_224, %swap3A_225] {strides = array<i32>} : memref<64x64xf32, #tpu.memory_space<vmem>>, vector<1x16xf32>,
        %swap3A_227 = vector.shape_cast %swap3A_226 : vector<1x16xf32> to vector<16xf32>
        %swap3A_228 = vector.shape_cast %add3A_223 : vector<16xf32> to vector<1x16xf32>
        tpu.vector_store %arg11[%swap3A_224, %swap3A_225], %swap3A_228 {strides = array<i32>} : memref<64x64xf32, #tpu.memory_space<vmem>>, vector<1x16xf32>,
        %get3A_229 = arith.constant 1 : i32
        %get3A_230 = arith.index_cast %get3A_229 : i32 to index
        %get3A_231 = arith.index_cast %scan3A_176 : i32 to index
        %get3A_232 = arith.constant 48 : index
        %get3A_233 = tpu.vector_load %arg9[%get3A_230, %get3A_231, %get3A_232] {strides = array<i32>} : memref<2x64x128xf32, #tpu.memory_space<vmem>>, vector<1x1x16xf32>,
        %get3A_234 = vector.shape_cast %get3A_233 : vector<1x1x16xf32> to vector<16xf32>
        %get3A_235 = arith.constant 1 : i32
        %get3A_236 = arith.index_cast %get3A_235 : i32 to index
        %get3A_237 = arith.index_cast %scan3A_176 : i32 to index
        %get3A_238 = arith.constant 112 : index
        %get3A_239 = tpu.vector_load %arg10[%get3A_236, %get3A_237, %get3A_238] {strides = array<i32>} : memref<2x64x128xf32, #tpu.memory_space<vmem>>, vector<1x1x16xf32>,
        %get3A_240 = vector.shape_cast %get3A_239 : vector<1x1x16xf32> to vector<16xf32>
        %add3A_241 = arith.addf %get3A_234, %get3A_240 : vector<16xf32>
        %swap3A_242 = arith.index_cast %scan3A_176 : i32 to index
        %swap3A_243 = arith.constant 48 : index
        %swap3A_244 = tpu.vector_load %arg11[%swap3A_242, %swap3A_243] {strides = array<i32>} : memref<64x64xf32, #tpu.memory_space<vmem>>, vector<1x16xf32>,
        %swap3A_245 = vector.shape_cast %swap3A_244 : vector<1x16xf32> to vector<16xf32>
        %swap3A_246 = vector.shape_cast %add3A_241 : vector<16xf32> to vector<1x16xf32>
        tpu.vector_store %arg11[%swap3A_242, %swap3A_243], %swap3A_246 {strides = array<i32>} : memref<64x64xf32, #tpu.memory_space<vmem>>, vector<1x16xf32>,
      }
      %scan3A_168 = arith.constant 64 : i32
      %mul3A_169 = arith.constant 64 : i32
      %mul3A_170 = arith.muli %add3A_127, %mul3A_169 : i32
      %add3A_171 = arith.addi %mul3A_8, %mul3A_170 : i32
      %dma_start3A_172 = arith.constant 0 : i32
      %dma_start3A_173 = tpu.memref_slice %arg5[%add3A_171, %dma_start3A_172] : memref<320000x64xf32, #tpu.memory_space<hbm>> -> memref<64x64xf32, #tpu.memory_space<hbm>>
      %dma_start3A_174 = arith.constant 0 : i32
      %dma_start3A_175 = tpu.memref_slice %arg5[%add3A_171, %dma_start3A_174] : memref<320000x64xf32, #tpu.memory_space<hbm>> -> memref<64x64xf32, #tpu.memory_space<hbm>>
      tpu.enqueue_dma source(%arg11 : memref<64x64xf32, #tpu.memory_space<vmem>>) target(%dma_start3A_175 : memref<64x64xf32, #tpu.memory_space<hbm>>) target_semaphore(%arg14 : memref<!tpu.dma_semaphore, #tpu.memory_space<semaphore_mem>>)
    }
    %sub3A_65 = arith.constant 1 : i32
    %sub3A_66 = arith.subi %select_n3A, %sub3A_65 : i32
    %mul3A_67 = arith.constant 64 : i32
    %mul3A_68 = arith.muli %sub3A_66, %mul3A_67 : i32
    %add3A_69 = arith.addi %mul3A_8, %mul3A_68 : i32
    %dma_wait3A = arith.constant 0 : i32
    %dma_wait3A_70 = tpu.memref_slice %arg5[%add3A_69, %dma_wait3A] : memref<320000x64xf32, #tpu.memory_space<hbm>> -> memref<64x64xf32, #tpu.memory_space<hbm>>
    %dma_wait3A_71 = arith.constant 0 : i32
    %dma_wait3A_72 = tpu.memref_slice %arg5[%add3A_69, %dma_wait3A_71] : memref<320000x64xf32, #tpu.memory_space<hbm>> -> memref<64x64xf32, #tpu.memory_space<hbm>>
    tpu.wait_dma2 semaphore(%arg14 : memref<!tpu.dma_semaphore, #tpu.memory_space<semaphore_mem>>) src(%arg11 : memref<64x64xf32, #tpu.memory_space<vmem>>) dst(%dma_wait3A_72 : memref<64x64xf32, #tpu.memory_space<hbm>>)
    return
  }
}

module attributes {stable_mosaic.version = 14 : i64} {
  func.func @_ab_body(%arg0: memref<10000x128xf32, #tpu.memory_space<vmem>>, %arg1: memref<10000x128xf32, #tpu.memory_space<vmem>>, %arg2: memref<128x64xf32, #tpu.memory_space<vmem>>, %arg3: memref<128x64xf32, #tpu.memory_space<vmem>>, %arg4: memref<10000x128xf32, #tpu.memory_space<vmem>>) attributes {dimension_semantics = [], scalar_prefetch = 0 : i64, scratch_operands = 0 : i64, tpu.core_type = #tpu.core_type<tc>} {
    %get3A = arith.constant 0 : index
    %get3A_0 = arith.constant 0 : index
    %get3A_1 = vector.load %arg0[%get3A, %get3A_0] : memref<10000x128xf32, #tpu.memory_space<vmem>>, vector<10000x128xf32>
    %get3A_2 = arith.constant 0 : index
    %get3A_3 = arith.constant 0 : index
    %get3A_4 = vector.load %arg2[%get3A_2, %get3A_3] : memref<128x64xf32, #tpu.memory_space<vmem>>, vector<128x64xf32>
    %dot_general3A = arith.constant dense<0.000000e+00> : vector<10000x64xf32>
    %dot_general3A_5 = tpu.matmul %get3A_1, %get3A_4, %dot_general3A {dimension_numbers = #tpu.dot_dimension_numbers<[1], [0], [0], [1], [0, 0, 1, 1], [], []>, transpose_lhs_hint = false} : vector<10000x128xf32>, vector<128x64xf32>, vector<10000x64xf32> -> vector<10000x64xf32>
    %swap3A = arith.constant 0 : index
    %swap3A_6 = arith.constant 0 : index
    %swap3A_7 = vector.load %arg4[%swap3A, %swap3A_6] : memref<10000x128xf32, #tpu.memory_space<vmem>>, vector<10000x64xf32>
    tpu.vector_store %arg4[%swap3A, %swap3A_6], %dot_general3A_5 {strides = array<i32>} : memref<10000x128xf32, #tpu.memory_space<vmem>>, vector<10000x64xf32>,
    %get3A_8 = arith.constant 0 : index
    %get3A_9 = arith.constant 0 : index
    %get3A_10 = vector.load %arg1[%get3A_8, %get3A_9] : memref<10000x128xf32, #tpu.memory_space<vmem>>, vector<10000x128xf32>
    %get3A_11 = arith.constant 0 : index
    %get3A_12 = arith.constant 0 : index
    %get3A_13 = vector.load %arg3[%get3A_11, %get3A_12] : memref<128x64xf32, #tpu.memory_space<vmem>>, vector<128x64xf32>
    %dot_general3A_14 = arith.constant dense<0.000000e+00> : vector<10000x64xf32>
    %dot_general3A_15 = tpu.matmul %get3A_10, %get3A_13, %dot_general3A_14 {dimension_numbers = #tpu.dot_dimension_numbers<[1], [0], [0], [1], [0, 0, 1, 1], [], []>, transpose_lhs_hint = false} : vector<10000x128xf32>, vector<128x64xf32>, vector<10000x64xf32> -> vector<10000x64xf32>
    %swap3A_16 = arith.constant 0 : index
    %swap3A_17 = arith.constant 64 : index
    %swap3A_18 = vector.load %arg4[%swap3A_16, %swap3A_17] : memref<10000x128xf32, #tpu.memory_space<vmem>>, vector<10000x64xf32>
    tpu.vector_store %arg4[%swap3A_16, %swap3A_17], %dot_general3A_15 {strides = array<i32>} : memref<10000x128xf32, #tpu.memory_space<vmem>>, vector<10000x64xf32>,
    return
  }
}

module attributes {stable_mosaic.version = 14 : i64} {
  func.func @_edge_mlp_body(%arg0: i32, %arg1: memref<6400x64xf32, #tpu.memory_space<vmem>>, %arg2: memref<6400x16xf32, #tpu.memory_space<vmem>>, %arg3: memref<16x64xf32, #tpu.memory_space<vmem>>, %arg4: memref<1x64xf32, #tpu.memory_space<vmem>>, %arg5: memref<64x16xf32, #tpu.memory_space<vmem>>, %arg6: memref<1x16xf32, #tpu.memory_space<vmem>>, %arg7: memref<6400x16xf32, #tpu.memory_space<vmem>>, %arg8: memref<2xf32, #tpu.memory_space<smem>>, %arg9: memref<2xf32, #tpu.memory_space<smem>>) attributes {dimension_semantics = [#tpu.dimension_semantics<arbitrary>], iteration_bounds = array<i64: 50>, scalar_prefetch = 0 : i64, scratch_operands = 1 : i64, tpu.core_type = #tpu.core_type<tc>, window_params = [{transform_indices = @transform_0, window_bounds = array<i64: 6400, 64>}, {transform_indices = @transform_1, window_bounds = array<i64: 6400, 16>}, {pipeline_mode = #tpu.pipeline_mode<synchronous>, transform_indices = @transform_2, window_bounds = array<i64: 16, 64>}, {pipeline_mode = #tpu.pipeline_mode<synchronous>, transform_indices = @transform_3, window_bounds = array<i64: 1, 64>}, {pipeline_mode = #tpu.pipeline_mode<synchronous>, transform_indices = @transform_4, window_bounds = array<i64: 64, 16>}, {pipeline_mode = #tpu.pipeline_mode<synchronous>, transform_indices = @transform_5, window_bounds = array<i64: 1, 16>}, {transform_indices = @transform_6, window_bounds = array<i64: 6400, 16>}, {transform_indices = @transform_7, window_bounds = array<i64: 2>}]} {
    %get3A = arith.constant 0 : index
    %get3A_0 = arith.constant 0 : index
    %get3A_1 = vector.load %arg1[%get3A, %get3A_0] : memref<6400x64xf32, #tpu.memory_space<vmem>>, vector<6400x64xf32>
    %get3A_2 = arith.constant 0 : index
    %get3A_3 = arith.constant 0 : index
    %get3A_4 = vector.load %arg2[%get3A_2, %get3A_3] : memref<6400x16xf32, #tpu.memory_space<vmem>>, vector<6400x16xf32>
    %get3A_5 = arith.constant 0 : index
    %get3A_6 = arith.constant 0 : index
    %get3A_7 = vector.load %arg3[%get3A_5, %get3A_6] : memref<16x64xf32, #tpu.memory_space<vmem>>, vector<16x64xf32>
    %dot_general3A = arith.constant dense<0.000000e+00> : vector<6400x64xf32>
    %dot_general3A_8 = tpu.matmul %get3A_4, %get3A_7, %dot_general3A {dimension_numbers = #tpu.dot_dimension_numbers<[1], [0], [0], [1], [0, 0, 1, 1], [], []>, transpose_lhs_hint = false} : vector<6400x16xf32>, vector<16x64xf32>, vector<6400x64xf32> -> vector<6400x64xf32>
    %add3A = arith.addf %get3A_1, %dot_general3A_8 : vector<6400x64xf32>
    %get3A_9 = arith.constant 0 : index
    %get3A_10 = arith.constant 0 : index
    %get3A_11 = vector.load %arg4[%get3A_9, %get3A_10] : memref<1x64xf32, #tpu.memory_space<vmem>>, vector<1x64xf32>
    %add3A_12 = vector.broadcast %get3A_11 : vector<1x64xf32> to vector<6400x64xf32>
    %add3A_13 = arith.addf %add3A, %add3A_12 : vector<6400x64xf32>
    %neg3A = arith.constant 0.000000e+00 : f32
    %neg3A_14 = vector.broadcast %neg3A : f32 to vector<6400x64xf32>
    %neg3A_15 = arith.subf %neg3A_14, %add3A_13 : vector<6400x64xf32>
    %exp3A = math.exp %neg3A_15 : vector<6400x64xf32>
    %add3A_16 = arith.constant 1.000000e+00 : f32
    %add3A_17 = vector.broadcast %add3A_16 : f32 to vector<6400x64xf32>
    %add3A_18 = arith.addf %add3A_17, %exp3A : vector<6400x64xf32>
    %div3A = arith.divf %add3A_13, %add3A_18 : vector<6400x64xf32>
    %get3A_19 = arith.constant 0 : index
    %get3A_20 = arith.constant 0 : index
    %get3A_21 = vector.load %arg5[%get3A_19, %get3A_20] : memref<64x16xf32, #tpu.memory_space<vmem>>, vector<64x16xf32>
    %dot_general3A_22 = arith.constant dense<0.000000e+00> : vector<6400x16xf32>
    %dot_general3A_23 = tpu.matmul %div3A, %get3A_21, %dot_general3A_22 {dimension_numbers = #tpu.dot_dimension_numbers<[1], [0], [0], [1], [0, 0, 1, 1], [], []>, transpose_lhs_hint = false} : vector<6400x64xf32>, vector<64x16xf32>, vector<6400x16xf32> -> vector<6400x16xf32>
    %get3A_24 = arith.constant 0 : index
    %get3A_25 = arith.constant 0 : index
    %get3A_26 = vector.load %arg6[%get3A_24, %get3A_25] : memref<1x16xf32, #tpu.memory_space<vmem>>, vector<1x16xf32>
    %add3A_27 = vector.broadcast %get3A_26 : vector<1x16xf32> to vector<6400x16xf32>
    %add3A_28 = arith.addf %dot_general3A_23, %add3A_27 : vector<6400x16xf32>
    %swap3A = arith.constant 0 : index
    %swap3A_29 = arith.constant 0 : index
    %swap3A_30 = vector.load %arg7[%swap3A, %swap3A_29] : memref<6400x16xf32, #tpu.memory_space<vmem>>, vector<6400x16xf32>
    tpu.vector_store %arg7[%swap3A, %swap3A_29], %add3A_28 {strides = array<i32>} : memref<6400x16xf32, #tpu.memory_space<vmem>>, vector<6400x16xf32>,
    %eq3A = arith.constant 0 : i32
    %eq3A_31 = arith.cmpi eq, %arg0, %eq3A : i32
    %convert_element_type3A = arith.extui %eq3A_31 : i1 to i32
    %cond3A = arith.constant 0 : i32
    %cond3A_32 = arith.cmpi ne, %convert_element_type3A, %cond3A : i32
    scf.if %cond3A_32 {
      %swap3A_57 = arith.constant 0.000000e+00 : f32
      %swap3A_58 = arith.constant 0 : index
      %swap3A_59 = memref.load %arg9[%swap3A_58] : memref<2xf32, #tpu.memory_space<smem>>
      memref.store %swap3A_57, %arg9[%swap3A_58] : memref<2xf32, #tpu.memory_space<smem>>
      %swap3A_60 = arith.constant 0.000000e+00 : f32
      %swap3A_61 = arith.constant 1 : index
      %swap3A_62 = memref.load %arg9[%swap3A_61] : memref<2xf32, #tpu.memory_space<smem>>
      memref.store %swap3A_60, %arg9[%swap3A_61] : memref<2xf32, #tpu.memory_space<smem>>
    } else {
    }
    %get3A_33 = arith.constant 0 : index
    %get3A_34 = memref.load %arg9[%get3A_33] : memref<2xf32, #tpu.memory_space<smem>>
    %reduce_sum3A = vector.shape_cast %add3A_28 : vector<6400x16xf32> to vector<1x6400x16xf32>
    %reduce_sum3A_35 = arith.constant dense<0.000000e+00> : vector<1xf32>
    %reduce_sum3A_36 = vector.multi_reduction <add>, %reduce_sum3A, %reduce_sum3A_35 [1, 2] : vector<1x6400x16xf32> to vector<1xf32>
    %reduce_sum3A_37 = vector.shape_cast %reduce_sum3A_36 : vector<1xf32> to vector<1x1x1xf32>
    %reduce_sum3A_38 = vector.extract %reduce_sum3A_37[0, 0, 0] : f32 from vector<1x1x1xf32>
    %add3A_39 = arith.addf %get3A_34, %reduce_sum3A_38 : f32
    %swap3A_40 = arith.constant 0 : index
    %swap3A_41 = memref.load %arg9[%swap3A_40] : memref<2xf32, #tpu.memory_space<smem>>
    memref.store %add3A_39, %arg9[%swap3A_40] : memref<2xf32, #tpu.memory_space<smem>>
    %get3A_42 = arith.constant 1 : index
    %get3A_43 = memref.load %arg9[%get3A_42] : memref<2xf32, #tpu.memory_space<smem>>
    %mul3A = arith.mulf %add3A_28, %add3A_28 : vector<6400x16xf32>
    %reduce_sum3A_44 = vector.shape_cast %mul3A : vector<6400x16xf32> to vector<1x6400x16xf32>
    %reduce_sum3A_45 = arith.constant dense<0.000000e+00> : vector<1xf32>
    %reduce_sum3A_46 = vector.multi_reduction <add>, %reduce_sum3A_44, %reduce_sum3A_45 [1, 2] : vector<1x6400x16xf32> to vector<1xf32>
    %reduce_sum3A_47 = vector.shape_cast %reduce_sum3A_46 : vector<1xf32> to vector<1x1x1xf32>
    %reduce_sum3A_48 = vector.extract %reduce_sum3A_47[0, 0, 0] : f32 from vector<1x1x1xf32>
    %add3A_49 = arith.addf %get3A_43, %reduce_sum3A_48 : f32
    %swap3A_50 = arith.constant 1 : index
    %swap3A_51 = memref.load %arg9[%swap3A_50] : memref<2xf32, #tpu.memory_space<smem>>
    memref.store %add3A_49, %arg9[%swap3A_50] : memref<2xf32, #tpu.memory_space<smem>>
    %eq3A_52 = arith.constant 49 : i32
    %eq3A_53 = arith.cmpi eq, %arg0, %eq3A_52 : i32
    %convert_element_type3A_54 = arith.extui %eq3A_53 : i1 to i32
    %cond3A_55 = arith.constant 0 : i32
    %cond3A_56 = arith.cmpi ne, %convert_element_type3A_54, %cond3A_55 : i32
    scf.if %cond3A_56 {
      %get3A_57 = arith.constant 0 : index
      %get3A_58 = memref.load %arg9[%get3A_57] : memref<2xf32, #tpu.memory_space<smem>>
      %swap3A_59 = arith.constant 0 : index
      %swap3A_60 = memref.load %arg8[%swap3A_59] : memref<2xf32, #tpu.memory_space<smem>>
      memref.store %get3A_58, %arg8[%swap3A_59] : memref<2xf32, #tpu.memory_space<smem>>
      %get3A_61 = arith.constant 1 : index
      %get3A_62 = memref.load %arg9[%get3A_61] : memref<2xf32, #tpu.memory_space<smem>>
      %swap3A_63 = arith.constant 1 : index
      %swap3A_64 = memref.load %arg8[%swap3A_63] : memref<2xf32, #tpu.memory_space<smem>>
      memref.store %get3A_62, %arg8[%swap3A_63] : memref<2xf32, #tpu.memory_space<smem>>
    } else {
    }
    return
  }
  func.func @transform_0(%arg0: i32) -> (i32, i32) {
    %c0_i32 = arith.constant 0 : i32
    %c0_i32_0 = arith.constant 0 : i32
    return %arg0, %c0_i32 : i32, i32
  }
  func.func @transform_1(%arg0: i32) -> (i32, i32) {
    %c0_i32 = arith.constant 0 : i32
    %c0_i32_0 = arith.constant 0 : i32
    return %arg0, %c0_i32 : i32, i32
  }
  func.func @transform_2(%arg0: i32) -> (i32, i32) {
    %c0_i32 = arith.constant 0 : i32
    %c0_i32_0 = arith.constant 0 : i32
    %c0_i32_1 = arith.constant 0 : i32
    return %c0_i32, %c0_i32_0 : i32, i32
  }
  func.func @transform_3(%arg0: i32) -> (i32, i32) {
    %c0_i32 = arith.constant 0 : i32
    %c0_i32_0 = arith.constant 0 : i32
    %c0_i32_1 = arith.constant 0 : i32
    return %c0_i32, %c0_i32_0 : i32, i32
  }
  func.func @transform_4(%arg0: i32) -> (i32, i32) {
    %c0_i32 = arith.constant 0 : i32
    %c0_i32_0 = arith.constant 0 : i32
    %c0_i32_1 = arith.constant 0 : i32
    return %c0_i32, %c0_i32_0 : i32, i32
  }
  func.func @transform_5(%arg0: i32) -> (i32, i32) {
    %c0_i32 = arith.constant 0 : i32
    %c0_i32_0 = arith.constant 0 : i32
    %c0_i32_1 = arith.constant 0 : i32
    return %c0_i32, %c0_i32_0 : i32, i32
  }
  func.func @transform_6(%arg0: i32) -> (i32, i32) {
    %c0_i32 = arith.constant 0 : i32
    %c0_i32_0 = arith.constant 0 : i32
    return %arg0, %c0_i32 : i32, i32
  }
  func.func @transform_7(%arg0: i32) -> i32 {
    %c0_i32 = arith.constant 0 : i32
    %c0_i32_0 = arith.constant 0 : i32
    return %c0_i32 : i32
  }
}

module attributes {stable_mosaic.version = 14 : i64} {
  func.func @_edge_norm_body(%arg0: i32, %arg1: memref<2xf32, #tpu.memory_space<smem>>, %arg2: memref<6400x16xf32, #tpu.memory_space<vmem>>, %arg3: memref<6400x16xf32, #tpu.memory_space<vmem>>, %arg4: memref<1x16xf32, #tpu.memory_space<vmem>>, %arg5: memref<1x16xf32, #tpu.memory_space<vmem>>, %arg6: memref<6400x16xf32, #tpu.memory_space<vmem>>) attributes {dimension_semantics = [#tpu.dimension_semantics<arbitrary>], iteration_bounds = array<i64: 50>, scalar_prefetch = 0 : i64, scratch_operands = 0 : i64, tpu.core_type = #tpu.core_type<tc>, window_params = [{transform_indices = @transform_0, window_bounds = array<i64: 2>}, {transform_indices = @transform_1, window_bounds = array<i64: 6400, 16>}, {transform_indices = @transform_2, window_bounds = array<i64: 6400, 16>}, {pipeline_mode = #tpu.pipeline_mode<synchronous>, transform_indices = @transform_3, window_bounds = array<i64: 1, 16>}, {pipeline_mode = #tpu.pipeline_mode<synchronous>, transform_indices = @transform_4, window_bounds = array<i64: 1, 16>}, {transform_indices = @transform_5, window_bounds = array<i64: 6400, 16>}]} {
    %get3A = arith.constant 0 : index
    %get3A_0 = memref.load %arg1[%get3A] : memref<2xf32, #tpu.memory_space<smem>>
    %mul3A = arith.constant 1.95312495E-7 : f32
    %mul3A_1 = arith.mulf %get3A_0, %mul3A : f32
    %get3A_2 = arith.constant 1 : index
    %get3A_3 = memref.load %arg1[%get3A_2] : memref<2xf32, #tpu.memory_space<smem>>
    %mul3A_4 = arith.constant 1.95312495E-7 : f32
    %mul3A_5 = arith.mulf %get3A_3, %mul3A_4 : f32
    %mul3A_6 = arith.mulf %mul3A_1, %mul3A_1 : f32
    %sub3A = arith.subf %mul3A_5, %mul3A_6 : f32
    %add3A = arith.constant 9.99999974E-6 : f32
    %add3A_7 = arith.addf %sub3A, %add3A : f32
    %rsqrt3A = math.rsqrt %add3A_7 : f32
    %get3A_8 = arith.constant 0 : index
    %get3A_9 = arith.constant 0 : index
    %get3A_10 = vector.load %arg4[%get3A_8, %get3A_9] : memref<1x16xf32, #tpu.memory_space<vmem>>, vector<1x16xf32>
    %mul3A_11 = vector.broadcast %rsqrt3A : f32 to vector<1x16xf32>
    %mul3A_12 = arith.mulf %get3A_10, %mul3A_11 : vector<1x16xf32>
    %get3A_13 = arith.constant 0 : index
    %get3A_14 = arith.constant 0 : index
    %get3A_15 = vector.load %arg5[%get3A_13, %get3A_14] : memref<1x16xf32, #tpu.memory_space<vmem>>, vector<1x16xf32>
    %mul3A_16 = vector.broadcast %mul3A_1 : f32 to vector<1x16xf32>
    %mul3A_17 = arith.mulf %mul3A_16, %mul3A_12 : vector<1x16xf32>
    %sub3A_18 = arith.subf %get3A_15, %mul3A_17 : vector<1x16xf32>
    %get3A_19 = arith.constant 0 : index
    %get3A_20 = arith.constant 0 : index
    %get3A_21 = vector.load %arg3[%get3A_19, %get3A_20] : memref<6400x16xf32, #tpu.memory_space<vmem>>, vector<6400x16xf32>
    %get3A_22 = arith.constant 0 : index
    %get3A_23 = arith.constant 0 : index
    %get3A_24 = vector.load %arg2[%get3A_22, %get3A_23] : memref<6400x16xf32, #tpu.memory_space<vmem>>, vector<6400x16xf32>
    %mul3A_25 = vector.broadcast %mul3A_12 : vector<1x16xf32> to vector<6400x16xf32>
    %mul3A_26 = arith.mulf %get3A_24, %mul3A_25 : vector<6400x16xf32>
    %add3A_27 = arith.addf %get3A_21, %mul3A_26 : vector<6400x16xf32>
    %add3A_28 = vector.broadcast %sub3A_18 : vector<1x16xf32> to vector<6400x16xf32>
    %add3A_29 = arith.addf %add3A_27, %add3A_28 : vector<6400x16xf32>
    %swap3A = arith.constant 0 : index
    %swap3A_30 = arith.constant 0 : index
    %swap3A_31 = vector.load %arg6[%swap3A, %swap3A_30] : memref<6400x16xf32, #tpu.memory_space<vmem>>, vector<6400x16xf32>
    tpu.vector_store %arg6[%swap3A, %swap3A_30], %add3A_29 {strides = array<i32>} : memref<6400x16xf32, #tpu.memory_space<vmem>>, vector<6400x16xf32>,
    return
  }
  func.func @transform_0(%arg0: i32) -> i32 {
    %c0_i32 = arith.constant 0 : i32
    %c0_i32_0 = arith.constant 0 : i32
    return %c0_i32 : i32
  }
  func.func @transform_1(%arg0: i32) -> (i32, i32) {
    %c0_i32 = arith.constant 0 : i32
    %c0_i32_0 = arith.constant 0 : i32
    return %arg0, %c0_i32 : i32, i32
  }
  func.func @transform_2(%arg0: i32) -> (i32, i32) {
    %c0_i32 = arith.constant 0 : i32
    %c0_i32_0 = arith.constant 0 : i32
    return %arg0, %c0_i32 : i32, i32
  }
  func.func @transform_3(%arg0: i32) -> (i32, i32) {
    %c0_i32 = arith.constant 0 : i32
    %c0_i32_0 = arith.constant 0 : i32
    %c0_i32_1 = arith.constant 0 : i32
    return %c0_i32, %c0_i32_0 : i32, i32
  }
  func.func @transform_4(%arg0: i32) -> (i32, i32) {
    %c0_i32 = arith.constant 0 : i32
    %c0_i32_0 = arith.constant 0 : i32
    %c0_i32_1 = arith.constant 0 : i32
    return %c0_i32, %c0_i32_0 : i32, i32
  }
  func.func @transform_5(%arg0: i32) -> (i32, i32) {
    %c0_i32 = arith.constant 0 : i32
    %c0_i32_0 = arith.constant 0 : i32
    return %arg0, %c0_i32 : i32, i32
  }
}

module attributes {stable_mosaic.version = 14 : i64} {
  func.func @_node_body(%arg0: memref<2xf32, #tpu.memory_space<smem>>, %arg1: memref<20000x128xf32, #tpu.memory_space<vmem>>, %arg2: memref<10000x128xf32, #tpu.memory_space<vmem>>, %arg3: memref<10000x128xf32, #tpu.memory_space<vmem>>, %arg4: memref<128x64xf32, #tpu.memory_space<vmem>>, %arg5: memref<16x64xf32, #tpu.memory_space<vmem>>, %arg6: memref<1x64xf32, #tpu.memory_space<vmem>>, %arg7: memref<64x128xf32, #tpu.memory_space<vmem>>, %arg8: memref<1x128xf32, #tpu.memory_space<vmem>>, %arg9: memref<1x128xf32, #tpu.memory_space<vmem>>, %arg10: memref<1x128xf32, #tpu.memory_space<vmem>>, %arg11: memref<128x64xf32, #tpu.memory_space<vmem>>, %arg12: memref<1x64xf32, #tpu.memory_space<vmem>>, %arg13: memref<64x128xf32, #tpu.memory_space<vmem>>, %arg14: memref<1x128xf32, #tpu.memory_space<vmem>>, %arg15: memref<1x128xf32, #tpu.memory_space<vmem>>, %arg16: memref<1x128xf32, #tpu.memory_space<vmem>>, %arg17: memref<1x16xf32, #tpu.memory_space<vmem>>, %arg18: memref<1x16xf32, #tpu.memory_space<vmem>>, %arg19: memref<10000x128xf32, #tpu.memory_space<vmem>>, %arg20: memref<10000x128xf32, #tpu.memory_space<vmem>>) attributes {dimension_semantics = [], scalar_prefetch = 0 : i64, scratch_operands = 0 : i64, tpu.core_type = #tpu.core_type<tc>} {
    %get3A = arith.constant 0 : index
    %get3A_0 = memref.load %arg0[%get3A] : memref<2xf32, #tpu.memory_space<smem>>
    %mul3A = arith.constant 1.95312495E-7 : f32
    %mul3A_1 = arith.mulf %get3A_0, %mul3A : f32
    %get3A_2 = arith.constant 1 : index
    %get3A_3 = memref.load %arg0[%get3A_2] : memref<2xf32, #tpu.memory_space<smem>>
    %mul3A_4 = arith.constant 1.95312495E-7 : f32
    %mul3A_5 = arith.mulf %get3A_3, %mul3A_4 : f32
    %mul3A_6 = arith.mulf %mul3A_1, %mul3A_1 : f32
    %sub3A = arith.subf %mul3A_5, %mul3A_6 : f32
    %add3A = arith.constant 9.99999974E-6 : f32
    %add3A_7 = arith.addf %sub3A, %add3A : f32
    %rsqrt3A = math.rsqrt %add3A_7 : f32
    %get3A_8 = arith.constant 0 : index
    %get3A_9 = arith.constant 0 : index
    %get3A_10 = vector.load %arg17[%get3A_8, %get3A_9] : memref<1x16xf32, #tpu.memory_space<vmem>>, vector<1x16xf32>
    %mul3A_11 = vector.broadcast %rsqrt3A : f32 to vector<1x16xf32>
    %mul3A_12 = arith.mulf %get3A_10, %mul3A_11 : vector<1x16xf32>
    %get3A_13 = arith.constant 0 : index
    %get3A_14 = arith.constant 0 : index
    %get3A_15 = vector.load %arg18[%get3A_13, %get3A_14] : memref<1x16xf32, #tpu.memory_space<vmem>>, vector<1x16xf32>
    %mul3A_16 = vector.broadcast %mul3A_1 : f32 to vector<1x16xf32>
    %mul3A_17 = arith.mulf %mul3A_16, %mul3A_12 : vector<1x16xf32>
    %sub3A_18 = arith.subf %get3A_15, %mul3A_17 : vector<1x16xf32>
    %get3A_19 = arith.constant 0 : index
    %get3A_20 = arith.constant 0 : index
    %get3A_21 = vector.load %arg1[%get3A_19, %get3A_20] : memref<20000x128xf32, #tpu.memory_space<vmem>>, vector<20000x128xf32>
    %slice3A = vector.extract_strided_slice %get3A_21 {offsets = [0, 0], sizes = [10000, 16], strides = [1, 1]} : vector<20000x128xf32> to vector<10000x16xf32>
    %slice3A_22 = vector.extract_strided_slice %get3A_21 {offsets = [10000, 0], sizes = [10000, 16], strides = [1, 1]} : vector<20000x128xf32> to vector<10000x16xf32>
    %add3A_23 = arith.addf %slice3A, %slice3A_22 : vector<10000x16xf32>
    %slice3A_24 = vector.extract_strided_slice %get3A_21 {offsets = [0, 16], sizes = [10000, 1], strides = [1, 1]} : vector<20000x128xf32> to vector<10000x1xf32>
    %slice3A_25 = vector.extract_strided_slice %get3A_21 {offsets = [10000, 16], sizes = [10000, 1], strides = [1, 1]} : vector<20000x128xf32> to vector<10000x1xf32>
    %add3A_26 = arith.addf %slice3A_24, %slice3A_25 : vector<10000x1xf32>
    %mul3A_27 = vector.broadcast %mul3A_12 : vector<1x16xf32> to vector<10000x16xf32>
    %mul3A_28 = arith.mulf %add3A_23, %mul3A_27 : vector<10000x16xf32>
    %mul3A_29 = vector.broadcast %add3A_26 : vector<10000x1xf32> to vector<10000x16xf32>
    %mul3A_30 = vector.broadcast %sub3A_18 : vector<1x16xf32> to vector<10000x16xf32>
    %mul3A_31 = arith.mulf %mul3A_29, %mul3A_30 : vector<10000x16xf32>
    %add3A_32 = arith.addf %mul3A_28, %mul3A_31 : vector<10000x16xf32>
    %max3A = arith.constant 1.000000e+00 : f32
    %max3A_33 = vector.broadcast %max3A : f32 to vector<10000x1xf32>
    %max3A_34 = arith.maximumf %add3A_26, %max3A_33 : vector<10000x1xf32>
    %div3A = vector.broadcast %max3A_34 : vector<10000x1xf32> to vector<10000x16xf32>
    %div3A_35 = arith.divf %add3A_32, %div3A : vector<10000x16xf32>
    %get3A_36 = arith.constant 0 : index
    %get3A_37 = arith.constant 0 : index
    %get3A_38 = vector.load %arg2[%get3A_36, %get3A_37] : memref<10000x128xf32, #tpu.memory_space<vmem>>, vector<10000x128xf32>
    %get3A_39 = arith.constant 0 : index
    %get3A_40 = arith.constant 0 : index
    %get3A_41 = vector.load %arg4[%get3A_39, %get3A_40] : memref<128x64xf32, #tpu.memory_space<vmem>>, vector<128x64xf32>
    %dot_general3A = arith.constant dense<0.000000e+00> : vector<10000x64xf32>
    %dot_general3A_42 = tpu.matmul %get3A_38, %get3A_41, %dot_general3A {dimension_numbers = #tpu.dot_dimension_numbers<[1], [0], [0], [1], [0, 0, 1, 1], [], []>, transpose_lhs_hint = false} : vector<10000x128xf32>, vector<128x64xf32>, vector<10000x64xf32> -> vector<10000x64xf32>
    %get3A_43 = arith.constant 0 : index
    %get3A_44 = arith.constant 0 : index
    %get3A_45 = vector.load %arg5[%get3A_43, %get3A_44] : memref<16x64xf32, #tpu.memory_space<vmem>>, vector<16x64xf32>
    %dot_general3A_46 = arith.constant dense<0.000000e+00> : vector<10000x64xf32>
    %dot_general3A_47 = tpu.matmul %div3A_35, %get3A_45, %dot_general3A_46 {dimension_numbers = #tpu.dot_dimension_numbers<[1], [0], [0], [1], [0, 0, 1, 1], [], []>, transpose_lhs_hint = false} : vector<10000x16xf32>, vector<16x64xf32>, vector<10000x64xf32> -> vector<10000x64xf32>
    %add3A_48 = arith.addf %dot_general3A_42, %dot_general3A_47 : vector<10000x64xf32>
    %get3A_49 = arith.constant 0 : index
    %get3A_50 = arith.constant 0 : index
    %get3A_51 = vector.load %arg6[%get3A_49, %get3A_50] : memref<1x64xf32, #tpu.memory_space<vmem>>, vector<1x64xf32>
    %add3A_52 = vector.broadcast %get3A_51 : vector<1x64xf32> to vector<10000x64xf32>
    %add3A_53 = arith.addf %add3A_48, %add3A_52 : vector<10000x64xf32>
    %neg3A = arith.constant 0.000000e+00 : f32
    %neg3A_54 = vector.broadcast %neg3A : f32 to vector<10000x64xf32>
    %neg3A_55 = arith.subf %neg3A_54, %add3A_53 : vector<10000x64xf32>
    %exp3A = math.exp %neg3A_55 : vector<10000x64xf32>
    %add3A_56 = arith.constant 1.000000e+00 : f32
    %add3A_57 = vector.broadcast %add3A_56 : f32 to vector<10000x64xf32>
    %add3A_58 = arith.addf %add3A_57, %exp3A : vector<10000x64xf32>
    %div3A_59 = arith.divf %add3A_53, %add3A_58 : vector<10000x64xf32>
    %get3A_60 = arith.constant 0 : index
    %get3A_61 = arith.constant 0 : index
    %get3A_62 = vector.load %arg7[%get3A_60, %get3A_61] : memref<64x128xf32, #tpu.memory_space<vmem>>, vector<64x128xf32>
    %dot_general3A_63 = arith.constant dense<0.000000e+00> : vector<10000x128xf32>
    %dot_general3A_64 = tpu.matmul %div3A_59, %get3A_62, %dot_general3A_63 {dimension_numbers = #tpu.dot_dimension_numbers<[1], [0], [0], [1], [0, 0, 1, 1], [], []>, transpose_lhs_hint = false} : vector<10000x64xf32>, vector<64x128xf32>, vector<10000x128xf32> -> vector<10000x128xf32>
    %get3A_65 = arith.constant 0 : index
    %get3A_66 = arith.constant 0 : index
    %get3A_67 = vector.load %arg8[%get3A_65, %get3A_66] : memref<1x128xf32, #tpu.memory_space<vmem>>, vector<1x128xf32>
    %add3A_68 = vector.broadcast %get3A_67 : vector<1x128xf32> to vector<10000x128xf32>
    %add3A_69 = arith.addf %dot_general3A_64, %add3A_68 : vector<10000x128xf32>
    %reduce_sum3A = vector.shape_cast %add3A_69 : vector<10000x128xf32> to vector<1x10000x128xf32>
    %reduce_sum3A_70 = arith.constant dense<0.000000e+00> : vector<1xf32>
    %reduce_sum3A_71 = vector.multi_reduction <add>, %reduce_sum3A, %reduce_sum3A_70 [1, 2] : vector<1x10000x128xf32> to vector<1xf32>
    %reduce_sum3A_72 = vector.shape_cast %reduce_sum3A_71 : vector<1xf32> to vector<1x1x1xf32>
    %reduce_sum3A_73 = vector.extract %reduce_sum3A_72[0, 0, 0] : f32 from vector<1x1x1xf32>
    %div3A_74 = arith.constant 1.280000e+06 : f32
    %div3A_75 = arith.divf %reduce_sum3A_73, %div3A_74 : f32
    %sub3A_76 = vector.broadcast %div3A_75 : f32 to vector<10000x128xf32>
    %sub3A_77 = arith.subf %add3A_69, %sub3A_76 : vector<10000x128xf32>
    %integer_pow3A = arith.mulf %sub3A_77, %sub3A_77 : vector<10000x128xf32>
    %reduce_sum3A_78 = vector.shape_cast %integer_pow3A : vector<10000x128xf32> to vector<1x10000x128xf32>
    %reduce_sum3A_79 = arith.constant dense<0.000000e+00> : vector<1xf32>
    %reduce_sum3A_80 = vector.multi_reduction <add>, %reduce_sum3A_78, %reduce_sum3A_79 [1, 2] : vector<1x10000x128xf32> to vector<1xf32>
    %reduce_sum3A_81 = vector.shape_cast %reduce_sum3A_80 : vector<1xf32> to vector<1x1x1xf32>
    %reduce_sum3A_82 = vector.extract %reduce_sum3A_81[0, 0, 0] : f32 from vector<1x1x1xf32>
    %div3A_83 = arith.constant 1.280000e+06 : f32
    %div3A_84 = arith.divf %reduce_sum3A_82, %div3A_83 : f32
    %sub3A_85 = vector.broadcast %div3A_75 : f32 to vector<10000x128xf32>
    %sub3A_86 = arith.subf %add3A_69, %sub3A_85 : vector<10000x128xf32>
    %add3A_87 = arith.constant 9.99999974E-6 : f32
    %add3A_88 = arith.addf %div3A_84, %add3A_87 : f32
    %rsqrt3A_89 = math.rsqrt %add3A_88 : f32
    %mul3A_90 = vector.broadcast %rsqrt3A_89 : f32 to vector<10000x128xf32>
    %mul3A_91 = arith.mulf %sub3A_86, %mul3A_90 : vector<10000x128xf32>
    %get3A_92 = arith.constant 0 : index
    %get3A_93 = arith.constant 0 : index
    %get3A_94 = vector.load %arg9[%get3A_92, %get3A_93] : memref<1x128xf32, #tpu.memory_space<vmem>>, vector<1x128xf32>
    %mul3A_95 = vector.broadcast %get3A_94 : vector<1x128xf32> to vector<10000x128xf32>
    %mul3A_96 = arith.mulf %mul3A_91, %mul3A_95 : vector<10000x128xf32>
    %get3A_97 = arith.constant 0 : index
    %get3A_98 = arith.constant 0 : index
    %get3A_99 = vector.load %arg10[%get3A_97, %get3A_98] : memref<1x128xf32, #tpu.memory_space<vmem>>, vector<1x128xf32>
    %add3A_100 = vector.broadcast %get3A_99 : vector<1x128xf32> to vector<10000x128xf32>
    %add3A_101 = arith.addf %mul3A_96, %add3A_100 : vector<10000x128xf32>
    %add3A_102 = arith.addf %get3A_38, %add3A_101 : vector<10000x128xf32>
    %swap3A = arith.constant 0 : index
    %swap3A_103 = arith.constant 0 : index
    %swap3A_104 = vector.load %arg19[%swap3A, %swap3A_103] : memref<10000x128xf32, #tpu.memory_space<vmem>>, vector<10000x128xf32>
    tpu.vector_store %arg19[%swap3A, %swap3A_103], %add3A_102 {strides = array<i32>} : memref<10000x128xf32, #tpu.memory_space<vmem>>, vector<10000x128xf32>,
    %get3A_105 = arith.constant 0 : index
    %get3A_106 = arith.constant 0 : index
    %get3A_107 = vector.load %arg3[%get3A_105, %get3A_106] : memref<10000x128xf32, #tpu.memory_space<vmem>>, vector<10000x128xf32>
    %get3A_108 = arith.constant 0 : index
    %get3A_109 = arith.constant 0 : index
    %get3A_110 = vector.load %arg11[%get3A_108, %get3A_109] : memref<128x64xf32, #tpu.memory_space<vmem>>, vector<128x64xf32>
    %dot_general3A_111 = arith.constant dense<0.000000e+00> : vector<10000x64xf32>
    %dot_general3A_112 = tpu.matmul %get3A_107, %get3A_110, %dot_general3A_111 {dimension_numbers = #tpu.dot_dimension_numbers<[1], [0], [0], [1], [0, 0, 1, 1], [], []>, transpose_lhs_hint = false} : vector<10000x128xf32>, vector<128x64xf32>, vector<10000x64xf32> -> vector<10000x64xf32>
    %get3A_113 = arith.constant 0 : index
    %get3A_114 = arith.constant 0 : index
    %get3A_115 = vector.load %arg12[%get3A_113, %get3A_114] : memref<1x64xf32, #tpu.memory_space<vmem>>, vector<1x64xf32>
    %add3A_116 = vector.broadcast %get3A_115 : vector<1x64xf32> to vector<10000x64xf32>
    %add3A_117 = arith.addf %dot_general3A_112, %add3A_116 : vector<10000x64xf32>
    %neg3A_118 = arith.constant 0.000000e+00 : f32
    %neg3A_119 = vector.broadcast %neg3A_118 : f32 to vector<10000x64xf32>
    %neg3A_120 = arith.subf %neg3A_119, %add3A_117 : vector<10000x64xf32>
    %exp3A_121 = math.exp %neg3A_120 : vector<10000x64xf32>
    %add3A_122 = arith.constant 1.000000e+00 : f32
    %add3A_123 = vector.broadcast %add3A_122 : f32 to vector<10000x64xf32>
    %add3A_124 = arith.addf %add3A_123, %exp3A_121 : vector<10000x64xf32>
    %div3A_125 = arith.divf %add3A_117, %add3A_124 : vector<10000x64xf32>
    %get3A_126 = arith.constant 0 : index
    %get3A_127 = arith.constant 0 : index
    %get3A_128 = vector.load %arg13[%get3A_126, %get3A_127] : memref<64x128xf32, #tpu.memory_space<vmem>>, vector<64x128xf32>
    %dot_general3A_129 = arith.constant dense<0.000000e+00> : vector<10000x128xf32>
    %dot_general3A_130 = tpu.matmul %div3A_125, %get3A_128, %dot_general3A_129 {dimension_numbers = #tpu.dot_dimension_numbers<[1], [0], [0], [1], [0, 0, 1, 1], [], []>, transpose_lhs_hint = false} : vector<10000x64xf32>, vector<64x128xf32>, vector<10000x128xf32> -> vector<10000x128xf32>
    %get3A_131 = arith.constant 0 : index
    %get3A_132 = arith.constant 0 : index
    %get3A_133 = vector.load %arg14[%get3A_131, %get3A_132] : memref<1x128xf32, #tpu.memory_space<vmem>>, vector<1x128xf32>
    %add3A_134 = vector.broadcast %get3A_133 : vector<1x128xf32> to vector<10000x128xf32>
    %add3A_135 = arith.addf %dot_general3A_130, %add3A_134 : vector<10000x128xf32>
    %reduce_sum3A_136 = vector.shape_cast %add3A_135 : vector<10000x128xf32> to vector<1x10000x128xf32>
    %reduce_sum3A_137 = arith.constant dense<0.000000e+00> : vector<1xf32>
    %reduce_sum3A_138 = vector.multi_reduction <add>, %reduce_sum3A_136, %reduce_sum3A_137 [1, 2] : vector<1x10000x128xf32> to vector<1xf32>
    %reduce_sum3A_139 = vector.shape_cast %reduce_sum3A_138 : vector<1xf32> to vector<1x1x1xf32>
    %reduce_sum3A_140 = vector.extract %reduce_sum3A_139[0, 0, 0] : f32 from vector<1x1x1xf32>
    %div3A_141 = arith.constant 1.280000e+06 : f32
    %div3A_142 = arith.divf %reduce_sum3A_140, %div3A_141 : f32
    %sub3A_143 = vector.broadcast %div3A_142 : f32 to vector<10000x128xf32>
    %sub3A_144 = arith.subf %add3A_135, %sub3A_143 : vector<10000x128xf32>
    %integer_pow3A_145 = arith.mulf %sub3A_144, %sub3A_144 : vector<10000x128xf32>
    %reduce_sum3A_146 = vector.shape_cast %integer_pow3A_145 : vector<10000x128xf32> to vector<1x10000x128xf32>
    %reduce_sum3A_147 = arith.constant dense<0.000000e+00> : vector<1xf32>
    %reduce_sum3A_148 = vector.multi_reduction <add>, %reduce_sum3A_146, %reduce_sum3A_147 [1, 2] : vector<1x10000x128xf32> to vector<1xf32>
    %reduce_sum3A_149 = vector.shape_cast %reduce_sum3A_148 : vector<1xf32> to vector<1x1x1xf32>
    %reduce_sum3A_150 = vector.extract %reduce_sum3A_149[0, 0, 0] : f32 from vector<1x1x1xf32>
    %div3A_151 = arith.constant 1.280000e+06 : f32
    %div3A_152 = arith.divf %reduce_sum3A_150, %div3A_151 : f32
    %sub3A_153 = vector.broadcast %div3A_142 : f32 to vector<10000x128xf32>
    %sub3A_154 = arith.subf %add3A_135, %sub3A_153 : vector<10000x128xf32>
    %add3A_155 = arith.constant 9.99999974E-6 : f32
    %add3A_156 = arith.addf %div3A_152, %add3A_155 : f32
    %rsqrt3A_157 = math.rsqrt %add3A_156 : f32
    %mul3A_158 = vector.broadcast %rsqrt3A_157 : f32 to vector<10000x128xf32>
    %mul3A_159 = arith.mulf %sub3A_154, %mul3A_158 : vector<10000x128xf32>
    %get3A_160 = arith.constant 0 : index
    %get3A_161 = arith.constant 0 : index
    %get3A_162 = vector.load %arg15[%get3A_160, %get3A_161] : memref<1x128xf32, #tpu.memory_space<vmem>>, vector<1x128xf32>
    %mul3A_163 = vector.broadcast %get3A_162 : vector<1x128xf32> to vector<10000x128xf32>
    %mul3A_164 = arith.mulf %mul3A_159, %mul3A_163 : vector<10000x128xf32>
    %get3A_165 = arith.constant 0 : index
    %get3A_166 = arith.constant 0 : index
    %get3A_167 = vector.load %arg16[%get3A_165, %get3A_166] : memref<1x128xf32, #tpu.memory_space<vmem>>, vector<1x128xf32>
    %add3A_168 = vector.broadcast %get3A_167 : vector<1x128xf32> to vector<10000x128xf32>
    %add3A_169 = arith.addf %mul3A_164, %add3A_168 : vector<10000x128xf32>
    %add3A_170 = arith.addf %get3A_107, %add3A_169 : vector<10000x128xf32>
    %swap3A_171 = arith.constant 0 : index
    %swap3A_172 = arith.constant 0 : index
    %swap3A_173 = vector.load %arg20[%swap3A_171, %swap3A_172] : memref<10000x128xf32, #tpu.memory_space<vmem>>, vector<10000x128xf32>
    tpu.vector_store %arg20[%swap3A_171, %swap3A_172], %add3A_170 {strides = array<i32>} : memref<10000x128xf32, #tpu.memory_space<vmem>>, vector<10000x128xf32>,
    return
  }
}

</mosaic_0001>

<sc_bundles>
// kernel: kernel.11.cloned.1.call-start
scs
__scs_entry_jumppad:
0x0: {  	(pc) =	sbr.rel $0x88, $3  }
0x1: {  	(tag) =	ssettag $0x0;
	lr =	simm.s32 $0x1  }
0x2: {  	[smem:$0x3F8B] =	sst lr;
	_ =	strace $0xD0000000  }
0x3: {  	_ = 	snop  }
0x4: {  	_ = 	snop  }
0x5: {  	_ = 	snop  }
0x6: {  	_ = 	snop  }
0x7: {  	_ = 	snop  }
__scs_overlays_trampoline_lowered:
0x8: {  	[smem:$0x3F9A] =	sst s0  }
0x9: {  	[smem:$0x3F9B] =	sst s1  }
0xa: {  	[smem:$0x3F9C] =	sst s2  }
0xb: {  	[smem:$0x3F9D] =	sst s3  }
0xc: {  	[smem:$0x3F9E] =	sst s4  }
0xd: {  	[smem:$0x3F9F] =	sst s5  }
0xe: {  	[smem:$0x3FA0] =	sst s6  }
0xf: {  	[smem:$0x3FA1] =	sst s7  }
0x10: {  	[smem:$0x3FA2] =	sst s8  }
0x11: {  	[smem:$0x3FA3] =	sst s9;
	s0 =	simm.s32 @!p0 $0x0  }
0x12: {  	s1 =	sld [smem:$0x3F89];
	s0 =	simm.s32 @p0 $0x1  }
0x13: {  	[smem:$0x3FA4] =	sst s0;
	s0 =	simm.s32 @!p1 $0x0  }
0x14: {  	s2 =	sld [smem:$0x3F88];
	s0 =	simm.s32 @p1 $0x1  }
0x15: {  	[smem:$0x3FA5] =	sst s0;
	s0 =	simm.s32 @!p2 $0x0  }
0x16: {  	s3 =	sld [smem:$0x3FDB];
	s0 =	simm.s32 @p2 $0x1  }
0x17: {  	s4 =	simm.s32 $0x1BF5;
	[smem:$0x3FA7] =	sst s0  }
0x18: {  	s0 =	sld [smem:$0x3F8A];
	_ =	swait.ge [sflag:s4], $0x0  }
0x19: {  	s7 =	sld [smem:$0x3F8B]  }
0x1a: {  	s8 =	sadd.s32 $0xFFFFE003, lr  }
0x1b: {  	s9 =	sadd.s32 $0xFFFFFEF7, lr;
	s5 =	simm.s32 $0xFFFFFFFF;
	p2 =	slt.u32 s8, $0xFFFFF086  }
0x1c: {  	p1 =	slt.u32 s9, $0xF7A;
	s5 =	simm.s32 @!p2 $0x0  }
0x1d: {  	s5 =	simm.s32 @p1 $0x1;
	p0 =	seq.s32 s7, s2  }
0x1e: {  	s7 =	smul.u32 @!p0 $0xF7A, s2;
	p2 =	seq.s32 @!p0 s5, $0x0  }
0x1f: {  	s9 =	smul.u32 $0xF7A, s1;
	s8 =	simm.s32 @!p0 $0x1BF5;
	p2 =	por !p2, p0  }
0x20: {  	[sflag:s8] =	ssyncset.s32 @!p0 $0xFFFFF086;
	s6 =	sadd.s32 @!p0 s3, s7;
	s7 =	simm.s32 @!p0 $0x108  }
0x21: {  	s3 =	sadd.s32 s3, s9;
	s6 =	sadd.s32 @!p0 $0x88, s6;
	s7 =	simm.s32 @p2 $0x1082  }
0x22: {  	[simem:s7], [sflag:s8] =	dma.local @!p0 [hbm:s6], $0xF7A  }
0x23: {  	s9 =	sor.u32 $0xD0000000, s2;
	s6 =	simm.s32 $0x108;
	_ =	swait.ge @!p0 [sflag:s8], $0x0  }
0x24: {  	s3 =	sadd.s32 $0x88, s3;
	s6 =	simm.s32 @!p1 $0x1082;
	[sflag:s4] =	ssyncset.s32 $0xFFFFF086  }
0x25: {  	[simem:s6], [sflag:s4] =	dma.local [hbm:s3], $0xF7A  }
0x26: {  	[smem:$0x3F8B] =	sst s1;
	(tag) =	ssettag s2;
	_ =	strace s9  }
0x27: {  	s1 =	sld [smem:$0x3F9B]  }
0x28: {  	s2 =	sld [smem:$0x3F9C]  }
0x29: {  	s4 =	sld [smem:$0x3F9E]  }
0x2a: {  	p0 =	seq.s32 s5, $0x0;
	s5 =	sld [smem:$0x3F9F]  }
0x2b: {  	s6 =	sld [smem:$0x3FA0]  }
0x2c: {  	s7 =	sld [smem:$0x3FA1]  }
0x2d: {  	s3 =	simm.s32 $0x108;
	s8 =	sld [smem:$0x3FA2]  }
0x2e: {  	s3 =	simm.s32 @!p0 $0x1082;
	s9 =	sld [smem:$0x3FA3]  }
0x2f: {  	lr =	sadd.s32 s0, s3;
	s0 =	sld [smem:$0x3F9A]  }
0x30: {  	s3 =	sld [smem:$0x3F9D]  }
0x31: {  	[smem:$0x3FA6] =	sst s10  }
0x32: {  	s10 =	sld [smem:$0x3FA4];
	_ =	sdelay $0x3  }
0x33: {  	p0 =	seq.s32 s10, $0x1;
	s10 =	sld [smem:$0x3FA6];
	_ =	sdelay $0x3  }
0x34: {  	[smem:$0x3FA6] =	sst s10  }
0x35: {  	s10 =	sld [smem:$0x3FA5];
	_ =	sdelay $0x3  }
0x36: {  	p1 =	seq.s32 s10, $0x1;
	s10 =	sld [smem:$0x3FA6];
	_ =	sdelay $0x3  }
0x37: {  	[smem:$0x3FA6] =	sst s10  }
0x38: {  	s10 =	sld [smem:$0x3FA7]  }
0x39: {  	_ = 	snop;
	(pc) =	sbr.ind lr, $3  }
0x3a: {  	_ = 	snop  }
0x3b: {  	_ = 	snop  }
0x3c: {  	p2 =	seq.s32 s10, $0x1;
	s10 =	sld [smem:$0x3FA6]  }
0x3d: {  	_ =	shalt  }
0x3e: {  	_ =	shalt  }
0x3f: {  	_ =	shalt  }
0x40: {  	_ =	shalt  }
0x41: {  	_ =	shalt  }
0x42: {  	_ =	shalt  }
0x43: {  	_ =	shalt  }
0x44: {  	_ =	shalt  }
0x45: {  	_ =	shalt  }
0x46: {  	_ =	shalt  }
0x47: {  	_ =	shalt  }
0x48: {  	_ =	shalt  }
0x49: {  	_ =	shalt  }
0x4a: {  	_ =	shalt  }
0x4b: {  	_ =	shalt  }
0x4c: {  	_ =	shalt  }
0x4d: {  	_ =	shalt  }
0x4e: {  	_ =	shalt  }
0x4f: {  	_ =	shalt  }
0x50: {  	_ =	shalt  }
0x51: {  	_ =	shalt  }
0x52: {  	_ =	shalt  }
0x53: {  	_ =	shalt  }
0x54: {  	_ =	shalt  }
0x55: {  	_ =	shalt  }
0x56: {  	_ =	shalt  }
0x57: {  	_ =	shalt  }
0x58: {  	_ =	shalt  }
0x59: {  	_ =	shalt  }
0x5a: {  	_ =	shalt  }
0x5b: {  	_ =	shalt  }
0x5c: {  	_ =	shalt  }
0x5d: {  	_ =	shalt  }
0x5e: {  	_ =	shalt  }
0x5f: {  	_ =	shalt  }
0x60: {  	_ =	shalt  }
0x61: {  	_ =	shalt  }
0x62: {  	_ =	shalt  }
0x63: {  	_ =	shalt  }
0x64: {  	_ =	shalt  }
0x65: {  	_ =	shalt  }
0x66: {  	_ =	shalt  }
0x67: {  	_ =	shalt  }
0x68: {  	_ =	shalt  }
0x69: {  	_ =	shalt  }
0x6a: {  	_ =	shalt  }
0x6b: {  	_ =	shalt  }
0x6c: {  	_ =	shalt  }
0x6d: {  	_ =	shalt  }
0x6e: {  	_ =	shalt  }
0x6f: {  	_ =	shalt  }
0x70: {  	_ =	shalt  }
0x71: {  	_ =	shalt  }
0x72: {  	_ =	shalt  }
0x73: {  	_ =	shalt  }
0x74: {  	_ =	shalt  }
0x75: {  	_ =	shalt  }
0x76: {  	_ =	shalt  }
0x77: {  	_ =	shalt  }
0x78: {  	_ =	shalt  }
0x79: {  	_ =	shalt  }
0x7a: {  	_ =	shalt  }
0x7b: {  	_ =	shalt  }
0x7c: {  	_ =	shalt  }
0x7d: {  	_ =	shalt  }
0x7e: {  	_ =	shalt  }
0x7f: {  	_ =	shalt  }
0x80: {  	_ =	shalt  }
0x81: {  	_ =	shalt  }
0x82: {  	_ =	shalt  }
0x83: {  	_ =	shalt  }
0x84: {  	_ =	shalt  }
0x85: {  	_ =	shalt  }
0x86: {  	_ =	shalt  }
0x87: {  	_ =	shalt  }
.Lfunc_end0:
.L_simem_size_0:
called_computation.1_lowered:
.L_overlay_start_0:
0x88: {  	s2 =	sld [smem:$0x3FD9]  }
0x89: {  	s3 =	sld [smem:$0x3FFE];
	_ =	sdelay $0x1  }
0x8a: {  	s1 =	srdreg.scid  }
0x8b: {  	s0 =	sand.u32 $0x1, s1  }
0x8c: {  	s14 =	sshll.u32 s0, $0xA;
	s2 =	sadd.s32 s3, s2  }
0x8d: {  	s2 =	sadd.s32 s2, s14  }
0x8e: {  	[smem:$0x3FB2] =	sst s2  }
0x8f: {  	_ = 	snop  }
0x90: {  	s2 =	sld [smem:$0x3FD0];
	_ =	sdelay $0x2  }
0x91: {  	s15 =	simm.s32 $0xA;
	s4 =	simm.s32 $0x10  }
0x92: {  	[smem:s4], [sflag:s15] =	dma.local [hbm:s2], $0x1  }
0x93: {  	_ =	swait.eq [sflag:s15], $0x1  }
0x94: {  	[sflag:s15] =	ssyncset.done $0x0  }
0x95: {  	[sflag:s15] =	ssyncadd.s32 $0xFFFFFFFF  }
0x96: {  	s16 =	sld [smem:$0x11];
	(tm) =	ssettm $0x1  }
0x97: {  	s17 =	sld [smem:$0x3FFB];
	_ =	sdelay $0x3  }
0x98: {  	_ =	strace s17  }
0x99: {  	s3 =	sld [smem:$0x3FFC];
	_ =	sdelay $0x3  }
0x9a: {  	_ =	strace s3  }
0x9b: {  	s3 =	sld [smem:$0x3FFD];
	_ =	sdelay $0x3  }
0x9c: {  	_ =	strace s3  }
0x9d: {  	_ =	strace $0x8FFFFFFF  }
0x9e: {  	s18 =	sld [smem:$0x3FDB];
	_ =	sdelay $0x1  }
0x9f: {  	s19 =	simm.s32 $_scs_section_size  }
0xa0: {  	s5 =	simm.s32 $_size__tile_overlayer_lowered;
	s6 =	simm.s32 $_tile_overlayer_lowered  }
0xa1: {  	s22 =	simm.s32 $0x1BFF;
	s21 =	sshll.u32 s6, $0x1;
	s3 =	sadd.s32 s19, s18  }
0xa2: {  	s7 =	simm.s32 $0x0;
	s20 =	sshll.u32 s5, $0x1;
	s5 =	sadd.s32 s21, s3  }
0xa3: {  	[timem:s7], [sflag:s22] =	dma.local [hbm:s5], s20  }
0xa4: {  	_ =	swait.ge [sflag:s22], s20  }
0xa5: {  	s4 =	ssub.s32 $0x0, s20;
	[sflag:s22] =	ssyncset.done $0x0  }
0xa6: {  	[sflag:s22] =	ssyncadd.s32 s4;
	_ =	sdelay $0x1  }
0xa7: {  	s23 =	simm.s32 $0x1B8B  }
0xa8: {  	_ =	swait.ge [sflag:s23], $0x1  }
0xa9: {  	[sflag:s23] =	ssyncset.done $0x0  }
0xaa: {  	s25 =	simm.s32 $0x1B8E;
	s24 =	sld [smem:$0x3FFE];
	[sflag:s23] =	ssyncadd.s32 $0xFFFFFFFF  }
0xab: {  	s26 =	simm.s32 $execute0_lowered;
	[smem:$0x3FD2] =	sst s25  }
0xac: {  	s5 =	sshll.u32 s26, $0x1;
	_ =	strace $0x80000049;
	[dreg:$0x1] =	wrdreg $0xFFFFFFFF  }
0xad: {  	s28 =	simm.s32 $_size_execute0_lowered;
	s3 =	sadd.s32 s3, s5;
	[dreg:$0x0] =	wrdreg $0x0  }
0xae: {  	s5 =	sshll.u32 s28, $0x1;
	[dreg:$0x2] =	wrdreg s3  }
0xaf: {  	[dreg:$0x3] =	wrdreg s5  }
0xb0: {  	[dreg:$0x4] =	wrdreg $0xC0  }
0xb1: {  	_ =	task [dreg:s7], $0x5FFFF  }
0xb2: {  	[dreg:$0x1] =	wrdreg $0xFFFFFFFF  }
0xb3: {  	[dreg:$0x0] =	wrdreg $0x60  }
0xb4: {  	[dreg:$0x2] =	wrdreg s24  }
0xb5: {  	[dreg:$0x3] =	wrdreg s16  }
0xb6: {  	[dreg:$0x4] =	wrdreg $0x0  }
0xb7: {  	[dreg:$0x5] =	wrdreg $0x9  }
0xb8: {  	_ =	task.clear_ibuf [dreg:s7], $0x6FFFF;
	_ =	strace $0x90000049  }
0xb9: {  	s29 =	simm.s32 $0x9;
	_ =	strace $0x8000004B  }
0xba: {  	_ =	swait.ge [sflag:s29], $0x1  }
0xbb: {  	[sflag:s29] =	ssyncadd.s32 $0xFFFFFFFF  }
0xbc: {  	_ =	strace $0x9000004B  }
0xbd: {  	_ =	sfence  }
0xbe: {  	s30 =	sld [smem:$0x0];
	_ =	sdelay $0x2  }
0xbf: {  	s31 =	sshll.u32 s1, $0xD;
	s1 =	sshrl.u32 s1, $0x2  }
0xc0: {  	s3 =	sand.u32 $0x4000, s31;
	s1 =	sadd.s32 s1, s30  }
0xc1: {  	s0 =	sor.u32 s3, s0;
	s1 =	sshll.u32 s1, $0x11  }
0xc2: {  	s0 =	sor.u32 s1, s0  }
0xc3: {  	s0 =	sadd.s32 $0x8F2B, s0  }
0xc4: {  	[sflag:s0] =	ssyncadd.remote.s32 $0x1  }
0xc5: {  	_ =	sfence.sel $0xFFFF  }
0xc6: {  	[dreg:$0x0] =	wrdreg $0xFFFFFFFF;
	(pc) =	sbr.abs _section_cstart, $3  }
0xc7: {  	[dreg:$0x1] =	wrdreg $0xFFFFFFFF  }
0xc8: {  	_ =	task.clear_ibuf [dreg:s7], $0x2FFFF;
	_ =	strace $0x9FFFFFFF  }
0xc9: {  	(tm) =	ssettm $0x7FFFFFFF  }
tec
execute0_lowered:
.L_overlay_start_1:
0x0: {  	(tag) =	ssettag $0x1  }
0x1: {  	s0 =	rddreg [dreg:$0x0]  }
0x2: {  	s1 =	rddreg [dreg:$0x1]  }
0x3: {  	s3 =	rddreg [dreg:$0x2];
	s4 =	simm.s32 $0x0  }
0x4: {  	s2 =	srdreg.scid;
	s13 =	stileid.u32;
	s28 =	simm.s32 $0x1A500  }
0x5: {  	s29 =	simm.s32 $0x13C80;
	s30 =	simm.s32 $0x1;
	s31 =	simm.s32 $0x40  }
0x6: {  	s18 =	simm.s32 $0x0;
	[smem:$0x7FF] =	sst s4;
	s11 =	smul.u32 $0x14000, s13  }
0x7: {  	s2 =	sand.u32 $0x1, s2;
	s5 =	sshll.u32 s13, $0x1;
	s12 =	smul.u32 $0x50000, s13  }
0x8: {  	s7 =	sor.u32 s2, s5;
	s8 =	ssub.s32 $0x2, s2;
	s2 =	smul.u32 $0x138800, s2  }
0x9: {  	_ =	strace $0x8000004A;
	s5 =	sadd.s32 $0x4400, s0;
	s6 =	smul.u32 $0x2800, s7  }
0xa: {  	s0 =	sadd.s32 $0xA0800, s0;
	s9 =	sshrl.u32 s8, $0x1;
	s10 =	smul.u32 $0x5000, s7  }
0xb: {  	p0 =	seq.s32 s7, $0x1F;
	s23 =	sshrl.u32 s12, $0x2;
	s8 =	ssub.s32 s8, s9  }
0xc: {  	s22 =	sadd.s32 s11, s2;
	s2 =	sshrl.u32 s2, $0x3;
	s12 =	sadd.s32 s23, s3  }
0xd: {  	s11 =	sadd.s32 $0x12C000, s3;
	s23 =	simm.s32 $0x1A680;
	s20 =	sshrl.u32 s6, $0x3  }
0xe: {  	s21 =	sadd.s32 s5, s10;
	s10 =	smul.u32 $0xA0, s7;
	s7 =	sshrl.u32 s22, $0x3  }
0xf: {  	s24 =	smax.u32 s8, $0x1;
	s25 =	sadd.s32 $0x2800, s12;
	s26 =	sadd.s32 $0x5000, s12  }
0x10: {  	s8 =	sadd.s32 $0x7800, s12;
	s14 =	sadd.s32 $0xA000, s12;
	[dreg:$0x8] =	wrdreg s11  }
0x11: {  	s15 =	sadd.s32 $0xC800, s12;
	s16 =	sadd.s32 $0xF000, s12;
	[dreg:$0x5] =	wrdreg s21  }
0x12: {  	s17 =	sadd.s32 $0x11800, s12;
	s9 =	sadd.s32 s1, s20;
	[dreg:$0x9] =	wrdreg s24  }
0x13: {  	s7 =	sadd.s32 s0, s7;
	s0 =	sadd.s32 s0, s2;
	[dreg:$0xa] =	wrdreg s25  }
0x14: {  	[dreg:$0xb] =	wrdreg s26;
	s2 =	sadd.s32 $0x131000, s3;
	s24 =	simm.s32 $0x7  }
0x15: {  	s25 =	simm.s32 $0x1A480;
	[dreg:$0x4] =	wrdreg s9;
	s9 =	simm.s32 $0xD  }
0x16: {  	s26 =	simm.s32 $0x13880;
	s0 =	sadd.s32 $0x25800, s0;
	s9 =	simm.s32 @!p0 $0x35  }
0x17: {  	[dreg:$0x7] =	wrdreg s0;
	s0 =	sadd.s32 $0x12E800, s3;
	p0 =	seq.s32 s13, $0xF  }
0x18: {  	[dreg:$0x6] =	wrdreg s7;
	s7 =	sadd.s32 $0x133800, s3;
	s14 =	smov.u32 @p0 s0  }
0x19: {  	s13 =	simm.s32 $0x4;
	s8 =	smov.u32 @p0 s11;
	[dreg:$0xd] =	wrdreg s14  }
0x1a: {  	s0 =	sadd.s32 $0x136000, s3;
	s15 =	smov.u32 @p0 s2;
	[dreg:$0xc] =	wrdreg s8  }
0x1b: {  	s16 =	smov.u32 @p0 s7;
	s2 =	simm.s32 $0x1A580;
	[dreg:$0xe] =	wrdreg s15  }
0x1c: {  	s7 =	simm.s32 $0x14080;
	s11 =	simm.s32 $0x16480;
	[dreg:$0xf] =	wrdreg s16  }
0x1d: {  	v0 =	vimm.f32 $0.0e+00;
	vm0 =	vcmask $0x300;
	s17 =	smov.u32 @p0 s0;
	s0 =	simm.s32 $0x14480;
	s8 =	simm.s32 $0x2  }
0x1e: {  	v1 =	vsel vm0, $0x3F800000, v0;
	s15 =	simm.s32 $0x3;
	s16 =	simm.s32 $0x18480;
	[dreg:$0x10] =	wrdreg s17  }
.LBB2_1:
0x1f: {  	s17 =	simm.s32 $0x0;
	s19 =	simm.s32 $0x200  }
.LBB2_2:
0x20: {  	p1 =	sne.s32 s19, $0x9E00;
	[tilespmem:s17+$0x1A6F0] =	vst v0  }
0x21: {  	[tilespmem:s17+$0x1A680] =	vst v0  }
0x22: {  	[tilespmem:s17+$0x1A690] =	vst v0  }
.Ltmp0:
0x23: {  	[tilespmem:s17+$0x1A6A0] =	vst v0;
	(pc) =	sbr.rel @p1 .LBB2_2-.Ltmp0, $4  }
0x24: {  	[tilespmem:s17+$0x1A6B0] =	vst v0  }
0x25: {  	[tilespmem:s17+$0x1A6C0] =	vst v0  }
0x26: {  	[tilespmem:s17+$0x1A6D0] =	vst v0  }
0x27: {  	[tilespmem:s17+$0x1A6E0] =	vst v0;
	s17 =	sshra.s32 s19, $0x2;
	s19 =	sadd.s32 $0x200, s19  }
0x28: {  	[tilespmem:s17+$0x1A6F0] =	vst v0  }
0x29: {  	[tilespmem:s17+$0x1A680] =	vst v0  }
0x2a: {  	[tilespmem:s17+$0x1A690] =	vst v0  }
0x2b: {  	[tilespmem:s17+$0x1A6A0] =	vst v0  }
0x2c: {  	[tilespmem:s17+$0x1A6B0] =	vst v0  }
0x2d: {  	[tilespmem:s17+$0x1A6C0] =	vst v0  }
0x2e: {  	[tilespmem:s17+$0x1A6D0] =	vst v0  }
0x2f: {  	[tilespmem:s17+$0x1A6E0] =	vst v0;
	s17 =	simm.s32 @!p0 $0x1A680;
	s19 =	simm.s32 @!p0 $0x7  }
0x30: {  	[spmem:s12] =	stream.linear.scatter @!p0 [tilespmem:s17], [sflag:$0x7], $0x2800, $0x38;
	[tilespmem:$0x1CE80] =	vst v63  }
0x31: {  	_ =	swait.ge @!p0 [sflag:s19], $0x2800  }
0x32: {  	[sflag:s19] =	ssyncset.done @!p0 $0x0  }
0x33: {  	s14 =	rddreg [dreg:$0xa];
	[sflag:s19] =	ssyncadd.s32 @!p0 $0xFFFFD800  }
0x34: {  	[spmem:s14] =	stream.linear.scatter @!p0 [tilespmem:s17], [sflag:$0x7], $0x2800, $0x38;
	[tilespmem:$0x1CE80] =	vst v63  }
0x35: {  	_ =	swait.ge @!p0 [sflag:s19], $0x2800  }
0x36: {  	[sflag:s19] =	ssyncset.done @!p0 $0x0  }
0x37: {  	s14 =	rddreg [dreg:$0xb];
	[sflag:s19] =	ssyncadd.s32 @!p0 $0xFFFFD800  }
0x38: {  	[spmem:s14] =	stream.linear.scatter @!p0 [tilespmem:s17], [sflag:$0x7], $0x2800, $0x38;
	[tilespmem:$0x1CE80] =	vst v63  }
0x39: {  	_ =	swait.ge @!p0 [sflag:s19], $0x2800  }
0x3a: {  	[sflag:s19] =	ssyncset.done @!p0 $0x0  }
0x3b: {  	s17 =	rddreg [dreg:$0xc];
	[sflag:s19] =	ssyncadd.s32 @!p0 $0xFFFFD800  }
0x3c: {  	[spmem:s17] =	stream.linear.scatter [tilespmem:s23], [sflag:$0x7], $0x2800, $0x38;
	[tilespmem:$0x1CE80] =	vst v63  }
0x3d: {  	_ =	swait.ge [sflag:s24], $0x2800  }
0x3e: {  	[sflag:s24] =	ssyncset.done $0x0  }
0x3f: {  	s19 =	rddreg [dreg:$0xd];
	[sflag:s24] =	ssyncadd.s32 $0xFFFFD800  }
0x40: {  	[spmem:s19] =	stream.linear.scatter [tilespmem:s23], [sflag:$0x7], $0x2800, $0x38;
	[tilespmem:$0x1CE80] =	vst v63  }
0x41: {  	_ =	swait.ge [sflag:s24], $0x2800  }
0x42: {  	[sflag:s24] =	ssyncset.done $0x0  }
0x43: {  	s20 =	rddreg [dreg:$0xe];
	[sflag:s24] =	ssyncadd.s32 $0xFFFFD800  }
0x44: {  	[spmem:s20] =	stream.linear.scatter [tilespmem:s23], [sflag:$0x7], $0x2800, $0x38;
	[tilespmem:$0x1CE80] =	vst v63  }
0x45: {  	_ =	swait.ge [sflag:s24], $0x2800  }
0x46: {  	[sflag:s24] =	ssyncset.done $0x0  }
0x47: {  	s21 =	rddreg [dreg:$0xf];
	[sflag:s24] =	ssyncadd.s32 $0xFFFFD800  }
0x48: {  	[spmem:s21] =	stream.linear.scatter [tilespmem:s23], [sflag:$0x7], $0x2800, $0x38;
	[tilespmem:$0x1CE80] =	vst v63  }
0x49: {  	_ =	swait.ge [sflag:s24], $0x2800  }
0x4a: {  	[sflag:s24] =	ssyncset.done $0x0  }
0x4b: {  	s22 =	rddreg [dreg:$0x10];
	[sflag:s24] =	ssyncadd.s32 $0xFFFFD800  }
0x4c: {  	[spmem:s22] =	stream.linear.scatter [tilespmem:s23], [sflag:$0x7], $0x2800, $0x38;
	[tilespmem:$0x1CE80] =	vst v63  }
0x4d: {  	_ =	swait.ge [sflag:s24], $0x2800  }
0x4e: {  	[sflag:s24] =	ssyncset.done $0x0  }
0x4f: {  	s17 =	simm.s32 $0x0;
	s19 =	simm.s32 $0x200;
	[sflag:s24] =	ssyncadd.s32 $0xFFFFD800  }
.LBB2_4:
0x50: {  	p1 =	sne.s32 s19, $0x7E00;
	[tilespmem:s17+$0x184F0] =	vst v0  }
0x51: {  	[tilespmem:s17+$0x14490] =	vst v1  }
0x52: {  	[tilespmem:s17+$0x144A0] =	vst v0  }
0x53: {  	[tilespmem:s17+$0x144B0] =	vst v0  }
0x54: {  	[tilespmem:s17+$0x144C0] =	vst v0  }
0x55: {  	[tilespmem:s17+$0x144D0] =	vst v0  }
0x56: {  	[tilespmem:s17+$0x144E0] =	vst v0  }
0x57: {  	[tilespmem:s17+$0x144F0] =	vst v0  }
0x58: {  	[tilespmem:s17+$0x16490] =	vst v1  }
0x59: {  	[tilespmem:s17+$0x164A0] =	vst v0  }
0x5a: {  	[tilespmem:s17+$0x164B0] =	vst v0  }
0x5b: {  	[tilespmem:s17+$0x164C0] =	vst v0  }
0x5c: {  	[tilespmem:s17+$0x164D0] =	vst v0  }
0x5d: {  	[tilespmem:s17+$0x164E0] =	vst v0  }
0x5e: {  	[tilespmem:s17+$0x164F0] =	vst v0  }
0x5f: {  	[tilespmem:s17+$0x18490] =	vst v1  }
.Ltmp1:
0x60: {  	[tilespmem:s17+$0x184A0] =	vst v0;
	(pc) =	sbr.rel @p1 .LBB2_4-.Ltmp1, $4  }
0x61: {  	[tilespmem:s17+$0x184B0] =	vst v0  }
0x62: {  	[tilespmem:s17+$0x184C0] =	vst v0  }
0x63: {  	[tilespmem:s17+$0x184D0] =	vst v0  }
0x64: {  	[tilespmem:s17+$0x184E0] =	vst v0;
	s17 =	sshra.s32 s19, $0x2;
	s19 =	sadd.s32 $0x200, s19  }
0x65: {  	[tilespmem:s17+$0x184F0] =	vst v0  }
0x66: {  	[tilespmem:s17+$0x14490] =	vst v1  }
0x67: {  	[tilespmem:s17+$0x144A0] =	vst v0  }
0x68: {  	[tilespmem:s17+$0x144B0] =	vst v0  }
0x69: {  	[tilespmem:s17+$0x144C0] =	vst v0  }
0x6a: {  	[tilespmem:s17+$0x144D0] =	vst v0  }
0x6b: {  	[tilespmem:s17+$0x144E0] =	vst v0  }
0x6c: {  	[tilespmem:s17+$0x144F0] =	vst v0  }
0x6d: {  	[tilespmem:s17+$0x16490] =	vst v1  }
0x6e: {  	[tilespmem:s17+$0x164A0] =	vst v0  }
0x6f: {  	[tilespmem:s17+$0x164B0] =	vst v0  }
0x70: {  	[tilespmem:s17+$0x164C0] =	vst v0  }
0x71: {  	[tilespmem:s17+$0x164D0] =	vst v0  }
0x72: {  	[tilespmem:s17+$0x164E0] =	vst v0  }
0x73: {  	[tilespmem:s17+$0x164F0] =	vst v0  }
0x74: {  	[tilespmem:s17+$0x18490] =	vst v1  }
0x75: {  	[tilespmem:s17+$0x184A0] =	vst v0  }
0x76: {  	[tilespmem:s17+$0x184B0] =	vst v0  }
0x77: {  	[tilespmem:s17+$0x184C0] =	vst v0  }
0x78: {  	[tilespmem:s17+$0x184D0] =	vst v0  }
0x79: {  	[tilespmem:s17+$0x184E0] =	vst v0  }
0x7a: {  	[bflag:$0x0] =	sbarrier.arrive $0xFFFF  }
0x7b: {  	s19 =	simm.s32 $0x0;
	s14 =	rddreg [dreg:$0x4]  }
0x7c: {  	[tilespmem:s25], [sflag:$0x7] =	stream.linear.gather [hbm4b:s14+s19], $0x40, $0x38;
	[tilespmem:$0x1CE80] =	vst v63  }
0x7d: {  	_ =	swait.ge [sflag:s24], $0x40  }
0x7e: {  	[sflag:s24] =	ssyncset.done $0x0  }
0x7f: {  	s20 =	simm.s32 $0x0;
	s22 =	rddreg [dreg:$0x5];
	[sflag:s24] =	ssyncadd.s32 $0xFFFFFFC0  }
0x80: {  	[tilespmem:s26], [sflag:$0x1] =	stream.linear.gather [hbm4b:s22+s19], $0x400, $0x38;
	[tilespmem:$0x1CE80] =	vst v63  }
.LBB2_6:
0x81: {  	s21 =	smul.u32 $0x3, s20;
	_ =	sdelay $0x1  }
0x82: {  	p1 =	seq.s32 s20, $0x0;
	s17 =	sadd.s32 $0x1, s21  }
0x83: {  	s22 =	simm.s32 @!p1 $0x5;
	s14 =	sshll.u32 s17, $0x6  }
0x84: {  	_ =	swait.ge @!p1 [sflag:s22], $0x2000;
	s14 =	sadd.s32 s6, s14  }
0x85: {  	[sflag:s22] =	ssyncset.done @!p1 $0x0;
	s14 =	sshrl.u32 s14, $0x3  }
0x86: {  	s17 =	sadd.s32 s10, s17;
	[sflag:s22] =	ssyncadd.s32 @!p1 $0xFFFFE000;
	s14 =	sadd.s32 s1, s14  }
0x87: {  	[tilespmem:s28], [sflag:$0x7] =	stream.linear.gather [hbm4b:s14+s4], $0x40, $0x38;
	[tilespmem:$0x1CE80] =	vst v63  }
0x88: {  	s14 =	sshll.u32 s17, $0x7;
	_ =	swait.ge [sflag:s24], $0x40  }
0x89: {  	s14 =	sand.u32 $0x1FFFFF80, s14;
	[sflag:s24] =	ssyncset.done $0x0  }
0x8a: {  	s14 =	sadd.s32 s5, s14;
	[sflag:s24] =	ssyncadd.s32 $0xFFFFFFC0  }
0x8b: {  	[tilespmem:s29], [sflag:$0x2] =	stream.linear.gather [hbm4b:s14+s4], $0x400, $0x38;
	[tilespmem:$0x1CE80] =	vst v63  }
0x8c: {  	_ =	swait.ge [sflag:s30], $0x400  }
0x8d: {  	[sflag:s30] =	ssyncset.done $0x0  }
0x8e: {  	[sflag:s30] =	ssyncadd.s32 $0xFFFFFC00  }
0x8f: {  	v2 =	vld [tilespmem:$0x13880]  }
0x90: {  	v3 =	vld [tilespmem:$0x13890]  }
0x91: {  	v4 =	vld [tilespmem:$0x138A0]  }
0x92: {  	v5 =	vld [tilespmem:$0x138B0]  }
0x93: {  	v6 =	vld [tilespmem:$0x138C0]  }
0x94: {  	v46 =	vld [tilespmem:$0x138F0];
	[tilespmem:$0x14480] =	vst v2  }
0x95: {  	v47 =	vld [tilespmem:$0x13900];
	[tilespmem:$0x14500] =	vst v3  }
0x96: {  	v2 =	vld [tilespmem:$0x138D0];
	[tilespmem:$0x14580] =	vst v4  }
0x97: {  	v3 =	vld [tilespmem:$0x138E0];
	[tilespmem:$0x14600] =	vst v5  }
0x98: {  	v48 =	vld [tilespmem:$0x13910];
	[tilespmem:$0x14680] =	vst v6  }
0x99: {  	v49 =	vld [tilespmem:$0x13940];
	[tilespmem:$0x14800] =	vst v46  }
0x9a: {  	v50 =	vld [tilespmem:$0x13950];
	[tilespmem:$0x14880] =	vst v47  }
0x9b: {  	[tilespmem:$0x14700] =	vst v2;
	v2 =	vld [tilespmem:$0x13920]  }
0x9c: {  	[tilespmem:$0x14780] =	vst v3;
	v3 =	vld [tilespmem:$0x13930]  }
0x9d: {  	v51 =	vld [tilespmem:$0x13960];
	[tilespmem:$0x14900] =	vst v48  }
0x9e: {  	v52 =	vld [tilespmem:$0x13990];
	[tilespmem:$0x14A80] =	vst v49  }
0x9f: {  	v53 =	vld [tilespmem:$0x139A0];
	[tilespmem:$0x14B00] =	vst v50  }
0xa0: {  	[tilespmem:$0x14980] =	vst v2;
	v2 =	vld [tilespmem:$0x13970]  }
0xa1: {  	[tilespmem:$0x14A00] =	vst v3;
	v3 =	vld [tilespmem:$0x13980]  }
0xa2: {  	v54 =	vld [tilespmem:$0x139B0];
	[tilespmem:$0x14B80] =	vst v51  }
0xa3: {  	v55 =	vld [tilespmem:$0x139E0];
	[tilespmem:$0x14D00] =	vst v52  }
0xa4: {  	v56 =	vld [tilespmem:$0x139F0];
	[tilespmem:$0x14D80] =	vst v53  }
0xa5: {  	[tilespmem:$0x14C00] =	vst v2;
	v2 =	vld [tilespmem:$0x139C0]  }
0xa6: {  	[tilespmem:$0x14C80] =	vst v3;
	v3 =	vld [tilespmem:$0x139D0]  }
0xa7: {  	v57 =	vld [tilespmem:$0x13A00];
	[tilespmem:$0x14E00] =	vst v54  }
0xa8: {  	v58 =	vld [tilespmem:$0x13A30];
	[tilespmem:$0x14F80] =	vst v55  }
0xa9: {  	v59 =	vld [tilespmem:$0x13A40];
	[tilespmem:$0x15000] =	vst v56  }
0xaa: {  	[tilespmem:$0x14E80] =	vst v2;
	v2 =	vld [tilespmem:$0x13A10]  }
0xab: {  	[tilespmem:$0x14F00] =	vst v3;
	v3 =	vld [tilespmem:$0x13A20]  }
0xac: {  	v60 =	vld [tilespmem:$0x13A50];
	[tilespmem:$0x15080] =	vst v57  }
0xad: {  	v61 =	vld [tilespmem:$0x13A80];
	[tilespmem:$0x15200] =	vst v58  }
0xae: {  	v62 =	vld [tilespmem:$0x13A90];
	[tilespmem:$0x15280] =	vst v59  }
0xaf: {  	[tilespmem:$0x15100] =	vst v2;
	v2 =	vld [tilespmem:$0x13A60]  }
0xb0: {  	[tilespmem:$0x15180] =	vst v3;
	v3 =	vld [tilespmem:$0x13A70]  }
0xb1: {  	v63 =	vld [tilespmem:$0x13AA0];
	[tilespmem:$0x15300] =	vst v60  }
0xb2: {  	v9 =	vld [tilespmem:$0x13AD0];
	[tilespmem:$0x15480] =	vst v61  }
0xb3: {  	v10 =	vld [tilespmem:$0x13AE0];
	[tilespmem:$0x15500] =	vst v62  }
0xb4: {  	[tilespmem:$0x15380] =	vst v2;
	v2 =	vld [tilespmem:$0x13AB0]  }
0xb5: {  	[tilespmem:$0x15400] =	vst v3;
	v3 =	vld [tilespmem:$0x13AC0]  }
0xb6: {  	v11 =	vld [tilespmem:$0x13AF0];
	[tilespmem:$0x15580] =	vst v63  }
0xb7: {  	v12 =	vld [tilespmem:$0x13B20];
	[tilespmem:$0x15700] =	vst v9  }
0xb8: {  	v13 =	vld [tilespmem:$0x13B30];
	[tilespmem:$0x15780] =	vst v10  }
0xb9: {  	[tilespmem:$0x15600] =	vst v2;
	v2 =	vld [tilespmem:$0x13B00]  }
0xba: {  	[tilespmem:$0x15680] =	vst v3;
	v3 =	vld [tilespmem:$0x13B10]  }
0xbb: {  	v14 =	vld [tilespmem:$0x13B40];
	[tilespmem:$0x15800] =	vst v11  }
0xbc: {  	v15 =	vld [tilespmem:$0x13B70];
	[tilespmem:$0x15980] =	vst v12  }
0xbd: {  	v16 =	vld [tilespmem:$0x13B80];
	[tilespmem:$0x15A00] =	vst v13  }
0xbe: {  	[tilespmem:$0x15880] =	vst v2;
	v2 =	vld [tilespmem:$0x13B50]  }
0xbf: {  	[tilespmem:$0x15900] =	vst v3;
	v3 =	vld [tilespmem:$0x13B60]  }
0xc0: {  	v17 =	vld [tilespmem:$0x13B90];
	[tilespmem:$0x15A80] =	vst v14  }
0xc1: {  	v18 =	vld [tilespmem:$0x13BC0];
	[tilespmem:$0x15C00] =	vst v15  }
0xc2: {  	v19 =	vld [tilespmem:$0x13BD0];
	[tilespmem:$0x15C80] =	vst v16  }
0xc3: {  	[tilespmem:$0x15B00] =	vst v2;
	v2 =	vld [tilespmem:$0x13BA0]  }
0xc4: {  	[tilespmem:$0x15B80] =	vst v3;
	v3 =	vld [tilespmem:$0x13BB0]  }
0xc5: {  	v20 =	vld [tilespmem:$0x13BE0];
	[tilespmem:$0x15D00] =	vst v17  }
0xc6: {  	v21 =	vld [tilespmem:$0x13C10];
	[tilespmem:$0x15E80] =	vst v18  }
0xc7: {  	v22 =	vld [tilespmem:$0x13C20];
	[tilespmem:$0x15F00] =	vst v19  }
0xc8: {  	[tilespmem:$0x15D80] =	vst v2;
	v2 =	vld [tilespmem:$0x13BF0]  }
0xc9: {  	[tilespmem:$0x15E00] =	vst v3;
	v3 =	vld [tilespmem:$0x13C00]  }
0xca: {  	v23 =	vld [tilespmem:$0x13C30];
	[tilespmem:$0x15F80] =	vst v20  }
0xcb: {  	v24 =	vld [tilespmem:$0x13C60];
	[tilespmem:$0x16100] =	vst v21  }
0xcc: {  	v25 =	vld [tilespmem:$0x13C70];
	[tilespmem:$0x16180] =	vst v22  }
0xcd: {  	[tilespmem:$0x16000] =	vst v2;
	v2 =	vld [tilespmem:$0x13C40]  }
0xce: {  	[tilespmem:$0x16080] =	vst v3;
	v3 =	vld [tilespmem:$0x13C50]  }
0xcf: {  	[tilespmem:$0x16200] =	vst v23  }
0xd0: {  	[tilespmem:$0x16380] =	vst v24  }
0xd1: {  	[tilespmem:$0x16400] =	vst v25  }
0xd2: {  	s14 =	sadd.s32 $0x2, s21;
	[tilespmem:$0x16280] =	vst v2  }
0xd3: {  	s17 =	simm.s32 @!p1 $0x6;
	s22 =	sshll.u32 s14, $0x6;
	[tilespmem:$0x16300] =	vst v3  }
0xd4: {  	[spmem:s3] =	stream.indirect.scatter.add.f32 [tilespmem:s0], [sflag:$0x4], $0x80, s25, s31, $0xb8;
	[tilespmem:$0x1CE80] =	vst v63  }
0xd5: {  	s22 =	sadd.s32 s6, s22;
	_ =	swait.ge @!p1 [sflag:s17], $0x2000  }
0xd6: {  	s22 =	sshrl.u32 s22, $0x3;
	[sflag:s17] =	ssyncset.done @!p1 $0x0  }
0xd7: {  	s14 =	sadd.s32 s10, s14;
	s22 =	sadd.s32 s1, s22;
	[sflag:s17] =	ssyncadd.s32 @!p1 $0xFFFFE000  }
0xd8: {  	[tilespmem:s2], [sflag:$0x7] =	stream.linear.gather [hbm4b:s22+s19], $0x40, $0x38;
	[tilespmem:$0x1CE80] =	vst v63  }
0xd9: {  	s14 =	sshll.u32 s14, $0x7;
	_ =	swait.ge [sflag:s24], $0x40  }
0xda: {  	s14 =	sand.u32 $0x1FFFFF80, s14;
	[sflag:s24] =	ssyncset.done $0x0  }
0xdb: {  	s14 =	sadd.s32 s5, s14;
	[sflag:s24] =	ssyncadd.s32 $0xFFFFFFC0  }
0xdc: {  	[tilespmem:s7], [sflag:$0x3] =	stream.linear.gather [hbm4b:s14+s19], $0x400, $0x38;
	[tilespmem:$0x1CE80] =	vst v63  }
0xdd: {  	_ =	swait.ge [sflag:s8], $0x400  }
0xde: {  	[sflag:s8] =	ssyncset.done $0x0  }
0xdf: {  	[sflag:s8] =	ssyncadd.s32 $0xFFFFFC00  }
0xe0: {  	v2 =	vld [tilespmem:$0x13C80]  }
0xe1: {  	v3 =	vld [tilespmem:$0x13C90]  }
0xe2: {  	v26 =	vld [tilespmem:$0x13CA0]  }
0xe3: {  	v27 =	vld [tilespmem:$0x13CB0]  }
0xe4: {  	v28 =	vld [tilespmem:$0x13CC0]  }
0xe5: {  	v29 =	vld [tilespmem:$0x13CF0];
	[tilespmem:$0x16480] =	vst v2  }
0xe6: {  	v30 =	vld [tilespmem:$0x13D00];
	[tilespmem:$0x16500] =	vst v3  }
0xe7: {  	v2 =	vld [tilespmem:$0x13CD0];
	[tilespmem:$0x16580] =	vst v26  }
0xe8: {  	v3 =	vld [tilespmem:$0x13CE0];
	[tilespmem:$0x16600] =	vst v27  }
0xe9: {  	v31 =	vld [tilespmem:$0x13D10];
	[tilespmem:$0x16680] =	vst v28  }
0xea: {  	v32 =	vld [tilespmem:$0x13D40];
	[tilespmem:$0x16800] =	vst v29  }
0xeb: {  	v33 =	vld [tilespmem:$0x13D50];
	[tilespmem:$0x16880] =	vst v30  }
0xec: {  	[tilespmem:$0x16700] =	vst v2;
	v2 =	vld [tilespmem:$0x13D20]  }
0xed: {  	[tilespmem:$0x16780] =	vst v3;
	v3 =	vld [tilespmem:$0x13D30]  }
0xee: {  	v34 =	vld [tilespmem:$0x13D60];
	[tilespmem:$0x16900] =	vst v31  }
0xef: {  	v35 =	vld [tilespmem:$0x13D90];
	[tilespmem:$0x16A80] =	vst v32  }
0xf0: {  	v36 =	vld [tilespmem:$0x13DA0];
	[tilespmem:$0x16B00] =	vst v33  }
0xf1: {  	[tilespmem:$0x16980] =	vst v2;
	v2 =	vld [tilespmem:$0x13D70]  }
0xf2: {  	[tilespmem:$0x16A00] =	vst v3;
	v3 =	vld [tilespmem:$0x13D80]  }
0xf3: {  	v37 =	vld [tilespmem:$0x13DB0];
	[tilespmem:$0x16B80] =	vst v34  }
0xf4: {  	v38 =	vld [tilespmem:$0x13DE0];
	[tilespmem:$0x16D00] =	vst v35  }
0xf5: {  	v39 =	vld [tilespmem:$0x13DF0];
	[tilespmem:$0x16D80] =	vst v36  }
0xf6: {  	[tilespmem:$0x16C00] =	vst v2;
	v2 =	vld [tilespmem:$0x13DC0]  }
0xf7: {  	[tilespmem:$0x16C80] =	vst v3;
	v3 =	vld [tilespmem:$0x13DD0]  }
0xf8: {  	v40 =	vld [tilespmem:$0x13E00];
	[tilespmem:$0x16E00] =	vst v37  }
0xf9: {  	v41 =	vld [tilespmem:$0x13E30];
	[tilespmem:$0x16F80] =	vst v38  }
0xfa: {  	v42 =	vld [tilespmem:$0x13E40];
	[tilespmem:$0x17000] =	vst v39  }
0xfb: {  	[tilespmem:$0x16E80] =	vst v2;
	v2 =	vld [tilespmem:$0x13E10]  }
0xfc: {  	[tilespmem:$0x16F00] =	vst v3;
	v3 =	vld [tilespmem:$0x13E20]  }
0xfd: {  	v43 =	vld [tilespmem:$0x13E50];
	[tilespmem:$0x17080] =	vst v40  }
0xfe: {  	v44 =	vld [tilespmem:$0x13E80];
	[tilespmem:$0x17200] =	vst v41  }
0xff: {  	v45 =	vld [tilespmem:$0x13E90];
	[tilespmem:$0x17280] =	vst v42  }
0x100: {  	[tilespmem:$0x17100] =	vst v2;
	v2 =	vld [tilespmem:$0x13E60]  }
0x101: {  	[tilespmem:$0x17180] =	vst v3;
	v3 =	vld [tilespmem:$0x13E70]  }
0x102: {  	v46 =	vld [tilespmem:$0x13EA0];
	[tilespmem:$0x17300] =	vst v43  }
0x103: {  	v47 =	vld [tilespmem:$0x13ED0];
	[tilespmem:$0x17480] =	vst v44  }
0x104: {  	v48 =	vld [tilespmem:$0x13EE0];
	[tilespmem:$0x17500] =	vst v45  }
0x105: {  	[tilespmem:$0x17380] =	vst v2;
	v2 =	vld [tilespmem:$0x13EB0]  }
0x106: {  	[tilespmem:$0x17400] =	vst v3;
	v3 =	vld [tilespmem:$0x13EC0]  }
0x107: {  	v49 =	vld [tilespmem:$0x13EF0];
	[tilespmem:$0x17580] =	vst v46  }
0x108: {  	v50 =	vld [tilespmem:$0x13F20];
	[tilespmem:$0x17700] =	vst v47  }
0x109: {  	v51 =	vld [tilespmem:$0x13F30];
	[tilespmem:$0x17780] =	vst v48  }
0x10a: {  	[tilespmem:$0x17600] =	vst v2;
	v2 =	vld [tilespmem:$0x13F00]  }
0x10b: {  	[tilespmem:$0x17680] =	vst v3;
	v3 =	vld [tilespmem:$0x13F10]  }
0x10c: {  	v52 =	vld [tilespmem:$0x13F40];
	[tilespmem:$0x17800] =	vst v49  }
0x10d: {  	v53 =	vld [tilespmem:$0x13F70];
	[tilespmem:$0x17980] =	vst v50  }
0x10e: {  	v54 =	vld [tilespmem:$0x13F80];
	[tilespmem:$0x17A00] =	vst v51  }
0x10f: {  	[tilespmem:$0x17880] =	vst v2;
	v2 =	vld [tilespmem:$0x13F50]  }
0x110: {  	[tilespmem:$0x17900] =	vst v3;
	v3 =	vld [tilespmem:$0x13F60]  }
0x111: {  	v55 =	vld [tilespmem:$0x13F90];
	[tilespmem:$0x17A80] =	vst v52  }
0x112: {  	v56 =	vld [tilespmem:$0x13FC0];
	[tilespmem:$0x17C00] =	vst v53  }
0x113: {  	v57 =	vld [tilespmem:$0x13FD0];
	[tilespmem:$0x17C80] =	vst v54  }
0x114: {  	[tilespmem:$0x17B00] =	vst v2;
	v2 =	vld [tilespmem:$0x13FA0]  }
0x115: {  	[tilespmem:$0x17B80] =	vst v3;
	v3 =	vld [tilespmem:$0x13FB0]  }
0x116: {  	v58 =	vld [tilespmem:$0x13FE0];
	[tilespmem:$0x17D00] =	vst v55  }
0x117: {  	v59 =	vld [tilespmem:$0x14010];
	[tilespmem:$0x17E80] =	vst v56  }
0x118: {  	v60 =	vld [tilespmem:$0x14020];
	[tilespmem:$0x17F00] =	vst v57  }
0x119: {  	[tilespmem:$0x17D80] =	vst v2;
	v2 =	vld [tilespmem:$0x13FF0]  }
0x11a: {  	[tilespmem:$0x17E00] =	vst v3;
	v3 =	vld [tilespmem:$0x14000]  }
0x11b: {  	v61 =	vld [tilespmem:$0x14030];
	[tilespmem:$0x17F80] =	vst v58  }
0x11c: {  	v62 =	vld [tilespmem:$0x14060];
	[tilespmem:$0x18100] =	vst v59  }
0x11d: {  	v63 =	vld [tilespmem:$0x14070];
	[tilespmem:$0x18180] =	vst v60  }
0x11e: {  	[tilespmem:$0x18000] =	vst v2;
	v2 =	vld [tilespmem:$0x14040]  }
0x11f: {  	[tilespmem:$0x18080] =	vst v3;
	v3 =	vld [tilespmem:$0x14050]  }
0x120: {  	[tilespmem:$0x18200] =	vst v61  }
0x121: {  	[tilespmem:$0x18380] =	vst v62  }
0x122: {  	[tilespmem:$0x18400] =	vst v63  }
0x123: {  	s21 =	sadd.s32 $0x3, s21;
	[tilespmem:$0x18280] =	vst v2  }
0x124: {  	s22 =	sshll.u32 s21, $0x6;
	[tilespmem:$0x18300] =	vst v3  }
0x125: {  	[spmem:s3] =	stream.indirect.scatter.add.f32 [tilespmem:s11], [sflag:$0x5], $0x80, s28, s31, $0xb8;
	[tilespmem:$0x1CE80] =	vst v63  }
0x126: {  	s17 =	sadd.s32 s6, s22;
	_ =	swait.ge [sflag:s13], $0x2000  }
0x127: {  	s17 =	sshrl.u32 s17, $0x3;
	[sflag:s13] =	ssyncset.done $0x0  }
0x128: {  	s17 =	sadd.s32 s1, s17;
	s14 =	sadd.s32 s10, s21;
	[sflag:s13] =	ssyncadd.s32 $0xFFFFE000  }
0x129: {  	[tilespmem:s25], [sflag:$0x7] =	stream.linear.gather [hbm4b:s17+s19], $0x40, $0x38;
	[tilespmem:$0x1CE80] =	vst v63  }
0x12a: {  	s14 =	sshll.u32 s14, $0x7;
	_ =	swait.ge [sflag:s24], $0x40  }
0x12b: {  	s14 =	sand.u32 $0x1FFFFF80, s14;
	[sflag:s24] =	ssyncset.done $0x0  }
0x12c: {  	s14 =	sadd.s32 s5, s14;
	[sflag:s24] =	ssyncadd.s32 $0xFFFFFFC0  }
0x12d: {  	[tilespmem:s26], [sflag:$0x1] =	stream.linear.gather [hbm4b:s14+s19], $0x400, $0x38;
	[tilespmem:$0x1CE80] =	vst v63  }
0x12e: {  	_ =	swait.ge [sflag:s15], $0x400  }
0x12f: {  	[sflag:s15] =	ssyncset.done $0x0  }
0x130: {  	s21 =	simm.s32 $0x140F0;
	[sflag:s15] =	ssyncadd.s32 $0xFFFFFC00  }
0x131: {  	s22 =	simm.s32 $0x1000;
	s17 =	simm.s32 $0x0;
	v2 =	vld [tilespmem:s21+$0xFFFFFF90]  }
.LBB2_7:
0x132: {  	p1 =	sne.s32 s22, $0x7000;
	_ =	sdelay $0x2  }
0x133: {  	s14 =	sshra.s32 s17, $0x2;
	s17 =	smov.u32 s22  }
0x134: {  	[tilespmem:s14+$0x18480] =	vst v2  }
0x135: {  	v2 =	vld [tilespmem:s21+$0xFFFFFFA0];
	_ =	sdelay $0x4  }
0x136: {  	[tilespmem:s14+$0x18500] =	vst v2  }
0x137: {  	v2 =	vld [tilespmem:s21+$0xFFFFFFB0];
	_ =	sdelay $0x4  }
0x138: {  	[tilespmem:s14+$0x18580] =	vst v2  }
0x139: {  	v2 =	vld [tilespmem:s21+$0xFFFFFFC0];
	_ =	sdelay $0x4  }
0x13a: {  	[tilespmem:s14+$0x18600] =	vst v2  }
0x13b: {  	v2 =	vld [tilespmem:s21+$0xFFFFFFD0];
	_ =	sdelay $0x4  }
0x13c: {  	[tilespmem:s14+$0x18680] =	vst v2  }
0x13d: {  	v2 =	vld [tilespmem:s21+$0xFFFFFFE0];
	_ =	sdelay $0x4  }
0x13e: {  	[tilespmem:s14+$0x18700] =	vst v2  }
0x13f: {  	v2 =	vld [tilespmem:s21+$0xFFFFFFF0];
	_ =	sdelay $0x4  }
0x140: {  	[tilespmem:s14+$0x18780] =	vst v2  }
0x141: {  	v2 =	vld [tilespmem:s21+$0x0];
	_ =	sdelay $0x1  }
.Ltmp2:
0x142: {  	(pc) =	sbr.rel @p1 .LBB2_7-.Ltmp2, $3  }
0x143: {  	_ =	sdelay $0x1  }
0x144: {  	s21 =	sadd.s32 $0x80, s21;
	[tilespmem:s14+$0x18800] =	vst v2  }
0x145: {  	s22 =	sadd.s32 $0x1000, s22;
	v2 =	vld [tilespmem:s21+$0xFFFFFF90]  }
0x146: {  	_ =	sdelay $0x2  }
0x147: {  	s14 =	sshra.s32 s17, $0x2  }
0x148: {  	[tilespmem:s14+$0x18480] =	vst v2  }
0x149: {  	v2 =	vld [tilespmem:s21+$0xFFFFFFA0];
	_ =	sdelay $0x4  }
0x14a: {  	[tilespmem:s14+$0x18500] =	vst v2  }
0x14b: {  	v2 =	vld [tilespmem:s21+$0xFFFFFFB0];
	_ =	sdelay $0x4  }
0x14c: {  	[tilespmem:s14+$0x18580] =	vst v2  }
0x14d: {  	v2 =	vld [tilespmem:s21+$0xFFFFFFC0];
	_ =	sdelay $0x4  }
0x14e: {  	[tilespmem:s14+$0x18600] =	vst v2  }
0x14f: {  	v2 =	vld [tilespmem:s21+$0xFFFFFFD0];
	_ =	sdelay $0x4  }
0x150: {  	[tilespmem:s14+$0x18680] =	vst v2  }
0x151: {  	v2 =	vld [tilespmem:s21+$0xFFFFFFE0];
	_ =	sdelay $0x4  }
0x152: {  	[tilespmem:s14+$0x18700] =	vst v2  }
0x153: {  	v2 =	vld [tilespmem:s21+$0xFFFFFFF0];
	_ =	sdelay $0x4  }
0x154: {  	[tilespmem:s14+$0x18780] =	vst v2  }
0x155: {  	s20 =	sadd.s32 $0x1, s20;
	v2 =	vld [tilespmem:s21+$0x0]  }
0x156: {  	p1 =	sne.s32 s20, s9  }
.Ltmp3:
0x157: {  	_ = 	snop;
	(pc) =	sbr.rel @p1 .LBB2_6-.Ltmp3, $3  }
0x158: {  	_ =	sdelay $0x1  }
0x159: {  	[tilespmem:s14+$0x18800] =	vst v2  }
0x15a: {  	[spmem:s3] =	stream.indirect.scatter.add.f32 [tilespmem:s16], [sflag:$0x6], $0x80, s2, s31, $0xb8;
	[tilespmem:$0x1CE80] =	vst v63  }
0x15b: {  	_ =	swait.ge [sflag:s30], $0x400  }
0x15c: {  	[sflag:s30] =	ssyncset.done $0x0  }
0x15d: {  	[sflag:s30] =	ssyncadd.s32 $0xFFFFFC00  }
0x15e: {  	v2 =	vld [tilespmem:$0x13880]  }
0x15f: {  	v3 =	vld [tilespmem:$0x13890]  }
0x160: {  	v4 =	vld [tilespmem:$0x138A0]  }
0x161: {  	v5 =	vld [tilespmem:$0x138B0]  }
0x162: {  	v6 =	vld [tilespmem:$0x138C0]  }
0x163: {  	v29 =	vld [tilespmem:$0x138F0];
	[tilespmem:$0x14480] =	vst v2  }
0x164: {  	v30 =	vld [tilespmem:$0x13900];
	[tilespmem:$0x14500] =	vst v3  }
0x165: {  	v2 =	vld [tilespmem:$0x138D0];
	[tilespmem:$0x14580] =	vst v4  }
0x166: {  	v3 =	vld [tilespmem:$0x138E0];
	[tilespmem:$0x14600] =	vst v5  }
0x167: {  	v31 =	vld [tilespmem:$0x13910];
	[tilespmem:$0x14680] =	vst v6  }
0x168: {  	v32 =	vld [tilespmem:$0x13940];
	[tilespmem:$0x14800] =	vst v29  }
0x169: {  	v33 =	vld [tilespmem:$0x13950];
	[tilespmem:$0x14880] =	vst v30  }
0x16a: {  	[tilespmem:$0x14700] =	vst v2;
	v2 =	vld [tilespmem:$0x13920]  }
0x16b: {  	[tilespmem:$0x14780] =	vst v3;
	v3 =	vld [tilespmem:$0x13930]  }
0x16c: {  	v34 =	vld [tilespmem:$0x13960];
	[tilespmem:$0x14900] =	vst v31  }
0x16d: {  	v35 =	vld [tilespmem:$0x13990];
	[tilespmem:$0x14A80] =	vst v32  }
0x16e: {  	v36 =	vld [tilespmem:$0x139A0];
	[tilespmem:$0x14B00] =	vst v33  }
0x16f: {  	[tilespmem:$0x14980] =	vst v2;
	v2 =	vld [tilespmem:$0x13970]  }
0x170: {  	[tilespmem:$0x14A00] =	vst v3;
	v3 =	vld [tilespmem:$0x13980]  }
0x171: {  	v37 =	vld [tilespmem:$0x139B0];
	[tilespmem:$0x14B80] =	vst v34  }
0x172: {  	v38 =	vld [tilespmem:$0x139E0];
	[tilespmem:$0x14D00] =	vst v35  }
0x173: {  	v39 =	vld [tilespmem:$0x139F0];
	[tilespmem:$0x14D80] =	vst v36  }
0x174: {  	[tilespmem:$0x14C00] =	vst v2;
	v2 =	vld [tilespmem:$0x139C0]  }
0x175: {  	[tilespmem:$0x14C80] =	vst v3;
	v3 =	vld [tilespmem:$0x139D0]  }
0x176: {  	v40 =	vld [tilespmem:$0x13A00];
	[tilespmem:$0x14E00] =	vst v37  }
0x177: {  	v41 =	vld [tilespmem:$0x13A30];
	[tilespmem:$0x14F80] =	vst v38  }
0x178: {  	v42 =	vld [tilespmem:$0x13A40];
	[tilespmem:$0x15000] =	vst v39  }
0x179: {  	[tilespmem:$0x14E80] =	vst v2;
	v2 =	vld [tilespmem:$0x13A10]  }
0x17a: {  	[tilespmem:$0x14F00] =	vst v3;
	v3 =	vld [tilespmem:$0x13A20]  }
0x17b: {  	v43 =	vld [tilespmem:$0x13A50];
	[tilespmem:$0x15080] =	vst v40  }
0x17c: {  	v44 =	vld [tilespmem:$0x13A80];
	[tilespmem:$0x15200] =	vst v41  }
0x17d: {  	v45 =	vld [tilespmem:$0x13A90];
	[tilespmem:$0x15280] =	vst v42  }
0x17e: {  	[tilespmem:$0x15100] =	vst v2;
	v2 =	vld [tilespmem:$0x13A60]  }
0x17f: {  	[tilespmem:$0x15180] =	vst v3;
	v3 =	vld [tilespmem:$0x13A70]  }
0x180: {  	v46 =	vld [tilespmem:$0x13AA0];
	[tilespmem:$0x15300] =	vst v43  }
0x181: {  	v47 =	vld [tilespmem:$0x13AD0];
	[tilespmem:$0x15480] =	vst v44  }
0x182: {  	v48 =	vld [tilespmem:$0x13AE0];
	[tilespmem:$0x15500] =	vst v45  }
0x183: {  	[tilespmem:$0x15380] =	vst v2;
	v2 =	vld [tilespmem:$0x13AB0]  }
0x184: {  	[tilespmem:$0x15400] =	vst v3;
	v3 =	vld [tilespmem:$0x13AC0]  }
0x185: {  	v49 =	vld [tilespmem:$0x13AF0];
	[tilespmem:$0x15580] =	vst v46  }
0x186: {  	v50 =	vld [tilespmem:$0x13B20];
	[tilespmem:$0x15700] =	vst v47  }
0x187: {  	v51 =	vld [tilespmem:$0x13B30];
	[tilespmem:$0x15780] =	vst v48  }
0x188: {  	[tilespmem:$0x15600] =	vst v2;
	v2 =	vld [tilespmem:$0x13B00]  }
0x189: {  	[tilespmem:$0x15680] =	vst v3;
	v3 =	vld [tilespmem:$0x13B10]  }
0x18a: {  	v52 =	vld [tilespmem:$0x13B40];
	[tilespmem:$0x15800] =	vst v49  }
0x18b: {  	v53 =	vld [tilespmem:$0x13B70];
	[tilespmem:$0x15980] =	vst v50  }
0x18c: {  	v54 =	vld [tilespmem:$0x13B80];
	[tilespmem:$0x15A00] =	vst v51  }
0x18d: {  	[tilespmem:$0x15880] =	vst v2;
	v2 =	vld [tilespmem:$0x13B50]  }
0x18e: {  	[tilespmem:$0x15900] =	vst v3;
	v3 =	vld [tilespmem:$0x13B60]  }
0x18f: {  	v55 =	vld [tilespmem:$0x13B90];
	[tilespmem:$0x15A80] =	vst v52  }
0x190: {  	v56 =	vld [tilespmem:$0x13BC0];
	[tilespmem:$0x15C00] =	vst v53  }
0x191: {  	v57 =	vld [tilespmem:$0x13BD0];
	[tilespmem:$0x15C80] =	vst v54  }
0x192: {  	[tilespmem:$0x15B00] =	vst v2;
	v2 =	vld [tilespmem:$0x13BA0]  }
0x193: {  	[tilespmem:$0x15B80] =	vst v3;
	v3 =	vld [tilespmem:$0x13BB0]  }
0x194: {  	v58 =	vld [tilespmem:$0x13BE0];
	[tilespmem:$0x15D00] =	vst v55  }
0x195: {  	v59 =	vld [tilespmem:$0x13C10];
	[tilespmem:$0x15E80] =	vst v56  }
0x196: {  	v60 =	vld [tilespmem:$0x13C20];
	[tilespmem:$0x15F00] =	vst v57  }
0x197: {  	[tilespmem:$0x15D80] =	vst v2;
	v2 =	vld [tilespmem:$0x13BF0]  }
0x198: {  	[tilespmem:$0x15E00] =	vst v3;
	v3 =	vld [tilespmem:$0x13C00]  }
0x199: {  	v61 =	vld [tilespmem:$0x13C30];
	[tilespmem:$0x15F80] =	vst v58  }
0x19a: {  	v62 =	vld [tilespmem:$0x13C60];
	[tilespmem:$0x16100] =	vst v59  }
0x19b: {  	v63 =	vld [tilespmem:$0x13C70];
	[tilespmem:$0x16180] =	vst v60  }
0x19c: {  	[tilespmem:$0x16000] =	vst v2;
	v2 =	vld [tilespmem:$0x13C40]  }
0x19d: {  	[tilespmem:$0x16080] =	vst v3;
	v3 =	vld [tilespmem:$0x13C50]  }
0x19e: {  	[tilespmem:$0x16200] =	vst v61  }
0x19f: {  	[tilespmem:$0x16380] =	vst v62  }
0x1a0: {  	[tilespmem:$0x16400] =	vst v63  }
0x1a1: {  	[tilespmem:$0x16280] =	vst v2  }
0x1a2: {  	s14 =	simm.s32 $0x5;
	[tilespmem:$0x16300] =	vst v3  }
0x1a3: {  	[spmem:s3] =	stream.indirect.scatter.add.f32 [tilespmem:s0], [sflag:$0x4], $0x80, s25, s31, $0xb8;
	[tilespmem:$0x1CE80] =	vst v63  }
0x1a4: {  	_ =	swait.ge [sflag:s14], $0x2000  }
0x1a5: {  	[sflag:s14] =	ssyncset.done $0x0  }
0x1a6: {  	s21 =	simm.s32 $0x6;
	[sflag:s14] =	ssyncadd.s32 $0xFFFFE000  }
0x1a7: {  	_ =	swait.ge [sflag:s21], $0x2000  }
0x1a8: {  	[sflag:s21] =	ssyncset.done $0x0  }
0x1a9: {  	[sflag:s21] =	ssyncadd.s32 $0xFFFFE000  }
0x1aa: {  	_ =	swait.ge [sflag:s13], $0x2000  }
0x1ab: {  	[sflag:s13] =	ssyncset.done $0x0  }
0x1ac: {  	[sflag:s13] =	ssyncadd.s32 $0xFFFFE000  }
0x1ad: {  	[bflag:$0x0] =	sbarrier.arrive $0xFFFF  }
0x1ae: {  	s14 =	rddreg [dreg:$0x8]  }
0x1af: {  	s17 =	simm.s32 @p0 $0x1FC7;
	s19 =	rddreg [dreg:$0x7];
	s14 =	sshrl.u32 @p0 s14, $0x3  }
0x1b0: {  	[hbm:s19], [sflag:s17] =	dma.local @p0 [spmem:s14], $0x1900  }
0x1b1: {  	s14 =	simm.s32 @p0 $0x7  }
0x1b2: {  	s17 =	stileid.u32;
	_ =	swait.ge @p0 [sflag:s14], $0x1900  }
0x1b3: {  	s17 =	sshll.u32 @!p0 s17, $0x6;
	[sflag:s14] =	ssyncset.done @p0 $0x0;
	s19 =	rddreg [dreg:$0x6]  }
0x1b4: {  	[sflag:s14] =	ssyncadd.s32 @p0 $0xFFFFE700;
	s14 =	sor.u32 @!p0 $0x1C07, s17;
	s17 =	sshrl.u32 @!p0 s12, $0x3  }
0x1b5: {  	[hbm:s19], [sflag:s14] =	dma.local @!p0 [spmem:s17], $0x2800  }
0x1b6: {  	s14 =	simm.s32 @!p0 $0x7  }
0x1b7: {  	_ =	swait.ge @!p0 [sflag:s14], $0x2800  }
0x1b8: {  	s18 =	sadd.s32 $0x1, s18;
	s22 =	rddreg [dreg:$0x9]  }
0x1b9: {  	p1 =	sne.s32 s18, s22  }
.Ltmp4:
0x1ba: {  	_ = 	snop;
	(pc) =	sbr.rel @p1 .LBB2_1-.Ltmp4, $3  }
0x1bb: {  	_ =	sdelay $0x1  }
0x1bc: {  	[sflag:s14] =	ssyncset.done @!p0 $0x0  }
0x1bd: {  	[sflag:s14] =	ssyncadd.s32 @!p0 $0xFFFFD800  }
0x1be: {  	_ =	sfence.sel $0x180000  }
0x1bf: {  	[bflag:$0x0] =	sbarrier.arrive $0xFFFF  }
0x1c0: {  	_ =	strace $0x9000004A  }
0x1c1: {  	s0 =	stileid.u32;
	[bflag:$0x2] =	sbarrier.arrive $0xFFFF  }
0x1c2: {  	p0 =	sne.s32 s0, $0x0;
	s0 =	rddreg [dreg:$0x3]  }
0x1c3: {  	s0 =	sadd.s32 @!p0 $0x100000, s0  }
0x1c4: {  	[sflag:s0] =	ssyncadd.tile.s32 @!p0 $0x1;
	_ =	shalt  }
.Lfunc_end2:
_tile_overlayer_lowered:
.L_overlay_start_2:
0x1c5: {  	(tag) =	ssettag $0x2  }
0x1c6: {  	s0 =	rddreg [dreg:$0x0];
	s2 =	stileid.u32  }
0x1c7: {  	s1 =	rddreg [dreg:$0x1];
	p0 =	sne.s32 s2, $0x0  }
0x1c8: {  	s3 =	rddreg [dreg:$0x2];
	[bflag:$0x3] =	sbarrier.arrive $0xFFFF;
	s2 =	simm.s32 @!p0 $0x1C07  }
0x1c9: {  	[timem:s3], [sflag:s2] =	dma.local @!p0 [hbm:s0], s1  }
0x1ca: {  	s0 =	simm.s32 @!p0 $0x7  }
0x1cb: {  	_ =	swait.ge @!p0 [sflag:s0], s1  }
0x1cc: {  	s1 =	ssub.s32 @!p0 $0x0, s1;
	[sflag:s0] =	ssyncset.done @!p0 $0x0  }
0x1cd: {  	[sflag:s0] =	ssyncadd.s32 @!p0 s1  }
0x1ce: {  	[bflag:$0x3] =	sbarrier.arrive $0xFFFF  }
0x1cf: {  	_ =	shalt  }

// kernel: kernel.8.cloned.1.call-start
scs
__scs_entry_jumppad:
0x0: {  	(pc) =	sbr.rel $0x88, $3  }
0x1: {  	(tag) =	ssettag $0x0;
	lr =	simm.s32 $0x1  }
0x2: {  	[smem:$0x3F8B] =	sst lr;
	_ =	strace $0xD0000000  }
0x3: {  	_ = 	snop  }
0x4: {  	_ = 	snop  }
0x5: {  	_ = 	snop  }
0x6: {  	_ = 	snop  }
0x7: {  	_ = 	snop  }
__scs_overlays_trampoline_lowered:
0x8: {  	[smem:$0x3F9A] =	sst s0  }
0x9: {  	[smem:$0x3F9B] =	sst s1  }
0xa: {  	[smem:$0x3F9C] =	sst s2  }
0xb: {  	[smem:$0x3F9D] =	sst s3  }
0xc: {  	[smem:$0x3F9E] =	sst s4  }
0xd: {  	[smem:$0x3F9F] =	sst s5  }
0xe: {  	[smem:$0x3FA0] =	sst s6  }
0xf: {  	[smem:$0x3FA1] =	sst s7  }
0x10: {  	[smem:$0x3FA2] =	sst s8  }
0x11: {  	[smem:$0x3FA3] =	sst s9;
	s0 =	simm.s32 @!p0 $0x0  }
0x12: {  	s1 =	sld [smem:$0x3F89];
	s0 =	simm.s32 @p0 $0x1  }
0x13: {  	[smem:$0x3FA4] =	sst s0;
	s0 =	simm.s32 @!p1 $0x0  }
0x14: {  	s2 =	sld [smem:$0x3F88];
	s0 =	simm.s32 @p1 $0x1  }
0x15: {  	[smem:$0x3FA5] =	sst s0;
	s0 =	simm.s32 @!p2 $0x0  }
0x16: {  	s3 =	sld [smem:$0x3FDB];
	s0 =	simm.s32 @p2 $0x1  }
0x17: {  	s4 =	simm.s32 $0x1BF5;
	[smem:$0x3FA7] =	sst s0  }
0x18: {  	s0 =	sld [smem:$0x3F8A];
	_ =	swait.ge [sflag:s4], $0x0  }
0x19: {  	s7 =	sld [smem:$0x3F8B]  }
0x1a: {  	s8 =	sadd.s32 $0xFFFFE003, lr  }
0x1b: {  	s9 =	sadd.s32 $0xFFFFFEF7, lr;
	s5 =	simm.s32 $0xFFFFFFFF;
	p2 =	slt.u32 s8, $0xFFFFF086  }
0x1c: {  	p1 =	slt.u32 s9, $0xF7A;
	s5 =	simm.s32 @!p2 $0x0  }
0x1d: {  	s5 =	simm.s32 @p1 $0x1;
	p0 =	seq.s32 s7, s2  }
0x1e: {  	s7 =	smul.u32 @!p0 $0xF7A, s2;
	p2 =	seq.s32 @!p0 s5, $0x0  }
0x1f: {  	s9 =	smul.u32 $0xF7A, s1;
	s8 =	simm.s32 @!p0 $0x1BF5;
	p2 =	por !p2, p0  }
0x20: {  	[sflag:s8] =	ssyncset.s32 @!p0 $0xFFFFF086;
	s6 =	sadd.s32 @!p0 s3, s7;
	s7 =	simm.s32 @!p0 $0x108  }
0x21: {  	s3 =	sadd.s32 s3, s9;
	s6 =	sadd.s32 @!p0 $0x88, s6;
	s7 =	simm.s32 @p2 $0x1082  }
0x22: {  	[simem:s7], [sflag:s8] =	dma.local @!p0 [hbm:s6], $0xF7A  }
0x23: {  	s9 =	sor.u32 $0xD0000000, s2;
	s6 =	simm.s32 $0x108;
	_ =	swait.ge @!p0 [sflag:s8], $0x0  }
0x24: {  	s3 =	sadd.s32 $0x88, s3;
	s6 =	simm.s32 @!p1 $0x1082;
	[sflag:s4] =	ssyncset.s32 $0xFFFFF086  }
0x25: {  	[simem:s6], [sflag:s4] =	dma.local [hbm:s3], $0xF7A  }
0x26: {  	[smem:$0x3F8B] =	sst s1;
	(tag) =	ssettag s2;
	_ =	strace s9  }
0x27: {  	s1 =	sld [smem:$0x3F9B]  }
0x28: {  	s2 =	sld [smem:$0x3F9C]  }
0x29: {  	s4 =	sld [smem:$0x3F9E]  }
0x2a: {  	p0 =	seq.s32 s5, $0x0;
	s5 =	sld [smem:$0x3F9F]  }
0x2b: {  	s6 =	sld [smem:$0x3FA0]  }
0x2c: {  	s7 =	sld [smem:$0x3FA1]  }
0x2d: {  	s3 =	simm.s32 $0x108;
	s8 =	sld [smem:$0x3FA2]  }
0x2e: {  	s3 =	simm.s32 @!p0 $0x1082;
	s9 =	sld [smem:$0x3FA3]  }
0x2f: {  	lr =	sadd.s32 s0, s3;
	s0 =	sld [smem:$0x3F9A]  }
0x30: {  	s3 =	sld [smem:$0x3F9D]  }
0x31: {  	[smem:$0x3FA6] =	sst s10  }
0x32: {  	s10 =	sld [smem:$0x3FA4];
	_ =	sdelay $0x3  }
0x33: {  	p0 =	seq.s32 s10, $0x1;
	s10 =	sld [smem:$0x3FA6];
	_ =	sdelay $0x3  }
0x34: {  	[smem:$0x3FA6] =	sst s10  }
0x35: {  	s10 =	sld [smem:$0x3FA5];
	_ =	sdelay $0x3  }
0x36: {  	p1 =	seq.s32 s10, $0x1;
	s10 =	sld [smem:$0x3FA6];
	_ =	sdelay $0x3  }
0x37: {  	[smem:$0x3FA6] =	sst s10  }
0x38: {  	s10 =	sld [smem:$0x3FA7]  }
0x39: {  	_ = 	snop;
	(pc) =	sbr.ind lr, $3  }
0x3a: {  	_ = 	snop  }
0x3b: {  	_ = 	snop  }
0x3c: {  	p2 =	seq.s32 s10, $0x1;
	s10 =	sld [smem:$0x3FA6]  }
0x3d: {  	_ =	shalt  }
0x3e: {  	_ =	shalt  }
0x3f: {  	_ =	shalt  }
0x40: {  	_ =	shalt  }
0x41: {  	_ =	shalt  }
0x42: {  	_ =	shalt  }
0x43: {  	_ =	shalt  }
0x44: {  	_ =	shalt  }
0x45: {  	_ =	shalt  }
0x46: {  	_ =	shalt  }
0x47: {  	_ =	shalt  }
0x48: {  	_ =	shalt  }
0x49: {  	_ =	shalt  }
0x4a: {  	_ =	shalt  }
0x4b: {  	_ =	shalt  }
0x4c: {  	_ =	shalt  }
0x4d: {  	_ =	shalt  }
0x4e: {  	_ =	shalt  }
0x4f: {  	_ =	shalt  }
0x50: {  	_ =	shalt  }
0x51: {  	_ =	shalt  }
0x52: {  	_ =	shalt  }
0x53: {  	_ =	shalt  }
0x54: {  	_ =	shalt  }
0x55: {  	_ =	shalt  }
0x56: {  	_ =	shalt  }
0x57: {  	_ =	shalt  }
0x58: {  	_ =	shalt  }
0x59: {  	_ =	shalt  }
0x5a: {  	_ =	shalt  }
0x5b: {  	_ =	shalt  }
0x5c: {  	_ =	shalt  }
0x5d: {  	_ =	shalt  }
0x5e: {  	_ =	shalt  }
0x5f: {  	_ =	shalt  }
0x60: {  	_ =	shalt  }
0x61: {  	_ =	shalt  }
0x62: {  	_ =	shalt  }
0x63: {  	_ =	shalt  }
0x64: {  	_ =	shalt  }
0x65: {  	_ =	shalt  }
0x66: {  	_ =	shalt  }
0x67: {  	_ =	shalt  }
0x68: {  	_ =	shalt  }
0x69: {  	_ =	shalt  }
0x6a: {  	_ =	shalt  }
0x6b: {  	_ =	shalt  }
0x6c: {  	_ =	shalt  }
0x6d: {  	_ =	shalt  }
0x6e: {  	_ =	shalt  }
0x6f: {  	_ =	shalt  }
0x70: {  	_ =	shalt  }
0x71: {  	_ =	shalt  }
0x72: {  	_ =	shalt  }
0x73: {  	_ =	shalt  }
0x74: {  	_ =	shalt  }
0x75: {  	_ =	shalt  }
0x76: {  	_ =	shalt  }
0x77: {  	_ =	shalt  }
0x78: {  	_ =	shalt  }
0x79: {  	_ =	shalt  }
0x7a: {  	_ =	shalt  }
0x7b: {  	_ =	shalt  }
0x7c: {  	_ =	shalt  }
0x7d: {  	_ =	shalt  }
0x7e: {  	_ =	shalt  }
0x7f: {  	_ =	shalt  }
0x80: {  	_ =	shalt  }
0x81: {  	_ =	shalt  }
0x82: {  	_ =	shalt  }
0x83: {  	_ =	shalt  }
0x84: {  	_ =	shalt  }
0x85: {  	_ =	shalt  }
0x86: {  	_ =	shalt  }
0x87: {  	_ =	shalt  }
.Lfunc_end0:
.L_simem_size_0:
called_computation_lowered:
.L_overlay_start_0:
0x88: {  	s2 =	sld [smem:$0x3FD9]  }
0x89: {  	s3 =	sld [smem:$0x3FFE];
	_ =	sdelay $0x1  }
0x8a: {  	s1 =	srdreg.scid  }
0x8b: {  	s0 =	sand.u32 $0x1, s1  }
0x8c: {  	s14 =	sshll.u32 s0, $0xA;
	s2 =	sadd.s32 s3, s2  }
0x8d: {  	s2 =	sadd.s32 s2, s14  }
0x8e: {  	[smem:$0x3FB2] =	sst s2  }
0x8f: {  	_ = 	snop  }
0x90: {  	s2 =	sld [smem:$0x3FD0];
	_ =	sdelay $0x2  }
0x91: {  	s15 =	simm.s32 $0xA;
	s4 =	simm.s32 $0x10  }
0x92: {  	[smem:s4], [sflag:s15] =	dma.local [hbm:s2], $0x1  }
0x93: {  	_ =	swait.eq [sflag:s15], $0x1  }
0x94: {  	s16 =	sld [smem:$0x10];
	[sflag:s15] =	ssyncset.done $0x0  }
0x95: {  	s17 =	sld [smem:$0x11];
	[sflag:s15] =	ssyncadd.s32 $0xFFFFFFFF  }
0x96: {  	s18 =	sld [smem:$0x12];
	(tm) =	ssettm $0x1  }
0x97: {  	s5 =	sld [smem:$0x3FFB];
	_ =	sdelay $0x3  }
0x98: {  	_ =	strace s5  }
0x99: {  	s5 =	sld [smem:$0x3FFC];
	_ =	sdelay $0x3  }
0x9a: {  	_ =	strace s5  }
0x9b: {  	s5 =	sld [smem:$0x3FFD];
	_ =	sdelay $0x3  }
0x9c: {  	_ =	strace s5  }
0x9d: {  	_ =	strace $0x8FFFFFFF  }
0x9e: {  	s19 =	sld [smem:$0x3FDB];
	_ =	sdelay $0x1  }
0x9f: {  	s6 =	simm.s32 $_scs_section_size  }
0xa0: {  	s7 =	simm.s32 $_size__tile_overlayer_lowered;
	s8 =	simm.s32 $_tile_overlayer_lowered  }
0xa1: {  	s22 =	simm.s32 $0x1BFF;
	s21 =	sshll.u32 s8, $0x1;
	s5 =	sadd.s32 s6, s19  }
0xa2: {  	s9 =	simm.s32 $0x0;
	s20 =	sshll.u32 s7, $0x1;
	s7 =	sadd.s32 s21, s5  }
0xa3: {  	[timem:s9], [sflag:s22] =	dma.local [hbm:s7], s20  }
0xa4: {  	_ =	swait.ge [sflag:s22], s20  }
0xa5: {  	s6 =	ssub.s32 $0x0, s20;
	[sflag:s22] =	ssyncset.done $0x0  }
0xa6: {  	[sflag:s22] =	ssyncadd.s32 s6;
	_ =	sdelay $0x1  }
0xa7: {  	s23 =	simm.s32 $0x1B8B  }
0xa8: {  	_ =	swait.ge [sflag:s23], $0x1  }
0xa9: {  	[sflag:s23] =	ssyncset.done $0x0  }
0xaa: {  	s25 =	simm.s32 $0x1B8E;
	s24 =	sld [smem:$0x3FFE];
	[sflag:s23] =	ssyncadd.s32 $0xFFFFFFFF  }
0xab: {  	s26 =	simm.s32 $execute0_lowered;
	[smem:$0x3FD2] =	sst s25  }
0xac: {  	s7 =	sshll.u32 s26, $0x1;
	_ =	strace $0x80000046;
	[dreg:$0x1] =	wrdreg $0xFFFFFFFF  }
0xad: {  	s28 =	simm.s32 $_size_execute0_lowered;
	s5 =	sadd.s32 s5, s7;
	[dreg:$0x0] =	wrdreg $0x0  }
0xae: {  	s7 =	sshll.u32 s28, $0x1;
	[dreg:$0x2] =	wrdreg s5  }
0xaf: {  	[dreg:$0x3] =	wrdreg s7  }
0xb0: {  	[dreg:$0x4] =	wrdreg $0xC0  }
0xb1: {  	_ =	task [dreg:s9], $0x5FFFF  }
0xb2: {  	[dreg:$0x1] =	wrdreg $0xFFFFFFFF  }
0xb3: {  	[dreg:$0x0] =	wrdreg $0x60  }
0xb4: {  	[dreg:$0x2] =	wrdreg s16  }
0xb5: {  	[dreg:$0x3] =	wrdreg s18  }
0xb6: {  	[dreg:$0x4] =	wrdreg s17  }
0xb7: {  	[dreg:$0x5] =	wrdreg s24  }
0xb8: {  	[dreg:$0x6] =	wrdreg $0x0  }
0xb9: {  	[dreg:$0x7] =	wrdreg $0x9  }
0xba: {  	_ =	task.clear_ibuf [dreg:s9], $0x8FFFF;
	_ =	strace $0x90000046  }
0xbb: {  	s29 =	simm.s32 $0x9;
	_ =	strace $0x80000048  }
0xbc: {  	_ =	swait.ge [sflag:s29], $0x1  }
0xbd: {  	[sflag:s29] =	ssyncadd.s32 $0xFFFFFFFF  }
0xbe: {  	_ =	strace $0x90000048  }
0xbf: {  	_ =	sfence  }
0xc0: {  	s30 =	sld [smem:$0x0];
	_ =	sdelay $0x2  }
0xc1: {  	s31 =	sshll.u32 s1, $0xD;
	s1 =	sshrl.u32 s1, $0x2  }
0xc2: {  	s3 =	sand.u32 $0x4000, s31;
	s1 =	sadd.s32 s1, s30  }
0xc3: {  	s0 =	sor.u32 s3, s0;
	s1 =	sshll.u32 s1, $0x11  }
0xc4: {  	s0 =	sor.u32 s1, s0  }
0xc5: {  	s0 =	sadd.s32 $0x8F2B, s0  }
0xc6: {  	[sflag:s0] =	ssyncadd.remote.s32 $0x1  }
0xc7: {  	_ =	sfence.sel $0xFFFF  }
0xc8: {  	[dreg:$0x0] =	wrdreg $0xFFFFFFFF;
	(pc) =	sbr.abs _section_cstart, $3  }
0xc9: {  	[dreg:$0x1] =	wrdreg $0xFFFFFFFF  }
0xca: {  	_ =	task.clear_ibuf [dreg:s9], $0x2FFFF;
	_ =	strace $0x9FFFFFFF  }
0xcb: {  	(tm) =	ssettm $0x7FFFFFFF  }
tec
execute0_lowered:
.L_overlay_start_1:
0x0: {  	(tag) =	ssettag $0x1  }
0x1: {  	s0 =	rddreg [dreg:$0x0]  }
0x2: {  	s1 =	rddreg [dreg:$0x1]  }
0x3: {  	s2 =	rddreg [dreg:$0x2]  }
0x4: {  	s4 =	rddreg [dreg:$0x3]  }
0x5: {  	s3 =	rddreg [dreg:$0x4]  }
0x6: {  	s5 =	simm.s32 $0x0;
	s6 =	srdreg.scid;
	s15 =	stileid.u32  }
0x7: {  	s19 =	simm.s32 $0x13880;
	s20 =	simm.s32 $0x4;
	s21 =	simm.s32 $0x13980  }
0x8: {  	s22 =	simm.s32 $0x40;
	s28 =	simm.s32 $0x2;
	s29 =	simm.s32 $0x3  }
0x9: {  	s30 =	simm.s32 $0x0;
	[smem:$0x7FF] =	sst s5;
	s7 =	sand.u32 $0x1, s6  }
0xa: {  	s6 =	sadd.s32 $0x4400, s4;
	s8 =	smul.u32 $0x50000, s15;
	s10 =	sshll.u32 s15, $0x1  }
0xb: {  	s11 =	smul.u32 $0x2800, s15;
	s16 =	sadd.s32 $0x12C000, s3;
	s25 =	ssub.s32 $0x2, s7  }
0xc: {  	_ =	strace $0x80000047;
	s7 =	sor.u32 s7, s10;
	s9 =	sshrl.u32 s25, $0x1  }
0xd: {  	s8 =	sshrl.u32 s8, $0x2;
	s26 =	sadd.s32 s0, s11;
	p0 =	seq.s32 s7, $0x1F  }
0xe: {  	s0 =	sadd.s32 $0x25800, s0;
	s14 =	smul.u32 $0x140000, s7;
	s4 =	ssub.s32 s25, s9  }
0xf: {  	s18 =	sadd.s32 s8, s3;
	[dreg:$0x6] =	wrdreg s26;
	s8 =	smul.u32 $0x2800, s7  }
0x10: {  	s9 =	simm.s32 $0x28;
	[dreg:$0x7] =	wrdreg s0;
	s25 =	simm.s32 $0x1  }
0x11: {  	s26 =	simm.s32 $0x1BA80;
	s9 =	simm.s32 @!p0 $0xA0;
	p0 =	seq.s32 s15, $0xF  }
0x12: {  	s31 =	sshrl.u32 s8, $0x3;
	s13 =	sshrl.u32 s9, $0x1;
	s0 =	sshll.u32 @!p0 s15, $0x6  }
0x13: {  	s15 =	smax.u32 s4, $0x1;
	s16 =	sshrl.u32 @p0 s16, $0x3;
	s18 =	sshrl.u32 @!p0 s18, $0x3  }
0x14: {  	s11 =	sadd.s32 s1, s31;
	s12 =	sadd.s32 s2, s31;
	s17 =	sor.u32 @!p0 $0x1C04, s0  }
.LBB2_1:
0x15: {  	s0 =	simm.s32 @p0 $0x1FC4;
	s4 =	rddreg [dreg:$0x7]  }
0x16: {  	[spmem:s16], [sflag:s0] =	dma.local @p0 [hbm:s4], $0x1900  }
0x17: {  	s0 =	simm.s32 @p0 $0x4  }
0x18: {  	_ =	swait.ge @p0 [sflag:s0], $0x1900  }
0x19: {  	[sflag:s0] =	ssyncset.done @p0 $0x0  }
0x1a: {  	[sflag:s0] =	ssyncadd.s32 @p0 $0xFFFFE700;
	s0 =	rddreg [dreg:$0x6]  }
0x1b: {  	[spmem:s18], [sflag:s17] =	dma.local @!p0 [hbm:s0], $0x2800  }
0x1c: {  	s0 =	simm.s32 @!p0 $0x4  }
0x1d: {  	_ =	swait.ge @!p0 [sflag:s0], $0x2800  }
0x1e: {  	[sflag:s0] =	ssyncset.done @!p0 $0x0  }
0x1f: {  	[sflag:s0] =	ssyncadd.s32 @!p0 $0xFFFFD800  }
0x20: {  	[bflag:$0x0] =	sbarrier.arrive $0xFFFF  }
0x21: {  	[tilespmem:s19], [sflag:$0x4] =	stream.linear.gather [hbm4b:s11+s5], $0x40, $0x38;
	[tilespmem:$0x1DA80] =	vst v63  }
0x22: {  	_ =	swait.ge [sflag:s20], $0x40  }
0x23: {  	[sflag:s20] =	ssyncset.done $0x0  }
0x24: {  	[sflag:s20] =	ssyncadd.s32 $0xFFFFFFC0  }
0x25: {  	[tilespmem:s21], [sflag:$0x4] =	stream.linear.gather [hbm4b:s12+s5], $0x40, $0x38;
	[tilespmem:$0x1DA80] =	vst v63  }
0x26: {  	_ =	swait.ge [sflag:s20], $0x40  }
0x27: {  	[sflag:s20] =	ssyncset.done $0x0  }
0x28: {  	s23 =	simm.s32 $0x13A80;
	[sflag:s20] =	ssyncadd.s32 $0xFFFFFFC0  }
0x29: {  	[tilespmem:s23], [sflag:$0x1] =	stream.indirect.gather [spmem:s3], $0x80, s19, s22, $0xb8;
	[tilespmem:$0x1DA80] =	vst v63  }
0x2a: {  	s24 =	simm.s32 $0x17A80;
	s31 =	simm.s32 $0x0  }
0x2b: {  	[tilespmem:s24], [sflag:$0x1] =	stream.indirect.gather [spmem:s3], $0x80, s21, s22, $0xb8;
	[tilespmem:$0x1DA80] =	vst v63  }
.LBB2_2:
0x2c: {  	s0 =	sshllo.u32 s31, $0x1  }
0x2d: {  	p1 =	sge.u32 s0, s9  }
0x2e: {  	s4 =	sshll.u32 @!p1 s0, $0x6  }
0x2f: {  	s4 =	sadd.s32 @!p1 s8, s4  }
0x30: {  	s4 =	sshrl.u32 @!p1 s4, $0x3  }
0x31: {  	s23 =	simm.s32 @!p1 $0x0;
	s24 =	simm.s32 @!p1 $0x13900;
	s7 =	sadd.s32 @!p1 s1, s4  }
0x32: {  	[tilespmem:s24], [sflag:$0x4] =	stream.linear.gather @!p1 [hbm4b:s7+s23], $0x40, $0x38;
	[tilespmem:$0x1DA80] =	vst v63  }
0x33: {  	s7 =	simm.s32 @!p1 $0x4  }
0x34: {  	_ =	swait.ge @!p1 [sflag:s7], $0x40  }
0x35: {  	[sflag:s7] =	ssyncset.done @!p1 $0x0  }
0x36: {  	s10 =	simm.s32 @!p1 $0x13A00;
	s4 =	sadd.s32 @!p1 s2, s4;
	[sflag:s7] =	ssyncadd.s32 @!p1 $0xFFFFFFC0  }
0x37: {  	[tilespmem:s10], [sflag:$0x4] =	stream.linear.gather @!p1 [hbm4b:s4+s23], $0x40, $0x38;
	[tilespmem:$0x1DA80] =	vst v63  }
0x38: {  	_ =	swait.ge @!p1 [sflag:s7], $0x40  }
0x39: {  	[sflag:s7] =	ssyncset.done @!p1 $0x0  }
0x3a: {  	s4 =	simm.s32 @!p1 $0x40;
	[sflag:s7] =	ssyncadd.s32 @!p1 $0xFFFFFFC0;
	s7 =	simm.s32 @!p1 $0x15A80  }
0x3b: {  	[tilespmem:s7], [sflag:$0x2] =	stream.indirect.gather @!p1 [spmem:s3], $0x80, s24, s4, $0xb8;
	[tilespmem:$0x1DA80] =	vst v63  }
0x3c: {  	s7 =	simm.s32 @!p1 $0x19A80  }
0x3d: {  	[tilespmem:s7], [sflag:$0x2] =	stream.indirect.gather @!p1 [spmem:s3], $0x80, s10, s4, $0xb8;
	[tilespmem:$0x1DA80] =	vst v63  }
0x3e: {  	_ =	swait.ge [sflag:s25], $0x2000  }
0x3f: {  	[sflag:s25] =	ssyncset.done $0x0  }
0x40: {  	[sflag:s25] =	ssyncadd.s32 $0xFFFFE000  }
0x41: {  	_ =	swait.ge [sflag:s25], $0x2000  }
0x42: {  	p1 =	seq.s32 s31, $0x0;
	[sflag:s25] =	ssyncset.done $0x0  }
0x43: {  	s4 =	simm.s32 @!p1 $0x3;
	[sflag:s25] =	ssyncadd.s32 $0xFFFFE000  }
0x44: {  	_ =	swait.ge @!p1 [sflag:s4], $0x2000  }
0x45: {  	[sflag:s4] =	ssyncset.done @!p1 $0x0  }
0x46: {  	s24 =	simm.s32 $0x0;
	[sflag:s4] =	ssyncadd.s32 @!p1 $0xFFFFE000  }
0x47: {  	v2 =	vld [tilespmem:s24+$0x13AB0]  }
0x48: {  	v4 =	vld [tilespmem:s24+$0x17AF0]  }
0x49: {  	v5 =	vld [tilespmem:s24+$0x13A80]  }
0x4a: {  	v6 =	vld [tilespmem:s24+$0x17AC0]  }
0x4b: {  	v1 =	vld [tilespmem:s24+$0x13A90]  }
0x4c: {  	v3 =	vld [tilespmem:s24+$0x17AD0]  }
0x4d: {  	v0 =	vld [tilespmem:s24+$0x13AA0];
	v7 =	vadd.f32 v4, v2  }
0x4e: {  	s23 =	simm.s32 $0x80;
	v4 =	vld [tilespmem:s24+$0x17AE0]  }
0x4f: {  	s7 =	simm.s32 $0x400;
	s4 =	sshll.u32 s31, $0x1;
	v2 =	vld [tilespmem:s23+$0x13AB0];
	v5 =	vadd.f32 v6, v5;
	[tilespmem:s24+$0x1BAB0] =	vst v7  }
.LBB2_3:
0x50: {  	p1 =	sne.s32 s7, $0x7E00;
	v6 =	vld [tilespmem:s23+$0x17AF0]  }
0x51: {  	v7 =	vld [tilespmem:s23+$0x13A80];
	[tilespmem:s24+$0x1BA80] =	vst v5;
	v3 =	vadd.f32 v3, v1  }
0x52: {  	v5 =	vld [tilespmem:s23+$0x17AC0]  }
.Ltmp0:
0x53: {  	v1 =	vld [tilespmem:s23+$0x13A90];
	[tilespmem:s24+$0x1BA90] =	vst v3;
	v4 =	vadd.f32 v4, v0;
	(pc) =	sbr.rel @p1 .LBB2_3-.Ltmp0, $4  }
0x54: {  	v3 =	vld [tilespmem:s23+$0x17AD0]  }
0x55: {  	v0 =	vld [tilespmem:s23+$0x13AA0];
	v6 =	vadd.f32 v6, v2;
	[tilespmem:s24+$0x1BAA0] =	vst v4;
	s24 =	smov.u32 s23  }
0x56: {  	s23 =	sshra.s32 s7, $0x2;
	v4 =	vld [tilespmem:s24+$0x17AE0]  }
0x57: {  	s7 =	sadd.s32 $0x200, s7;
	v2 =	vld [tilespmem:s23+$0x13AB0];
	v5 =	vadd.f32 v5, v7;
	[tilespmem:s24+$0x1BAB0] =	vst v6  }
0x58: {  	v6 =	vld [tilespmem:s23+$0x17AF0]  }
0x59: {  	v7 =	vld [tilespmem:s23+$0x13A80];
	[tilespmem:s24+$0x1BA80] =	vst v5;
	v1 =	vadd.f32 v3, v1  }
0x5a: {  	v3 =	vld [tilespmem:s23+$0x17AC0]  }
0x5b: {  	v5 =	vld [tilespmem:s23+$0x13A90];
	[tilespmem:s24+$0x1BA90] =	vst v1;
	v0 =	vadd.f32 v4, v0  }
0x5c: {  	v1 =	vld [tilespmem:s23+$0x17AD0]  }
0x5d: {  	v4 =	vld [tilespmem:s23+$0x13AA0];
	[tilespmem:s24+$0x1BAA0] =	vst v0  }
0x5e: {  	v0 =	vld [tilespmem:s23+$0x17AE0];
	_ =	sdelay $0x1  }
0x5f: {  	v2 =	vadd.f32 v6, v2  }
0x60: {  	s4 =	sadd.s32 $0x2, s4;
	v3 =	vadd.f32 v3, v7  }
0x61: {  	s7 =	sshll.u32 s31, $0xE;
	p1 =	sge.u32 s4, s9;
	[tilespmem:s23+$0x1BAB0] =	vst v2;
	v1 =	vadd.f32 v1, v5  }
0x62: {  	s7 =	sadd.s32 s14, s7;
	s4 =	sshll.u32 @!p1 s4, $0x6;
	[tilespmem:s23+$0x1BA80] =	vst v3;
	v0 =	vadd.f32 v0, v4  }
0x63: {  	s7 =	sshrl.u32 s7, $0x3;
	s4 =	sadd.s32 @!p1 s8, s4;
	[tilespmem:s23+$0x1BA90] =	vst v1  }
0x64: {  	s7 =	sadd.s32 s6, s7;
	s4 =	sshrl.u32 @!p1 s4, $0x3;
	[tilespmem:s23+$0x1BAA0] =	vst v0  }
0x65: {  	[hbm4b:s7+s5] =	stream.linear.scatter [tilespmem:s26], [sflag:$0x3], $0x2000, $0x38;
	[tilespmem:$0x1DA80] =	vst v63  }
0x66: {  	s10 =	simm.s32 @!p1 $0x0;
	s23 =	simm.s32 @!p1 $0x13880;
	s7 =	sadd.s32 @!p1 s1, s4  }
0x67: {  	[tilespmem:s23], [sflag:$0x4] =	stream.linear.gather @!p1 [hbm4b:s7+s10], $0x40, $0x38;
	[tilespmem:$0x1DA80] =	vst v63  }
0x68: {  	s7 =	simm.s32 @!p1 $0x4  }
0x69: {  	_ =	swait.ge @!p1 [sflag:s7], $0x40  }
0x6a: {  	[sflag:s7] =	ssyncset.done @!p1 $0x0  }
0x6b: {  	s24 =	simm.s32 @!p1 $0x13980;
	s4 =	sadd.s32 @!p1 s2, s4;
	[sflag:s7] =	ssyncadd.s32 @!p1 $0xFFFFFFC0  }
0x6c: {  	[tilespmem:s24], [sflag:$0x4] =	stream.linear.gather @!p1 [hbm4b:s4+s10], $0x40, $0x38;
	[tilespmem:$0x1DA80] =	vst v63  }
0x6d: {  	_ =	swait.ge @!p1 [sflag:s7], $0x40  }
0x6e: {  	[sflag:s7] =	ssyncset.done @!p1 $0x0  }
0x6f: {  	s4 =	simm.s32 @!p1 $0x40;
	[sflag:s7] =	ssyncadd.s32 @!p1 $0xFFFFFFC0;
	s7 =	simm.s32 @!p1 $0x13A80  }
0x70: {  	[tilespmem:s7], [sflag:$0x1] =	stream.indirect.gather @!p1 [spmem:s3], $0x80, s23, s4, $0xb8;
	[tilespmem:$0x1DA80] =	vst v63  }
0x71: {  	s7 =	simm.s32 @!p1 $0x17A80  }
0x72: {  	[tilespmem:s7], [sflag:$0x1] =	stream.indirect.gather @!p1 [spmem:s3], $0x80, s24, s4, $0xb8;
	[tilespmem:$0x1DA80] =	vst v63  }
0x73: {  	_ =	swait.ge [sflag:s28], $0x2000  }
0x74: {  	[sflag:s28] =	ssyncset.done $0x0  }
0x75: {  	[sflag:s28] =	ssyncadd.s32 $0xFFFFE000  }
0x76: {  	_ =	swait.ge [sflag:s28], $0x2000  }
0x77: {  	[sflag:s28] =	ssyncset.done $0x0  }
0x78: {  	[sflag:s28] =	ssyncadd.s32 $0xFFFFE000  }
0x79: {  	_ =	swait.ge [sflag:s29], $0x2000  }
0x7a: {  	[sflag:s29] =	ssyncset.done $0x0  }
0x7b: {  	s23 =	simm.s32 $0x0;
	[sflag:s29] =	ssyncadd.s32 $0xFFFFE000  }
0x7c: {  	v2 =	vld [tilespmem:s23+$0x15AB0]  }
0x7d: {  	v4 =	vld [tilespmem:s23+$0x19AF0]  }
0x7e: {  	v5 =	vld [tilespmem:s23+$0x15A80]  }
0x7f: {  	v6 =	vld [tilespmem:s23+$0x19AC0]  }
0x80: {  	v1 =	vld [tilespmem:s23+$0x15A90]  }
0x81: {  	v3 =	vld [tilespmem:s23+$0x19AD0]  }
0x82: {  	v0 =	vld [tilespmem:s23+$0x15AA0];
	v7 =	vadd.f32 v4, v2  }
0x83: {  	s4 =	simm.s32 $0x80;
	v4 =	vld [tilespmem:s23+$0x19AE0]  }
0x84: {  	s7 =	simm.s32 $0x400;
	v2 =	vld [tilespmem:s4+$0x15AB0];
	v5 =	vadd.f32 v6, v5;
	[tilespmem:s23+$0x1BAB0] =	vst v7  }
.LBB2_5:
0x85: {  	p1 =	sne.s32 s7, $0x7E00;
	v6 =	vld [tilespmem:s4+$0x19AF0]  }
0x86: {  	v7 =	vld [tilespmem:s4+$0x15A80];
	[tilespmem:s23+$0x1BA80] =	vst v5;
	v3 =	vadd.f32 v3, v1  }
0x87: {  	v5 =	vld [tilespmem:s4+$0x19AC0]  }
.Ltmp1:
0x88: {  	v1 =	vld [tilespmem:s4+$0x15A90];
	[tilespmem:s23+$0x1BA90] =	vst v3;
	v4 =	vadd.f32 v4, v0;
	(pc) =	sbr.rel @p1 .LBB2_5-.Ltmp1, $4  }
0x89: {  	v3 =	vld [tilespmem:s4+$0x19AD0]  }
0x8a: {  	v0 =	vld [tilespmem:s4+$0x15AA0];
	v6 =	vadd.f32 v6, v2;
	[tilespmem:s23+$0x1BAA0] =	vst v4;
	s23 =	smov.u32 s4  }
0x8b: {  	s4 =	sshra.s32 s7, $0x2;
	v4 =	vld [tilespmem:s23+$0x19AE0]  }
0x8c: {  	s7 =	sadd.s32 $0x200, s7;
	v2 =	vld [tilespmem:s4+$0x15AB0];
	v5 =	vadd.f32 v5, v7;
	[tilespmem:s23+$0x1BAB0] =	vst v6  }
0x8d: {  	v6 =	vld [tilespmem:s4+$0x19AF0]  }
0x8e: {  	v7 =	vld [tilespmem:s4+$0x15A80];
	[tilespmem:s23+$0x1BA80] =	vst v5;
	v1 =	vadd.f32 v3, v1  }
0x8f: {  	v62 =	vld [tilespmem:s4+$0x19AC0]  }
0x90: {  	v5 =	vld [tilespmem:s4+$0x15A90];
	[tilespmem:s23+$0x1BA90] =	vst v1;
	v0 =	vadd.f32 v4, v0  }
0x91: {  	v1 =	vld [tilespmem:s4+$0x19AD0]  }
0x92: {  	v63 =	vld [tilespmem:s4+$0x15AA0];
	[tilespmem:s23+$0x1BAA0] =	vst v0  }
0x93: {  	v0 =	vld [tilespmem:s4+$0x19AE0];
	_ =	sdelay $0x1  }
0x94: {  	s31 =	sadd.s32 $0x1, s31;
	v2 =	vadd.f32 v6, v2  }
0x95: {  	p1 =	sne.s32 s31, s13;
	v3 =	vadd.f32 v62, v7  }
.Ltmp2:
0x96: {  	s0 =	sshll.u32 s0, $0xD;
	[tilespmem:s4+$0x1BAB0] =	vst v2;
	v1 =	vadd.f32 v1, v5;
	(pc) =	sbr.rel @p1 .LBB2_2-.Ltmp2, $4  }
0x97: {  	s0 =	sadd.s32 s14, s0;
	[tilespmem:s4+$0x1BA80] =	vst v3;
	v0 =	vadd.f32 v0, v63  }
0x98: {  	s0 =	sshrl.u32 s0, $0x3;
	[tilespmem:s4+$0x1BA90] =	vst v1  }
0x99: {  	s0 =	sadd.s32 s6, s0;
	[tilespmem:s4+$0x1BAA0] =	vst v0  }
0x9a: {  	[hbm4b:s0+s5] =	stream.linear.scatter [tilespmem:s26], [sflag:$0x3], $0x2000, $0x38;
	[tilespmem:$0x1DA80] =	vst v63  }
0x9b: {  	s30 =	sadd.s32 $0x1, s30  }
0x9c: {  	p1 =	sne.s32 s30, s15  }
.Ltmp3:
0x9d: {  	_ = 	snop;
	(pc) =	sbr.rel @p1 .LBB2_1-.Ltmp3, $4  }
0x9e: {  	_ = 	snop  }
0x9f: {  	_ =	swait.ge [sflag:s29], $0x2000  }
0xa0: {  	[sflag:s29] =	ssyncset.done $0x0  }
0xa1: {  	[sflag:s29] =	ssyncadd.s32 $0xFFFFE000  }
0xa2: {  	_ =	sfence.sel $0x180000  }
0xa3: {  	[bflag:$0x0] =	sbarrier.arrive $0xFFFF  }
0xa4: {  	_ =	strace $0x90000047  }
0xa5: {  	s0 =	stileid.u32;
	[bflag:$0x2] =	sbarrier.arrive $0xFFFF  }
0xa6: {  	p0 =	sne.s32 s0, $0x0;
	s0 =	rddreg [dreg:$0x5]  }
0xa7: {  	s0 =	sadd.s32 @!p0 $0x100000, s0  }
0xa8: {  	[sflag:s0] =	ssyncadd.tile.s32 @!p0 $0x1;
	_ =	shalt  }
.Lfunc_end2:
_tile_overlayer_lowered:
.L_overlay_start_2:
0xa9: {  	(tag) =	ssettag $0x2  }
0xaa: {  	s0 =	rddreg [dreg:$0x0];
	s2 =	stileid.u32  }
0xab: {  	s1 =	rddreg [dreg:$0x1];
	p0 =	sne.s32 s2, $0x0  }
0xac: {  	s3 =	rddreg [dreg:$0x2];
	[bflag:$0x3] =	sbarrier.arrive $0xFFFF;
	s2 =	simm.s32 @!p0 $0x1C04  }
0xad: {  	[timem:s3], [sflag:s2] =	dma.local @!p0 [hbm:s0], s1  }
0xae: {  	s0 =	simm.s32 @!p0 $0x4  }
0xaf: {  	_ =	swait.ge @!p0 [sflag:s0], s1  }
0xb0: {  	s1 =	ssub.s32 @!p0 $0x0, s1;
	[sflag:s0] =	ssyncset.done @!p0 $0x0  }
0xb1: {  	[sflag:s0] =	ssyncadd.s32 @!p0 s1  }
0xb2: {  	[bflag:$0x3] =	sbarrier.arrive $0xFFFF  }
0xb3: {  	_ =	shalt  }

</sc_bundles>
